<compile_context>
chip_gen: v7x
topology: tpu7x:2x2x1
jax: 0.10.2.dev20260603
libtpu: 0.0.44.dev20260713+nightly
codegen_flags: <defaults>
</compile_context>

<pallas_src>
import functools

import jax
import jax.numpy as jnp
from jax import lax
from jax.experimental import pallas as pl
from jax.experimental.pallas import tpu as pltpu
from jax.experimental.pallas import tpu_sc as plsc

_NC = 2
_NS = 16


def _chunk_size(per, cap):
    for k in range(cap - cap % 8, 0, -8):
        if per % k == 0:
            return k
    raise ValueError(per)


def _pipe(nchunk, start, finish):
    assert nchunk >= 4
    start(0, 0)

    if nchunk % 2 == 0:
        @pl.loop(0, nchunk - 2, step=2)
        def _(i):
            start(i + 1, 1)
            finish(i, 0)
            start(i + 2, 0)
            finish(i + 1, 1)

        start(nchunk - 1, 1)
        finish(nchunk - 2, 0)
        finish(nchunk - 1, 1)
    else:
        @pl.loop(0, nchunk - 1, step=2)
        def _(i):
            start(i + 1, 1)
            finish(i, 0)
            start(i + 2, 0)
            finish(i + 1, 1)

        finish(nchunk - 1, 0)


def _sc_gather(src, tables):
    (E,) = src.shape
    T = len(tables)
    nw = _NC * _NS
    per_w = E // nw
    K = _chunk_size(per_w, 200)
    nchunk = per_w // K
    assert E % nw == 0
    mesh = plsc.VectorSubcoreMesh(core_axis_name="c", subcore_axis_name="s")

    row_types = []
    type_of = []
    for t in tables:
        key = (t.shape[1], t.dtype)
        if key not in row_types:
            row_types.append(key)
        type_of.append(row_types.index(key))

    scratch = [pltpu.VMEM((per_w,), jnp.int32)]
    for w, dt in row_types:
        scratch += [pltpu.VMEM((K, w), dt), pltpu.VMEM((K, w), dt)]
    scratch += [pltpu.SemaphoreType.DMA] * (2 * len(row_types))

    @functools.partial(
        pl.kernel,
        out_type=tuple(jax.ShapeDtypeStruct((E, t.shape[1]), t.dtype)
                       for t in tables),
        mesh=mesh,
        scratch_types=scratch,
    )
    def gather_kernel(*refs):
        src_hbm = refs[0]
        t_hbm = refs[1:1 + T]
        o_hbm = refs[1 + T:1 + 2 * T]
        idx_all = refs[1 + 2 * T]
        nt = len(row_types)
        bufs = refs[2 + 2 * T:2 + 2 * T + 2 * nt]
        sems = refs[2 + 2 * T + 2 * nt:2 + 2 * T + 4 * nt]
        wid = lax.axis_index("s") * _NC + lax.axis_index("c")
        base = wid * per_w
        pltpu.sync_copy(src_hbm.at[pl.ds(base, per_w)], idx_all)

        for t in range(T):
            tb = t_hbm[t]
            ob = o_hbm[t]
            rows = bufs[2 * type_of[t]:2 * type_of[t] + 2]
            sem = sems[2 * type_of[t]:2 * type_of[t] + 2]

            def start(c, b, tb=tb, rows=rows, sem=sem):
                pltpu.async_copy(tb.at[idx_all.at[pl.ds(c * K, K)]],
                                 rows[b], sem[b])

            def finish(c, b, tb=tb, ob=ob, rows=rows, sem=sem):
                pltpu.make_async_copy(tb.at[pl.ds(0, K)], rows[b],
                                      sem[b]).wait()
                pltpu.sync_copy(rows[b], ob.at[pl.ds(base + c * K, K)])

            _pipe(nchunk, start, finish)

    return gather_kernel(src, *tables)


def _sc_scatter(dst, msgs, zeros):
    (E,) = dst.shape
    H = msgs[0].shape[1]
    T = len(msgs)
    n_pad = zeros.shape[0]
    per_t = E // _NS
    gk = _chunk_size(per_t, 160)
    nchunk = per_t // gk
    wr = n_pad // 10
    assert E % _NS == 0 and n_pad % 10 == 0 and wr % 8 == 0
    mesh = plsc.VectorSubcoreMesh(core_axis_name="c", subcore_axis_name="s")

    @functools.partial(
        pl.kernel,
        out_type=tuple(jax.ShapeDtypeStruct((n_pad, H), jnp.float32)
                       for _ in range(T)),
        mesh=mesh,
        scratch_types=[pltpu.VMEM_SHARED((n_pad, H), jnp.float32),
                       pltpu.VMEM((gk,), jnp.int32),
                       pltpu.VMEM((gk,), jnp.int32),
                       pltpu.VMEM((gk, H), jnp.float32),
                       pltpu.VMEM((gk, H), jnp.float32),
                       pltpu.SemaphoreType.DMA,
                       pltpu.SemaphoreType.DMA,
                       pltpu.SemaphoreType.DMA,
                       pltpu.SemaphoreType.DMA],
    )
    def scatter_kernel(*refs):
        dst_hbm = refs[0]
        m_hbm = refs[1:1 + T]
        z_hbm = refs[1 + T]
        o_hbm = refs[2 + T:2 + 2 * T]
        acc = refs[2 + 2 * T]
        idxb = refs[3 + 2 * T:5 + 2 * T]
        rows = refs[5 + 2 * T:7 + 2 * T]
        isem = refs[7 + 2 * T:9 + 2 * T]
        rsem = refs[9 + 2 * T:11 + 2 * T]
        cid = lax.axis_index("c")
        sid = lax.axis_index("s")
        base = sid * per_t
        sl = pl.ds(sid * wr, wr)

        def one_pass(m, o, core):
            @pl.when((cid == core) & (sid < 10))
            def _():
                pltpu.sync_copy(z_hbm.at[sl], acc.at[sl])

            plsc.subcore_barrier()

            @pl.when(cid == core)
            def _():
                def start(c, b, m=m):
                    off = base + c * gk
                    pltpu.async_copy(dst_hbm.at[pl.ds(off, gk)], idxb[b],
                                     isem[b])
                    pltpu.async_copy(m.at[pl.ds(off, gk)], rows[b], rsem[b])

                def finish(c, b, m=m):
                    pltpu.make_async_copy(dst_hbm.at[pl.ds(0, gk)], idxb[b],
                                          isem[b]).wait()
                    pltpu.make_async_copy(m.at[pl.ds(0, gk)], rows[b],
                                          rsem[b]).wait()
                    pltpu.sync_copy(rows[b], acc.at[idxb[b]], add=True)

                _pipe(nchunk, start, finish)

            plsc.subcore_barrier()

            @pl.when((cid == core) & (sid < 10))
            def _():
                pltpu.sync_copy(acc.at[sl], o.at[sl])

        for t in range(T):
            one_pass(m_hbm[t], o_hbm[t], t % _NC)

    return scatter_kernel(dst, *msgs, zeros)


def _rnd_bf16(x):
    u = lax.bitcast_convert_type(x, jnp.uint32)
    return (u + jnp.uint32(0x7FFF) + ((u >> 16) & jnp.uint32(1))) >> 16


def _pre_body(s, v0, v1, v2, w, b, o):
    h = s.shape[1]
    zs = jnp.dot(s[...], w[...], preferred_element_type=jnp.float32) + b[...]
    wa = _rnd_bf16(zs) | (_rnd_bf16(v0[...]) << 16)
    wb = _rnd_bf16(v1[...]) | (_rnd_bf16(v2[...]) << 16)
    o[:, :h] = lax.bitcast_convert_type(wa, jnp.int32)
    o[:, h:] = lax.bitcast_convert_type(wb, jnp.int32)


def _edge_body(gb, rbf, e0, e1, e2, w1r, w2a, w2b, w2c,
               b2a, b2b, b2c, o_s, o0, o1, o2):
    h128 = gb.shape[1] // 2
    w = lax.bitcast_convert_type(gb[...], jnp.uint32)
    wa = w[:, :h128]
    wb = w[:, h128:]
    unlo = lambda u: lax.bitcast_convert_type(u << 16, jnp.float32)
    unhi = lambda u: lax.bitcast_convert_type(u & jnp.uint32(0xFFFF0000),
                                              jnp.float32)
    z = unlo(wa) + jnp.dot(rbf[...], w1r[...],
                           preferred_element_type=jnp.float32)
    h = z * jax.nn.sigmoid(z)
    a_ss = jnp.dot(h, w2a[...], preferred_element_type=jnp.float32) + b2a[...]
    a_sv = jnp.dot(h, w2b[...], preferred_element_type=jnp.float32) + b2b[...]
    a_vv = jnp.dot(h, w2c[...], preferred_element_type=jnp.float32) + b2c[...]
    o_s[...] = a_ss
    o0[...] = a_sv * e0[...] + a_vv * unhi(wa)
    o1[...] = a_sv * e1[...] + a_vv * unlo(wb)
    o2[...] = a_sv * e2[...] + a_vv * unhi(wb)


def _node_body(s, gs0, gs1, v0, v1, v2, a00, a01, a10, a11, a20, a21,
               w3a, w3b, b3, w4a, w4b, b4a, b4b, gam, bet, ln_o, o0, o1, o2):
    vn0 = v0[...] + a00[...] + a01[...]
    vn1 = v1[...] + a10[...] + a11[...]
    vn2 = v2[...] + a20[...] + a21[...]
    vnorm = jnp.sqrt(vn0 * vn0 + vn1 * vn1 + vn2 * vn2)
    sa = s[...] + gs0[...] + gs1[...]
    z = (jnp.dot(sa, w3a[...], preferred_element_type=jnp.float32)
         + jnp.dot(vnorm, w3b[...], preferred_element_type=jnp.float32)
         + b3[...])
    h = z * jax.nn.sigmoid(z)
    delta = jnp.dot(h, w4a[...], preferred_element_type=jnp.float32) + b4a[...]
    gate = jnp.dot(h, w4b[...], preferred_element_type=jnp.float32) + b4b[...]
    x = s[...] + delta
    mu = jnp.mean(x, axis=-1, keepdims=True)
    var = jnp.mean((x - mu) * (x - mu), axis=-1, keepdims=True)
    ln_o[...] = (x - mu) * jax.lax.rsqrt(var + 1e-5) * gam[...] + bet[...]
    o0[...] = gate * vn0
    o1[...] = gate * vn1
    o2[...] = gate * vn2


def kernel(s, v, edge_rbf, edge_vec_unit, W1, b1, W2, b2, W3, b3, W4, b4,
           gamma, beta, edge_index):
    N, H = s.shape
    E = edge_index.shape[1]
    f32 = jnp.float32

    src = edge_index[0]
    dst = edge_index[1]
    v0 = v[:, 0, :]
    v1 = v[:, 1, :]
    v2 = v[:, 2, :]
    e0 = edge_vec_unit[:, 0:1]
    e1 = edge_vec_unit[:, 1:2]
    e2 = edge_vec_unit[:, 2:3]

    w1s = W1[:, :H].T
    w1r = W1[:, H:].T
    w2a = W2[:H, :].T
    w2b = W2[H:2 * H, :].T
    w2c = W2[2 * H:, :].T
    b2a = b2[None, :H]
    b2b = b2[None, H:2 * H]
    b2c = b2[None, 2 * H:]
    w3a = W3[:, :H].T
    w3b = W3[:, H:].T
    w4a = W4[:H, :].T
    w4b = W4[H:, :].T
    b4a = b4[None, :H]
    b4b = b4[None, H:]

    bn = 1000
    blk = lambda r, c: pl.BlockSpec((r, c), lambda i: (i, 0))
    full = lambda r, c: pl.BlockSpec((r, c), lambda i: (0, 0))
    tab = pl.pallas_call(
        _pre_body,
        grid=(N // bn,),
        in_specs=[blk(bn, H)] * 4 + [full(H, H), full(1, H)],
        out_specs=blk(bn, 2 * H),
        out_shape=jax.ShapeDtypeStruct((N, 2 * H), jnp.int32),
    )(s, v0, v1, v2, w1s, b1[None, :])

    ea = (E * 3 // 5) // 4800 * 4800
    be = 2000
    zeros = jnp.zeros((N, H), f32)
    aggs = []
    for h0, hn in ((0, ea), (ea, E - ea)):
        sl = slice(h0, h0 + hn)
        (gb,) = _sc_gather(src[sl], (tab,))
        msg = pl.pallas_call(
            _edge_body,
            grid=(hn // be,),
            in_specs=[blk(be, 2 * H), blk(be, edge_rbf.shape[1]),
                      blk(be, 1), blk(be, 1), blk(be, 1),
                      full(edge_rbf.shape[1], H),
                      full(H, H), full(H, H), full(H, H),
                      full(1, H), full(1, H), full(1, H)],
            out_specs=[blk(be, H)] * 4,
            out_shape=tuple(jax.ShapeDtypeStruct((hn, H), f32)
                            for _ in range(4)),
        )(gb, edge_rbf[sl], e0[sl], e1[sl], e2[sl],
          w1r, w2a, w2b, w2c, b2a, b2b, b2c)
        aggs.append(_sc_scatter(dst[sl], msg, zeros))

    ln, ov0, ov1, ov2 = pl.pallas_call(
        _node_body,
        grid=(N // bn,),
        in_specs=[blk(bn, H)] * 12 + [full(H, H), full(H, H), full(1, H),
                                      full(H, H), full(H, H), full(1, H),
                                      full(1, H), full(1, H), full(1, H)],
        out_specs=[blk(bn, H)] * 4,
        out_shape=tuple(jax.ShapeDtypeStruct((N, H), f32) for _ in range(4)),
    )(s, aggs[0][0], aggs[1][0], v0, v1, v2,
      aggs[0][1], aggs[1][1], aggs[0][2], aggs[1][2], aggs[0][3], aggs[1][3],
      w3a, w3b, b3[None, :],
      w4a, w4b, b4a, b4b, gamma[None, :], beta[None, :])

    return (ln, jnp.stack([ov0, ov1, ov2], axis=1))

# --- scband reference (transcript-rebuilt; emitter-appended) ---
"""Pipeline reference for scband-pai-nnlayer-63806034150131 (READ-ONLY COPY).

The authoritative reference and input builder live on the scoring server;
editing this copy changes nothing except your own understanding.
"""

import jax, jax.numpy as jnp
import numpy as np

N = 10000
E = 320000
H = 128
R = 16


def silu(x):
    return x * jax.nn.sigmoid(x)


def setup_inputs(seed: int = 0) -> dict:
    key = jax.random.key(seed)
    ks = jax.random.split(key, 16)
    s = jax.random.normal(ks[0], (N, H), dtype=jnp.float32)
    v = jax.random.normal(ks[1], (N, 3, H), dtype=jnp.float32)
    edge_index = jax.random.randint(ks[2], (2, E), 0, N, dtype=jnp.int32)
    edge_rbf = jax.random.uniform(ks[3], (E, R), dtype=jnp.float32)
    ev = jax.random.normal(ks[4], (E, 3), dtype=jnp.float32)
    edge_vec_unit = ev / (jnp.linalg.norm(ev, axis=-1, keepdims=True) + 1e-9)
    # message_net: Linear(H+R -> H), SiLU, Linear(H -> 3H)
    W1 = jax.random.normal(ks[5], (H, H + R), dtype=jnp.float32) * 0.05
    b1 = jnp.zeros((H,), dtype=jnp.float32)
    W2 = jax.random.normal(ks[6], (3 * H, H), dtype=jnp.float32) * 0.05
    b2 = jnp.zeros((3 * H,), dtype=jnp.float32)
    # update_net: Linear(2H -> H), SiLU, Linear(H -> 2H)
    W3 = jax.random.normal(ks[7], (H, 2 * H), dtype=jnp.float32) * 0.05
    b3 = jnp.zeros((H,), dtype=jnp.float32)
    W4 = jax.random.normal(ks[8], (2 * H, H), dtype=jnp.float32) * 0.05
    b4 = jnp.zeros((2 * H,), dtype=jnp.float32)
    gamma = jnp.ones((H,), dtype=jnp.float32)
    beta = jnp.zeros((H,), dtype=jnp.float32)
    return {"s": s, "v": v, "edge_rbf": edge_rbf, "edge_vec_unit": edge_vec_unit,
            "W1": W1, "b1": b1, "W2": W2, "b2": b2, "W3": W3, "b3": b3,
            "W4": W4, "b4": b4, "gamma": gamma, "beta": beta,
            "edge_index": edge_index}


def reference(s, v, edge_rbf, edge_vec_unit, W1, b1, W2, b2, W3, b3, W4, b4, gamma, beta, edge_index):
    src = edge_index[0]
    dst = edge_index[1]
    n = s.shape[0]
    h = s.shape[-1]
    # message_net
    inp = jnp.concatenate([jnp.take(s, src, axis=0), edge_rbf], axis=-1)
    phi = silu(inp @ W1.T + b1) @ W2.T + b2
    a_ss = phi[:, :h]
    a_sv = phi[:, h:2 * h]
    a_vv = phi[:, 2 * h:]
    msg_s = a_ss
    v_src = jnp.take(v, src, axis=0)
    msg_v = a_sv[:, None, :] * edge_vec_unit[:, :, None] + a_vv[:, None, :] * v_src
    agg_s = jax.ops.segment_sum(msg_s, dst, num_segments=n)
    agg_v = jax.ops.segment_sum(msg_v, dst, num_segments=n)
    v_new = v + agg_v
    v_norm = jnp.linalg.norm(v_new, axis=1)
    u = jnp.concatenate([s + agg_s, v_norm], axis=-1)
    upd = silu(u @ W3.T + b3) @ W4.T + b4
    delta_s = upd[:, :h]
    gate_v = upd[:, h:]
    x = s + delta_s
    mu = jnp.mean(x, axis=-1, keepdims=True)
    var = jnp.var(x, axis=-1, keepdims=True)
    ln = (x - mu) / jnp.sqrt(var + 1e-5) * gamma + beta
    return (ln, gate_v[:, None, :] * v_new)

if __name__ == "__main__":
    import jax
    _d = setup_inputs()
    print(jax.jit(kernel)(*tuple(_d.values())))

</pallas_src>

<mosaic_0001>
#map = affine_map<(d0, d1) -> (0)>
#map1 = affine_map<(d0, d1) -> (0, 0)>
module attributes {stable_mosaic.version = 14 : i64} {
  func.func @gather_kernel(%arg0: i32, %arg1: i32, %arg2: memref<128000xi32, #tpu.memory_space<hbm>>, %arg3: memref<10000x256xi32, #tpu.memory_space<hbm>>, %arg4: memref<128000x256xi32, #tpu.memory_space<hbm>>, %arg5: memref<4000xi32, #tpu.memory_space<vmem>>, %arg6: memref<200x256xi32, #tpu.memory_space<vmem>>, %arg7: memref<200x256xi32, #tpu.memory_space<vmem>>, %arg8: memref<!tpu.dma_semaphore, #tpu.memory_space<semaphore_mem>>, %arg9: memref<!tpu.dma_semaphore, #tpu.memory_space<semaphore_mem>>) attributes {dimension_semantics = [#tpu.dimension_semantics<core_parallel>, #tpu.dimension_semantics<subcore_parallel>], iteration_bounds = array<i64: 2, 16>, scalar_prefetch = 0 : i64, scratch_operands = 5 : i64, tpu.core_type = #tpu.core_type<sc_vector_subcore>, window_params = [{transform_indices = #map}, {transform_indices = #map1}, {transform_indices = #map1}]} {
    %mul3A = arith.constant 2 : i32
    %mul3A_0 = arith.muli %arg1, %mul3A : i32
    %add3A = arith.addi %mul3A_0, %arg0 : i32
    %mul3A_1 = arith.constant 4000 : i32
    %mul3A_2 = arith.muli %add3A, %mul3A_1 : i32
    "tpu.region"() ({
      %run_scoped3A = tpu.sem_alloc : memref<!tpu.dma_semaphore, #tpu.memory_space<semaphore_mem>>
      %dma_start3A_31 = tpu.memref_slice %arg2[%mul3A_2] : memref<128000xi32, #tpu.memory_space<hbm>> -> memref<4000xi32, #tpu.memory_space<hbm>>
      %dma_start3A_32 = tpu.memref_slice %arg2[%mul3A_2] : memref<128000xi32, #tpu.memory_space<hbm>> -> memref<4000xi32, #tpu.memory_space<hbm>>
      tpu.enqueue_dma source(%dma_start3A_32 : memref<4000xi32, #tpu.memory_space<hbm>>) target(%arg5 : memref<4000xi32, #tpu.memory_space<vmem>>) target_semaphore(%run_scoped3A : memref<!tpu.dma_semaphore, #tpu.memory_space<semaphore_mem>>)
      %dma_wait3A_33 = tpu.memref_slice %arg2[%mul3A_2] : memref<128000xi32, #tpu.memory_space<hbm>> -> memref<4000xi32, #tpu.memory_space<hbm>>
      %dma_wait3A_34 = tpu.memref_slice %arg2[%mul3A_2] : memref<128000xi32, #tpu.memory_space<hbm>> -> memref<4000xi32, #tpu.memory_space<hbm>>
      tpu.wait_dma2 semaphore(%run_scoped3A : memref<!tpu.dma_semaphore, #tpu.memory_space<semaphore_mem>>) src(%dma_wait3A_34 : memref<4000xi32, #tpu.memory_space<hbm>>) dst(%arg5 : memref<4000xi32, #tpu.memory_space<vmem>>)
      tpu.yield
    }) : () -> ()
    %dma_start3A = arith.constant 0 : i32
    %dma_start3A_3 = tpu.memref_slice %arg5[%dma_start3A] : memref<4000xi32, #tpu.memory_space<vmem>> -> memref<200xi32, #tpu.memory_space<vmem>>
    %dma_start3A_4 = arith.constant 0 : i32
    %dma_start3A_5 = arith.constant 0 : i32
    %dma_start3A_6 = tpu.memref_slice %arg3[%dma_start3A_4, %dma_start3A_5] : memref<10000x256xi32, #tpu.memory_space<hbm>> -> memref<10000x256xi32, #tpu.memory_space<hbm>>
    tpu.enqueue_indirect_dma source(%dma_start3A_6 : memref<10000x256xi32, #tpu.memory_space<hbm>>) target(%arg6 : memref<200x256xi32, #tpu.memory_space<vmem>>) offsets(%dma_start3A_3 : memref<200xi32, #tpu.memory_space<vmem>>) semaphore(%arg8 : memref<!tpu.dma_semaphore, #tpu.memory_space<semaphore_mem>>)
    %scan3A = arith.constant 0 : i32
    %scan3A_7 = arith.constant 9 : i32
    %scan3A_8 = arith.addi %scan3A, %scan3A_7 : i32
    %scan3A_9 = arith.constant 1 : i32
    scf.for %scan3A_31 = %scan3A to %scan3A_8 step %scan3A_9  : i32 {
      %mul3A_32 = arith.constant 2 : i32
      %mul3A_33 = arith.muli %scan3A_31, %mul3A_32 : i32
      %add3A_34 = arith.constant 0 : i32
      %add3A_35 = arith.addi %add3A_34, %mul3A_33 : i32
      %add3A_36 = arith.constant 1 : i32
      %add3A_37 = arith.addi %add3A_35, %add3A_36 : i32
      %mul3A_38 = arith.constant 200 : i32
      %mul3A_39 = arith.muli %add3A_37, %mul3A_38 : i32
      %dma_start3A_40 = tpu.memref_slice %arg5[%mul3A_39] : memref<4000xi32, #tpu.memory_space<vmem>> -> memref<200xi32, #tpu.memory_space<vmem>>
      %dma_start3A_41 = arith.constant 0 : i32
      %dma_start3A_42 = arith.constant 0 : i32
      %dma_start3A_43 = tpu.memref_slice %arg3[%dma_start3A_41, %dma_start3A_42] : memref<10000x256xi32, #tpu.memory_space<hbm>> -> memref<10000x256xi32, #tpu.memory_space<hbm>>
      tpu.enqueue_indirect_dma source(%dma_start3A_43 : memref<10000x256xi32, #tpu.memory_space<hbm>>) target(%arg7 : memref<200x256xi32, #tpu.memory_space<vmem>>) offsets(%dma_start3A_40 : memref<200xi32, #tpu.memory_space<vmem>>) semaphore(%arg9 : memref<!tpu.dma_semaphore, #tpu.memory_space<semaphore_mem>>)
      %dma_wait3A_44 = arith.constant 0 : i32
      %dma_wait3A_45 = arith.constant 0 : i32
      %dma_wait3A_46 = tpu.memref_slice %arg3[%dma_wait3A_44, %dma_wait3A_45] : memref<10000x256xi32, #tpu.memory_space<hbm>> -> memref<200x256xi32, #tpu.memory_space<hbm>>
      %dma_wait3A_47 = arith.constant 0 : i32
      %dma_wait3A_48 = arith.constant 0 : i32
      %dma_wait3A_49 = tpu.memref_slice %arg3[%dma_wait3A_47, %dma_wait3A_48] : memref<10000x256xi32, #tpu.memory_space<hbm>> -> memref<200x256xi32, #tpu.memory_space<hbm>>
      tpu.wait_dma2 semaphore(%arg8 : memref<!tpu.dma_semaphore, #tpu.memory_space<semaphore_mem>>) src(%dma_wait3A_49 : memref<200x256xi32, #tpu.memory_space<hbm>>) dst(%arg6 : memref<200x256xi32, #tpu.memory_space<vmem>>)
      %mul3A_50 = arith.constant 200 : i32
      %mul3A_51 = arith.muli %add3A_35, %mul3A_50 : i32
      %add3A_52 = arith.addi %mul3A_2, %mul3A_51 : i32
      "tpu.region"() ({
        %run_scoped3A = tpu.sem_alloc : memref<!tpu.dma_semaphore, #tpu.memory_space<semaphore_mem>>
        %dma_start3A_72 = arith.constant 0 : i32
        %dma_start3A_73 = tpu.memref_slice %arg4[%add3A_52, %dma_start3A_72] : memref<128000x256xi32, #tpu.memory_space<hbm>> -> memref<200x256xi32, #tpu.memory_space<hbm>>
        %dma_start3A_74 = arith.constant 0 : i32
        %dma_start3A_75 = tpu.memref_slice %arg4[%add3A_52, %dma_start3A_74] : memref<128000x256xi32, #tpu.memory_space<hbm>> -> memref<200x256xi32, #tpu.memory_space<hbm>>
        tpu.enqueue_dma source(%arg6 : memref<200x256xi32, #tpu.memory_space<vmem>>) target(%dma_start3A_75 : memref<200x256xi32, #tpu.memory_space<hbm>>) target_semaphore(%run_scoped3A : memref<!tpu.dma_semaphore, #tpu.memory_space<semaphore_mem>>)
        %dma_wait3A_76 = arith.constant 0 : i32
        %dma_wait3A_77 = tpu.memref_slice %arg4[%add3A_52, %dma_wait3A_76] : memref<128000x256xi32, #tpu.memory_space<hbm>> -> memref<200x256xi32, #tpu.memory_space<hbm>>
        %dma_wait3A_78 = arith.constant 0 : i32
        %dma_wait3A_79 = tpu.memref_slice %arg4[%add3A_52, %dma_wait3A_78] : memref<128000x256xi32, #tpu.memory_space<hbm>> -> memref<200x256xi32, #tpu.memory_space<hbm>>
        tpu.wait_dma2 semaphore(%run_scoped3A : memref<!tpu.dma_semaphore, #tpu.memory_space<semaphore_mem>>) src(%arg6 : memref<200x256xi32, #tpu.memory_space<vmem>>) dst(%dma_wait3A_79 : memref<200x256xi32, #tpu.memory_space<hbm>>)
        tpu.yield
      }) : () -> ()
      %add3A_53 = arith.constant 2 : i32
      %add3A_54 = arith.addi %add3A_35, %add3A_53 : i32
      %mul3A_55 = arith.constant 200 : i32
      %mul3A_56 = arith.muli %add3A_54, %mul3A_55 : i32
      %dma_start3A_57 = tpu.memref_slice %arg5[%mul3A_56] : memref<4000xi32, #tpu.memory_space<vmem>> -> memref<200xi32, #tpu.memory_space<vmem>>
      %dma_start3A_58 = arith.constant 0 : i32
      %dma_start3A_59 = arith.constant 0 : i32
      %dma_start3A_60 = tpu.memref_slice %arg3[%dma_start3A_58, %dma_start3A_59] : memref<10000x256xi32, #tpu.memory_space<hbm>> -> memref<10000x256xi32, #tpu.memory_space<hbm>>
      tpu.enqueue_indirect_dma source(%dma_start3A_60 : memref<10000x256xi32, #tpu.memory_space<hbm>>) target(%arg6 : memref<200x256xi32, #tpu.memory_space<vmem>>) offsets(%dma_start3A_57 : memref<200xi32, #tpu.memory_space<vmem>>) semaphore(%arg8 : memref<!tpu.dma_semaphore, #tpu.memory_space<semaphore_mem>>)
      %add3A_61 = arith.constant 1 : i32
      %add3A_62 = arith.addi %add3A_35, %add3A_61 : i32
      %dma_wait3A_63 = arith.constant 0 : i32
      %dma_wait3A_64 = arith.constant 0 : i32
      %dma_wait3A_65 = tpu.memref_slice %arg3[%dma_wait3A_63, %dma_wait3A_64] : memref<10000x256xi32, #tpu.memory_space<hbm>> -> memref<200x256xi32, #tpu.memory_space<hbm>>
      %dma_wait3A_66 = arith.constant 0 : i32
      %dma_wait3A_67 = arith.constant 0 : i32
      %dma_wait3A_68 = tpu.memref_slice %arg3[%dma_wait3A_66, %dma_wait3A_67] : memref<10000x256xi32, #tpu.memory_space<hbm>> -> memref<200x256xi32, #tpu.memory_space<hbm>>
      tpu.wait_dma2 semaphore(%arg9 : memref<!tpu.dma_semaphore, #tpu.memory_space<semaphore_mem>>) src(%dma_wait3A_68 : memref<200x256xi32, #tpu.memory_space<hbm>>) dst(%arg7 : memref<200x256xi32, #tpu.memory_space<vmem>>)
      %mul3A_69 = arith.constant 200 : i32
      %mul3A_70 = arith.muli %add3A_62, %mul3A_69 : i32
      %add3A_71 = arith.addi %mul3A_2, %mul3A_70 : i32
      "tpu.region"() ({
        %run_scoped3A = tpu.sem_alloc : memref<!tpu.dma_semaphore, #tpu.memory_space<semaphore_mem>>
        %dma_start3A_72 = arith.constant 0 : i32
        %dma_start3A_73 = tpu.memref_slice %arg4[%add3A_71, %dma_start3A_72] : memref<128000x256xi32, #tpu.memory_space<hbm>> -> memref<200x256xi32, #tpu.memory_space<hbm>>
        %dma_start3A_74 = arith.constant 0 : i32
        %dma_start3A_75 = tpu.memref_slice %arg4[%add3A_71, %dma_start3A_74] : memref<128000x256xi32, #tpu.memory_space<hbm>> -> memref<200x256xi32, #tpu.memory_space<hbm>>
        tpu.enqueue_dma source(%arg7 : memref<200x256xi32, #tpu.memory_space<vmem>>) target(%dma_start3A_75 : memref<200x256xi32, #tpu.memory_space<hbm>>) target_semaphore(%run_scoped3A : memref<!tpu.dma_semaphore, #tpu.memory_space<semaphore_mem>>)
        %dma_wait3A_76 = arith.constant 0 : i32
        %dma_wait3A_77 = tpu.memref_slice %arg4[%add3A_71, %dma_wait3A_76] : memref<128000x256xi32, #tpu.memory_space<hbm>> -> memref<200x256xi32, #tpu.memory_space<hbm>>
        %dma_wait3A_78 = arith.constant 0 : i32
        %dma_wait3A_79 = tpu.memref_slice %arg4[%add3A_71, %dma_wait3A_78] : memref<128000x256xi32, #tpu.memory_space<hbm>> -> memref<200x256xi32, #tpu.memory_space<hbm>>
        tpu.wait_dma2 semaphore(%run_scoped3A : memref<!tpu.dma_semaphore, #tpu.memory_space<semaphore_mem>>) src(%arg7 : memref<200x256xi32, #tpu.memory_space<vmem>>) dst(%dma_wait3A_79 : memref<200x256xi32, #tpu.memory_space<hbm>>)
        tpu.yield
      }) : () -> ()
    }
    %scan3A_10 = arith.constant 9 : i32
    %dma_start3A_11 = arith.constant 3800 : i32
    %dma_start3A_12 = tpu.memref_slice %arg5[%dma_start3A_11] : memref<4000xi32, #tpu.memory_space<vmem>> -> memref<200xi32, #tpu.memory_space<vmem>>
    %dma_start3A_13 = arith.constant 0 : i32
    %dma_start3A_14 = arith.constant 0 : i32
    %dma_start3A_15 = tpu.memref_slice %arg3[%dma_start3A_13, %dma_start3A_14] : memref<10000x256xi32, #tpu.memory_space<hbm>> -> memref<10000x256xi32, #tpu.memory_space<hbm>>
    tpu.enqueue_indirect_dma source(%dma_start3A_15 : memref<10000x256xi32, #tpu.memory_space<hbm>>) target(%arg7 : memref<200x256xi32, #tpu.memory_space<vmem>>) offsets(%dma_start3A_12 : memref<200xi32, #tpu.memory_space<vmem>>) semaphore(%arg9 : memref<!tpu.dma_semaphore, #tpu.memory_space<semaphore_mem>>)
    %dma_wait3A = arith.constant 0 : i32
    %dma_wait3A_16 = arith.constant 0 : i32
    %dma_wait3A_17 = tpu.memref_slice %arg3[%dma_wait3A, %dma_wait3A_16] : memref<10000x256xi32, #tpu.memory_space<hbm>> -> memref<200x256xi32, #tpu.memory_space<hbm>>
    %dma_wait3A_18 = arith.constant 0 : i32
    %dma_wait3A_19 = arith.constant 0 : i32
    %dma_wait3A_20 = tpu.memref_slice %arg3[%dma_wait3A_18, %dma_wait3A_19] : memref<10000x256xi32, #tpu.memory_space<hbm>> -> memref<200x256xi32, #tpu.memory_space<hbm>>
    tpu.wait_dma2 semaphore(%arg8 : memref<!tpu.dma_semaphore, #tpu.memory_space<semaphore_mem>>) src(%dma_wait3A_20 : memref<200x256xi32, #tpu.memory_space<hbm>>) dst(%arg6 : memref<200x256xi32, #tpu.memory_space<vmem>>)
    %add3A_21 = arith.constant 3600 : i32
    %add3A_22 = arith.addi %mul3A_2, %add3A_21 : i32
    "tpu.region"() ({
      %run_scoped3A = tpu.sem_alloc : memref<!tpu.dma_semaphore, #tpu.memory_space<semaphore_mem>>
      %dma_start3A_31 = arith.constant 0 : i32
      %dma_start3A_32 = tpu.memref_slice %arg4[%add3A_22, %dma_start3A_31] : memref<128000x256xi32, #tpu.memory_space<hbm>> -> memref<200x256xi32, #tpu.memory_space<hbm>>
      %dma_start3A_33 = arith.constant 0 : i32
      %dma_start3A_34 = tpu.memref_slice %arg4[%add3A_22, %dma_start3A_33] : memref<128000x256xi32, #tpu.memory_space<hbm>> -> memref<200x256xi32, #tpu.memory_space<hbm>>
      tpu.enqueue_dma source(%arg6 : memref<200x256xi32, #tpu.memory_space<vmem>>) target(%dma_start3A_34 : memref<200x256xi32, #tpu.memory_space<hbm>>) target_semaphore(%run_scoped3A : memref<!tpu.dma_semaphore, #tpu.memory_space<semaphore_mem>>)
      %dma_wait3A_35 = arith.constant 0 : i32
      %dma_wait3A_36 = tpu.memref_slice %arg4[%add3A_22, %dma_wait3A_35] : memref<128000x256xi32, #tpu.memory_space<hbm>> -> memref<200x256xi32, #tpu.memory_space<hbm>>
      %dma_wait3A_37 = arith.constant 0 : i32
      %dma_wait3A_38 = tpu.memref_slice %arg4[%add3A_22, %dma_wait3A_37] : memref<128000x256xi32, #tpu.memory_space<hbm>> -> memref<200x256xi32, #tpu.memory_space<hbm>>
      tpu.wait_dma2 semaphore(%run_scoped3A : memref<!tpu.dma_semaphore, #tpu.memory_space<semaphore_mem>>) src(%arg6 : memref<200x256xi32, #tpu.memory_space<vmem>>) dst(%dma_wait3A_38 : memref<200x256xi32, #tpu.memory_space<hbm>>)
      tpu.yield
    }) : () -> ()
    %dma_wait3A_23 = arith.constant 0 : i32
    %dma_wait3A_24 = arith.constant 0 : i32
    %dma_wait3A_25 = tpu.memref_slice %arg3[%dma_wait3A_23, %dma_wait3A_24] : memref<10000x256xi32, #tpu.memory_space<hbm>> -> memref<200x256xi32, #tpu.memory_space<hbm>>
    %dma_wait3A_26 = arith.constant 0 : i32
    %dma_wait3A_27 = arith.constant 0 : i32
    %dma_wait3A_28 = tpu.memref_slice %arg3[%dma_wait3A_26, %dma_wait3A_27] : memref<10000x256xi32, #tpu.memory_space<hbm>> -> memref<200x256xi32, #tpu.memory_space<hbm>>
    tpu.wait_dma2 semaphore(%arg9 : memref<!tpu.dma_semaphore, #tpu.memory_space<semaphore_mem>>) src(%dma_wait3A_28 : memref<200x256xi32, #tpu.memory_space<hbm>>) dst(%arg7 : memref<200x256xi32, #tpu.memory_space<vmem>>)
    %add3A_29 = arith.constant 3800 : i32
    %add3A_30 = arith.addi %mul3A_2, %add3A_29 : i32
    "tpu.region"() ({
      %run_scoped3A = tpu.sem_alloc : memref<!tpu.dma_semaphore, #tpu.memory_space<semaphore_mem>>
      %dma_start3A_31 = arith.constant 0 : i32
      %dma_start3A_32 = tpu.memref_slice %arg4[%add3A_30, %dma_start3A_31] : memref<128000x256xi32, #tpu.memory_space<hbm>> -> memref<200x256xi32, #tpu.memory_space<hbm>>
      %dma_start3A_33 = arith.constant 0 : i32
      %dma_start3A_34 = tpu.memref_slice %arg4[%add3A_30, %dma_start3A_33] : memref<128000x256xi32, #tpu.memory_space<hbm>> -> memref<200x256xi32, #tpu.memory_space<hbm>>
      tpu.enqueue_dma source(%arg7 : memref<200x256xi32, #tpu.memory_space<vmem>>) target(%dma_start3A_34 : memref<200x256xi32, #tpu.memory_space<hbm>>) target_semaphore(%run_scoped3A : memref<!tpu.dma_semaphore, #tpu.memory_space<semaphore_mem>>)
      %dma_wait3A_35 = arith.constant 0 : i32
      %dma_wait3A_36 = tpu.memref_slice %arg4[%add3A_30, %dma_wait3A_35] : memref<128000x256xi32, #tpu.memory_space<hbm>> -> memref<200x256xi32, #tpu.memory_space<hbm>>
      %dma_wait3A_37 = arith.constant 0 : i32
      %dma_wait3A_38 = tpu.memref_slice %arg4[%add3A_30, %dma_wait3A_37] : memref<128000x256xi32, #tpu.memory_space<hbm>> -> memref<200x256xi32, #tpu.memory_space<hbm>>
      tpu.wait_dma2 semaphore(%run_scoped3A : memref<!tpu.dma_semaphore, #tpu.memory_space<semaphore_mem>>) src(%arg7 : memref<200x256xi32, #tpu.memory_space<vmem>>) dst(%dma_wait3A_38 : memref<200x256xi32, #tpu.memory_space<hbm>>)
      tpu.yield
    }) : () -> ()
    return
  }
}

#map = affine_map<(d0, d1) -> (0)>
#map1 = affine_map<(d0, d1) -> (0, 0)>
module attributes {stable_mosaic.version = 14 : i64} {
  func.func @gather_kernel(%arg0: i32, %arg1: i32, %arg2: memref<192000xi32, #tpu.memory_space<hbm>>, %arg3: memref<10000x256xi32, #tpu.memory_space<hbm>>, %arg4: memref<192000x256xi32, #tpu.memory_space<hbm>>, %arg5: memref<6000xi32, #tpu.memory_space<vmem>>, %arg6: memref<200x256xi32, #tpu.memory_space<vmem>>, %arg7: memref<200x256xi32, #tpu.memory_space<vmem>>, %arg8: memref<!tpu.dma_semaphore, #tpu.memory_space<semaphore_mem>>, %arg9: memref<!tpu.dma_semaphore, #tpu.memory_space<semaphore_mem>>) attributes {dimension_semantics = [#tpu.dimension_semantics<core_parallel>, #tpu.dimension_semantics<subcore_parallel>], iteration_bounds = array<i64: 2, 16>, scalar_prefetch = 0 : i64, scratch_operands = 5 : i64, tpu.core_type = #tpu.core_type<sc_vector_subcore>, window_params = [{transform_indices = #map}, {transform_indices = #map1}, {transform_indices = #map1}]} {
    %mul3A = arith.constant 2 : i32
    %mul3A_0 = arith.muli %arg1, %mul3A : i32
    %add3A = arith.addi %mul3A_0, %arg0 : i32
    %mul3A_1 = arith.constant 6000 : i32
    %mul3A_2 = arith.muli %add3A, %mul3A_1 : i32
    "tpu.region"() ({
      %run_scoped3A = tpu.sem_alloc : memref<!tpu.dma_semaphore, #tpu.memory_space<semaphore_mem>>
      %dma_start3A_31 = tpu.memref_slice %arg2[%mul3A_2] : memref<192000xi32, #tpu.memory_space<hbm>> -> memref<6000xi32, #tpu.memory_space<hbm>>
      %dma_start3A_32 = tpu.memref_slice %arg2[%mul3A_2] : memref<192000xi32, #tpu.memory_space<hbm>> -> memref<6000xi32, #tpu.memory_space<hbm>>
      tpu.enqueue_dma source(%dma_start3A_32 : memref<6000xi32, #tpu.memory_space<hbm>>) target(%arg5 : memref<6000xi32, #tpu.memory_space<vmem>>) target_semaphore(%run_scoped3A : memref<!tpu.dma_semaphore, #tpu.memory_space<semaphore_mem>>)
      %dma_wait3A_33 = tpu.memref_slice %arg2[%mul3A_2] : memref<192000xi32, #tpu.memory_space<hbm>> -> memref<6000xi32, #tpu.memory_space<hbm>>
      %dma_wait3A_34 = tpu.memref_slice %arg2[%mul3A_2] : memref<192000xi32, #tpu.memory_space<hbm>> -> memref<6000xi32, #tpu.memory_space<hbm>>
      tpu.wait_dma2 semaphore(%run_scoped3A : memref<!tpu.dma_semaphore, #tpu.memory_space<semaphore_mem>>) src(%dma_wait3A_34 : memref<6000xi32, #tpu.memory_space<hbm>>) dst(%arg5 : memref<6000xi32, #tpu.memory_space<vmem>>)
      tpu.yield
    }) : () -> ()
    %dma_start3A = arith.constant 0 : i32
    %dma_start3A_3 = tpu.memref_slice %arg5[%dma_start3A] : memref<6000xi32, #tpu.memory_space<vmem>> -> memref<200xi32, #tpu.memory_space<vmem>>
    %dma_start3A_4 = arith.constant 0 : i32
    %dma_start3A_5 = arith.constant 0 : i32
    %dma_start3A_6 = tpu.memref_slice %arg3[%dma_start3A_4, %dma_start3A_5] : memref<10000x256xi32, #tpu.memory_space<hbm>> -> memref<10000x256xi32, #tpu.memory_space<hbm>>
    tpu.enqueue_indirect_dma source(%dma_start3A_6 : memref<10000x256xi32, #tpu.memory_space<hbm>>) target(%arg6 : memref<200x256xi32, #tpu.memory_space<vmem>>) offsets(%dma_start3A_3 : memref<200xi32, #tpu.memory_space<vmem>>) semaphore(%arg8 : memref<!tpu.dma_semaphore, #tpu.memory_space<semaphore_mem>>)
    %scan3A = arith.constant 0 : i32
    %scan3A_7 = arith.constant 14 : i32
    %scan3A_8 = arith.addi %scan3A, %scan3A_7 : i32
    %scan3A_9 = arith.constant 1 : i32
    scf.for %scan3A_31 = %scan3A to %scan3A_8 step %scan3A_9  : i32 {
      %mul3A_32 = arith.constant 2 : i32
      %mul3A_33 = arith.muli %scan3A_31, %mul3A_32 : i32
      %add3A_34 = arith.constant 0 : i32
      %add3A_35 = arith.addi %add3A_34, %mul3A_33 : i32
      %add3A_36 = arith.constant 1 : i32
      %add3A_37 = arith.addi %add3A_35, %add3A_36 : i32
      %mul3A_38 = arith.constant 200 : i32
      %mul3A_39 = arith.muli %add3A_37, %mul3A_38 : i32
      %dma_start3A_40 = tpu.memref_slice %arg5[%mul3A_39] : memref<6000xi32, #tpu.memory_space<vmem>> -> memref<200xi32, #tpu.memory_space<vmem>>
      %dma_start3A_41 = arith.constant 0 : i32
      %dma_start3A_42 = arith.constant 0 : i32
      %dma_start3A_43 = tpu.memref_slice %arg3[%dma_start3A_41, %dma_start3A_42] : memref<10000x256xi32, #tpu.memory_space<hbm>> -> memref<10000x256xi32, #tpu.memory_space<hbm>>
      tpu.enqueue_indirect_dma source(%dma_start3A_43 : memref<10000x256xi32, #tpu.memory_space<hbm>>) target(%arg7 : memref<200x256xi32, #tpu.memory_space<vmem>>) offsets(%dma_start3A_40 : memref<200xi32, #tpu.memory_space<vmem>>) semaphore(%arg9 : memref<!tpu.dma_semaphore, #tpu.memory_space<semaphore_mem>>)
      %dma_wait3A_44 = arith.constant 0 : i32
      %dma_wait3A_45 = arith.constant 0 : i32
      %dma_wait3A_46 = tpu.memref_slice %arg3[%dma_wait3A_44, %dma_wait3A_45] : memref<10000x256xi32, #tpu.memory_space<hbm>> -> memref<200x256xi32, #tpu.memory_space<hbm>>
      %dma_wait3A_47 = arith.constant 0 : i32
      %dma_wait3A_48 = arith.constant 0 : i32
      %dma_wait3A_49 = tpu.memref_slice %arg3[%dma_wait3A_47, %dma_wait3A_48] : memref<10000x256xi32, #tpu.memory_space<hbm>> -> memref<200x256xi32, #tpu.memory_space<hbm>>
      tpu.wait_dma2 semaphore(%arg8 : memref<!tpu.dma_semaphore, #tpu.memory_space<semaphore_mem>>) src(%dma_wait3A_49 : memref<200x256xi32, #tpu.memory_space<hbm>>) dst(%arg6 : memref<200x256xi32, #tpu.memory_space<vmem>>)
      %mul3A_50 = arith.constant 200 : i32
      %mul3A_51 = arith.muli %add3A_35, %mul3A_50 : i32
      %add3A_52 = arith.addi %mul3A_2, %mul3A_51 : i32
      "tpu.region"() ({
        %run_scoped3A = tpu.sem_alloc : memref<!tpu.dma_semaphore, #tpu.memory_space<semaphore_mem>>
        %dma_start3A_72 = arith.constant 0 : i32
        %dma_start3A_73 = tpu.memref_slice %arg4[%add3A_52, %dma_start3A_72] : memref<192000x256xi32, #tpu.memory_space<hbm>> -> memref<200x256xi32, #tpu.memory_space<hbm>>
        %dma_start3A_74 = arith.constant 0 : i32
        %dma_start3A_75 = tpu.memref_slice %arg4[%add3A_52, %dma_start3A_74] : memref<192000x256xi32, #tpu.memory_space<hbm>> -> memref<200x256xi32, #tpu.memory_space<hbm>>
        tpu.enqueue_dma source(%arg6 : memref<200x256xi32, #tpu.memory_space<vmem>>) target(%dma_start3A_75 : memref<200x256xi32, #tpu.memory_space<hbm>>) target_semaphore(%run_scoped3A : memref<!tpu.dma_semaphore, #tpu.memory_space<semaphore_mem>>)
        %dma_wait3A_76 = arith.constant 0 : i32
        %dma_wait3A_77 = tpu.memref_slice %arg4[%add3A_52, %dma_wait3A_76] : memref<192000x256xi32, #tpu.memory_space<hbm>> -> memref<200x256xi32, #tpu.memory_space<hbm>>
        %dma_wait3A_78 = arith.constant 0 : i32
        %dma_wait3A_79 = tpu.memref_slice %arg4[%add3A_52, %dma_wait3A_78] : memref<192000x256xi32, #tpu.memory_space<hbm>> -> memref<200x256xi32, #tpu.memory_space<hbm>>
        tpu.wait_dma2 semaphore(%run_scoped3A : memref<!tpu.dma_semaphore, #tpu.memory_space<semaphore_mem>>) src(%arg6 : memref<200x256xi32, #tpu.memory_space<vmem>>) dst(%dma_wait3A_79 : memref<200x256xi32, #tpu.memory_space<hbm>>)
        tpu.yield
      }) : () -> ()
      %add3A_53 = arith.constant 2 : i32
      %add3A_54 = arith.addi %add3A_35, %add3A_53 : i32
      %mul3A_55 = arith.constant 200 : i32
      %mul3A_56 = arith.muli %add3A_54, %mul3A_55 : i32
      %dma_start3A_57 = tpu.memref_slice %arg5[%mul3A_56] : memref<6000xi32, #tpu.memory_space<vmem>> -> memref<200xi32, #tpu.memory_space<vmem>>
      %dma_start3A_58 = arith.constant 0 : i32
      %dma_start3A_59 = arith.constant 0 : i32
      %dma_start3A_60 = tpu.memref_slice %arg3[%dma_start3A_58, %dma_start3A_59] : memref<10000x256xi32, #tpu.memory_space<hbm>> -> memref<10000x256xi32, #tpu.memory_space<hbm>>
      tpu.enqueue_indirect_dma source(%dma_start3A_60 : memref<10000x256xi32, #tpu.memory_space<hbm>>) target(%arg6 : memref<200x256xi32, #tpu.memory_space<vmem>>) offsets(%dma_start3A_57 : memref<200xi32, #tpu.memory_space<vmem>>) semaphore(%arg8 : memref<!tpu.dma_semaphore, #tpu.memory_space<semaphore_mem>>)
      %add3A_61 = arith.constant 1 : i32
      %add3A_62 = arith.addi %add3A_35, %add3A_61 : i32
      %dma_wait3A_63 = arith.constant 0 : i32
      %dma_wait3A_64 = arith.constant 0 : i32
      %dma_wait3A_65 = tpu.memref_slice %arg3[%dma_wait3A_63, %dma_wait3A_64] : memref<10000x256xi32, #tpu.memory_space<hbm>> -> memref<200x256xi32, #tpu.memory_space<hbm>>
      %dma_wait3A_66 = arith.constant 0 : i32
      %dma_wait3A_67 = arith.constant 0 : i32
      %dma_wait3A_68 = tpu.memref_slice %arg3[%dma_wait3A_66, %dma_wait3A_67] : memref<10000x256xi32, #tpu.memory_space<hbm>> -> memref<200x256xi32, #tpu.memory_space<hbm>>
      tpu.wait_dma2 semaphore(%arg9 : memref<!tpu.dma_semaphore, #tpu.memory_space<semaphore_mem>>) src(%dma_wait3A_68 : memref<200x256xi32, #tpu.memory_space<hbm>>) dst(%arg7 : memref<200x256xi32, #tpu.memory_space<vmem>>)
      %mul3A_69 = arith.constant 200 : i32
      %mul3A_70 = arith.muli %add3A_62, %mul3A_69 : i32
      %add3A_71 = arith.addi %mul3A_2, %mul3A_70 : i32
      "tpu.region"() ({
        %run_scoped3A = tpu.sem_alloc : memref<!tpu.dma_semaphore, #tpu.memory_space<semaphore_mem>>
        %dma_start3A_72 = arith.constant 0 : i32
        %dma_start3A_73 = tpu.memref_slice %arg4[%add3A_71, %dma_start3A_72] : memref<192000x256xi32, #tpu.memory_space<hbm>> -> memref<200x256xi32, #tpu.memory_space<hbm>>
        %dma_start3A_74 = arith.constant 0 : i32
        %dma_start3A_75 = tpu.memref_slice %arg4[%add3A_71, %dma_start3A_74] : memref<192000x256xi32, #tpu.memory_space<hbm>> -> memref<200x256xi32, #tpu.memory_space<hbm>>
        tpu.enqueue_dma source(%arg7 : memref<200x256xi32, #tpu.memory_space<vmem>>) target(%dma_start3A_75 : memref<200x256xi32, #tpu.memory_space<hbm>>) target_semaphore(%run_scoped3A : memref<!tpu.dma_semaphore, #tpu.memory_space<semaphore_mem>>)
        %dma_wait3A_76 = arith.constant 0 : i32
        %dma_wait3A_77 = tpu.memref_slice %arg4[%add3A_71, %dma_wait3A_76] : memref<192000x256xi32, #tpu.memory_space<hbm>> -> memref<200x256xi32, #tpu.memory_space<hbm>>
        %dma_wait3A_78 = arith.constant 0 : i32
        %dma_wait3A_79 = tpu.memref_slice %arg4[%add3A_71, %dma_wait3A_78] : memref<192000x256xi32, #tpu.memory_space<hbm>> -> memref<200x256xi32, #tpu.memory_space<hbm>>
        tpu.wait_dma2 semaphore(%run_scoped3A : memref<!tpu.dma_semaphore, #tpu.memory_space<semaphore_mem>>) src(%arg7 : memref<200x256xi32, #tpu.memory_space<vmem>>) dst(%dma_wait3A_79 : memref<200x256xi32, #tpu.memory_space<hbm>>)
        tpu.yield
      }) : () -> ()
    }
    %scan3A_10 = arith.constant 14 : i32
    %dma_start3A_11 = arith.constant 5800 : i32
    %dma_start3A_12 = tpu.memref_slice %arg5[%dma_start3A_11] : memref<6000xi32, #tpu.memory_space<vmem>> -> memref<200xi32, #tpu.memory_space<vmem>>
    %dma_start3A_13 = arith.constant 0 : i32
    %dma_start3A_14 = arith.constant 0 : i32
    %dma_start3A_15 = tpu.memref_slice %arg3[%dma_start3A_13, %dma_start3A_14] : memref<10000x256xi32, #tpu.memory_space<hbm>> -> memref<10000x256xi32, #tpu.memory_space<hbm>>
    tpu.enqueue_indirect_dma source(%dma_start3A_15 : memref<10000x256xi32, #tpu.memory_space<hbm>>) target(%arg7 : memref<200x256xi32, #tpu.memory_space<vmem>>) offsets(%dma_start3A_12 : memref<200xi32, #tpu.memory_space<vmem>>) semaphore(%arg9 : memref<!tpu.dma_semaphore, #tpu.memory_space<semaphore_mem>>)
    %dma_wait3A = arith.constant 0 : i32
    %dma_wait3A_16 = arith.constant 0 : i32
    %dma_wait3A_17 = tpu.memref_slice %arg3[%dma_wait3A, %dma_wait3A_16] : memref<10000x256xi32, #tpu.memory_space<hbm>> -> memref<200x256xi32, #tpu.memory_space<hbm>>
    %dma_wait3A_18 = arith.constant 0 : i32
    %dma_wait3A_19 = arith.constant 0 : i32
    %dma_wait3A_20 = tpu.memref_slice %arg3[%dma_wait3A_18, %dma_wait3A_19] : memref<10000x256xi32, #tpu.memory_space<hbm>> -> memref<200x256xi32, #tpu.memory_space<hbm>>
    tpu.wait_dma2 semaphore(%arg8 : memref<!tpu.dma_semaphore, #tpu.memory_space<semaphore_mem>>) src(%dma_wait3A_20 : memref<200x256xi32, #tpu.memory_space<hbm>>) dst(%arg6 : memref<200x256xi32, #tpu.memory_space<vmem>>)
    %add3A_21 = arith.constant 5600 : i32
    %add3A_22 = arith.addi %mul3A_2, %add3A_21 : i32
    "tpu.region"() ({
      %run_scoped3A = tpu.sem_alloc : memref<!tpu.dma_semaphore, #tpu.memory_space<semaphore_mem>>
      %dma_start3A_31 = arith.constant 0 : i32
      %dma_start3A_32 = tpu.memref_slice %arg4[%add3A_22, %dma_start3A_31] : memref<192000x256xi32, #tpu.memory_space<hbm>> -> memref<200x256xi32, #tpu.memory_space<hbm>>
      %dma_start3A_33 = arith.constant 0 : i32
      %dma_start3A_34 = tpu.memref_slice %arg4[%add3A_22, %dma_start3A_33] : memref<192000x256xi32, #tpu.memory_space<hbm>> -> memref<200x256xi32, #tpu.memory_space<hbm>>
      tpu.enqueue_dma source(%arg6 : memref<200x256xi32, #tpu.memory_space<vmem>>) target(%dma_start3A_34 : memref<200x256xi32, #tpu.memory_space<hbm>>) target_semaphore(%run_scoped3A : memref<!tpu.dma_semaphore, #tpu.memory_space<semaphore_mem>>)
      %dma_wait3A_35 = arith.constant 0 : i32
      %dma_wait3A_36 = tpu.memref_slice %arg4[%add3A_22, %dma_wait3A_35] : memref<192000x256xi32, #tpu.memory_space<hbm>> -> memref<200x256xi32, #tpu.memory_space<hbm>>
      %dma_wait3A_37 = arith.constant 0 : i32
      %dma_wait3A_38 = tpu.memref_slice %arg4[%add3A_22, %dma_wait3A_37] : memref<192000x256xi32, #tpu.memory_space<hbm>> -> memref<200x256xi32, #tpu.memory_space<hbm>>
      tpu.wait_dma2 semaphore(%run_scoped3A : memref<!tpu.dma_semaphore, #tpu.memory_space<semaphore_mem>>) src(%arg6 : memref<200x256xi32, #tpu.memory_space<vmem>>) dst(%dma_wait3A_38 : memref<200x256xi32, #tpu.memory_space<hbm>>)
      tpu.yield
    }) : () -> ()
    %dma_wait3A_23 = arith.constant 0 : i32
    %dma_wait3A_24 = arith.constant 0 : i32
    %dma_wait3A_25 = tpu.memref_slice %arg3[%dma_wait3A_23, %dma_wait3A_24] : memref<10000x256xi32, #tpu.memory_space<hbm>> -> memref<200x256xi32, #tpu.memory_space<hbm>>
    %dma_wait3A_26 = arith.constant 0 : i32
    %dma_wait3A_27 = arith.constant 0 : i32
    %dma_wait3A_28 = tpu.memref_slice %arg3[%dma_wait3A_26, %dma_wait3A_27] : memref<10000x256xi32, #tpu.memory_space<hbm>> -> memref<200x256xi32, #tpu.memory_space<hbm>>
    tpu.wait_dma2 semaphore(%arg9 : memref<!tpu.dma_semaphore, #tpu.memory_space<semaphore_mem>>) src(%dma_wait3A_28 : memref<200x256xi32, #tpu.memory_space<hbm>>) dst(%arg7 : memref<200x256xi32, #tpu.memory_space<vmem>>)
    %add3A_29 = arith.constant 5800 : i32
    %add3A_30 = arith.addi %mul3A_2, %add3A_29 : i32
    "tpu.region"() ({
      %run_scoped3A = tpu.sem_alloc : memref<!tpu.dma_semaphore, #tpu.memory_space<semaphore_mem>>
      %dma_start3A_31 = arith.constant 0 : i32
      %dma_start3A_32 = tpu.memref_slice %arg4[%add3A_30, %dma_start3A_31] : memref<192000x256xi32, #tpu.memory_space<hbm>> -> memref<200x256xi32, #tpu.memory_space<hbm>>
      %dma_start3A_33 = arith.constant 0 : i32
      %dma_start3A_34 = tpu.memref_slice %arg4[%add3A_30, %dma_start3A_33] : memref<192000x256xi32, #tpu.memory_space<hbm>> -> memref<200x256xi32, #tpu.memory_space<hbm>>
      tpu.enqueue_dma source(%arg7 : memref<200x256xi32, #tpu.memory_space<vmem>>) target(%dma_start3A_34 : memref<200x256xi32, #tpu.memory_space<hbm>>) target_semaphore(%run_scoped3A : memref<!tpu.dma_semaphore, #tpu.memory_space<semaphore_mem>>)
      %dma_wait3A_35 = arith.constant 0 : i32
      %dma_wait3A_36 = tpu.memref_slice %arg4[%add3A_30, %dma_wait3A_35] : memref<192000x256xi32, #tpu.memory_space<hbm>> -> memref<200x256xi32, #tpu.memory_space<hbm>>
      %dma_wait3A_37 = arith.constant 0 : i32
      %dma_wait3A_38 = tpu.memref_slice %arg4[%add3A_30, %dma_wait3A_37] : memref<192000x256xi32, #tpu.memory_space<hbm>> -> memref<200x256xi32, #tpu.memory_space<hbm>>
      tpu.wait_dma2 semaphore(%run_scoped3A : memref<!tpu.dma_semaphore, #tpu.memory_space<semaphore_mem>>) src(%arg7 : memref<200x256xi32, #tpu.memory_space<vmem>>) dst(%dma_wait3A_38 : memref<200x256xi32, #tpu.memory_space<hbm>>)
      tpu.yield
    }) : () -> ()
    return
  }
}

#map = affine_map<(d0, d1) -> (0)>
#map1 = affine_map<(d0, d1) -> (0, 0)>
module attributes {stable_mosaic.version = 14 : i64} {
  func.func @scatter_kernel(%arg0: i32, %arg1: i32, %arg2: memref<128000xi32, #tpu.memory_space<hbm>>, %arg3: memref<128000x128xf32, #tpu.memory_space<hbm>>, %arg4: memref<128000x128xf32, #tpu.memory_space<hbm>>, %arg5: memref<128000x128xf32, #tpu.memory_space<hbm>>, %arg6: memref<128000x128xf32, #tpu.memory_space<hbm>>, %arg7: memref<10000x128xf32, #tpu.memory_space<hbm>>, %arg8: memref<10000x128xf32, #tpu.memory_space<hbm>>, %arg9: memref<10000x128xf32, #tpu.memory_space<hbm>>, %arg10: memref<10000x128xf32, #tpu.memory_space<hbm>>, %arg11: memref<10000x128xf32, #tpu.memory_space<hbm>>, %arg12: memref<10000x128xf32, #tpu.memory_space<vmem_shared>>, %arg13: memref<160xi32, #tpu.memory_space<vmem>>, %arg14: memref<160xi32, #tpu.memory_space<vmem>>, %arg15: memref<160x128xf32, #tpu.memory_space<vmem>>, %arg16: memref<160x128xf32, #tpu.memory_space<vmem>>, %arg17: memref<!tpu.dma_semaphore, #tpu.memory_space<semaphore_mem>>, %arg18: memref<!tpu.dma_semaphore, #tpu.memory_space<semaphore_mem>>, %arg19: memref<!tpu.dma_semaphore, #tpu.memory_space<semaphore_mem>>, %arg20: memref<!tpu.dma_semaphore, #tpu.memory_space<semaphore_mem>>) attributes {dimension_semantics = [#tpu.dimension_semantics<core_parallel>, #tpu.dimension_semantics<subcore_parallel>], iteration_bounds = array<i64: 2, 16>, scalar_prefetch = 0 : i64, scratch_operands = 9 : i64, tpu.core_type = #tpu.core_type<sc_vector_subcore>, window_params = [{transform_indices = #map}, {transform_indices = #map1}, {transform_indices = #map1}, {transform_indices = #map1}, {transform_indices = #map1}, {transform_indices = #map1}, {transform_indices = #map1}, {transform_indices = #map1}, {transform_indices = #map1}, {transform_indices = #map1}]} {
    %mul3A = arith.constant 8000 : i32
    %mul3A_0 = arith.muli %arg1, %mul3A : i32
    %mul3A_1 = arith.constant 1000 : i32
    %mul3A_2 = arith.muli %arg1, %mul3A_1 : i32
    %eq3A = arith.constant 0 : i32
    %eq3A_3 = arith.cmpi eq, %arg0, %eq3A : i32
    %lt3A = arith.constant 10 : i32
    %lt3A_4 = arith.cmpi slt, %arg1, %lt3A : i32
    %and3A = arith.andi %eq3A_3, %lt3A_4 : i1
    %convert_element_type3A = arith.extui %and3A : i1 to i32
    %cond3A = arith.constant 0 : i32
    %cond3A_5 = arith.cmpi ne, %convert_element_type3A, %cond3A : i32
    scf.if %cond3A_5 {
      "tpu.region"() ({
        %run_scoped3A = tpu.sem_alloc : memref<!tpu.dma_semaphore, #tpu.memory_space<semaphore_mem>>
        %dma_start3A = arith.constant 0 : i32
        %dma_start3A_89 = tpu.memref_slice %arg12[%mul3A_2, %dma_start3A] : memref<10000x128xf32, #tpu.memory_space<vmem_shared>> -> memref<1000x128xf32, #tpu.memory_space<vmem_shared>>
        %dma_start3A_90 = arith.constant 0 : i32
        %dma_start3A_91 = tpu.memref_slice %arg7[%mul3A_2, %dma_start3A_90] : memref<10000x128xf32, #tpu.memory_space<hbm>> -> memref<1000x128xf32, #tpu.memory_space<hbm>>
        tpu.enqueue_dma source(%dma_start3A_91 : memref<1000x128xf32, #tpu.memory_space<hbm>>) target(%dma_start3A_89 : memref<1000x128xf32, #tpu.memory_space<vmem_shared>>) target_semaphore(%run_scoped3A : memref<!tpu.dma_semaphore, #tpu.memory_space<semaphore_mem>>)
        %dma_wait3A = arith.constant 0 : i32
        %dma_wait3A_92 = tpu.memref_slice %arg12[%mul3A_2, %dma_wait3A] : memref<10000x128xf32, #tpu.memory_space<vmem_shared>> -> memref<1000x128xf32, #tpu.memory_space<vmem_shared>>
        %dma_wait3A_93 = arith.constant 0 : i32
        %dma_wait3A_94 = tpu.memref_slice %arg7[%mul3A_2, %dma_wait3A_93] : memref<10000x128xf32, #tpu.memory_space<hbm>> -> memref<1000x128xf32, #tpu.memory_space<hbm>>
        tpu.wait_dma2 semaphore(%run_scoped3A : memref<!tpu.dma_semaphore, #tpu.memory_space<semaphore_mem>>) src(%dma_wait3A_94 : memref<1000x128xf32, #tpu.memory_space<hbm>>) dst(%dma_wait3A_92 : memref<1000x128xf32, #tpu.memory_space<vmem_shared>>)
        tpu.yield
      }) : () -> ()
    } else {
    }
    %barrier3A = arith.constant 0 : index
    tpu.barrier barrier_id(%barrier3A)
    %eq3A_6 = arith.constant 0 : i32
    %eq3A_7 = arith.cmpi eq, %arg0, %eq3A_6 : i32
    %convert_element_type3A_8 = arith.extui %eq3A_7 : i1 to i32
    %cond3A_9 = arith.constant 0 : i32
    %cond3A_10 = arith.cmpi ne, %convert_element_type3A_8, %cond3A_9 : i32
    scf.if %cond3A_10 {
      %add3A = arith.constant 0 : i32
      %add3A_89 = arith.addi %mul3A_0, %add3A : i32
      %dma_start3A = tpu.memref_slice %arg2[%add3A_89] : memref<128000xi32, #tpu.memory_space<hbm>> -> memref<160xi32, #tpu.memory_space<hbm>>
      %dma_start3A_90 = tpu.memref_slice %arg2[%add3A_89] : memref<128000xi32, #tpu.memory_space<hbm>> -> memref<160xi32, #tpu.memory_space<hbm>>
      tpu.enqueue_dma source(%dma_start3A_90 : memref<160xi32, #tpu.memory_space<hbm>>) target(%arg13 : memref<160xi32, #tpu.memory_space<vmem>>) target_semaphore(%arg17 : memref<!tpu.dma_semaphore, #tpu.memory_space<semaphore_mem>>)
      %dma_start3A_91 = arith.constant 0 : i32
      %dma_start3A_92 = tpu.memref_slice %arg3[%add3A_89, %dma_start3A_91] : memref<128000x128xf32, #tpu.memory_space<hbm>> -> memref<160x128xf32, #tpu.memory_space<hbm>>
      %dma_start3A_93 = arith.constant 0 : i32
      %dma_start3A_94 = tpu.memref_slice %arg3[%add3A_89, %dma_start3A_93] : memref<128000x128xf32, #tpu.memory_space<hbm>> -> memref<160x128xf32, #tpu.memory_space<hbm>>
      tpu.enqueue_dma source(%dma_start3A_94 : memref<160x128xf32, #tpu.memory_space<hbm>>) target(%arg15 : memref<160x128xf32, #tpu.memory_space<vmem>>) target_semaphore(%arg19 : memref<!tpu.dma_semaphore, #tpu.memory_space<semaphore_mem>>)
      %scan3A = arith.constant 0 : i32
      %scan3A_95 = arith.constant 24 : i32
      %scan3A_96 = arith.addi %scan3A, %scan3A_95 : i32
      %scan3A_97 = arith.constant 1 : i32
      scf.for %scan3A_126 = %scan3A to %scan3A_96 step %scan3A_97  : i32 {
        %mul3A_127 = arith.constant 2 : i32
        %mul3A_128 = arith.muli %scan3A_126, %mul3A_127 : i32
        %add3A_129 = arith.constant 0 : i32
        %add3A_130 = arith.addi %add3A_129, %mul3A_128 : i32
        %add3A_131 = arith.constant 1 : i32
        %add3A_132 = arith.addi %add3A_130, %add3A_131 : i32
        %mul3A_133 = arith.constant 160 : i32
        %mul3A_134 = arith.muli %add3A_132, %mul3A_133 : i32
        %add3A_135 = arith.addi %mul3A_0, %mul3A_134 : i32
        %dma_start3A_136 = tpu.memref_slice %arg2[%add3A_135] : memref<128000xi32, #tpu.memory_space<hbm>> -> memref<160xi32, #tpu.memory_space<hbm>>
        %dma_start3A_137 = tpu.memref_slice %arg2[%add3A_135] : memref<128000xi32, #tpu.memory_space<hbm>> -> memref<160xi32, #tpu.memory_space<hbm>>
        tpu.enqueue_dma source(%dma_start3A_137 : memref<160xi32, #tpu.memory_space<hbm>>) target(%arg14 : memref<160xi32, #tpu.memory_space<vmem>>) target_semaphore(%arg18 : memref<!tpu.dma_semaphore, #tpu.memory_space<semaphore_mem>>)
        %dma_start3A_138 = arith.constant 0 : i32
        %dma_start3A_139 = tpu.memref_slice %arg3[%add3A_135, %dma_start3A_138] : memref<128000x128xf32, #tpu.memory_space<hbm>> -> memref<160x128xf32, #tpu.memory_space<hbm>>
        %dma_start3A_140 = arith.constant 0 : i32
        %dma_start3A_141 = tpu.memref_slice %arg3[%add3A_135, %dma_start3A_140] : memref<128000x128xf32, #tpu.memory_space<hbm>> -> memref<160x128xf32, #tpu.memory_space<hbm>>
        tpu.enqueue_dma source(%dma_start3A_141 : memref<160x128xf32, #tpu.memory_space<hbm>>) target(%arg16 : memref<160x128xf32, #tpu.memory_space<vmem>>) target_semaphore(%arg20 : memref<!tpu.dma_semaphore, #tpu.memory_space<semaphore_mem>>)
        %dma_wait3A_142 = arith.constant 0 : i32
        %dma_wait3A_143 = tpu.memref_slice %arg2[%dma_wait3A_142] : memref<128000xi32, #tpu.memory_space<hbm>> -> memref<160xi32, #tpu.memory_space<hbm>>
        %dma_wait3A_144 = arith.constant 0 : i32
        %dma_wait3A_145 = tpu.memref_slice %arg2[%dma_wait3A_144] : memref<128000xi32, #tpu.memory_space<hbm>> -> memref<160xi32, #tpu.memory_space<hbm>>
        tpu.wait_dma2 semaphore(%arg17 : memref<!tpu.dma_semaphore, #tpu.memory_space<semaphore_mem>>) src(%dma_wait3A_145 : memref<160xi32, #tpu.memory_space<hbm>>) dst(%arg13 : memref<160xi32, #tpu.memory_space<vmem>>)
        %dma_wait3A_146 = arith.constant 0 : i32
        %dma_wait3A_147 = arith.constant 0 : i32
        %dma_wait3A_148 = tpu.memref_slice %arg3[%dma_wait3A_146, %dma_wait3A_147] : memref<128000x128xf32, #tpu.memory_space<hbm>> -> memref<160x128xf32, #tpu.memory_space<hbm>>
        %dma_wait3A_149 = arith.constant 0 : i32
        %dma_wait3A_150 = arith.constant 0 : i32
        %dma_wait3A_151 = tpu.memref_slice %arg3[%dma_wait3A_149, %dma_wait3A_150] : memref<128000x128xf32, #tpu.memory_space<hbm>> -> memref<160x128xf32, #tpu.memory_space<hbm>>
        tpu.wait_dma2 semaphore(%arg19 : memref<!tpu.dma_semaphore, #tpu.memory_space<semaphore_mem>>) src(%dma_wait3A_151 : memref<160x128xf32, #tpu.memory_space<hbm>>) dst(%arg15 : memref<160x128xf32, #tpu.memory_space<vmem>>)
        "tpu.region"() ({
          %run_scoped3A = tpu.sem_alloc : memref<!tpu.dma_semaphore, #tpu.memory_space<semaphore_mem>>
          %dma_start3A_175 = arith.constant 0 : i32
          %dma_start3A_176 = arith.constant 0 : i32
          %dma_start3A_177 = tpu.memref_slice %arg12[%dma_start3A_175, %dma_start3A_176] : memref<10000x128xf32, #tpu.memory_space<vmem_shared>> -> memref<10000x128xf32, #tpu.memory_space<vmem_shared>>
          tpu.enqueue_indirect_dma source(%arg15 : memref<160x128xf32, #tpu.memory_space<vmem>>) target(%dma_start3A_177 : memref<10000x128xf32, #tpu.memory_space<vmem_shared>>) offsets(%arg13 : memref<160xi32, #tpu.memory_space<vmem>>) semaphore(%run_scoped3A : memref<!tpu.dma_semaphore, #tpu.memory_space<semaphore_mem>>) {add = true}
          %dma_wait3A_178 = arith.constant 0 : i32
          %dma_wait3A_179 = arith.constant 0 : i32
          %dma_wait3A_180 = tpu.memref_slice %arg12[%dma_wait3A_178, %dma_wait3A_179] : memref<10000x128xf32, #tpu.memory_space<vmem_shared>> -> memref<10000x128xf32, #tpu.memory_space<vmem_shared>>
          tpu.wait_indirect_dma semaphore(%run_scoped3A : memref<!tpu.dma_semaphore, #tpu.memory_space<semaphore_mem>>) src(%arg15 : memref<160x128xf32, #tpu.memory_space<vmem>>) dst(%dma_wait3A_180 : memref<10000x128xf32, #tpu.memory_space<vmem_shared>>)
          tpu.yield
        }) : () -> ()
        %add3A_152 = arith.constant 2 : i32
        %add3A_153 = arith.addi %add3A_130, %add3A_152 : i32
        %mul3A_154 = arith.constant 160 : i32
        %mul3A_155 = arith.muli %add3A_153, %mul3A_154 : i32
        %add3A_156 = arith.addi %mul3A_0, %mul3A_155 : i32
        %dma_start3A_157 = tpu.memref_slice %arg2[%add3A_156] : memref<128000xi32, #tpu.memory_space<hbm>> -> memref<160xi32, #tpu.memory_space<hbm>>
        %dma_start3A_158 = tpu.memref_slice %arg2[%add3A_156] : memref<128000xi32, #tpu.memory_space<hbm>> -> memref<160xi32, #tpu.memory_space<hbm>>
        tpu.enqueue_dma source(%dma_start3A_158 : memref<160xi32, #tpu.memory_space<hbm>>) target(%arg13 : memref<160xi32, #tpu.memory_space<vmem>>) target_semaphore(%arg17 : memref<!tpu.dma_semaphore, #tpu.memory_space<semaphore_mem>>)
        %dma_start3A_159 = arith.constant 0 : i32
        %dma_start3A_160 = tpu.memref_slice %arg3[%add3A_156, %dma_start3A_159] : memref<128000x128xf32, #tpu.memory_space<hbm>> -> memref<160x128xf32, #tpu.memory_space<hbm>>
        %dma_start3A_161 = arith.constant 0 : i32
        %dma_start3A_162 = tpu.memref_slice %arg3[%add3A_156, %dma_start3A_161] : memref<128000x128xf32, #tpu.memory_space<hbm>> -> memref<160x128xf32, #tpu.memory_space<hbm>>
        tpu.enqueue_dma source(%dma_start3A_162 : memref<160x128xf32, #tpu.memory_space<hbm>>) target(%arg15 : memref<160x128xf32, #tpu.memory_space<vmem>>) target_semaphore(%arg19 : memref<!tpu.dma_semaphore, #tpu.memory_space<semaphore_mem>>)
        %add3A_163 = arith.constant 1 : i32
        %add3A_164 = arith.addi %add3A_130, %add3A_163 : i32
        %dma_wait3A_165 = arith.constant 0 : i32
        %dma_wait3A_166 = tpu.memref_slice %arg2[%dma_wait3A_165] : memref<128000xi32, #tpu.memory_space<hbm>> -> memref<160xi32, #tpu.memory_space<hbm>>
        %dma_wait3A_167 = arith.constant 0 : i32
        %dma_wait3A_168 = tpu.memref_slice %arg2[%dma_wait3A_167] : memref<128000xi32, #tpu.memory_space<hbm>> -> memref<160xi32, #tpu.memory_space<hbm>>
        tpu.wait_dma2 semaphore(%arg18 : memref<!tpu.dma_semaphore, #tpu.memory_space<semaphore_mem>>) src(%dma_wait3A_168 : memref<160xi32, #tpu.memory_space<hbm>>) dst(%arg14 : memref<160xi32, #tpu.memory_space<vmem>>)
        %dma_wait3A_169 = arith.constant 0 : i32
        %dma_wait3A_170 = arith.constant 0 : i32
        %dma_wait3A_171 = tpu.memref_slice %arg3[%dma_wait3A_169, %dma_wait3A_170] : memref<128000x128xf32, #tpu.memory_space<hbm>> -> memref<160x128xf32, #tpu.memory_space<hbm>>
        %dma_wait3A_172 = arith.constant 0 : i32
        %dma_wait3A_173 = arith.constant 0 : i32
        %dma_wait3A_174 = tpu.memref_slice %arg3[%dma_wait3A_172, %dma_wait3A_173] : memref<128000x128xf32, #tpu.memory_space<hbm>> -> memref<160x128xf32, #tpu.memory_space<hbm>>
        tpu.wait_dma2 semaphore(%arg20 : memref<!tpu.dma_semaphore, #tpu.memory_space<semaphore_mem>>) src(%dma_wait3A_174 : memref<160x128xf32, #tpu.memory_space<hbm>>) dst(%arg16 : memref<160x128xf32, #tpu.memory_space<vmem>>)
        "tpu.region"() ({
          %run_scoped3A = tpu.sem_alloc : memref<!tpu.dma_semaphore, #tpu.memory_space<semaphore_mem>>
          %dma_start3A_175 = arith.constant 0 : i32
          %dma_start3A_176 = arith.constant 0 : i32
          %dma_start3A_177 = tpu.memref_slice %arg12[%dma_start3A_175, %dma_start3A_176] : memref<10000x128xf32, #tpu.memory_space<vmem_shared>> -> memref<10000x128xf32, #tpu.memory_space<vmem_shared>>
          tpu.enqueue_indirect_dma source(%arg16 : memref<160x128xf32, #tpu.memory_space<vmem>>) target(%dma_start3A_177 : memref<10000x128xf32, #tpu.memory_space<vmem_shared>>) offsets(%arg14 : memref<160xi32, #tpu.memory_space<vmem>>) semaphore(%run_scoped3A : memref<!tpu.dma_semaphore, #tpu.memory_space<semaphore_mem>>) {add = true}
          %dma_wait3A_178 = arith.constant 0 : i32
          %dma_wait3A_179 = arith.constant 0 : i32
          %dma_wait3A_180 = tpu.memref_slice %arg12[%dma_wait3A_178, %dma_wait3A_179] : memref<10000x128xf32, #tpu.memory_space<vmem_shared>> -> memref<10000x128xf32, #tpu.memory_space<vmem_shared>>
          tpu.wait_indirect_dma semaphore(%run_scoped3A : memref<!tpu.dma_semaphore, #tpu.memory_space<semaphore_mem>>) src(%arg16 : memref<160x128xf32, #tpu.memory_space<vmem>>) dst(%dma_wait3A_180 : memref<10000x128xf32, #tpu.memory_space<vmem_shared>>)
          tpu.yield
        }) : () -> ()
      }
      %scan3A_98 = arith.constant 24 : i32
      %add3A_99 = arith.constant 7840 : i32
      %add3A_100 = arith.addi %mul3A_0, %add3A_99 : i32
      %dma_start3A_101 = tpu.memref_slice %arg2[%add3A_100] : memref<128000xi32, #tpu.memory_space<hbm>> -> memref<160xi32, #tpu.memory_space<hbm>>
      %dma_start3A_102 = tpu.memref_slice %arg2[%add3A_100] : memref<128000xi32, #tpu.memory_space<hbm>> -> memref<160xi32, #tpu.memory_space<hbm>>
      tpu.enqueue_dma source(%dma_start3A_102 : memref<160xi32, #tpu.memory_space<hbm>>) target(%arg14 : memref<160xi32, #tpu.memory_space<vmem>>) target_semaphore(%arg18 : memref<!tpu.dma_semaphore, #tpu.memory_space<semaphore_mem>>)
      %dma_start3A_103 = arith.constant 0 : i32
      %dma_start3A_104 = tpu.memref_slice %arg3[%add3A_100, %dma_start3A_103] : memref<128000x128xf32, #tpu.memory_space<hbm>> -> memref<160x128xf32, #tpu.memory_space<hbm>>
      %dma_start3A_105 = arith.constant 0 : i32
      %dma_start3A_106 = tpu.memref_slice %arg3[%add3A_100, %dma_start3A_105] : memref<128000x128xf32, #tpu.memory_space<hbm>> -> memref<160x128xf32, #tpu.memory_space<hbm>>
      tpu.enqueue_dma source(%dma_start3A_106 : memref<160x128xf32, #tpu.memory_space<hbm>>) target(%arg16 : memref<160x128xf32, #tpu.memory_space<vmem>>) target_semaphore(%arg20 : memref<!tpu.dma_semaphore, #tpu.memory_space<semaphore_mem>>)
      %dma_wait3A = arith.constant 0 : i32
      %dma_wait3A_107 = tpu.memref_slice %arg2[%dma_wait3A] : memref<128000xi32, #tpu.memory_space<hbm>> -> memref<160xi32, #tpu.memory_space<hbm>>
      %dma_wait3A_108 = arith.constant 0 : i32
      %dma_wait3A_109 = tpu.memref_slice %arg2[%dma_wait3A_108] : memref<128000xi32, #tpu.memory_space<hbm>> -> memref<160xi32, #tpu.memory_space<hbm>>
      tpu.wait_dma2 semaphore(%arg17 : memref<!tpu.dma_semaphore, #tpu.memory_space<semaphore_mem>>) src(%dma_wait3A_109 : memref<160xi32, #tpu.memory_space<hbm>>) dst(%arg13 : memref<160xi32, #tpu.memory_space<vmem>>)
      %dma_wait3A_110 = arith.constant 0 : i32
      %dma_wait3A_111 = arith.constant 0 : i32
      %dma_wait3A_112 = tpu.memref_slice %arg3[%dma_wait3A_110, %dma_wait3A_111] : memref<128000x128xf32, #tpu.memory_space<hbm>> -> memref<160x128xf32, #tpu.memory_space<hbm>>
      %dma_wait3A_113 = arith.constant 0 : i32
      %dma_wait3A_114 = arith.constant 0 : i32
      %dma_wait3A_115 = tpu.memref_slice %arg3[%dma_wait3A_113, %dma_wait3A_114] : memref<128000x128xf32, #tpu.memory_space<hbm>> -> memref<160x128xf32, #tpu.memory_space<hbm>>
      tpu.wait_dma2 semaphore(%arg19 : memref<!tpu.dma_semaphore, #tpu.memory_space<semaphore_mem>>) src(%dma_wait3A_115 : memref<160x128xf32, #tpu.memory_space<hbm>>) dst(%arg15 : memref<160x128xf32, #tpu.memory_space<vmem>>)
      "tpu.region"() ({
        %run_scoped3A = tpu.sem_alloc : memref<!tpu.dma_semaphore, #tpu.memory_space<semaphore_mem>>
        %dma_start3A_126 = arith.constant 0 : i32
        %dma_start3A_127 = arith.constant 0 : i32
        %dma_start3A_128 = tpu.memref_slice %arg12[%dma_start3A_126, %dma_start3A_127] : memref<10000x128xf32, #tpu.memory_space<vmem_shared>> -> memref<10000x128xf32, #tpu.memory_space<vmem_shared>>
        tpu.enqueue_indirect_dma source(%arg15 : memref<160x128xf32, #tpu.memory_space<vmem>>) target(%dma_start3A_128 : memref<10000x128xf32, #tpu.memory_space<vmem_shared>>) offsets(%arg13 : memref<160xi32, #tpu.memory_space<vmem>>) semaphore(%run_scoped3A : memref<!tpu.dma_semaphore, #tpu.memory_space<semaphore_mem>>) {add = true}
        %dma_wait3A_129 = arith.constant 0 : i32
        %dma_wait3A_130 = arith.constant 0 : i32
        %dma_wait3A_131 = tpu.memref_slice %arg12[%dma_wait3A_129, %dma_wait3A_130] : memref<10000x128xf32, #tpu.memory_space<vmem_shared>> -> memref<10000x128xf32, #tpu.memory_space<vmem_shared>>
        tpu.wait_indirect_dma semaphore(%run_scoped3A : memref<!tpu.dma_semaphore, #tpu.memory_space<semaphore_mem>>) src(%arg15 : memref<160x128xf32, #tpu.memory_space<vmem>>) dst(%dma_wait3A_131 : memref<10000x128xf32, #tpu.memory_space<vmem_shared>>)
        tpu.yield
      }) : () -> ()
      %dma_wait3A_116 = arith.constant 0 : i32
      %dma_wait3A_117 = tpu.memref_slice %arg2[%dma_wait3A_116] : memref<128000xi32, #tpu.memory_space<hbm>> -> memref<160xi32, #tpu.memory_space<hbm>>
      %dma_wait3A_118 = arith.constant 0 : i32
      %dma_wait3A_119 = tpu.memref_slice %arg2[%dma_wait3A_118] : memref<128000xi32, #tpu.memory_space<hbm>> -> memref<160xi32, #tpu.memory_space<hbm>>
      tpu.wait_dma2 semaphore(%arg18 : memref<!tpu.dma_semaphore, #tpu.memory_space<semaphore_mem>>) src(%dma_wait3A_119 : memref<160xi32, #tpu.memory_space<hbm>>) dst(%arg14 : memref<160xi32, #tpu.memory_space<vmem>>)
      %dma_wait3A_120 = arith.constant 0 : i32
      %dma_wait3A_121 = arith.constant 0 : i32
      %dma_wait3A_122 = tpu.memref_slice %arg3[%dma_wait3A_120, %dma_wait3A_121] : memref<128000x128xf32, #tpu.memory_space<hbm>> -> memref<160x128xf32, #tpu.memory_space<hbm>>
      %dma_wait3A_123 = arith.constant 0 : i32
      %dma_wait3A_124 = arith.constant 0 : i32
      %dma_wait3A_125 = tpu.memref_slice %arg3[%dma_wait3A_123, %dma_wait3A_124] : memref<128000x128xf32, #tpu.memory_space<hbm>> -> memref<160x128xf32, #tpu.memory_space<hbm>>
      tpu.wait_dma2 semaphore(%arg20 : memref<!tpu.dma_semaphore, #tpu.memory_space<semaphore_mem>>) src(%dma_wait3A_125 : memref<160x128xf32, #tpu.memory_space<hbm>>) dst(%arg16 : memref<160x128xf32, #tpu.memory_space<vmem>>)
      "tpu.region"() ({
        %run_scoped3A = tpu.sem_alloc : memref<!tpu.dma_semaphore, #tpu.memory_space<semaphore_mem>>
        %dma_start3A_126 = arith.constant 0 : i32
        %dma_start3A_127 = arith.constant 0 : i32
        %dma_start3A_128 = tpu.memref_slice %arg12[%dma_start3A_126, %dma_start3A_127] : memref<10000x128xf32, #tpu.memory_space<vmem_shared>> -> memref<10000x128xf32, #tpu.memory_space<vmem_shared>>
        tpu.enqueue_indirect_dma source(%arg16 : memref<160x128xf32, #tpu.memory_space<vmem>>) target(%dma_start3A_128 : memref<10000x128xf32, #tpu.memory_space<vmem_shared>>) offsets(%arg14 : memref<160xi32, #tpu.memory_space<vmem>>) semaphore(%run_scoped3A : memref<!tpu.dma_semaphore, #tpu.memory_space<semaphore_mem>>) {add = true}
        %dma_wait3A_129 = arith.constant 0 : i32
        %dma_wait3A_130 = arith.constant 0 : i32
        %dma_wait3A_131 = tpu.memref_slice %arg12[%dma_wait3A_129, %dma_wait3A_130] : memref<10000x128xf32, #tpu.memory_space<vmem_shared>> -> memref<10000x128xf32, #tpu.memory_space<vmem_shared>>
        tpu.wait_indirect_dma semaphore(%run_scoped3A : memref<!tpu.dma_semaphore, #tpu.memory_space<semaphore_mem>>) src(%arg16 : memref<160x128xf32, #tpu.memory_space<vmem>>) dst(%dma_wait3A_131 : memref<10000x128xf32, #tpu.memory_space<vmem_shared>>)
        tpu.yield
      }) : () -> ()
    } else {
    }
    %barrier3A_11 = arith.constant 0 : index
    tpu.barrier barrier_id(%barrier3A_11)
    %eq3A_12 = arith.constant 0 : i32
    %eq3A_13 = arith.cmpi eq, %arg0, %eq3A_12 : i32
    %lt3A_14 = arith.constant 10 : i32
    %lt3A_15 = arith.cmpi slt, %arg1, %lt3A_14 : i32
    %and3A_16 = arith.andi %eq3A_13, %lt3A_15 : i1
    %convert_element_type3A_17 = arith.extui %and3A_16 : i1 to i32
    %cond3A_18 = arith.constant 0 : i32
    %cond3A_19 = arith.cmpi ne, %convert_element_type3A_17, %cond3A_18 : i32
    scf.if %cond3A_19 {
      "tpu.region"() ({
        %run_scoped3A = tpu.sem_alloc : memref<!tpu.dma_semaphore, #tpu.memory_space<semaphore_mem>>
        %dma_start3A = arith.constant 0 : i32
        %dma_start3A_89 = tpu.memref_slice %arg8[%mul3A_2, %dma_start3A] : memref<10000x128xf32, #tpu.memory_space<hbm>> -> memref<1000x128xf32, #tpu.memory_space<hbm>>
        %dma_start3A_90 = arith.constant 0 : i32
        %dma_start3A_91 = tpu.memref_slice %arg12[%mul3A_2, %dma_start3A_90] : memref<10000x128xf32, #tpu.memory_space<vmem_shared>> -> memref<1000x128xf32, #tpu.memory_space<vmem_shared>>
        tpu.enqueue_dma source(%dma_start3A_91 : memref<1000x128xf32, #tpu.memory_space<vmem_shared>>) target(%dma_start3A_89 : memref<1000x128xf32, #tpu.memory_space<hbm>>) target_semaphore(%run_scoped3A : memref<!tpu.dma_semaphore, #tpu.memory_space<semaphore_mem>>)
        %dma_wait3A = arith.constant 0 : i32
        %dma_wait3A_92 = tpu.memref_slice %arg8[%mul3A_2, %dma_wait3A] : memref<10000x128xf32, #tpu.memory_space<hbm>> -> memref<1000x128xf32, #tpu.memory_space<hbm>>
        %dma_wait3A_93 = arith.constant 0 : i32
        %dma_wait3A_94 = tpu.memref_slice %arg12[%mul3A_2, %dma_wait3A_93] : memref<10000x128xf32, #tpu.memory_space<vmem_shared>> -> memref<1000x128xf32, #tpu.memory_space<vmem_shared>>
        tpu.wait_dma2 semaphore(%run_scoped3A : memref<!tpu.dma_semaphore, #tpu.memory_space<semaphore_mem>>) src(%dma_wait3A_94 : memref<1000x128xf32, #tpu.memory_space<vmem_shared>>) dst(%dma_wait3A_92 : memref<1000x128xf32, #tpu.memory_space<hbm>>)
        tpu.yield
      }) : () -> ()
    } else {
    }
    %eq3A_20 = arith.constant 1 : i32
    %eq3A_21 = arith.cmpi eq, %arg0, %eq3A_20 : i32
    %lt3A_22 = arith.constant 10 : i32
    %lt3A_23 = arith.cmpi slt, %arg1, %lt3A_22 : i32
    %and3A_24 = arith.andi %eq3A_21, %lt3A_23 : i1
    %convert_element_type3A_25 = arith.extui %and3A_24 : i1 to i32
    %cond3A_26 = arith.constant 0 : i32
    %cond3A_27 = arith.cmpi ne, %convert_element_type3A_25, %cond3A_26 : i32
    scf.if %cond3A_27 {
      "tpu.region"() ({
        %run_scoped3A = tpu.sem_alloc : memref<!tpu.dma_semaphore, #tpu.memory_space<semaphore_mem>>
        %dma_start3A = arith.constant 0 : i32
        %dma_start3A_89 = tpu.memref_slice %arg12[%mul3A_2, %dma_start3A] : memref<10000x128xf32, #tpu.memory_space<vmem_shared>> -> memref<1000x128xf32, #tpu.memory_space<vmem_shared>>
        %dma_start3A_90 = arith.constant 0 : i32
        %dma_start3A_91 = tpu.memref_slice %arg7[%mul3A_2, %dma_start3A_90] : memref<10000x128xf32, #tpu.memory_space<hbm>> -> memref<1000x128xf32, #tpu.memory_space<hbm>>
        tpu.enqueue_dma source(%dma_start3A_91 : memref<1000x128xf32, #tpu.memory_space<hbm>>) target(%dma_start3A_89 : memref<1000x128xf32, #tpu.memory_space<vmem_shared>>) target_semaphore(%run_scoped3A : memref<!tpu.dma_semaphore, #tpu.memory_space<semaphore_mem>>)
        %dma_wait3A = arith.constant 0 : i32
        %dma_wait3A_92 = tpu.memref_slice %arg12[%mul3A_2, %dma_wait3A] : memref<10000x128xf32, #tpu.memory_space<vmem_shared>> -> memref<1000x128xf32, #tpu.memory_space<vmem_shared>>
        %dma_wait3A_93 = arith.constant 0 : i32
        %dma_wait3A_94 = tpu.memref_slice %arg7[%mul3A_2, %dma_wait3A_93] : memref<10000x128xf32, #tpu.memory_space<hbm>> -> memref<1000x128xf32, #tpu.memory_space<hbm>>
        tpu.wait_dma2 semaphore(%run_scoped3A : memref<!tpu.dma_semaphore, #tpu.memory_space<semaphore_mem>>) src(%dma_wait3A_94 : memref<1000x128xf32, #tpu.memory_space<hbm>>) dst(%dma_wait3A_92 : memref<1000x128xf32, #tpu.memory_space<vmem_shared>>)
        tpu.yield
      }) : () -> ()
    } else {
    }
    %barrier3A_28 = arith.constant 0 : index
    tpu.barrier barrier_id(%barrier3A_28)
    %eq3A_29 = arith.constant 1 : i32
    %eq3A_30 = arith.cmpi eq, %arg0, %eq3A_29 : i32
    %convert_element_type3A_31 = arith.extui %eq3A_30 : i1 to i32
    %cond3A_32 = arith.constant 0 : i32
    %cond3A_33 = arith.cmpi ne, %convert_element_type3A_31, %cond3A_32 : i32
    scf.if %cond3A_33 {
      %add3A = arith.constant 0 : i32
      %add3A_89 = arith.addi %mul3A_0, %add3A : i32
      %dma_start3A = tpu.memref_slice %arg2[%add3A_89] : memref<128000xi32, #tpu.memory_space<hbm>> -> memref<160xi32, #tpu.memory_space<hbm>>
      %dma_start3A_90 = tpu.memref_slice %arg2[%add3A_89] : memref<128000xi32, #tpu.memory_space<hbm>> -> memref<160xi32, #tpu.memory_space<hbm>>
      tpu.enqueue_dma source(%dma_start3A_90 : memref<160xi32, #tpu.memory_space<hbm>>) target(%arg13 : memref<160xi32, #tpu.memory_space<vmem>>) target_semaphore(%arg17 : memref<!tpu.dma_semaphore, #tpu.memory_space<semaphore_mem>>)
      %dma_start3A_91 = arith.constant 0 : i32
      %dma_start3A_92 = tpu.memref_slice %arg4[%add3A_89, %dma_start3A_91] : memref<128000x128xf32, #tpu.memory_space<hbm>> -> memref<160x128xf32, #tpu.memory_space<hbm>>
      %dma_start3A_93 = arith.constant 0 : i32
      %dma_start3A_94 = tpu.memref_slice %arg4[%add3A_89, %dma_start3A_93] : memref<128000x128xf32, #tpu.memory_space<hbm>> -> memref<160x128xf32, #tpu.memory_space<hbm>>
      tpu.enqueue_dma source(%dma_start3A_94 : memref<160x128xf32, #tpu.memory_space<hbm>>) target(%arg15 : memref<160x128xf32, #tpu.memory_space<vmem>>) target_semaphore(%arg19 : memref<!tpu.dma_semaphore, #tpu.memory_space<semaphore_mem>>)
      %scan3A = arith.constant 0 : i32
      %scan3A_95 = arith.constant 24 : i32
      %scan3A_96 = arith.addi %scan3A, %scan3A_95 : i32
      %scan3A_97 = arith.constant 1 : i32
      scf.for %scan3A_126 = %scan3A to %scan3A_96 step %scan3A_97  : i32 {
        %mul3A_127 = arith.constant 2 : i32
        %mul3A_128 = arith.muli %scan3A_126, %mul3A_127 : i32
        %add3A_129 = arith.constant 0 : i32
        %add3A_130 = arith.addi %add3A_129, %mul3A_128 : i32
        %add3A_131 = arith.constant 1 : i32
        %add3A_132 = arith.addi %add3A_130, %add3A_131 : i32
        %mul3A_133 = arith.constant 160 : i32
        %mul3A_134 = arith.muli %add3A_132, %mul3A_133 : i32
        %add3A_135 = arith.addi %mul3A_0, %mul3A_134 : i32
        %dma_start3A_136 = tpu.memref_slice %arg2[%add3A_135] : memref<128000xi32, #tpu.memory_space<hbm>> -> memref<160xi32, #tpu.memory_space<hbm>>
        %dma_start3A_137 = tpu.memref_slice %arg2[%add3A_135] : memref<128000xi32, #tpu.memory_space<hbm>> -> memref<160xi32, #tpu.memory_space<hbm>>
        tpu.enqueue_dma source(%dma_start3A_137 : memref<160xi32, #tpu.memory_space<hbm>>) target(%arg14 : memref<160xi32, #tpu.memory_space<vmem>>) target_semaphore(%arg18 : memref<!tpu.dma_semaphore, #tpu.memory_space<semaphore_mem>>)
        %dma_start3A_138 = arith.constant 0 : i32
        %dma_start3A_139 = tpu.memref_slice %arg4[%add3A_135, %dma_start3A_138] : memref<128000x128xf32, #tpu.memory_space<hbm>> -> memref<160x128xf32, #tpu.memory_space<hbm>>
        %dma_start3A_140 = arith.constant 0 : i32
        %dma_start3A_141 = tpu.memref_slice %arg4[%add3A_135, %dma_start3A_140] : memref<128000x128xf32, #tpu.memory_space<hbm>> -> memref<160x128xf32, #tpu.memory_space<hbm>>
        tpu.enqueue_dma source(%dma_start3A_141 : memref<160x128xf32, #tpu.memory_space<hbm>>) target(%arg16 : memref<160x128xf32, #tpu.memory_space<vmem>>) target_semaphore(%arg20 : memref<!tpu.dma_semaphore, #tpu.memory_space<semaphore_mem>>)
        %dma_wait3A_142 = arith.constant 0 : i32
        %dma_wait3A_143 = tpu.memref_slice %arg2[%dma_wait3A_142] : memref<128000xi32, #tpu.memory_space<hbm>> -> memref<160xi32, #tpu.memory_space<hbm>>
        %dma_wait3A_144 = arith.constant 0 : i32
        %dma_wait3A_145 = tpu.memref_slice %arg2[%dma_wait3A_144] : memref<128000xi32, #tpu.memory_space<hbm>> -> memref<160xi32, #tpu.memory_space<hbm>>
        tpu.wait_dma2 semaphore(%arg17 : memref<!tpu.dma_semaphore, #tpu.memory_space<semaphore_mem>>) src(%dma_wait3A_145 : memref<160xi32, #tpu.memory_space<hbm>>) dst(%arg13 : memref<160xi32, #tpu.memory_space<vmem>>)
        %dma_wait3A_146 = arith.constant 0 : i32
        %dma_wait3A_147 = arith.constant 0 : i32
        %dma_wait3A_148 = tpu.memref_slice %arg4[%dma_wait3A_146, %dma_wait3A_147] : memref<128000x128xf32, #tpu.memory_space<hbm>> -> memref<160x128xf32, #tpu.memory_space<hbm>>
        %dma_wait3A_149 = arith.constant 0 : i32
        %dma_wait3A_150 = arith.constant 0 : i32
        %dma_wait3A_151 = tpu.memref_slice %arg4[%dma_wait3A_149, %dma_wait3A_150] : memref<128000x128xf32, #tpu.memory_space<hbm>> -> memref<160x128xf32, #tpu.memory_space<hbm>>
        tpu.wait_dma2 semaphore(%arg19 : memref<!tpu.dma_semaphore, #tpu.memory_space<semaphore_mem>>) src(%dma_wait3A_151 : memref<160x128xf32, #tpu.memory_space<hbm>>) dst(%arg15 : memref<160x128xf32, #tpu.memory_space<vmem>>)
        "tpu.region"() ({
          %run_scoped3A = tpu.sem_alloc : memref<!tpu.dma_semaphore, #tpu.memory_space<semaphore_mem>>
          %dma_start3A_175 = arith.constant 0 : i32
          %dma_start3A_176 = arith.constant 0 : i32
          %dma_start3A_177 = tpu.memref_slice %arg12[%dma_start3A_175, %dma_start3A_176] : memref<10000x128xf32, #tpu.memory_space<vmem_shared>> -> memref<10000x128xf32, #tpu.memory_space<vmem_shared>>
          tpu.enqueue_indirect_dma source(%arg15 : memref<160x128xf32, #tpu.memory_space<vmem>>) target(%dma_start3A_177 : memref<10000x128xf32, #tpu.memory_space<vmem_shared>>) offsets(%arg13 : memref<160xi32, #tpu.memory_space<vmem>>) semaphore(%run_scoped3A : memref<!tpu.dma_semaphore, #tpu.memory_space<semaphore_mem>>) {add = true}
          %dma_wait3A_178 = arith.constant 0 : i32
          %dma_wait3A_179 = arith.constant 0 : i32
          %dma_wait3A_180 = tpu.memref_slice %arg12[%dma_wait3A_178, %dma_wait3A_179] : memref<10000x128xf32, #tpu.memory_space<vmem_shared>> -> memref<10000x128xf32, #tpu.memory_space<vmem_shared>>
          tpu.wait_indirect_dma semaphore(%run_scoped3A : memref<!tpu.dma_semaphore, #tpu.memory_space<semaphore_mem>>) src(%arg15 : memref<160x128xf32, #tpu.memory_space<vmem>>) dst(%dma_wait3A_180 : memref<10000x128xf32, #tpu.memory_space<vmem_shared>>)
          tpu.yield
        }) : () -> ()
        %add3A_152 = arith.constant 2 : i32
        %add3A_153 = arith.addi %add3A_130, %add3A_152 : i32
        %mul3A_154 = arith.constant 160 : i32
        %mul3A_155 = arith.muli %add3A_153, %mul3A_154 : i32
        %add3A_156 = arith.addi %mul3A_0, %mul3A_155 : i32
        %dma_start3A_157 = tpu.memref_slice %arg2[%add3A_156] : memref<128000xi32, #tpu.memory_space<hbm>> -> memref<160xi32, #tpu.memory_space<hbm>>
        %dma_start3A_158 = tpu.memref_slice %arg2[%add3A_156] : memref<128000xi32, #tpu.memory_space<hbm>> -> memref<160xi32, #tpu.memory_space<hbm>>
        tpu.enqueue_dma source(%dma_start3A_158 : memref<160xi32, #tpu.memory_space<hbm>>) target(%arg13 : memref<160xi32, #tpu.memory_space<vmem>>) target_semaphore(%arg17 : memref<!tpu.dma_semaphore, #tpu.memory_space<semaphore_mem>>)
        %dma_start3A_159 = arith.constant 0 : i32
        %dma_start3A_160 = tpu.memref_slice %arg4[%add3A_156, %dma_start3A_159] : memref<128000x128xf32, #tpu.memory_space<hbm>> -> memref<160x128xf32, #tpu.memory_space<hbm>>
        %dma_start3A_161 = arith.constant 0 : i32
        %dma_start3A_162 = tpu.memref_slice %arg4[%add3A_156, %dma_start3A_161] : memref<128000x128xf32, #tpu.memory_space<hbm>> -> memref<160x128xf32, #tpu.memory_space<hbm>>
        tpu.enqueue_dma source(%dma_start3A_162 : memref<160x128xf32, #tpu.memory_space<hbm>>) target(%arg15 : memref<160x128xf32, #tpu.memory_space<vmem>>) target_semaphore(%arg19 : memref<!tpu.dma_semaphore, #tpu.memory_space<semaphore_mem>>)
        %add3A_163 = arith.constant 1 : i32
        %add3A_164 = arith.addi %add3A_130, %add3A_163 : i32
        %dma_wait3A_165 = arith.constant 0 : i32
        %dma_wait3A_166 = tpu.memref_slice %arg2[%dma_wait3A_165] : memref<128000xi32, #tpu.memory_space<hbm>> -> memref<160xi32, #tpu.memory_space<hbm>>
        %dma_wait3A_167 = arith.constant 0 : i32
        %dma_wait3A_168 = tpu.memref_slice %arg2[%dma_wait3A_167] : memref<128000xi32, #tpu.memory_space<hbm>> -> memref<160xi32, #tpu.memory_space<hbm>>
        tpu.wait_dma2 semaphore(%arg18 : memref<!tpu.dma_semaphore, #tpu.memory_space<semaphore_mem>>) src(%dma_wait3A_168 : memref<160xi32, #tpu.memory_space<hbm>>) dst(%arg14 : memref<160xi32, #tpu.memory_space<vmem>>)
        %dma_wait3A_169 = arith.constant 0 : i32
        %dma_wait3A_170 = arith.constant 0 : i32
        %dma_wait3A_171 = tpu.memref_slice %arg4[%dma_wait3A_169, %dma_wait3A_170] : memref<128000x128xf32, #tpu.memory_space<hbm>> -> memref<160x128xf32, #tpu.memory_space<hbm>>
        %dma_wait3A_172 = arith.constant 0 : i32
        %dma_wait3A_173 = arith.constant 0 : i32
        %dma_wait3A_174 = tpu.memref_slice %arg4[%dma_wait3A_172, %dma_wait3A_173] : memref<128000x128xf32, #tpu.memory_space<hbm>> -> memref<160x128xf32, #tpu.memory_space<hbm>>
        tpu.wait_dma2 semaphore(%arg20 : memref<!tpu.dma_semaphore, #tpu.memory_space<semaphore_mem>>) src(%dma_wait3A_174 : memref<160x128xf32, #tpu.memory_space<hbm>>) dst(%arg16 : memref<160x128xf32, #tpu.memory_space<vmem>>)
        "tpu.region"() ({
          %run_scoped3A = tpu.sem_alloc : memref<!tpu.dma_semaphore, #tpu.memory_space<semaphore_mem>>
          %dma_start3A_175 = arith.constant 0 : i32
          %dma_start3A_176 = arith.constant 0 : i32
          %dma_start3A_177 = tpu.memref_slice %arg12[%dma_start3A_175, %dma_start3A_176] : memref<10000x128xf32, #tpu.memory_space<vmem_shared>> -> memref<10000x128xf32, #tpu.memory_space<vmem_shared>>
          tpu.enqueue_indirect_dma source(%arg16 : memref<160x128xf32, #tpu.memory_space<vmem>>) target(%dma_start3A_177 : memref<10000x128xf32, #tpu.memory_space<vmem_shared>>) offsets(%arg14 : memref<160xi32, #tpu.memory_space<vmem>>) semaphore(%run_scoped3A : memref<!tpu.dma_semaphore, #tpu.memory_space<semaphore_mem>>) {add = true}
          %dma_wait3A_178 = arith.constant 0 : i32
          %dma_wait3A_179 = arith.constant 0 : i32
          %dma_wait3A_180 = tpu.memref_slice %arg12[%dma_wait3A_178, %dma_wait3A_179] : memref<10000x128xf32, #tpu.memory_space<vmem_shared>> -> memref<10000x128xf32, #tpu.memory_space<vmem_shared>>
          tpu.wait_indirect_dma semaphore(%run_scoped3A : memref<!tpu.dma_semaphore, #tpu.memory_space<semaphore_mem>>) src(%arg16 : memref<160x128xf32, #tpu.memory_space<vmem>>) dst(%dma_wait3A_180 : memref<10000x128xf32, #tpu.memory_space<vmem_shared>>)
          tpu.yield
        }) : () -> ()
      }
      %scan3A_98 = arith.constant 24 : i32
      %add3A_99 = arith.constant 7840 : i32
      %add3A_100 = arith.addi %mul3A_0, %add3A_99 : i32
      %dma_start3A_101 = tpu.memref_slice %arg2[%add3A_100] : memref<128000xi32, #tpu.memory_space<hbm>> -> memref<160xi32, #tpu.memory_space<hbm>>
      %dma_start3A_102 = tpu.memref_slice %arg2[%add3A_100] : memref<128000xi32, #tpu.memory_space<hbm>> -> memref<160xi32, #tpu.memory_space<hbm>>
      tpu.enqueue_dma source(%dma_start3A_102 : memref<160xi32, #tpu.memory_space<hbm>>) target(%arg14 : memref<160xi32, #tpu.memory_space<vmem>>) target_semaphore(%arg18 : memref<!tpu.dma_semaphore, #tpu.memory_space<semaphore_mem>>)
      %dma_start3A_103 = arith.constant 0 : i32
      %dma_start3A_104 = tpu.memref_slice %arg4[%add3A_100, %dma_start3A_103] : memref<128000x128xf32, #tpu.memory_space<hbm>> -> memref<160x128xf32, #tpu.memory_space<hbm>>
      %dma_start3A_105 = arith.constant 0 : i32
      %dma_start3A_106 = tpu.memref_slice %arg4[%add3A_100, %dma_start3A_105] : memref<128000x128xf32, #tpu.memory_space<hbm>> -> memref<160x128xf32, #tpu.memory_space<hbm>>
      tpu.enqueue_dma source(%dma_start3A_106 : memref<160x128xf32, #tpu.memory_space<hbm>>) target(%arg16 : memref<160x128xf32, #tpu.memory_space<vmem>>) target_semaphore(%arg20 : memref<!tpu.dma_semaphore, #tpu.memory_space<semaphore_mem>>)
      %dma_wait3A = arith.constant 0 : i32
      %dma_wait3A_107 = tpu.memref_slice %arg2[%dma_wait3A] : memref<128000xi32, #tpu.memory_space<hbm>> -> memref<160xi32, #tpu.memory_space<hbm>>
      %dma_wait3A_108 = arith.constant 0 : i32
      %dma_wait3A_109 = tpu.memref_slice %arg2[%dma_wait3A_108] : memref<128000xi32, #tpu.memory_space<hbm>> -> memref<160xi32, #tpu.memory_space<hbm>>
      tpu.wait_dma2 semaphore(%arg17 : memref<!tpu.dma_semaphore, #tpu.memory_space<semaphore_mem>>) src(%dma_wait3A_109 : memref<160xi32, #tpu.memory_space<hbm>>) dst(%arg13 : memref<160xi32, #tpu.memory_space<vmem>>)
      %dma_wait3A_110 = arith.constant 0 : i32
      %dma_wait3A_111 = arith.constant 0 : i32
      %dma_wait3A_112 = tpu.memref_slice %arg4[%dma_wait3A_110, %dma_wait3A_111] : memref<128000x128xf32, #tpu.memory_space<hbm>> -> memref<160x128xf32, #tpu.memory_space<hbm>>
      %dma_wait3A_113 = arith.constant 0 : i32
      %dma_wait3A_114 = arith.constant 0 : i32
      %dma_wait3A_115 = tpu.memref_slice %arg4[%dma_wait3A_113, %dma_wait3A_114] : memref<128000x128xf32, #tpu.memory_space<hbm>> -> memref<160x128xf32, #tpu.memory_space<hbm>>
      tpu.wait_dma2 semaphore(%arg19 : memref<!tpu.dma_semaphore, #tpu.memory_space<semaphore_mem>>) src(%dma_wait3A_115 : memref<160x128xf32, #tpu.memory_space<hbm>>) dst(%arg15 : memref<160x128xf32, #tpu.memory_space<vmem>>)
      "tpu.region"() ({
        %run_scoped3A = tpu.sem_alloc : memref<!tpu.dma_semaphore, #tpu.memory_space<semaphore_mem>>
        %dma_start3A_126 = arith.constant 0 : i32
        %dma_start3A_127 = arith.constant 0 : i32
        %dma_start3A_128 = tpu.memref_slice %arg12[%dma_start3A_126, %dma_start3A_127] : memref<10000x128xf32, #tpu.memory_space<vmem_shared>> -> memref<10000x128xf32, #tpu.memory_space<vmem_shared>>
        tpu.enqueue_indirect_dma source(%arg15 : memref<160x128xf32, #tpu.memory_space<vmem>>) target(%dma_start3A_128 : memref<10000x128xf32, #tpu.memory_space<vmem_shared>>) offsets(%arg13 : memref<160xi32, #tpu.memory_space<vmem>>) semaphore(%run_scoped3A : memref<!tpu.dma_semaphore, #tpu.memory_space<semaphore_mem>>) {add = true}
        %dma_wait3A_129 = arith.constant 0 : i32
        %dma_wait3A_130 = arith.constant 0 : i32
        %dma_wait3A_131 = tpu.memref_slice %arg12[%dma_wait3A_129, %dma_wait3A_130] : memref<10000x128xf32, #tpu.memory_space<vmem_shared>> -> memref<10000x128xf32, #tpu.memory_space<vmem_shared>>
        tpu.wait_indirect_dma semaphore(%run_scoped3A : memref<!tpu.dma_semaphore, #tpu.memory_space<semaphore_mem>>) src(%arg15 : memref<160x128xf32, #tpu.memory_space<vmem>>) dst(%dma_wait3A_131 : memref<10000x128xf32, #tpu.memory_space<vmem_shared>>)
        tpu.yield
      }) : () -> ()
      %dma_wait3A_116 = arith.constant 0 : i32
      %dma_wait3A_117 = tpu.memref_slice %arg2[%dma_wait3A_116] : memref<128000xi32, #tpu.memory_space<hbm>> -> memref<160xi32, #tpu.memory_space<hbm>>
      %dma_wait3A_118 = arith.constant 0 : i32
      %dma_wait3A_119 = tpu.memref_slice %arg2[%dma_wait3A_118] : memref<128000xi32, #tpu.memory_space<hbm>> -> memref<160xi32, #tpu.memory_space<hbm>>
      tpu.wait_dma2 semaphore(%arg18 : memref<!tpu.dma_semaphore, #tpu.memory_space<semaphore_mem>>) src(%dma_wait3A_119 : memref<160xi32, #tpu.memory_space<hbm>>) dst(%arg14 : memref<160xi32, #tpu.memory_space<vmem>>)
      %dma_wait3A_120 = arith.constant 0 : i32
      %dma_wait3A_121 = arith.constant 0 : i32
      %dma_wait3A_122 = tpu.memref_slice %arg4[%dma_wait3A_120, %dma_wait3A_121] : memref<128000x128xf32, #tpu.memory_space<hbm>> -> memref<160x128xf32, #tpu.memory_space<hbm>>
      %dma_wait3A_123 = arith.constant 0 : i32
      %dma_wait3A_124 = arith.constant 0 : i32
      %dma_wait3A_125 = tpu.memref_slice %arg4[%dma_wait3A_123, %dma_wait3A_124] : memref<128000x128xf32, #tpu.memory_space<hbm>> -> memref<160x128xf32, #tpu.memory_space<hbm>>
      tpu.wait_dma2 semaphore(%arg20 : memref<!tpu.dma_semaphore, #tpu.memory_space<semaphore_mem>>) src(%dma_wait3A_125 : memref<160x128xf32, #tpu.memory_space<hbm>>) dst(%arg16 : memref<160x128xf32, #tpu.memory_space<vmem>>)
      "tpu.region"() ({
        %run_scoped3A = tpu.sem_alloc : memref<!tpu.dma_semaphore, #tpu.memory_space<semaphore_mem>>
        %dma_start3A_126 = arith.constant 0 : i32
        %dma_start3A_127 = arith.constant 0 : i32
        %dma_start3A_128 = tpu.memref_slice %arg12[%dma_start3A_126, %dma_start3A_127] : memref<10000x128xf32, #tpu.memory_space<vmem_shared>> -> memref<10000x128xf32, #tpu.memory_space<vmem_shared>>
        tpu.enqueue_indirect_dma source(%arg16 : memref<160x128xf32, #tpu.memory_space<vmem>>) target(%dma_start3A_128 : memref<10000x128xf32, #tpu.memory_space<vmem_shared>>) offsets(%arg14 : memref<160xi32, #tpu.memory_space<vmem>>) semaphore(%run_scoped3A : memref<!tpu.dma_semaphore, #tpu.memory_space<semaphore_mem>>) {add = true}
        %dma_wait3A_129 = arith.constant 0 : i32
        %dma_wait3A_130 = arith.constant 0 : i32
        %dma_wait3A_131 = tpu.memref_slice %arg12[%dma_wait3A_129, %dma_wait3A_130] : memref<10000x128xf32, #tpu.memory_space<vmem_shared>> -> memref<10000x128xf32, #tpu.memory_space<vmem_shared>>
        tpu.wait_indirect_dma semaphore(%run_scoped3A : memref<!tpu.dma_semaphore, #tpu.memory_space<semaphore_mem>>) src(%arg16 : memref<160x128xf32, #tpu.memory_space<vmem>>) dst(%dma_wait3A_131 : memref<10000x128xf32, #tpu.memory_space<vmem_shared>>)
        tpu.yield
      }) : () -> ()
    } else {
    }
    %barrier3A_34 = arith.constant 0 : index
    tpu.barrier barrier_id(%barrier3A_34)
    %eq3A_35 = arith.constant 1 : i32
    %eq3A_36 = arith.cmpi eq, %arg0, %eq3A_35 : i32
    %lt3A_37 = arith.constant 10 : i32
    %lt3A_38 = arith.cmpi slt, %arg1, %lt3A_37 : i32
    %and3A_39 = arith.andi %eq3A_36, %lt3A_38 : i1
    %convert_element_type3A_40 = arith.extui %and3A_39 : i1 to i32
    %cond3A_41 = arith.constant 0 : i32
    %cond3A_42 = arith.cmpi ne, %convert_element_type3A_40, %cond3A_41 : i32
    scf.if %cond3A_42 {
      "tpu.region"() ({
        %run_scoped3A = tpu.sem_alloc : memref<!tpu.dma_semaphore, #tpu.memory_space<semaphore_mem>>
        %dma_start3A = arith.constant 0 : i32
        %dma_start3A_89 = tpu.memref_slice %arg9[%mul3A_2, %dma_start3A] : memref<10000x128xf32, #tpu.memory_space<hbm>> -> memref<1000x128xf32, #tpu.memory_space<hbm>>
        %dma_start3A_90 = arith.constant 0 : i32
        %dma_start3A_91 = tpu.memref_slice %arg12[%mul3A_2, %dma_start3A_90] : memref<10000x128xf32, #tpu.memory_space<vmem_shared>> -> memref<1000x128xf32, #tpu.memory_space<vmem_shared>>
        tpu.enqueue_dma source(%dma_start3A_91 : memref<1000x128xf32, #tpu.memory_space<vmem_shared>>) target(%dma_start3A_89 : memref<1000x128xf32, #tpu.memory_space<hbm>>) target_semaphore(%run_scoped3A : memref<!tpu.dma_semaphore, #tpu.memory_space<semaphore_mem>>)
        %dma_wait3A = arith.constant 0 : i32
        %dma_wait3A_92 = tpu.memref_slice %arg9[%mul3A_2, %dma_wait3A] : memref<10000x128xf32, #tpu.memory_space<hbm>> -> memref<1000x128xf32, #tpu.memory_space<hbm>>
        %dma_wait3A_93 = arith.constant 0 : i32
        %dma_wait3A_94 = tpu.memref_slice %arg12[%mul3A_2, %dma_wait3A_93] : memref<10000x128xf32, #tpu.memory_space<vmem_shared>> -> memref<1000x128xf32, #tpu.memory_space<vmem_shared>>
        tpu.wait_dma2 semaphore(%run_scoped3A : memref<!tpu.dma_semaphore, #tpu.memory_space<semaphore_mem>>) src(%dma_wait3A_94 : memref<1000x128xf32, #tpu.memory_space<vmem_shared>>) dst(%dma_wait3A_92 : memref<1000x128xf32, #tpu.memory_space<hbm>>)
        tpu.yield
      }) : () -> ()
    } else {
    }
    %eq3A_43 = arith.constant 0 : i32
    %eq3A_44 = arith.cmpi eq, %arg0, %eq3A_43 : i32
    %lt3A_45 = arith.constant 10 : i32
    %lt3A_46 = arith.cmpi slt, %arg1, %lt3A_45 : i32
    %and3A_47 = arith.andi %eq3A_44, %lt3A_46 : i1
    %convert_element_type3A_48 = arith.extui %and3A_47 : i1 to i32
    %cond3A_49 = arith.constant 0 : i32
    %cond3A_50 = arith.cmpi ne, %convert_element_type3A_48, %cond3A_49 : i32
    scf.if %cond3A_50 {
      "tpu.region"() ({
        %run_scoped3A = tpu.sem_alloc : memref<!tpu.dma_semaphore, #tpu.memory_space<semaphore_mem>>
        %dma_start3A = arith.constant 0 : i32
        %dma_start3A_89 = tpu.memref_slice %arg12[%mul3A_2, %dma_start3A] : memref<10000x128xf32, #tpu.memory_space<vmem_shared>> -> memref<1000x128xf32, #tpu.memory_space<vmem_shared>>
        %dma_start3A_90 = arith.constant 0 : i32
        %dma_start3A_91 = tpu.memref_slice %arg7[%mul3A_2, %dma_start3A_90] : memref<10000x128xf32, #tpu.memory_space<hbm>> -> memref<1000x128xf32, #tpu.memory_space<hbm>>
        tpu.enqueue_dma source(%dma_start3A_91 : memref<1000x128xf32, #tpu.memory_space<hbm>>) target(%dma_start3A_89 : memref<1000x128xf32, #tpu.memory_space<vmem_shared>>) target_semaphore(%run_scoped3A : memref<!tpu.dma_semaphore, #tpu.memory_space<semaphore_mem>>)
        %dma_wait3A = arith.constant 0 : i32
        %dma_wait3A_92 = tpu.memref_slice %arg12[%mul3A_2, %dma_wait3A] : memref<10000x128xf32, #tpu.memory_space<vmem_shared>> -> memref<1000x128xf32, #tpu.memory_space<vmem_shared>>
        %dma_wait3A_93 = arith.constant 0 : i32
        %dma_wait3A_94 = tpu.memref_slice %arg7[%mul3A_2, %dma_wait3A_93] : memref<10000x128xf32, #tpu.memory_space<hbm>> -> memref<1000x128xf32, #tpu.memory_space<hbm>>
        tpu.wait_dma2 semaphore(%run_scoped3A : memref<!tpu.dma_semaphore, #tpu.memory_space<semaphore_mem>>) src(%dma_wait3A_94 : memref<1000x128xf32, #tpu.memory_space<hbm>>) dst(%dma_wait3A_92 : memref<1000x128xf32, #tpu.memory_space<vmem_shared>>)
        tpu.yield
      }) : () -> ()
    } else {
    }
    %barrier3A_51 = arith.constant 0 : index
    tpu.barrier barrier_id(%barrier3A_51)
    %eq3A_52 = arith.constant 0 : i32
    %eq3A_53 = arith.cmpi eq, %arg0, %eq3A_52 : i32
    %convert_element_type3A_54 = arith.extui %eq3A_53 : i1 to i32
    %cond3A_55 = arith.constant 0 : i32
    %cond3A_56 = arith.cmpi ne, %convert_element_type3A_54, %cond3A_55 : i32
    scf.if %cond3A_56 {
      %add3A = arith.constant 0 : i32
      %add3A_89 = arith.addi %mul3A_0, %add3A : i32
      %dma_start3A = tpu.memref_slice %arg2[%add3A_89] : memref<128000xi32, #tpu.memory_space<hbm>> -> memref<160xi32, #tpu.memory_space<hbm>>
      %dma_start3A_90 = tpu.memref_slice %arg2[%add3A_89] : memref<128000xi32, #tpu.memory_space<hbm>> -> memref<160xi32, #tpu.memory_space<hbm>>
      tpu.enqueue_dma source(%dma_start3A_90 : memref<160xi32, #tpu.memory_space<hbm>>) target(%arg13 : memref<160xi32, #tpu.memory_space<vmem>>) target_semaphore(%arg17 : memref<!tpu.dma_semaphore, #tpu.memory_space<semaphore_mem>>)
      %dma_start3A_91 = arith.constant 0 : i32
      %dma_start3A_92 = tpu.memref_slice %arg5[%add3A_89, %dma_start3A_91] : memref<128000x128xf32, #tpu.memory_space<hbm>> -> memref<160x128xf32, #tpu.memory_space<hbm>>
      %dma_start3A_93 = arith.constant 0 : i32
      %dma_start3A_94 = tpu.memref_slice %arg5[%add3A_89, %dma_start3A_93] : memref<128000x128xf32, #tpu.memory_space<hbm>> -> memref<160x128xf32, #tpu.memory_space<hbm>>
      tpu.enqueue_dma source(%dma_start3A_94 : memref<160x128xf32, #tpu.memory_space<hbm>>) target(%arg15 : memref<160x128xf32, #tpu.memory_space<vmem>>) target_semaphore(%arg19 : memref<!tpu.dma_semaphore, #tpu.memory_space<semaphore_mem>>)
      %scan3A = arith.constant 0 : i32
      %scan3A_95 = arith.constant 24 : i32
      %scan3A_96 = arith.addi %scan3A, %scan3A_95 : i32
      %scan3A_97 = arith.constant 1 : i32
      scf.for %scan3A_126 = %scan3A to %scan3A_96 step %scan3A_97  : i32 {
        %mul3A_127 = arith.constant 2 : i32
        %mul3A_128 = arith.muli %scan3A_126, %mul3A_127 : i32
        %add3A_129 = arith.constant 0 : i32
        %add3A_130 = arith.addi %add3A_129, %mul3A_128 : i32
        %add3A_131 = arith.constant 1 : i32
        %add3A_132 = arith.addi %add3A_130, %add3A_131 : i32
        %mul3A_133 = arith.constant 160 : i32
        %mul3A_134 = arith.muli %add3A_132, %mul3A_133 : i32
        %add3A_135 = arith.addi %mul3A_0, %mul3A_134 : i32
        %dma_start3A_136 = tpu.memref_slice %arg2[%add3A_135] : memref<128000xi32, #tpu.memory_space<hbm>> -> memref<160xi32, #tpu.memory_space<hbm>>
        %dma_start3A_137 = tpu.memref_slice %arg2[%add3A_135] : memref<128000xi32, #tpu.memory_space<hbm>> -> memref<160xi32, #tpu.memory_space<hbm>>
        tpu.enqueue_dma source(%dma_start3A_137 : memref<160xi32, #tpu.memory_space<hbm>>) target(%arg14 : memref<160xi32, #tpu.memory_space<vmem>>) target_semaphore(%arg18 : memref<!tpu.dma_semaphore, #tpu.memory_space<semaphore_mem>>)
        %dma_start3A_138 = arith.constant 0 : i32
        %dma_start3A_139 = tpu.memref_slice %arg5[%add3A_135, %dma_start3A_138] : memref<128000x128xf32, #tpu.memory_space<hbm>> -> memref<160x128xf32, #tpu.memory_space<hbm>>
        %dma_start3A_140 = arith.constant 0 : i32
        %dma_start3A_141 = tpu.memref_slice %arg5[%add3A_135, %dma_start3A_140] : memref<128000x128xf32, #tpu.memory_space<hbm>> -> memref<160x128xf32, #tpu.memory_space<hbm>>
        tpu.enqueue_dma source(%dma_start3A_141 : memref<160x128xf32, #tpu.memory_space<hbm>>) target(%arg16 : memref<160x128xf32, #tpu.memory_space<vmem>>) target_semaphore(%arg20 : memref<!tpu.dma_semaphore, #tpu.memory_space<semaphore_mem>>)
        %dma_wait3A_142 = arith.constant 0 : i32
        %dma_wait3A_143 = tpu.memref_slice %arg2[%dma_wait3A_142] : memref<128000xi32, #tpu.memory_space<hbm>> -> memref<160xi32, #tpu.memory_space<hbm>>
        %dma_wait3A_144 = arith.constant 0 : i32
        %dma_wait3A_145 = tpu.memref_slice %arg2[%dma_wait3A_144] : memref<128000xi32, #tpu.memory_space<hbm>> -> memref<160xi32, #tpu.memory_space<hbm>>
        tpu.wait_dma2 semaphore(%arg17 : memref<!tpu.dma_semaphore, #tpu.memory_space<semaphore_mem>>) src(%dma_wait3A_145 : memref<160xi32, #tpu.memory_space<hbm>>) dst(%arg13 : memref<160xi32, #tpu.memory_space<vmem>>)
        %dma_wait3A_146 = arith.constant 0 : i32
        %dma_wait3A_147 = arith.constant 0 : i32
        %dma_wait3A_148 = tpu.memref_slice %arg5[%dma_wait3A_146, %dma_wait3A_147] : memref<128000x128xf32, #tpu.memory_space<hbm>> -> memref<160x128xf32, #tpu.memory_space<hbm>>
        %dma_wait3A_149 = arith.constant 0 : i32
        %dma_wait3A_150 = arith.constant 0 : i32
        %dma_wait3A_151 = tpu.memref_slice %arg5[%dma_wait3A_149, %dma_wait3A_150] : memref<128000x128xf32, #tpu.memory_space<hbm>> -> memref<160x128xf32, #tpu.memory_space<hbm>>
        tpu.wait_dma2 semaphore(%arg19 : memref<!tpu.dma_semaphore, #tpu.memory_space<semaphore_mem>>) src(%dma_wait3A_151 : memref<160x128xf32, #tpu.memory_space<hbm>>) dst(%arg15 : memref<160x128xf32, #tpu.memory_space<vmem>>)
        "tpu.region"() ({
          %run_scoped3A = tpu.sem_alloc : memref<!tpu.dma_semaphore, #tpu.memory_space<semaphore_mem>>
          %dma_start3A_175 = arith.constant 0 : i32
          %dma_start3A_176 = arith.constant 0 : i32
          %dma_start3A_177 = tpu.memref_slice %arg12[%dma_start3A_175, %dma_start3A_176] : memref<10000x128xf32, #tpu.memory_space<vmem_shared>> -> memref<10000x128xf32, #tpu.memory_space<vmem_shared>>
          tpu.enqueue_indirect_dma source(%arg15 : memref<160x128xf32, #tpu.memory_space<vmem>>) target(%dma_start3A_177 : memref<10000x128xf32, #tpu.memory_space<vmem_shared>>) offsets(%arg13 : memref<160xi32, #tpu.memory_space<vmem>>) semaphore(%run_scoped3A : memref<!tpu.dma_semaphore, #tpu.memory_space<semaphore_mem>>) {add = true}
          %dma_wait3A_178 = arith.constant 0 : i32
          %dma_wait3A_179 = arith.constant 0 : i32
          %dma_wait3A_180 = tpu.memref_slice %arg12[%dma_wait3A_178, %dma_wait3A_179] : memref<10000x128xf32, #tpu.memory_space<vmem_shared>> -> memref<10000x128xf32, #tpu.memory_space<vmem_shared>>
          tpu.wait_indirect_dma semaphore(%run_scoped3A : memref<!tpu.dma_semaphore, #tpu.memory_space<semaphore_mem>>) src(%arg15 : memref<160x128xf32, #tpu.memory_space<vmem>>) dst(%dma_wait3A_180 : memref<10000x128xf32, #tpu.memory_space<vmem_shared>>)
          tpu.yield
        }) : () -> ()
        %add3A_152 = arith.constant 2 : i32
        %add3A_153 = arith.addi %add3A_130, %add3A_152 : i32
        %mul3A_154 = arith.constant 160 : i32
        %mul3A_155 = arith.muli %add3A_153, %mul3A_154 : i32
        %add3A_156 = arith.addi %mul3A_0, %mul3A_155 : i32
        %dma_start3A_157 = tpu.memref_slice %arg2[%add3A_156] : memref<128000xi32, #tpu.memory_space<hbm>> -> memref<160xi32, #tpu.memory_space<hbm>>
        %dma_start3A_158 = tpu.memref_slice %arg2[%add3A_156] : memref<128000xi32, #tpu.memory_space<hbm>> -> memref<160xi32, #tpu.memory_space<hbm>>
        tpu.enqueue_dma source(%dma_start3A_158 : memref<160xi32, #tpu.memory_space<hbm>>) target(%arg13 : memref<160xi32, #tpu.memory_space<vmem>>) target_semaphore(%arg17 : memref<!tpu.dma_semaphore, #tpu.memory_space<semaphore_mem>>)
        %dma_start3A_159 = arith.constant 0 : i32
        %dma_start3A_160 = tpu.memref_slice %arg5[%add3A_156, %dma_start3A_159] : memref<128000x128xf32, #tpu.memory_space<hbm>> -> memref<160x128xf32, #tpu.memory_space<hbm>>
        %dma_start3A_161 = arith.constant 0 : i32
        %dma_start3A_162 = tpu.memref_slice %arg5[%add3A_156, %dma_start3A_161] : memref<128000x128xf32, #tpu.memory_space<hbm>> -> memref<160x128xf32, #tpu.memory_space<hbm>>
        tpu.enqueue_dma source(%dma_start3A_162 : memref<160x128xf32, #tpu.memory_space<hbm>>) target(%arg15 : memref<160x128xf32, #tpu.memory_space<vmem>>) target_semaphore(%arg19 : memref<!tpu.dma_semaphore, #tpu.memory_space<semaphore_mem>>)
        %add3A_163 = arith.constant 1 : i32
        %add3A_164 = arith.addi %add3A_130, %add3A_163 : i32
        %dma_wait3A_165 = arith.constant 0 : i32
        %dma_wait3A_166 = tpu.memref_slice %arg2[%dma_wait3A_165] : memref<128000xi32, #tpu.memory_space<hbm>> -> memref<160xi32, #tpu.memory_space<hbm>>
        %dma_wait3A_167 = arith.constant 0 : i32
        %dma_wait3A_168 = tpu.memref_slice %arg2[%dma_wait3A_167] : memref<128000xi32, #tpu.memory_space<hbm>> -> memref<160xi32, #tpu.memory_space<hbm>>
        tpu.wait_dma2 semaphore(%arg18 : memref<!tpu.dma_semaphore, #tpu.memory_space<semaphore_mem>>) src(%dma_wait3A_168 : memref<160xi32, #tpu.memory_space<hbm>>) dst(%arg14 : memref<160xi32, #tpu.memory_space<vmem>>)
        %dma_wait3A_169 = arith.constant 0 : i32
        %dma_wait3A_170 = arith.constant 0 : i32
        %dma_wait3A_171 = tpu.memref_slice %arg5[%dma_wait3A_169, %dma_wait3A_170] : memref<128000x128xf32, #tpu.memory_space<hbm>> -> memref<160x128xf32, #tpu.memory_space<hbm>>
        %dma_wait3A_172 = arith.constant 0 : i32
        %dma_wait3A_173 = arith.constant 0 : i32
        %dma_wait3A_174 = tpu.memref_slice %arg5[%dma_wait3A_172, %dma_wait3A_173] : memref<128000x128xf32, #tpu.memory_space<hbm>> -> memref<160x128xf32, #tpu.memory_space<hbm>>
        tpu.wait_dma2 semaphore(%arg20 : memref<!tpu.dma_semaphore, #tpu.memory_space<semaphore_mem>>) src(%dma_wait3A_174 : memref<160x128xf32, #tpu.memory_space<hbm>>) dst(%arg16 : memref<160x128xf32, #tpu.memory_space<vmem>>)
        "tpu.region"() ({
          %run_scoped3A = tpu.sem_alloc : memref<!tpu.dma_semaphore, #tpu.memory_space<semaphore_mem>>
          %dma_start3A_175 = arith.constant 0 : i32
          %dma_start3A_176 = arith.constant 0 : i32
          %dma_start3A_177 = tpu.memref_slice %arg12[%dma_start3A_175, %dma_start3A_176] : memref<10000x128xf32, #tpu.memory_space<vmem_shared>> -> memref<10000x128xf32, #tpu.memory_space<vmem_shared>>
          tpu.enqueue_indirect_dma source(%arg16 : memref<160x128xf32, #tpu.memory_space<vmem>>) target(%dma_start3A_177 : memref<10000x128xf32, #tpu.memory_space<vmem_shared>>) offsets(%arg14 : memref<160xi32, #tpu.memory_space<vmem>>) semaphore(%run_scoped3A : memref<!tpu.dma_semaphore, #tpu.memory_space<semaphore_mem>>) {add = true}
          %dma_wait3A_178 = arith.constant 0 : i32
          %dma_wait3A_179 = arith.constant 0 : i32
          %dma_wait3A_180 = tpu.memref_slice %arg12[%dma_wait3A_178, %dma_wait3A_179] : memref<10000x128xf32, #tpu.memory_space<vmem_shared>> -> memref<10000x128xf32, #tpu.memory_space<vmem_shared>>
          tpu.wait_indirect_dma semaphore(%run_scoped3A : memref<!tpu.dma_semaphore, #tpu.memory_space<semaphore_mem>>) src(%arg16 : memref<160x128xf32, #tpu.memory_space<vmem>>) dst(%dma_wait3A_180 : memref<10000x128xf32, #tpu.memory_space<vmem_shared>>)
          tpu.yield
        }) : () -> ()
      }
      %scan3A_98 = arith.constant 24 : i32
      %add3A_99 = arith.constant 7840 : i32
      %add3A_100 = arith.addi %mul3A_0, %add3A_99 : i32
      %dma_start3A_101 = tpu.memref_slice %arg2[%add3A_100] : memref<128000xi32, #tpu.memory_space<hbm>> -> memref<160xi32, #tpu.memory_space<hbm>>
      %dma_start3A_102 = tpu.memref_slice %arg2[%add3A_100] : memref<128000xi32, #tpu.memory_space<hbm>> -> memref<160xi32, #tpu.memory_space<hbm>>
      tpu.enqueue_dma source(%dma_start3A_102 : memref<160xi32, #tpu.memory_space<hbm>>) target(%arg14 : memref<160xi32, #tpu.memory_space<vmem>>) target_semaphore(%arg18 : memref<!tpu.dma_semaphore, #tpu.memory_space<semaphore_mem>>)
      %dma_start3A_103 = arith.constant 0 : i32
      %dma_start3A_104 = tpu.memref_slice %arg5[%add3A_100, %dma_start3A_103] : memref<128000x128xf32, #tpu.memory_space<hbm>> -> memref<160x128xf32, #tpu.memory_space<hbm>>
      %dma_start3A_105 = arith.constant 0 : i32
      %dma_start3A_106 = tpu.memref_slice %arg5[%add3A_100, %dma_start3A_105] : memref<128000x128xf32, #tpu.memory_space<hbm>> -> memref<160x128xf32, #tpu.memory_space<hbm>>
      tpu.enqueue_dma source(%dma_start3A_106 : memref<160x128xf32, #tpu.memory_space<hbm>>) target(%arg16 : memref<160x128xf32, #tpu.memory_space<vmem>>) target_semaphore(%arg20 : memref<!tpu.dma_semaphore, #tpu.memory_space<semaphore_mem>>)
      %dma_wait3A = arith.constant 0 : i32
      %dma_wait3A_107 = tpu.memref_slice %arg2[%dma_wait3A] : memref<128000xi32, #tpu.memory_space<hbm>> -> memref<160xi32, #tpu.memory_space<hbm>>
      %dma_wait3A_108 = arith.constant 0 : i32
      %dma_wait3A_109 = tpu.memref_slice %arg2[%dma_wait3A_108] : memref<128000xi32, #tpu.memory_space<hbm>> -> memref<160xi32, #tpu.memory_space<hbm>>
      tpu.wait_dma2 semaphore(%arg17 : memref<!tpu.dma_semaphore, #tpu.memory_space<semaphore_mem>>) src(%dma_wait3A_109 : memref<160xi32, #tpu.memory_space<hbm>>) dst(%arg13 : memref<160xi32, #tpu.memory_space<vmem>>)
      %dma_wait3A_110 = arith.constant 0 : i32
      %dma_wait3A_111 = arith.constant 0 : i32
      %dma_wait3A_112 = tpu.memref_slice %arg5[%dma_wait3A_110, %dma_wait3A_111] : memref<128000x128xf32, #tpu.memory_space<hbm>> -> memref<160x128xf32, #tpu.memory_space<hbm>>
      %dma_wait3A_113 = arith.constant 0 : i32
      %dma_wait3A_114 = arith.constant 0 : i32
      %dma_wait3A_115 = tpu.memref_slice %arg5[%dma_wait3A_113, %dma_wait3A_114] : memref<128000x128xf32, #tpu.memory_space<hbm>> -> memref<160x128xf32, #tpu.memory_space<hbm>>
      tpu.wait_dma2 semaphore(%arg19 : memref<!tpu.dma_semaphore, #tpu.memory_space<semaphore_mem>>) src(%dma_wait3A_115 : memref<160x128xf32, #tpu.memory_space<hbm>>) dst(%arg15 : memref<160x128xf32, #tpu.memory_space<vmem>>)
      "tpu.region"() ({
        %run_scoped3A = tpu.sem_alloc : memref<!tpu.dma_semaphore, #tpu.memory_space<semaphore_mem>>
        %dma_start3A_126 = arith.constant 0 : i32
        %dma_start3A_127 = arith.constant 0 : i32
        %dma_start3A_128 = tpu.memref_slice %arg12[%dma_start3A_126, %dma_start3A_127] : memref<10000x128xf32, #tpu.memory_space<vmem_shared>> -> memref<10000x128xf32, #tpu.memory_space<vmem_shared>>
        tpu.enqueue_indirect_dma source(%arg15 : memref<160x128xf32, #tpu.memory_space<vmem>>) target(%dma_start3A_128 : memref<10000x128xf32, #tpu.memory_space<vmem_shared>>) offsets(%arg13 : memref<160xi32, #tpu.memory_space<vmem>>) semaphore(%run_scoped3A : memref<!tpu.dma_semaphore, #tpu.memory_space<semaphore_mem>>) {add = true}
        %dma_wait3A_129 = arith.constant 0 : i32
        %dma_wait3A_130 = arith.constant 0 : i32
        %dma_wait3A_131 = tpu.memref_slice %arg12[%dma_wait3A_129, %dma_wait3A_130] : memref<10000x128xf32, #tpu.memory_space<vmem_shared>> -> memref<10000x128xf32, #tpu.memory_space<vmem_shared>>
        tpu.wait_indirect_dma semaphore(%run_scoped3A : memref<!tpu.dma_semaphore, #tpu.memory_space<semaphore_mem>>) src(%arg15 : memref<160x128xf32, #tpu.memory_space<vmem>>) dst(%dma_wait3A_131 : memref<10000x128xf32, #tpu.memory_space<vmem_shared>>)
        tpu.yield
      }) : () -> ()
      %dma_wait3A_116 = arith.constant 0 : i32
      %dma_wait3A_117 = tpu.memref_slice %arg2[%dma_wait3A_116] : memref<128000xi32, #tpu.memory_space<hbm>> -> memref<160xi32, #tpu.memory_space<hbm>>
      %dma_wait3A_118 = arith.constant 0 : i32
      %dma_wait3A_119 = tpu.memref_slice %arg2[%dma_wait3A_118] : memref<128000xi32, #tpu.memory_space<hbm>> -> memref<160xi32, #tpu.memory_space<hbm>>
      tpu.wait_dma2 semaphore(%arg18 : memref<!tpu.dma_semaphore, #tpu.memory_space<semaphore_mem>>) src(%dma_wait3A_119 : memref<160xi32, #tpu.memory_space<hbm>>) dst(%arg14 : memref<160xi32, #tpu.memory_space<vmem>>)
      %dma_wait3A_120 = arith.constant 0 : i32
      %dma_wait3A_121 = arith.constant 0 : i32
      %dma_wait3A_122 = tpu.memref_slice %arg5[%dma_wait3A_120, %dma_wait3A_121] : memref<128000x128xf32, #tpu.memory_space<hbm>> -> memref<160x128xf32, #tpu.memory_space<hbm>>
      %dma_wait3A_123 = arith.constant 0 : i32
      %dma_wait3A_124 = arith.constant 0 : i32
      %dma_wait3A_125 = tpu.memref_slice %arg5[%dma_wait3A_123, %dma_wait3A_124] : memref<128000x128xf32, #tpu.memory_space<hbm>> -> memref<160x128xf32, #tpu.memory_space<hbm>>
      tpu.wait_dma2 semaphore(%arg20 : memref<!tpu.dma_semaphore, #tpu.memory_space<semaphore_mem>>) src(%dma_wait3A_125 : memref<160x128xf32, #tpu.memory_space<hbm>>) dst(%arg16 : memref<160x128xf32, #tpu.memory_space<vmem>>)
      "tpu.region"() ({
        %run_scoped3A = tpu.sem_alloc : memref<!tpu.dma_semaphore, #tpu.memory_space<semaphore_mem>>
        %dma_start3A_126 = arith.constant 0 : i32
        %dma_start3A_127 = arith.constant 0 : i32
        %dma_start3A_128 = tpu.memref_slice %arg12[%dma_start3A_126, %dma_start3A_127] : memref<10000x128xf32, #tpu.memory_space<vmem_shared>> -> memref<10000x128xf32, #tpu.memory_space<vmem_shared>>
        tpu.enqueue_indirect_dma source(%arg16 : memref<160x128xf32, #tpu.memory_space<vmem>>) target(%dma_start3A_128 : memref<10000x128xf32, #tpu.memory_space<vmem_shared>>) offsets(%arg14 : memref<160xi32, #tpu.memory_space<vmem>>) semaphore(%run_scoped3A : memref<!tpu.dma_semaphore, #tpu.memory_space<semaphore_mem>>) {add = true}
        %dma_wait3A_129 = arith.constant 0 : i32
        %dma_wait3A_130 = arith.constant 0 : i32
        %dma_wait3A_131 = tpu.memref_slice %arg12[%dma_wait3A_129, %dma_wait3A_130] : memref<10000x128xf32, #tpu.memory_space<vmem_shared>> -> memref<10000x128xf32, #tpu.memory_space<vmem_shared>>
        tpu.wait_indirect_dma semaphore(%run_scoped3A : memref<!tpu.dma_semaphore, #tpu.memory_space<semaphore_mem>>) src(%arg16 : memref<160x128xf32, #tpu.memory_space<vmem>>) dst(%dma_wait3A_131 : memref<10000x128xf32, #tpu.memory_space<vmem_shared>>)
        tpu.yield
      }) : () -> ()
    } else {
    }
    %barrier3A_57 = arith.constant 0 : index
    tpu.barrier barrier_id(%barrier3A_57)
    %eq3A_58 = arith.constant 0 : i32
    %eq3A_59 = arith.cmpi eq, %arg0, %eq3A_58 : i32
    %lt3A_60 = arith.constant 10 : i32
    %lt3A_61 = arith.cmpi slt, %arg1, %lt3A_60 : i32
    %and3A_62 = arith.andi %eq3A_59, %lt3A_61 : i1
    %convert_element_type3A_63 = arith.extui %and3A_62 : i1 to i32
    %cond3A_64 = arith.constant 0 : i32
    %cond3A_65 = arith.cmpi ne, %convert_element_type3A_63, %cond3A_64 : i32
    scf.if %cond3A_65 {
      "tpu.region"() ({
        %run_scoped3A = tpu.sem_alloc : memref<!tpu.dma_semaphore, #tpu.memory_space<semaphore_mem>>
        %dma_start3A = arith.constant 0 : i32
        %dma_start3A_89 = tpu.memref_slice %arg10[%mul3A_2, %dma_start3A] : memref<10000x128xf32, #tpu.memory_space<hbm>> -> memref<1000x128xf32, #tpu.memory_space<hbm>>
        %dma_start3A_90 = arith.constant 0 : i32
        %dma_start3A_91 = tpu.memref_slice %arg12[%mul3A_2, %dma_start3A_90] : memref<10000x128xf32, #tpu.memory_space<vmem_shared>> -> memref<1000x128xf32, #tpu.memory_space<vmem_shared>>
        tpu.enqueue_dma source(%dma_start3A_91 : memref<1000x128xf32, #tpu.memory_space<vmem_shared>>) target(%dma_start3A_89 : memref<1000x128xf32, #tpu.memory_space<hbm>>) target_semaphore(%run_scoped3A : memref<!tpu.dma_semaphore, #tpu.memory_space<semaphore_mem>>)
        %dma_wait3A = arith.constant 0 : i32
        %dma_wait3A_92 = tpu.memref_slice %arg10[%mul3A_2, %dma_wait3A] : memref<10000x128xf32, #tpu.memory_space<hbm>> -> memref<1000x128xf32, #tpu.memory_space<hbm>>
        %dma_wait3A_93 = arith.constant 0 : i32
        %dma_wait3A_94 = tpu.memref_slice %arg12[%mul3A_2, %dma_wait3A_93] : memref<10000x128xf32, #tpu.memory_space<vmem_shared>> -> memref<1000x128xf32, #tpu.memory_space<vmem_shared>>
        tpu.wait_dma2 semaphore(%run_scoped3A : memref<!tpu.dma_semaphore, #tpu.memory_space<semaphore_mem>>) src(%dma_wait3A_94 : memref<1000x128xf32, #tpu.memory_space<vmem_shared>>) dst(%dma_wait3A_92 : memref<1000x128xf32, #tpu.memory_space<hbm>>)
        tpu.yield
      }) : () -> ()
    } else {
    }
    %eq3A_66 = arith.constant 1 : i32
    %eq3A_67 = arith.cmpi eq, %arg0, %eq3A_66 : i32
    %lt3A_68 = arith.constant 10 : i32
    %lt3A_69 = arith.cmpi slt, %arg1, %lt3A_68 : i32
    %and3A_70 = arith.andi %eq3A_67, %lt3A_69 : i1
    %convert_element_type3A_71 = arith.extui %and3A_70 : i1 to i32
    %cond3A_72 = arith.constant 0 : i32
    %cond3A_73 = arith.cmpi ne, %convert_element_type3A_71, %cond3A_72 : i32
    scf.if %cond3A_73 {
      "tpu.region"() ({
        %run_scoped3A = tpu.sem_alloc : memref<!tpu.dma_semaphore, #tpu.memory_space<semaphore_mem>>
        %dma_start3A = arith.constant 0 : i32
        %dma_start3A_89 = tpu.memref_slice %arg12[%mul3A_2, %dma_start3A] : memref<10000x128xf32, #tpu.memory_space<vmem_shared>> -> memref<1000x128xf32, #tpu.memory_space<vmem_shared>>
        %dma_start3A_90 = arith.constant 0 : i32
        %dma_start3A_91 = tpu.memref_slice %arg7[%mul3A_2, %dma_start3A_90] : memref<10000x128xf32, #tpu.memory_space<hbm>> -> memref<1000x128xf32, #tpu.memory_space<hbm>>
        tpu.enqueue_dma source(%dma_start3A_91 : memref<1000x128xf32, #tpu.memory_space<hbm>>) target(%dma_start3A_89 : memref<1000x128xf32, #tpu.memory_space<vmem_shared>>) target_semaphore(%run_scoped3A : memref<!tpu.dma_semaphore, #tpu.memory_space<semaphore_mem>>)
        %dma_wait3A = arith.constant 0 : i32
        %dma_wait3A_92 = tpu.memref_slice %arg12[%mul3A_2, %dma_wait3A] : memref<10000x128xf32, #tpu.memory_space<vmem_shared>> -> memref<1000x128xf32, #tpu.memory_space<vmem_shared>>
        %dma_wait3A_93 = arith.constant 0 : i32
        %dma_wait3A_94 = tpu.memref_slice %arg7[%mul3A_2, %dma_wait3A_93] : memref<10000x128xf32, #tpu.memory_space<hbm>> -> memref<1000x128xf32, #tpu.memory_space<hbm>>
        tpu.wait_dma2 semaphore(%run_scoped3A : memref<!tpu.dma_semaphore, #tpu.memory_space<semaphore_mem>>) src(%dma_wait3A_94 : memref<1000x128xf32, #tpu.memory_space<hbm>>) dst(%dma_wait3A_92 : memref<1000x128xf32, #tpu.memory_space<vmem_shared>>)
        tpu.yield
      }) : () -> ()
    } else {
    }
    %barrier3A_74 = arith.constant 0 : index
    tpu.barrier barrier_id(%barrier3A_74)
    %eq3A_75 = arith.constant 1 : i32
    %eq3A_76 = arith.cmpi eq, %arg0, %eq3A_75 : i32
    %convert_element_type3A_77 = arith.extui %eq3A_76 : i1 to i32
    %cond3A_78 = arith.constant 0 : i32
    %cond3A_79 = arith.cmpi ne, %convert_element_type3A_77, %cond3A_78 : i32
    scf.if %cond3A_79 {
      %add3A = arith.constant 0 : i32
      %add3A_89 = arith.addi %mul3A_0, %add3A : i32
      %dma_start3A = tpu.memref_slice %arg2[%add3A_89] : memref<128000xi32, #tpu.memory_space<hbm>> -> memref<160xi32, #tpu.memory_space<hbm>>
      %dma_start3A_90 = tpu.memref_slice %arg2[%add3A_89] : memref<128000xi32, #tpu.memory_space<hbm>> -> memref<160xi32, #tpu.memory_space<hbm>>
      tpu.enqueue_dma source(%dma_start3A_90 : memref<160xi32, #tpu.memory_space<hbm>>) target(%arg13 : memref<160xi32, #tpu.memory_space<vmem>>) target_semaphore(%arg17 : memref<!tpu.dma_semaphore, #tpu.memory_space<semaphore_mem>>)
      %dma_start3A_91 = arith.constant 0 : i32
      %dma_start3A_92 = tpu.memref_slice %arg6[%add3A_89, %dma_start3A_91] : memref<128000x128xf32, #tpu.memory_space<hbm>> -> memref<160x128xf32, #tpu.memory_space<hbm>>
      %dma_start3A_93 = arith.constant 0 : i32
      %dma_start3A_94 = tpu.memref_slice %arg6[%add3A_89, %dma_start3A_93] : memref<128000x128xf32, #tpu.memory_space<hbm>> -> memref<160x128xf32, #tpu.memory_space<hbm>>
      tpu.enqueue_dma source(%dma_start3A_94 : memref<160x128xf32, #tpu.memory_space<hbm>>) target(%arg15 : memref<160x128xf32, #tpu.memory_space<vmem>>) target_semaphore(%arg19 : memref<!tpu.dma_semaphore, #tpu.memory_space<semaphore_mem>>)
      %scan3A = arith.constant 0 : i32
      %scan3A_95 = arith.constant 24 : i32
      %scan3A_96 = arith.addi %scan3A, %scan3A_95 : i32
      %scan3A_97 = arith.constant 1 : i32
      scf.for %scan3A_126 = %scan3A to %scan3A_96 step %scan3A_97  : i32 {
        %mul3A_127 = arith.constant 2 : i32
        %mul3A_128 = arith.muli %scan3A_126, %mul3A_127 : i32
        %add3A_129 = arith.constant 0 : i32
        %add3A_130 = arith.addi %add3A_129, %mul3A_128 : i32
        %add3A_131 = arith.constant 1 : i32
        %add3A_132 = arith.addi %add3A_130, %add3A_131 : i32
        %mul3A_133 = arith.constant 160 : i32
        %mul3A_134 = arith.muli %add3A_132, %mul3A_133 : i32
        %add3A_135 = arith.addi %mul3A_0, %mul3A_134 : i32
        %dma_start3A_136 = tpu.memref_slice %arg2[%add3A_135] : memref<128000xi32, #tpu.memory_space<hbm>> -> memref<160xi32, #tpu.memory_space<hbm>>
        %dma_start3A_137 = tpu.memref_slice %arg2[%add3A_135] : memref<128000xi32, #tpu.memory_space<hbm>> -> memref<160xi32, #tpu.memory_space<hbm>>
        tpu.enqueue_dma source(%dma_start3A_137 : memref<160xi32, #tpu.memory_space<hbm>>) target(%arg14 : memref<160xi32, #tpu.memory_space<vmem>>) target_semaphore(%arg18 : memref<!tpu.dma_semaphore, #tpu.memory_space<semaphore_mem>>)
        %dma_start3A_138 = arith.constant 0 : i32
        %dma_start3A_139 = tpu.memref_slice %arg6[%add3A_135, %dma_start3A_138] : memref<128000x128xf32, #tpu.memory_space<hbm>> -> memref<160x128xf32, #tpu.memory_space<hbm>>
        %dma_start3A_140 = arith.constant 0 : i32
        %dma_start3A_141 = tpu.memref_slice %arg6[%add3A_135, %dma_start3A_140] : memref<128000x128xf32, #tpu.memory_space<hbm>> -> memref<160x128xf32, #tpu.memory_space<hbm>>
        tpu.enqueue_dma source(%dma_start3A_141 : memref<160x128xf32, #tpu.memory_space<hbm>>) target(%arg16 : memref<160x128xf32, #tpu.memory_space<vmem>>) target_semaphore(%arg20 : memref<!tpu.dma_semaphore, #tpu.memory_space<semaphore_mem>>)
        %dma_wait3A_142 = arith.constant 0 : i32
        %dma_wait3A_143 = tpu.memref_slice %arg2[%dma_wait3A_142] : memref<128000xi32, #tpu.memory_space<hbm>> -> memref<160xi32, #tpu.memory_space<hbm>>
        %dma_wait3A_144 = arith.constant 0 : i32
        %dma_wait3A_145 = tpu.memref_slice %arg2[%dma_wait3A_144] : memref<128000xi32, #tpu.memory_space<hbm>> -> memref<160xi32, #tpu.memory_space<hbm>>
        tpu.wait_dma2 semaphore(%arg17 : memref<!tpu.dma_semaphore, #tpu.memory_space<semaphore_mem>>) src(%dma_wait3A_145 : memref<160xi32, #tpu.memory_space<hbm>>) dst(%arg13 : memref<160xi32, #tpu.memory_space<vmem>>)
        %dma_wait3A_146 = arith.constant 0 : i32
        %dma_wait3A_147 = arith.constant 0 : i32
        %dma_wait3A_148 = tpu.memref_slice %arg6[%dma_wait3A_146, %dma_wait3A_147] : memref<128000x128xf32, #tpu.memory_space<hbm>> -> memref<160x128xf32, #tpu.memory_space<hbm>>
        %dma_wait3A_149 = arith.constant 0 : i32
        %dma_wait3A_150 = arith.constant 0 : i32
        %dma_wait3A_151 = tpu.memref_slice %arg6[%dma_wait3A_149, %dma_wait3A_150] : memref<128000x128xf32, #tpu.memory_space<hbm>> -> memref<160x128xf32, #tpu.memory_space<hbm>>
        tpu.wait_dma2 semaphore(%arg19 : memref<!tpu.dma_semaphore, #tpu.memory_space<semaphore_mem>>) src(%dma_wait3A_151 : memref<160x128xf32, #tpu.memory_space<hbm>>) dst(%arg15 : memref<160x128xf32, #tpu.memory_space<vmem>>)
        "tpu.region"() ({
          %run_scoped3A = tpu.sem_alloc : memref<!tpu.dma_semaphore, #tpu.memory_space<semaphore_mem>>
          %dma_start3A_175 = arith.constant 0 : i32
          %dma_start3A_176 = arith.constant 0 : i32
          %dma_start3A_177 = tpu.memref_slice %arg12[%dma_start3A_175, %dma_start3A_176] : memref<10000x128xf32, #tpu.memory_space<vmem_shared>> -> memref<10000x128xf32, #tpu.memory_space<vmem_shared>>
          tpu.enqueue_indirect_dma source(%arg15 : memref<160x128xf32, #tpu.memory_space<vmem>>) target(%dma_start3A_177 : memref<10000x128xf32, #tpu.memory_space<vmem_shared>>) offsets(%arg13 : memref<160xi32, #tpu.memory_space<vmem>>) semaphore(%run_scoped3A : memref<!tpu.dma_semaphore, #tpu.memory_space<semaphore_mem>>) {add = true}
          %dma_wait3A_178 = arith.constant 0 : i32
          %dma_wait3A_179 = arith.constant 0 : i32
          %dma_wait3A_180 = tpu.memref_slice %arg12[%dma_wait3A_178, %dma_wait3A_179] : memref<10000x128xf32, #tpu.memory_space<vmem_shared>> -> memref<10000x128xf32, #tpu.memory_space<vmem_shared>>
          tpu.wait_indirect_dma semaphore(%run_scoped3A : memref<!tpu.dma_semaphore, #tpu.memory_space<semaphore_mem>>) src(%arg15 : memref<160x128xf32, #tpu.memory_space<vmem>>) dst(%dma_wait3A_180 : memref<10000x128xf32, #tpu.memory_space<vmem_shared>>)
          tpu.yield
        }) : () -> ()
        %add3A_152 = arith.constant 2 : i32
        %add3A_153 = arith.addi %add3A_130, %add3A_152 : i32
        %mul3A_154 = arith.constant 160 : i32
        %mul3A_155 = arith.muli %add3A_153, %mul3A_154 : i32
        %add3A_156 = arith.addi %mul3A_0, %mul3A_155 : i32
        %dma_start3A_157 = tpu.memref_slice %arg2[%add3A_156] : memref<128000xi32, #tpu.memory_space<hbm>> -> memref<160xi32, #tpu.memory_space<hbm>>
        %dma_start3A_158 = tpu.memref_slice %arg2[%add3A_156] : memref<128000xi32, #tpu.memory_space<hbm>> -> memref<160xi32, #tpu.memory_space<hbm>>
        tpu.enqueue_dma source(%dma_start3A_158 : memref<160xi32, #tpu.memory_space<hbm>>) target(%arg13 : memref<160xi32, #tpu.memory_space<vmem>>) target_semaphore(%arg17 : memref<!tpu.dma_semaphore, #tpu.memory_space<semaphore_mem>>)
        %dma_start3A_159 = arith.constant 0 : i32
        %dma_start3A_160 = tpu.memref_slice %arg6[%add3A_156, %dma_start3A_159] : memref<128000x128xf32, #tpu.memory_space<hbm>> -> memref<160x128xf32, #tpu.memory_space<hbm>>
        %dma_start3A_161 = arith.constant 0 : i32
        %dma_start3A_162 = tpu.memref_slice %arg6[%add3A_156, %dma_start3A_161] : memref<128000x128xf32, #tpu.memory_space<hbm>> -> memref<160x128xf32, #tpu.memory_space<hbm>>
        tpu.enqueue_dma source(%dma_start3A_162 : memref<160x128xf32, #tpu.memory_space<hbm>>) target(%arg15 : memref<160x128xf32, #tpu.memory_space<vmem>>) target_semaphore(%arg19 : memref<!tpu.dma_semaphore, #tpu.memory_space<semaphore_mem>>)
        %add3A_163 = arith.constant 1 : i32
        %add3A_164 = arith.addi %add3A_130, %add3A_163 : i32
        %dma_wait3A_165 = arith.constant 0 : i32
        %dma_wait3A_166 = tpu.memref_slice %arg2[%dma_wait3A_165] : memref<128000xi32, #tpu.memory_space<hbm>> -> memref<160xi32, #tpu.memory_space<hbm>>
        %dma_wait3A_167 = arith.constant 0 : i32
        %dma_wait3A_168 = tpu.memref_slice %arg2[%dma_wait3A_167] : memref<128000xi32, #tpu.memory_space<hbm>> -> memref<160xi32, #tpu.memory_space<hbm>>
        tpu.wait_dma2 semaphore(%arg18 : memref<!tpu.dma_semaphore, #tpu.memory_space<semaphore_mem>>) src(%dma_wait3A_168 : memref<160xi32, #tpu.memory_space<hbm>>) dst(%arg14 : memref<160xi32, #tpu.memory_space<vmem>>)
        %dma_wait3A_169 = arith.constant 0 : i32
        %dma_wait3A_170 = arith.constant 0 : i32
        %dma_wait3A_171 = tpu.memref_slice %arg6[%dma_wait3A_169, %dma_wait3A_170] : memref<128000x128xf32, #tpu.memory_space<hbm>> -> memref<160x128xf32, #tpu.memory_space<hbm>>
        %dma_wait3A_172 = arith.constant 0 : i32
        %dma_wait3A_173 = arith.constant 0 : i32
        %dma_wait3A_174 = tpu.memref_slice %arg6[%dma_wait3A_172, %dma_wait3A_173] : memref<128000x128xf32, #tpu.memory_space<hbm>> -> memref<160x128xf32, #tpu.memory_space<hbm>>
        tpu.wait_dma2 semaphore(%arg20 : memref<!tpu.dma_semaphore, #tpu.memory_space<semaphore_mem>>) src(%dma_wait3A_174 : memref<160x128xf32, #tpu.memory_space<hbm>>) dst(%arg16 : memref<160x128xf32, #tpu.memory_space<vmem>>)
        "tpu.region"() ({
          %run_scoped3A = tpu.sem_alloc : memref<!tpu.dma_semaphore, #tpu.memory_space<semaphore_mem>>
          %dma_start3A_175 = arith.constant 0 : i32
          %dma_start3A_176 = arith.constant 0 : i32
          %dma_start3A_177 = tpu.memref_slice %arg12[%dma_start3A_175, %dma_start3A_176] : memref<10000x128xf32, #tpu.memory_space<vmem_shared>> -> memref<10000x128xf32, #tpu.memory_space<vmem_shared>>
          tpu.enqueue_indirect_dma source(%arg16 : memref<160x128xf32, #tpu.memory_space<vmem>>) target(%dma_start3A_177 : memref<10000x128xf32, #tpu.memory_space<vmem_shared>>) offsets(%arg14 : memref<160xi32, #tpu.memory_space<vmem>>) semaphore(%run_scoped3A : memref<!tpu.dma_semaphore, #tpu.memory_space<semaphore_mem>>) {add = true}
          %dma_wait3A_178 = arith.constant 0 : i32
          %dma_wait3A_179 = arith.constant 0 : i32
          %dma_wait3A_180 = tpu.memref_slice %arg12[%dma_wait3A_178, %dma_wait3A_179] : memref<10000x128xf32, #tpu.memory_space<vmem_shared>> -> memref<10000x128xf32, #tpu.memory_space<vmem_shared>>
          tpu.wait_indirect_dma semaphore(%run_scoped3A : memref<!tpu.dma_semaphore, #tpu.memory_space<semaphore_mem>>) src(%arg16 : memref<160x128xf32, #tpu.memory_space<vmem>>) dst(%dma_wait3A_180 : memref<10000x128xf32, #tpu.memory_space<vmem_shared>>)
          tpu.yield
        }) : () -> ()
      }
      %scan3A_98 = arith.constant 24 : i32
      %add3A_99 = arith.constant 7840 : i32
      %add3A_100 = arith.addi %mul3A_0, %add3A_99 : i32
      %dma_start3A_101 = tpu.memref_slice %arg2[%add3A_100] : memref<128000xi32, #tpu.memory_space<hbm>> -> memref<160xi32, #tpu.memory_space<hbm>>
      %dma_start3A_102 = tpu.memref_slice %arg2[%add3A_100] : memref<128000xi32, #tpu.memory_space<hbm>> -> memref<160xi32, #tpu.memory_space<hbm>>
      tpu.enqueue_dma source(%dma_start3A_102 : memref<160xi32, #tpu.memory_space<hbm>>) target(%arg14 : memref<160xi32, #tpu.memory_space<vmem>>) target_semaphore(%arg18 : memref<!tpu.dma_semaphore, #tpu.memory_space<semaphore_mem>>)
      %dma_start3A_103 = arith.constant 0 : i32
      %dma_start3A_104 = tpu.memref_slice %arg6[%add3A_100, %dma_start3A_103] : memref<128000x128xf32, #tpu.memory_space<hbm>> -> memref<160x128xf32, #tpu.memory_space<hbm>>
      %dma_start3A_105 = arith.constant 0 : i32
      %dma_start3A_106 = tpu.memref_slice %arg6[%add3A_100, %dma_start3A_105] : memref<128000x128xf32, #tpu.memory_space<hbm>> -> memref<160x128xf32, #tpu.memory_space<hbm>>
      tpu.enqueue_dma source(%dma_start3A_106 : memref<160x128xf32, #tpu.memory_space<hbm>>) target(%arg16 : memref<160x128xf32, #tpu.memory_space<vmem>>) target_semaphore(%arg20 : memref<!tpu.dma_semaphore, #tpu.memory_space<semaphore_mem>>)
      %dma_wait3A = arith.constant 0 : i32
      %dma_wait3A_107 = tpu.memref_slice %arg2[%dma_wait3A] : memref<128000xi32, #tpu.memory_space<hbm>> -> memref<160xi32, #tpu.memory_space<hbm>>
      %dma_wait3A_108 = arith.constant 0 : i32
      %dma_wait3A_109 = tpu.memref_slice %arg2[%dma_wait3A_108] : memref<128000xi32, #tpu.memory_space<hbm>> -> memref<160xi32, #tpu.memory_space<hbm>>
      tpu.wait_dma2 semaphore(%arg17 : memref<!tpu.dma_semaphore, #tpu.memory_space<semaphore_mem>>) src(%dma_wait3A_109 : memref<160xi32, #tpu.memory_space<hbm>>) dst(%arg13 : memref<160xi32, #tpu.memory_space<vmem>>)
      %dma_wait3A_110 = arith.constant 0 : i32
      %dma_wait3A_111 = arith.constant 0 : i32
      %dma_wait3A_112 = tpu.memref_slice %arg6[%dma_wait3A_110, %dma_wait3A_111] : memref<128000x128xf32, #tpu.memory_space<hbm>> -> memref<160x128xf32, #tpu.memory_space<hbm>>
      %dma_wait3A_113 = arith.constant 0 : i32
      %dma_wait3A_114 = arith.constant 0 : i32
      %dma_wait3A_115 = tpu.memref_slice %arg6[%dma_wait3A_113, %dma_wait3A_114] : memref<128000x128xf32, #tpu.memory_space<hbm>> -> memref<160x128xf32, #tpu.memory_space<hbm>>
      tpu.wait_dma2 semaphore(%arg19 : memref<!tpu.dma_semaphore, #tpu.memory_space<semaphore_mem>>) src(%dma_wait3A_115 : memref<160x128xf32, #tpu.memory_space<hbm>>) dst(%arg15 : memref<160x128xf32, #tpu.memory_space<vmem>>)
      "tpu.region"() ({
        %run_scoped3A = tpu.sem_alloc : memref<!tpu.dma_semaphore, #tpu.memory_space<semaphore_mem>>
        %dma_start3A_126 = arith.constant 0 : i32
        %dma_start3A_127 = arith.constant 0 : i32
        %dma_start3A_128 = tpu.memref_slice %arg12[%dma_start3A_126, %dma_start3A_127] : memref<10000x128xf32, #tpu.memory_space<vmem_shared>> -> memref<10000x128xf32, #tpu.memory_space<vmem_shared>>
        tpu.enqueue_indirect_dma source(%arg15 : memref<160x128xf32, #tpu.memory_space<vmem>>) target(%dma_start3A_128 : memref<10000x128xf32, #tpu.memory_space<vmem_shared>>) offsets(%arg13 : memref<160xi32, #tpu.memory_space<vmem>>) semaphore(%run_scoped3A : memref<!tpu.dma_semaphore, #tpu.memory_space<semaphore_mem>>) {add = true}
        %dma_wait3A_129 = arith.constant 0 : i32
        %dma_wait3A_130 = arith.constant 0 : i32
        %dma_wait3A_131 = tpu.memref_slice %arg12[%dma_wait3A_129, %dma_wait3A_130] : memref<10000x128xf32, #tpu.memory_space<vmem_shared>> -> memref<10000x128xf32, #tpu.memory_space<vmem_shared>>
        tpu.wait_indirect_dma semaphore(%run_scoped3A : memref<!tpu.dma_semaphore, #tpu.memory_space<semaphore_mem>>) src(%arg15 : memref<160x128xf32, #tpu.memory_space<vmem>>) dst(%dma_wait3A_131 : memref<10000x128xf32, #tpu.memory_space<vmem_shared>>)
        tpu.yield
      }) : () -> ()
      %dma_wait3A_116 = arith.constant 0 : i32
      %dma_wait3A_117 = tpu.memref_slice %arg2[%dma_wait3A_116] : memref<128000xi32, #tpu.memory_space<hbm>> -> memref<160xi32, #tpu.memory_space<hbm>>
      %dma_wait3A_118 = arith.constant 0 : i32
      %dma_wait3A_119 = tpu.memref_slice %arg2[%dma_wait3A_118] : memref<128000xi32, #tpu.memory_space<hbm>> -> memref<160xi32, #tpu.memory_space<hbm>>
      tpu.wait_dma2 semaphore(%arg18 : memref<!tpu.dma_semaphore, #tpu.memory_space<semaphore_mem>>) src(%dma_wait3A_119 : memref<160xi32, #tpu.memory_space<hbm>>) dst(%arg14 : memref<160xi32, #tpu.memory_space<vmem>>)
      %dma_wait3A_120 = arith.constant 0 : i32
      %dma_wait3A_121 = arith.constant 0 : i32
      %dma_wait3A_122 = tpu.memref_slice %arg6[%dma_wait3A_120, %dma_wait3A_121] : memref<128000x128xf32, #tpu.memory_space<hbm>> -> memref<160x128xf32, #tpu.memory_space<hbm>>
      %dma_wait3A_123 = arith.constant 0 : i32
      %dma_wait3A_124 = arith.constant 0 : i32
      %dma_wait3A_125 = tpu.memref_slice %arg6[%dma_wait3A_123, %dma_wait3A_124] : memref<128000x128xf32, #tpu.memory_space<hbm>> -> memref<160x128xf32, #tpu.memory_space<hbm>>
      tpu.wait_dma2 semaphore(%arg20 : memref<!tpu.dma_semaphore, #tpu.memory_space<semaphore_mem>>) src(%dma_wait3A_125 : memref<160x128xf32, #tpu.memory_space<hbm>>) dst(%arg16 : memref<160x128xf32, #tpu.memory_space<vmem>>)
      "tpu.region"() ({
        %run_scoped3A = tpu.sem_alloc : memref<!tpu.dma_semaphore, #tpu.memory_space<semaphore_mem>>
        %dma_start3A_126 = arith.constant 0 : i32
        %dma_start3A_127 = arith.constant 0 : i32
        %dma_start3A_128 = tpu.memref_slice %arg12[%dma_start3A_126, %dma_start3A_127] : memref<10000x128xf32, #tpu.memory_space<vmem_shared>> -> memref<10000x128xf32, #tpu.memory_space<vmem_shared>>
        tpu.enqueue_indirect_dma source(%arg16 : memref<160x128xf32, #tpu.memory_space<vmem>>) target(%dma_start3A_128 : memref<10000x128xf32, #tpu.memory_space<vmem_shared>>) offsets(%arg14 : memref<160xi32, #tpu.memory_space<vmem>>) semaphore(%run_scoped3A : memref<!tpu.dma_semaphore, #tpu.memory_space<semaphore_mem>>) {add = true}
        %dma_wait3A_129 = arith.constant 0 : i32
        %dma_wait3A_130 = arith.constant 0 : i32
        %dma_wait3A_131 = tpu.memref_slice %arg12[%dma_wait3A_129, %dma_wait3A_130] : memref<10000x128xf32, #tpu.memory_space<vmem_shared>> -> memref<10000x128xf32, #tpu.memory_space<vmem_shared>>
        tpu.wait_indirect_dma semaphore(%run_scoped3A : memref<!tpu.dma_semaphore, #tpu.memory_space<semaphore_mem>>) src(%arg16 : memref<160x128xf32, #tpu.memory_space<vmem>>) dst(%dma_wait3A_131 : memref<10000x128xf32, #tpu.memory_space<vmem_shared>>)
        tpu.yield
      }) : () -> ()
    } else {
    }
    %barrier3A_80 = arith.constant 0 : index
    tpu.barrier barrier_id(%barrier3A_80)
    %eq3A_81 = arith.constant 1 : i32
    %eq3A_82 = arith.cmpi eq, %arg0, %eq3A_81 : i32
    %lt3A_83 = arith.constant 10 : i32
    %lt3A_84 = arith.cmpi slt, %arg1, %lt3A_83 : i32
    %and3A_85 = arith.andi %eq3A_82, %lt3A_84 : i1
    %convert_element_type3A_86 = arith.extui %and3A_85 : i1 to i32
    %cond3A_87 = arith.constant 0 : i32
    %cond3A_88 = arith.cmpi ne, %convert_element_type3A_86, %cond3A_87 : i32
    scf.if %cond3A_88 {
      "tpu.region"() ({
        %run_scoped3A = tpu.sem_alloc : memref<!tpu.dma_semaphore, #tpu.memory_space<semaphore_mem>>
        %dma_start3A = arith.constant 0 : i32
        %dma_start3A_89 = tpu.memref_slice %arg11[%mul3A_2, %dma_start3A] : memref<10000x128xf32, #tpu.memory_space<hbm>> -> memref<1000x128xf32, #tpu.memory_space<hbm>>
        %dma_start3A_90 = arith.constant 0 : i32
        %dma_start3A_91 = tpu.memref_slice %arg12[%mul3A_2, %dma_start3A_90] : memref<10000x128xf32, #tpu.memory_space<vmem_shared>> -> memref<1000x128xf32, #tpu.memory_space<vmem_shared>>
        tpu.enqueue_dma source(%dma_start3A_91 : memref<1000x128xf32, #tpu.memory_space<vmem_shared>>) target(%dma_start3A_89 : memref<1000x128xf32, #tpu.memory_space<hbm>>) target_semaphore(%run_scoped3A : memref<!tpu.dma_semaphore, #tpu.memory_space<semaphore_mem>>)
        %dma_wait3A = arith.constant 0 : i32
        %dma_wait3A_92 = tpu.memref_slice %arg11[%mul3A_2, %dma_wait3A] : memref<10000x128xf32, #tpu.memory_space<hbm>> -> memref<1000x128xf32, #tpu.memory_space<hbm>>
        %dma_wait3A_93 = arith.constant 0 : i32
        %dma_wait3A_94 = tpu.memref_slice %arg12[%mul3A_2, %dma_wait3A_93] : memref<10000x128xf32, #tpu.memory_space<vmem_shared>> -> memref<1000x128xf32, #tpu.memory_space<vmem_shared>>
        tpu.wait_dma2 semaphore(%run_scoped3A : memref<!tpu.dma_semaphore, #tpu.memory_space<semaphore_mem>>) src(%dma_wait3A_94 : memref<1000x128xf32, #tpu.memory_space<vmem_shared>>) dst(%dma_wait3A_92 : memref<1000x128xf32, #tpu.memory_space<hbm>>)
        tpu.yield
      }) : () -> ()
    } else {
    }
    return
  }
}

#map = affine_map<(d0, d1) -> (0)>
#map1 = affine_map<(d0, d1) -> (0, 0)>
module attributes {stable_mosaic.version = 14 : i64} {
  func.func @scatter_kernel(%arg0: i32, %arg1: i32, %arg2: memref<192000xi32, #tpu.memory_space<hbm>>, %arg3: memref<192000x128xf32, #tpu.memory_space<hbm>>, %arg4: memref<192000x128xf32, #tpu.memory_space<hbm>>, %arg5: memref<192000x128xf32, #tpu.memory_space<hbm>>, %arg6: memref<192000x128xf32, #tpu.memory_space<hbm>>, %arg7: memref<10000x128xf32, #tpu.memory_space<hbm>>, %arg8: memref<10000x128xf32, #tpu.memory_space<hbm>>, %arg9: memref<10000x128xf32, #tpu.memory_space<hbm>>, %arg10: memref<10000x128xf32, #tpu.memory_space<hbm>>, %arg11: memref<10000x128xf32, #tpu.memory_space<hbm>>, %arg12: memref<10000x128xf32, #tpu.memory_space<vmem_shared>>, %arg13: memref<160xi32, #tpu.memory_space<vmem>>, %arg14: memref<160xi32, #tpu.memory_space<vmem>>, %arg15: memref<160x128xf32, #tpu.memory_space<vmem>>, %arg16: memref<160x128xf32, #tpu.memory_space<vmem>>, %arg17: memref<!tpu.dma_semaphore, #tpu.memory_space<semaphore_mem>>, %arg18: memref<!tpu.dma_semaphore, #tpu.memory_space<semaphore_mem>>, %arg19: memref<!tpu.dma_semaphore, #tpu.memory_space<semaphore_mem>>, %arg20: memref<!tpu.dma_semaphore, #tpu.memory_space<semaphore_mem>>) attributes {dimension_semantics = [#tpu.dimension_semantics<core_parallel>, #tpu.dimension_semantics<subcore_parallel>], iteration_bounds = array<i64: 2, 16>, scalar_prefetch = 0 : i64, scratch_operands = 9 : i64, tpu.core_type = #tpu.core_type<sc_vector_subcore>, window_params = [{transform_indices = #map}, {transform_indices = #map1}, {transform_indices = #map1}, {transform_indices = #map1}, {transform_indices = #map1}, {transform_indices = #map1}, {transform_indices = #map1}, {transform_indices = #map1}, {transform_indices = #map1}, {transform_indices = #map1}]} {
    %mul3A = arith.constant 12000 : i32
    %mul3A_0 = arith.muli %arg1, %mul3A : i32
    %mul3A_1 = arith.constant 1000 : i32
    %mul3A_2 = arith.muli %arg1, %mul3A_1 : i32
    %eq3A = arith.constant 0 : i32
    %eq3A_3 = arith.cmpi eq, %arg0, %eq3A : i32
    %lt3A = arith.constant 10 : i32
    %lt3A_4 = arith.cmpi slt, %arg1, %lt3A : i32
    %and3A = arith.andi %eq3A_3, %lt3A_4 : i1
    %convert_element_type3A = arith.extui %and3A : i1 to i32
    %cond3A = arith.constant 0 : i32
    %cond3A_5 = arith.cmpi ne, %convert_element_type3A, %cond3A : i32
    scf.if %cond3A_5 {
      "tpu.region"() ({
        %run_scoped3A = tpu.sem_alloc : memref<!tpu.dma_semaphore, #tpu.memory_space<semaphore_mem>>
        %dma_start3A = arith.constant 0 : i32
        %dma_start3A_89 = tpu.memref_slice %arg12[%mul3A_2, %dma_start3A] : memref<10000x128xf32, #tpu.memory_space<vmem_shared>> -> memref<1000x128xf32, #tpu.memory_space<vmem_shared>>
        %dma_start3A_90 = arith.constant 0 : i32
        %dma_start3A_91 = tpu.memref_slice %arg7[%mul3A_2, %dma_start3A_90] : memref<10000x128xf32, #tpu.memory_space<hbm>> -> memref<1000x128xf32, #tpu.memory_space<hbm>>
        tpu.enqueue_dma source(%dma_start3A_91 : memref<1000x128xf32, #tpu.memory_space<hbm>>) target(%dma_start3A_89 : memref<1000x128xf32, #tpu.memory_space<vmem_shared>>) target_semaphore(%run_scoped3A : memref<!tpu.dma_semaphore, #tpu.memory_space<semaphore_mem>>)
        %dma_wait3A = arith.constant 0 : i32
        %dma_wait3A_92 = tpu.memref_slice %arg12[%mul3A_2, %dma_wait3A] : memref<10000x128xf32, #tpu.memory_space<vmem_shared>> -> memref<1000x128xf32, #tpu.memory_space<vmem_shared>>
        %dma_wait3A_93 = arith.constant 0 : i32
        %dma_wait3A_94 = tpu.memref_slice %arg7[%mul3A_2, %dma_wait3A_93] : memref<10000x128xf32, #tpu.memory_space<hbm>> -> memref<1000x128xf32, #tpu.memory_space<hbm>>
        tpu.wait_dma2 semaphore(%run_scoped3A : memref<!tpu.dma_semaphore, #tpu.memory_space<semaphore_mem>>) src(%dma_wait3A_94 : memref<1000x128xf32, #tpu.memory_space<hbm>>) dst(%dma_wait3A_92 : memref<1000x128xf32, #tpu.memory_space<vmem_shared>>)
        tpu.yield
      }) : () -> ()
    } else {
    }
    %barrier3A = arith.constant 0 : index
    tpu.barrier barrier_id(%barrier3A)
    %eq3A_6 = arith.constant 0 : i32
    %eq3A_7 = arith.cmpi eq, %arg0, %eq3A_6 : i32
    %convert_element_type3A_8 = arith.extui %eq3A_7 : i1 to i32
    %cond3A_9 = arith.constant 0 : i32
    %cond3A_10 = arith.cmpi ne, %convert_element_type3A_8, %cond3A_9 : i32
    scf.if %cond3A_10 {
      %add3A = arith.constant 0 : i32
      %add3A_89 = arith.addi %mul3A_0, %add3A : i32
      %dma_start3A = tpu.memref_slice %arg2[%add3A_89] : memref<192000xi32, #tpu.memory_space<hbm>> -> memref<160xi32, #tpu.memory_space<hbm>>
      %dma_start3A_90 = tpu.memref_slice %arg2[%add3A_89] : memref<192000xi32, #tpu.memory_space<hbm>> -> memref<160xi32, #tpu.memory_space<hbm>>
      tpu.enqueue_dma source(%dma_start3A_90 : memref<160xi32, #tpu.memory_space<hbm>>) target(%arg13 : memref<160xi32, #tpu.memory_space<vmem>>) target_semaphore(%arg17 : memref<!tpu.dma_semaphore, #tpu.memory_space<semaphore_mem>>)
      %dma_start3A_91 = arith.constant 0 : i32
      %dma_start3A_92 = tpu.memref_slice %arg3[%add3A_89, %dma_start3A_91] : memref<192000x128xf32, #tpu.memory_space<hbm>> -> memref<160x128xf32, #tpu.memory_space<hbm>>
      %dma_start3A_93 = arith.constant 0 : i32
      %dma_start3A_94 = tpu.memref_slice %arg3[%add3A_89, %dma_start3A_93] : memref<192000x128xf32, #tpu.memory_space<hbm>> -> memref<160x128xf32, #tpu.memory_space<hbm>>
      tpu.enqueue_dma source(%dma_start3A_94 : memref<160x128xf32, #tpu.memory_space<hbm>>) target(%arg15 : memref<160x128xf32, #tpu.memory_space<vmem>>) target_semaphore(%arg19 : memref<!tpu.dma_semaphore, #tpu.memory_space<semaphore_mem>>)
      %scan3A = arith.constant 0 : i32
      %scan3A_95 = arith.constant 37 : i32
      %scan3A_96 = arith.addi %scan3A, %scan3A_95 : i32
      %scan3A_97 = arith.constant 1 : i32
      scf.for %scan3A_108 = %scan3A to %scan3A_96 step %scan3A_97  : i32 {
        %mul3A_109 = arith.constant 2 : i32
        %mul3A_110 = arith.muli %scan3A_108, %mul3A_109 : i32
        %add3A_111 = arith.constant 0 : i32
        %add3A_112 = arith.addi %add3A_111, %mul3A_110 : i32
        %add3A_113 = arith.constant 1 : i32
        %add3A_114 = arith.addi %add3A_112, %add3A_113 : i32
        %mul3A_115 = arith.constant 160 : i32
        %mul3A_116 = arith.muli %add3A_114, %mul3A_115 : i32
        %add3A_117 = arith.addi %mul3A_0, %mul3A_116 : i32
        %dma_start3A_118 = tpu.memref_slice %arg2[%add3A_117] : memref<192000xi32, #tpu.memory_space<hbm>> -> memref<160xi32, #tpu.memory_space<hbm>>
        %dma_start3A_119 = tpu.memref_slice %arg2[%add3A_117] : memref<192000xi32, #tpu.memory_space<hbm>> -> memref<160xi32, #tpu.memory_space<hbm>>
        tpu.enqueue_dma source(%dma_start3A_119 : memref<160xi32, #tpu.memory_space<hbm>>) target(%arg14 : memref<160xi32, #tpu.memory_space<vmem>>) target_semaphore(%arg18 : memref<!tpu.dma_semaphore, #tpu.memory_space<semaphore_mem>>)
        %dma_start3A_120 = arith.constant 0 : i32
        %dma_start3A_121 = tpu.memref_slice %arg3[%add3A_117, %dma_start3A_120] : memref<192000x128xf32, #tpu.memory_space<hbm>> -> memref<160x128xf32, #tpu.memory_space<hbm>>
        %dma_start3A_122 = arith.constant 0 : i32
        %dma_start3A_123 = tpu.memref_slice %arg3[%add3A_117, %dma_start3A_122] : memref<192000x128xf32, #tpu.memory_space<hbm>> -> memref<160x128xf32, #tpu.memory_space<hbm>>
        tpu.enqueue_dma source(%dma_start3A_123 : memref<160x128xf32, #tpu.memory_space<hbm>>) target(%arg16 : memref<160x128xf32, #tpu.memory_space<vmem>>) target_semaphore(%arg20 : memref<!tpu.dma_semaphore, #tpu.memory_space<semaphore_mem>>)
        %dma_wait3A_124 = arith.constant 0 : i32
        %dma_wait3A_125 = tpu.memref_slice %arg2[%dma_wait3A_124] : memref<192000xi32, #tpu.memory_space<hbm>> -> memref<160xi32, #tpu.memory_space<hbm>>
        %dma_wait3A_126 = arith.constant 0 : i32
        %dma_wait3A_127 = tpu.memref_slice %arg2[%dma_wait3A_126] : memref<192000xi32, #tpu.memory_space<hbm>> -> memref<160xi32, #tpu.memory_space<hbm>>
        tpu.wait_dma2 semaphore(%arg17 : memref<!tpu.dma_semaphore, #tpu.memory_space<semaphore_mem>>) src(%dma_wait3A_127 : memref<160xi32, #tpu.memory_space<hbm>>) dst(%arg13 : memref<160xi32, #tpu.memory_space<vmem>>)
        %dma_wait3A_128 = arith.constant 0 : i32
        %dma_wait3A_129 = arith.constant 0 : i32
        %dma_wait3A_130 = tpu.memref_slice %arg3[%dma_wait3A_128, %dma_wait3A_129] : memref<192000x128xf32, #tpu.memory_space<hbm>> -> memref<160x128xf32, #tpu.memory_space<hbm>>
        %dma_wait3A_131 = arith.constant 0 : i32
        %dma_wait3A_132 = arith.constant 0 : i32
        %dma_wait3A_133 = tpu.memref_slice %arg3[%dma_wait3A_131, %dma_wait3A_132] : memref<192000x128xf32, #tpu.memory_space<hbm>> -> memref<160x128xf32, #tpu.memory_space<hbm>>
        tpu.wait_dma2 semaphore(%arg19 : memref<!tpu.dma_semaphore, #tpu.memory_space<semaphore_mem>>) src(%dma_wait3A_133 : memref<160x128xf32, #tpu.memory_space<hbm>>) dst(%arg15 : memref<160x128xf32, #tpu.memory_space<vmem>>)
        "tpu.region"() ({
          %run_scoped3A = tpu.sem_alloc : memref<!tpu.dma_semaphore, #tpu.memory_space<semaphore_mem>>
          %dma_start3A_157 = arith.constant 0 : i32
          %dma_start3A_158 = arith.constant 0 : i32
          %dma_start3A_159 = tpu.memref_slice %arg12[%dma_start3A_157, %dma_start3A_158] : memref<10000x128xf32, #tpu.memory_space<vmem_shared>> -> memref<10000x128xf32, #tpu.memory_space<vmem_shared>>
          tpu.enqueue_indirect_dma source(%arg15 : memref<160x128xf32, #tpu.memory_space<vmem>>) target(%dma_start3A_159 : memref<10000x128xf32, #tpu.memory_space<vmem_shared>>) offsets(%arg13 : memref<160xi32, #tpu.memory_space<vmem>>) semaphore(%run_scoped3A : memref<!tpu.dma_semaphore, #tpu.memory_space<semaphore_mem>>) {add = true}
          %dma_wait3A_160 = arith.constant 0 : i32
          %dma_wait3A_161 = arith.constant 0 : i32
          %dma_wait3A_162 = tpu.memref_slice %arg12[%dma_wait3A_160, %dma_wait3A_161] : memref<10000x128xf32, #tpu.memory_space<vmem_shared>> -> memref<10000x128xf32, #tpu.memory_space<vmem_shared>>
          tpu.wait_indirect_dma semaphore(%run_scoped3A : memref<!tpu.dma_semaphore, #tpu.memory_space<semaphore_mem>>) src(%arg15 : memref<160x128xf32, #tpu.memory_space<vmem>>) dst(%dma_wait3A_162 : memref<10000x128xf32, #tpu.memory_space<vmem_shared>>)
          tpu.yield
        }) : () -> ()
        %add3A_134 = arith.constant 2 : i32
        %add3A_135 = arith.addi %add3A_112, %add3A_134 : i32
        %mul3A_136 = arith.constant 160 : i32
        %mul3A_137 = arith.muli %add3A_135, %mul3A_136 : i32
        %add3A_138 = arith.addi %mul3A_0, %mul3A_137 : i32
        %dma_start3A_139 = tpu.memref_slice %arg2[%add3A_138] : memref<192000xi32, #tpu.memory_space<hbm>> -> memref<160xi32, #tpu.memory_space<hbm>>
        %dma_start3A_140 = tpu.memref_slice %arg2[%add3A_138] : memref<192000xi32, #tpu.memory_space<hbm>> -> memref<160xi32, #tpu.memory_space<hbm>>
        tpu.enqueue_dma source(%dma_start3A_140 : memref<160xi32, #tpu.memory_space<hbm>>) target(%arg13 : memref<160xi32, #tpu.memory_space<vmem>>) target_semaphore(%arg17 : memref<!tpu.dma_semaphore, #tpu.memory_space<semaphore_mem>>)
        %dma_start3A_141 = arith.constant 0 : i32
        %dma_start3A_142 = tpu.memref_slice %arg3[%add3A_138, %dma_start3A_141] : memref<192000x128xf32, #tpu.memory_space<hbm>> -> memref<160x128xf32, #tpu.memory_space<hbm>>
        %dma_start3A_143 = arith.constant 0 : i32
        %dma_start3A_144 = tpu.memref_slice %arg3[%add3A_138, %dma_start3A_143] : memref<192000x128xf32, #tpu.memory_space<hbm>> -> memref<160x128xf32, #tpu.memory_space<hbm>>
        tpu.enqueue_dma source(%dma_start3A_144 : memref<160x128xf32, #tpu.memory_space<hbm>>) target(%arg15 : memref<160x128xf32, #tpu.memory_space<vmem>>) target_semaphore(%arg19 : memref<!tpu.dma_semaphore, #tpu.memory_space<semaphore_mem>>)
        %add3A_145 = arith.constant 1 : i32
        %add3A_146 = arith.addi %add3A_112, %add3A_145 : i32
        %dma_wait3A_147 = arith.constant 0 : i32
        %dma_wait3A_148 = tpu.memref_slice %arg2[%dma_wait3A_147] : memref<192000xi32, #tpu.memory_space<hbm>> -> memref<160xi32, #tpu.memory_space<hbm>>
        %dma_wait3A_149 = arith.constant 0 : i32
        %dma_wait3A_150 = tpu.memref_slice %arg2[%dma_wait3A_149] : memref<192000xi32, #tpu.memory_space<hbm>> -> memref<160xi32, #tpu.memory_space<hbm>>
        tpu.wait_dma2 semaphore(%arg18 : memref<!tpu.dma_semaphore, #tpu.memory_space<semaphore_mem>>) src(%dma_wait3A_150 : memref<160xi32, #tpu.memory_space<hbm>>) dst(%arg14 : memref<160xi32, #tpu.memory_space<vmem>>)
        %dma_wait3A_151 = arith.constant 0 : i32
        %dma_wait3A_152 = arith.constant 0 : i32
        %dma_wait3A_153 = tpu.memref_slice %arg3[%dma_wait3A_151, %dma_wait3A_152] : memref<192000x128xf32, #tpu.memory_space<hbm>> -> memref<160x128xf32, #tpu.memory_space<hbm>>
        %dma_wait3A_154 = arith.constant 0 : i32
        %dma_wait3A_155 = arith.constant 0 : i32
        %dma_wait3A_156 = tpu.memref_slice %arg3[%dma_wait3A_154, %dma_wait3A_155] : memref<192000x128xf32, #tpu.memory_space<hbm>> -> memref<160x128xf32, #tpu.memory_space<hbm>>
        tpu.wait_dma2 semaphore(%arg20 : memref<!tpu.dma_semaphore, #tpu.memory_space<semaphore_mem>>) src(%dma_wait3A_156 : memref<160x128xf32, #tpu.memory_space<hbm>>) dst(%arg16 : memref<160x128xf32, #tpu.memory_space<vmem>>)
        "tpu.region"() ({
          %run_scoped3A = tpu.sem_alloc : memref<!tpu.dma_semaphore, #tpu.memory_space<semaphore_mem>>
          %dma_start3A_157 = arith.constant 0 : i32
          %dma_start3A_158 = arith.constant 0 : i32
          %dma_start3A_159 = tpu.memref_slice %arg12[%dma_start3A_157, %dma_start3A_158] : memref<10000x128xf32, #tpu.memory_space<vmem_shared>> -> memref<10000x128xf32, #tpu.memory_space<vmem_shared>>
          tpu.enqueue_indirect_dma source(%arg16 : memref<160x128xf32, #tpu.memory_space<vmem>>) target(%dma_start3A_159 : memref<10000x128xf32, #tpu.memory_space<vmem_shared>>) offsets(%arg14 : memref<160xi32, #tpu.memory_space<vmem>>) semaphore(%run_scoped3A : memref<!tpu.dma_semaphore, #tpu.memory_space<semaphore_mem>>) {add = true}
          %dma_wait3A_160 = arith.constant 0 : i32
          %dma_wait3A_161 = arith.constant 0 : i32
          %dma_wait3A_162 = tpu.memref_slice %arg12[%dma_wait3A_160, %dma_wait3A_161] : memref<10000x128xf32, #tpu.memory_space<vmem_shared>> -> memref<10000x128xf32, #tpu.memory_space<vmem_shared>>
          tpu.wait_indirect_dma semaphore(%run_scoped3A : memref<!tpu.dma_semaphore, #tpu.memory_space<semaphore_mem>>) src(%arg16 : memref<160x128xf32, #tpu.memory_space<vmem>>) dst(%dma_wait3A_162 : memref<10000x128xf32, #tpu.memory_space<vmem_shared>>)
          tpu.yield
        }) : () -> ()
      }
      %scan3A_98 = arith.constant 37 : i32
      %dma_wait3A = arith.constant 0 : i32
      %dma_wait3A_99 = tpu.memref_slice %arg2[%dma_wait3A] : memref<192000xi32, #tpu.memory_space<hbm>> -> memref<160xi32, #tpu.memory_space<hbm>>
      %dma_wait3A_100 = arith.constant 0 : i32
      %dma_wait3A_101 = tpu.memref_slice %arg2[%dma_wait3A_100] : memref<192000xi32, #tpu.memory_space<hbm>> -> memref<160xi32, #tpu.memory_space<hbm>>
      tpu.wait_dma2 semaphore(%arg17 : memref<!tpu.dma_semaphore, #tpu.memory_space<semaphore_mem>>) src(%dma_wait3A_101 : memref<160xi32, #tpu.memory_space<hbm>>) dst(%arg13 : memref<160xi32, #tpu.memory_space<vmem>>)
      %dma_wait3A_102 = arith.constant 0 : i32
      %dma_wait3A_103 = arith.constant 0 : i32
      %dma_wait3A_104 = tpu.memref_slice %arg3[%dma_wait3A_102, %dma_wait3A_103] : memref<192000x128xf32, #tpu.memory_space<hbm>> -> memref<160x128xf32, #tpu.memory_space<hbm>>
      %dma_wait3A_105 = arith.constant 0 : i32
      %dma_wait3A_106 = arith.constant 0 : i32
      %dma_wait3A_107 = tpu.memref_slice %arg3[%dma_wait3A_105, %dma_wait3A_106] : memref<192000x128xf32, #tpu.memory_space<hbm>> -> memref<160x128xf32, #tpu.memory_space<hbm>>
      tpu.wait_dma2 semaphore(%arg19 : memref<!tpu.dma_semaphore, #tpu.memory_space<semaphore_mem>>) src(%dma_wait3A_107 : memref<160x128xf32, #tpu.memory_space<hbm>>) dst(%arg15 : memref<160x128xf32, #tpu.memory_space<vmem>>)
      "tpu.region"() ({
        %run_scoped3A = tpu.sem_alloc : memref<!tpu.dma_semaphore, #tpu.memory_space<semaphore_mem>>
        %dma_start3A_108 = arith.constant 0 : i32
        %dma_start3A_109 = arith.constant 0 : i32
        %dma_start3A_110 = tpu.memref_slice %arg12[%dma_start3A_108, %dma_start3A_109] : memref<10000x128xf32, #tpu.memory_space<vmem_shared>> -> memref<10000x128xf32, #tpu.memory_space<vmem_shared>>
        tpu.enqueue_indirect_dma source(%arg15 : memref<160x128xf32, #tpu.memory_space<vmem>>) target(%dma_start3A_110 : memref<10000x128xf32, #tpu.memory_space<vmem_shared>>) offsets(%arg13 : memref<160xi32, #tpu.memory_space<vmem>>) semaphore(%run_scoped3A : memref<!tpu.dma_semaphore, #tpu.memory_space<semaphore_mem>>) {add = true}
        %dma_wait3A_111 = arith.constant 0 : i32
        %dma_wait3A_112 = arith.constant 0 : i32
        %dma_wait3A_113 = tpu.memref_slice %arg12[%dma_wait3A_111, %dma_wait3A_112] : memref<10000x128xf32, #tpu.memory_space<vmem_shared>> -> memref<10000x128xf32, #tpu.memory_space<vmem_shared>>
        tpu.wait_indirect_dma semaphore(%run_scoped3A : memref<!tpu.dma_semaphore, #tpu.memory_space<semaphore_mem>>) src(%arg15 : memref<160x128xf32, #tpu.memory_space<vmem>>) dst(%dma_wait3A_113 : memref<10000x128xf32, #tpu.memory_space<vmem_shared>>)
        tpu.yield
      }) : () -> ()
    } else {
    }
    %barrier3A_11 = arith.constant 0 : index
    tpu.barrier barrier_id(%barrier3A_11)
    %eq3A_12 = arith.constant 0 : i32
    %eq3A_13 = arith.cmpi eq, %arg0, %eq3A_12 : i32
    %lt3A_14 = arith.constant 10 : i32
    %lt3A_15 = arith.cmpi slt, %arg1, %lt3A_14 : i32
    %and3A_16 = arith.andi %eq3A_13, %lt3A_15 : i1
    %convert_element_type3A_17 = arith.extui %and3A_16 : i1 to i32
    %cond3A_18 = arith.constant 0 : i32
    %cond3A_19 = arith.cmpi ne, %convert_element_type3A_17, %cond3A_18 : i32
    scf.if %cond3A_19 {
      "tpu.region"() ({
        %run_scoped3A = tpu.sem_alloc : memref<!tpu.dma_semaphore, #tpu.memory_space<semaphore_mem>>
        %dma_start3A = arith.constant 0 : i32
        %dma_start3A_89 = tpu.memref_slice %arg8[%mul3A_2, %dma_start3A] : memref<10000x128xf32, #tpu.memory_space<hbm>> -> memref<1000x128xf32, #tpu.memory_space<hbm>>
        %dma_start3A_90 = arith.constant 0 : i32
        %dma_start3A_91 = tpu.memref_slice %arg12[%mul3A_2, %dma_start3A_90] : memref<10000x128xf32, #tpu.memory_space<vmem_shared>> -> memref<1000x128xf32, #tpu.memory_space<vmem_shared>>
        tpu.enqueue_dma source(%dma_start3A_91 : memref<1000x128xf32, #tpu.memory_space<vmem_shared>>) target(%dma_start3A_89 : memref<1000x128xf32, #tpu.memory_space<hbm>>) target_semaphore(%run_scoped3A : memref<!tpu.dma_semaphore, #tpu.memory_space<semaphore_mem>>)
        %dma_wait3A = arith.constant 0 : i32
        %dma_wait3A_92 = tpu.memref_slice %arg8[%mul3A_2, %dma_wait3A] : memref<10000x128xf32, #tpu.memory_space<hbm>> -> memref<1000x128xf32, #tpu.memory_space<hbm>>
        %dma_wait3A_93 = arith.constant 0 : i32
        %dma_wait3A_94 = tpu.memref_slice %arg12[%mul3A_2, %dma_wait3A_93] : memref<10000x128xf32, #tpu.memory_space<vmem_shared>> -> memref<1000x128xf32, #tpu.memory_space<vmem_shared>>
        tpu.wait_dma2 semaphore(%run_scoped3A : memref<!tpu.dma_semaphore, #tpu.memory_space<semaphore_mem>>) src(%dma_wait3A_94 : memref<1000x128xf32, #tpu.memory_space<vmem_shared>>) dst(%dma_wait3A_92 : memref<1000x128xf32, #tpu.memory_space<hbm>>)
        tpu.yield
      }) : () -> ()
    } else {
    }
    %eq3A_20 = arith.constant 1 : i32
    %eq3A_21 = arith.cmpi eq, %arg0, %eq3A_20 : i32
    %lt3A_22 = arith.constant 10 : i32
    %lt3A_23 = arith.cmpi slt, %arg1, %lt3A_22 : i32
    %and3A_24 = arith.andi %eq3A_21, %lt3A_23 : i1
    %convert_element_type3A_25 = arith.extui %and3A_24 : i1 to i32
    %cond3A_26 = arith.constant 0 : i32
    %cond3A_27 = arith.cmpi ne, %convert_element_type3A_25, %cond3A_26 : i32
    scf.if %cond3A_27 {
      "tpu.region"() ({
        %run_scoped3A = tpu.sem_alloc : memref<!tpu.dma_semaphore, #tpu.memory_space<semaphore_mem>>
        %dma_start3A = arith.constant 0 : i32
        %dma_start3A_89 = tpu.memref_slice %arg12[%mul3A_2, %dma_start3A] : memref<10000x128xf32, #tpu.memory_space<vmem_shared>> -> memref<1000x128xf32, #tpu.memory_space<vmem_shared>>
        %dma_start3A_90 = arith.constant 0 : i32
        %dma_start3A_91 = tpu.memref_slice %arg7[%mul3A_2, %dma_start3A_90] : memref<10000x128xf32, #tpu.memory_space<hbm>> -> memref<1000x128xf32, #tpu.memory_space<hbm>>
        tpu.enqueue_dma source(%dma_start3A_91 : memref<1000x128xf32, #tpu.memory_space<hbm>>) target(%dma_start3A_89 : memref<1000x128xf32, #tpu.memory_space<vmem_shared>>) target_semaphore(%run_scoped3A : memref<!tpu.dma_semaphore, #tpu.memory_space<semaphore_mem>>)
        %dma_wait3A = arith.constant 0 : i32
        %dma_wait3A_92 = tpu.memref_slice %arg12[%mul3A_2, %dma_wait3A] : memref<10000x128xf32, #tpu.memory_space<vmem_shared>> -> memref<1000x128xf32, #tpu.memory_space<vmem_shared>>
        %dma_wait3A_93 = arith.constant 0 : i32
        %dma_wait3A_94 = tpu.memref_slice %arg7[%mul3A_2, %dma_wait3A_93] : memref<10000x128xf32, #tpu.memory_space<hbm>> -> memref<1000x128xf32, #tpu.memory_space<hbm>>
        tpu.wait_dma2 semaphore(%run_scoped3A : memref<!tpu.dma_semaphore, #tpu.memory_space<semaphore_mem>>) src(%dma_wait3A_94 : memref<1000x128xf32, #tpu.memory_space<hbm>>) dst(%dma_wait3A_92 : memref<1000x128xf32, #tpu.memory_space<vmem_shared>>)
        tpu.yield
      }) : () -> ()
    } else {
    }
    %barrier3A_28 = arith.constant 0 : index
    tpu.barrier barrier_id(%barrier3A_28)
    %eq3A_29 = arith.constant 1 : i32
    %eq3A_30 = arith.cmpi eq, %arg0, %eq3A_29 : i32
    %convert_element_type3A_31 = arith.extui %eq3A_30 : i1 to i32
    %cond3A_32 = arith.constant 0 : i32
    %cond3A_33 = arith.cmpi ne, %convert_element_type3A_31, %cond3A_32 : i32
    scf.if %cond3A_33 {
      %add3A = arith.constant 0 : i32
      %add3A_89 = arith.addi %mul3A_0, %add3A : i32
      %dma_start3A = tpu.memref_slice %arg2[%add3A_89] : memref<192000xi32, #tpu.memory_space<hbm>> -> memref<160xi32, #tpu.memory_space<hbm>>
      %dma_start3A_90 = tpu.memref_slice %arg2[%add3A_89] : memref<192000xi32, #tpu.memory_space<hbm>> -> memref<160xi32, #tpu.memory_space<hbm>>
      tpu.enqueue_dma source(%dma_start3A_90 : memref<160xi32, #tpu.memory_space<hbm>>) target(%arg13 : memref<160xi32, #tpu.memory_space<vmem>>) target_semaphore(%arg17 : memref<!tpu.dma_semaphore, #tpu.memory_space<semaphore_mem>>)
      %dma_start3A_91 = arith.constant 0 : i32
      %dma_start3A_92 = tpu.memref_slice %arg4[%add3A_89, %dma_start3A_91] : memref<192000x128xf32, #tpu.memory_space<hbm>> -> memref<160x128xf32, #tpu.memory_space<hbm>>
      %dma_start3A_93 = arith.constant 0 : i32
      %dma_start3A_94 = tpu.memref_slice %arg4[%add3A_89, %dma_start3A_93] : memref<192000x128xf32, #tpu.memory_space<hbm>> -> memref<160x128xf32, #tpu.memory_space<hbm>>
      tpu.enqueue_dma source(%dma_start3A_94 : memref<160x128xf32, #tpu.memory_space<hbm>>) target(%arg15 : memref<160x128xf32, #tpu.memory_space<vmem>>) target_semaphore(%arg19 : memref<!tpu.dma_semaphore, #tpu.memory_space<semaphore_mem>>)
      %scan3A = arith.constant 0 : i32
      %scan3A_95 = arith.constant 37 : i32
      %scan3A_96 = arith.addi %scan3A, %scan3A_95 : i32
      %scan3A_97 = arith.constant 1 : i32
      scf.for %scan3A_108 = %scan3A to %scan3A_96 step %scan3A_97  : i32 {
        %mul3A_109 = arith.constant 2 : i32
        %mul3A_110 = arith.muli %scan3A_108, %mul3A_109 : i32
        %add3A_111 = arith.constant 0 : i32
        %add3A_112 = arith.addi %add3A_111, %mul3A_110 : i32
        %add3A_113 = arith.constant 1 : i32
        %add3A_114 = arith.addi %add3A_112, %add3A_113 : i32
        %mul3A_115 = arith.constant 160 : i32
        %mul3A_116 = arith.muli %add3A_114, %mul3A_115 : i32
        %add3A_117 = arith.addi %mul3A_0, %mul3A_116 : i32
        %dma_start3A_118 = tpu.memref_slice %arg2[%add3A_117] : memref<192000xi32, #tpu.memory_space<hbm>> -> memref<160xi32, #tpu.memory_space<hbm>>
        %dma_start3A_119 = tpu.memref_slice %arg2[%add3A_117] : memref<192000xi32, #tpu.memory_space<hbm>> -> memref<160xi32, #tpu.memory_space<hbm>>
        tpu.enqueue_dma source(%dma_start3A_119 : memref<160xi32, #tpu.memory_space<hbm>>) target(%arg14 : memref<160xi32, #tpu.memory_space<vmem>>) target_semaphore(%arg18 : memref<!tpu.dma_semaphore, #tpu.memory_space<semaphore_mem>>)
        %dma_start3A_120 = arith.constant 0 : i32
        %dma_start3A_121 = tpu.memref_slice %arg4[%add3A_117, %dma_start3A_120] : memref<192000x128xf32, #tpu.memory_space<hbm>> -> memref<160x128xf32, #tpu.memory_space<hbm>>
        %dma_start3A_122 = arith.constant 0 : i32
        %dma_start3A_123 = tpu.memref_slice %arg4[%add3A_117, %dma_start3A_122] : memref<192000x128xf32, #tpu.memory_space<hbm>> -> memref<160x128xf32, #tpu.memory_space<hbm>>
        tpu.enqueue_dma source(%dma_start3A_123 : memref<160x128xf32, #tpu.memory_space<hbm>>) target(%arg16 : memref<160x128xf32, #tpu.memory_space<vmem>>) target_semaphore(%arg20 : memref<!tpu.dma_semaphore, #tpu.memory_space<semaphore_mem>>)
        %dma_wait3A_124 = arith.constant 0 : i32
        %dma_wait3A_125 = tpu.memref_slice %arg2[%dma_wait3A_124] : memref<192000xi32, #tpu.memory_space<hbm>> -> memref<160xi32, #tpu.memory_space<hbm>>
        %dma_wait3A_126 = arith.constant 0 : i32
        %dma_wait3A_127 = tpu.memref_slice %arg2[%dma_wait3A_126] : memref<192000xi32, #tpu.memory_space<hbm>> -> memref<160xi32, #tpu.memory_space<hbm>>
        tpu.wait_dma2 semaphore(%arg17 : memref<!tpu.dma_semaphore, #tpu.memory_space<semaphore_mem>>) src(%dma_wait3A_127 : memref<160xi32, #tpu.memory_space<hbm>>) dst(%arg13 : memref<160xi32, #tpu.memory_space<vmem>>)
        %dma_wait3A_128 = arith.constant 0 : i32
        %dma_wait3A_129 = arith.constant 0 : i32
        %dma_wait3A_130 = tpu.memref_slice %arg4[%dma_wait3A_128, %dma_wait3A_129] : memref<192000x128xf32, #tpu.memory_space<hbm>> -> memref<160x128xf32, #tpu.memory_space<hbm>>
        %dma_wait3A_131 = arith.constant 0 : i32
        %dma_wait3A_132 = arith.constant 0 : i32
        %dma_wait3A_133 = tpu.memref_slice %arg4[%dma_wait3A_131, %dma_wait3A_132] : memref<192000x128xf32, #tpu.memory_space<hbm>> -> memref<160x128xf32, #tpu.memory_space<hbm>>
        tpu.wait_dma2 semaphore(%arg19 : memref<!tpu.dma_semaphore, #tpu.memory_space<semaphore_mem>>) src(%dma_wait3A_133 : memref<160x128xf32, #tpu.memory_space<hbm>>) dst(%arg15 : memref<160x128xf32, #tpu.memory_space<vmem>>)
        "tpu.region"() ({
          %run_scoped3A = tpu.sem_alloc : memref<!tpu.dma_semaphore, #tpu.memory_space<semaphore_mem>>
          %dma_start3A_157 = arith.constant 0 : i32
          %dma_start3A_158 = arith.constant 0 : i32
          %dma_start3A_159 = tpu.memref_slice %arg12[%dma_start3A_157, %dma_start3A_158] : memref<10000x128xf32, #tpu.memory_space<vmem_shared>> -> memref<10000x128xf32, #tpu.memory_space<vmem_shared>>
          tpu.enqueue_indirect_dma source(%arg15 : memref<160x128xf32, #tpu.memory_space<vmem>>) target(%dma_start3A_159 : memref<10000x128xf32, #tpu.memory_space<vmem_shared>>) offsets(%arg13 : memref<160xi32, #tpu.memory_space<vmem>>) semaphore(%run_scoped3A : memref<!tpu.dma_semaphore, #tpu.memory_space<semaphore_mem>>) {add = true}
          %dma_wait3A_160 = arith.constant 0 : i32
          %dma_wait3A_161 = arith.constant 0 : i32
          %dma_wait3A_162 = tpu.memref_slice %arg12[%dma_wait3A_160, %dma_wait3A_161] : memref<10000x128xf32, #tpu.memory_space<vmem_shared>> -> memref<10000x128xf32, #tpu.memory_space<vmem_shared>>
          tpu.wait_indirect_dma semaphore(%run_scoped3A : memref<!tpu.dma_semaphore, #tpu.memory_space<semaphore_mem>>) src(%arg15 : memref<160x128xf32, #tpu.memory_space<vmem>>) dst(%dma_wait3A_162 : memref<10000x128xf32, #tpu.memory_space<vmem_shared>>)
          tpu.yield
        }) : () -> ()
        %add3A_134 = arith.constant 2 : i32
        %add3A_135 = arith.addi %add3A_112, %add3A_134 : i32
        %mul3A_136 = arith.constant 160 : i32
        %mul3A_137 = arith.muli %add3A_135, %mul3A_136 : i32
        %add3A_138 = arith.addi %mul3A_0, %mul3A_137 : i32
        %dma_start3A_139 = tpu.memref_slice %arg2[%add3A_138] : memref<192000xi32, #tpu.memory_space<hbm>> -> memref<160xi32, #tpu.memory_space<hbm>>
        %dma_start3A_140 = tpu.memref_slice %arg2[%add3A_138] : memref<192000xi32, #tpu.memory_space<hbm>> -> memref<160xi32, #tpu.memory_space<hbm>>
        tpu.enqueue_dma source(%dma_start3A_140 : memref<160xi32, #tpu.memory_space<hbm>>) target(%arg13 : memref<160xi32, #tpu.memory_space<vmem>>) target_semaphore(%arg17 : memref<!tpu.dma_semaphore, #tpu.memory_space<semaphore_mem>>)
        %dma_start3A_141 = arith.constant 0 : i32
        %dma_start3A_142 = tpu.memref_slice %arg4[%add3A_138, %dma_start3A_141] : memref<192000x128xf32, #tpu.memory_space<hbm>> -> memref<160x128xf32, #tpu.memory_space<hbm>>
        %dma_start3A_143 = arith.constant 0 : i32
        %dma_start3A_144 = tpu.memref_slice %arg4[%add3A_138, %dma_start3A_143] : memref<192000x128xf32, #tpu.memory_space<hbm>> -> memref<160x128xf32, #tpu.memory_space<hbm>>
        tpu.enqueue_dma source(%dma_start3A_144 : memref<160x128xf32, #tpu.memory_space<hbm>>) target(%arg15 : memref<160x128xf32, #tpu.memory_space<vmem>>) target_semaphore(%arg19 : memref<!tpu.dma_semaphore, #tpu.memory_space<semaphore_mem>>)
        %add3A_145 = arith.constant 1 : i32
        %add3A_146 = arith.addi %add3A_112, %add3A_145 : i32
        %dma_wait3A_147 = arith.constant 0 : i32
        %dma_wait3A_148 = tpu.memref_slice %arg2[%dma_wait3A_147] : memref<192000xi32, #tpu.memory_space<hbm>> -> memref<160xi32, #tpu.memory_space<hbm>>
        %dma_wait3A_149 = arith.constant 0 : i32
        %dma_wait3A_150 = tpu.memref_slice %arg2[%dma_wait3A_149] : memref<192000xi32, #tpu.memory_space<hbm>> -> memref<160xi32, #tpu.memory_space<hbm>>
        tpu.wait_dma2 semaphore(%arg18 : memref<!tpu.dma_semaphore, #tpu.memory_space<semaphore_mem>>) src(%dma_wait3A_150 : memref<160xi32, #tpu.memory_space<hbm>>) dst(%arg14 : memref<160xi32, #tpu.memory_space<vmem>>)
        %dma_wait3A_151 = arith.constant 0 : i32
        %dma_wait3A_152 = arith.constant 0 : i32
        %dma_wait3A_153 = tpu.memref_slice %arg4[%dma_wait3A_151, %dma_wait3A_152] : memref<192000x128xf32, #tpu.memory_space<hbm>> -> memref<160x128xf32, #tpu.memory_space<hbm>>
        %dma_wait3A_154 = arith.constant 0 : i32
        %dma_wait3A_155 = arith.constant 0 : i32
        %dma_wait3A_156 = tpu.memref_slice %arg4[%dma_wait3A_154, %dma_wait3A_155] : memref<192000x128xf32, #tpu.memory_space<hbm>> -> memref<160x128xf32, #tpu.memory_space<hbm>>
        tpu.wait_dma2 semaphore(%arg20 : memref<!tpu.dma_semaphore, #tpu.memory_space<semaphore_mem>>) src(%dma_wait3A_156 : memref<160x128xf32, #tpu.memory_space<hbm>>) dst(%arg16 : memref<160x128xf32, #tpu.memory_space<vmem>>)
        "tpu.region"() ({
          %run_scoped3A = tpu.sem_alloc : memref<!tpu.dma_semaphore, #tpu.memory_space<semaphore_mem>>
          %dma_start3A_157 = arith.constant 0 : i32
          %dma_start3A_158 = arith.constant 0 : i32
          %dma_start3A_159 = tpu.memref_slice %arg12[%dma_start3A_157, %dma_start3A_158] : memref<10000x128xf32, #tpu.memory_space<vmem_shared>> -> memref<10000x128xf32, #tpu.memory_space<vmem_shared>>
          tpu.enqueue_indirect_dma source(%arg16 : memref<160x128xf32, #tpu.memory_space<vmem>>) target(%dma_start3A_159 : memref<10000x128xf32, #tpu.memory_space<vmem_shared>>) offsets(%arg14 : memref<160xi32, #tpu.memory_space<vmem>>) semaphore(%run_scoped3A : memref<!tpu.dma_semaphore, #tpu.memory_space<semaphore_mem>>) {add = true}
          %dma_wait3A_160 = arith.constant 0 : i32
          %dma_wait3A_161 = arith.constant 0 : i32
          %dma_wait3A_162 = tpu.memref_slice %arg12[%dma_wait3A_160, %dma_wait3A_161] : memref<10000x128xf32, #tpu.memory_space<vmem_shared>> -> memref<10000x128xf32, #tpu.memory_space<vmem_shared>>
          tpu.wait_indirect_dma semaphore(%run_scoped3A : memref<!tpu.dma_semaphore, #tpu.memory_space<semaphore_mem>>) src(%arg16 : memref<160x128xf32, #tpu.memory_space<vmem>>) dst(%dma_wait3A_162 : memref<10000x128xf32, #tpu.memory_space<vmem_shared>>)
          tpu.yield
        }) : () -> ()
      }
      %scan3A_98 = arith.constant 37 : i32
      %dma_wait3A = arith.constant 0 : i32
      %dma_wait3A_99 = tpu.memref_slice %arg2[%dma_wait3A] : memref<192000xi32, #tpu.memory_space<hbm>> -> memref<160xi32, #tpu.memory_space<hbm>>
      %dma_wait3A_100 = arith.constant 0 : i32
      %dma_wait3A_101 = tpu.memref_slice %arg2[%dma_wait3A_100] : memref<192000xi32, #tpu.memory_space<hbm>> -> memref<160xi32, #tpu.memory_space<hbm>>
      tpu.wait_dma2 semaphore(%arg17 : memref<!tpu.dma_semaphore, #tpu.memory_space<semaphore_mem>>) src(%dma_wait3A_101 : memref<160xi32, #tpu.memory_space<hbm>>) dst(%arg13 : memref<160xi32, #tpu.memory_space<vmem>>)
      %dma_wait3A_102 = arith.constant 0 : i32
      %dma_wait3A_103 = arith.constant 0 : i32
      %dma_wait3A_104 = tpu.memref_slice %arg4[%dma_wait3A_102, %dma_wait3A_103] : memref<192000x128xf32, #tpu.memory_space<hbm>> -> memref<160x128xf32, #tpu.memory_space<hbm>>
      %dma_wait3A_105 = arith.constant 0 : i32
      %dma_wait3A_106 = arith.constant 0 : i32
      %dma_wait3A_107 = tpu.memref_slice %arg4[%dma_wait3A_105, %dma_wait3A_106] : memref<192000x128xf32, #tpu.memory_space<hbm>> -> memref<160x128xf32, #tpu.memory_space<hbm>>
      tpu.wait_dma2 semaphore(%arg19 : memref<!tpu.dma_semaphore, #tpu.memory_space<semaphore_mem>>) src(%dma_wait3A_107 : memref<160x128xf32, #tpu.memory_space<hbm>>) dst(%arg15 : memref<160x128xf32, #tpu.memory_space<vmem>>)
      "tpu.region"() ({
        %run_scoped3A = tpu.sem_alloc : memref<!tpu.dma_semaphore, #tpu.memory_space<semaphore_mem>>
        %dma_start3A_108 = arith.constant 0 : i32
        %dma_start3A_109 = arith.constant 0 : i32
        %dma_start3A_110 = tpu.memref_slice %arg12[%dma_start3A_108, %dma_start3A_109] : memref<10000x128xf32, #tpu.memory_space<vmem_shared>> -> memref<10000x128xf32, #tpu.memory_space<vmem_shared>>
        tpu.enqueue_indirect_dma source(%arg15 : memref<160x128xf32, #tpu.memory_space<vmem>>) target(%dma_start3A_110 : memref<10000x128xf32, #tpu.memory_space<vmem_shared>>) offsets(%arg13 : memref<160xi32, #tpu.memory_space<vmem>>) semaphore(%run_scoped3A : memref<!tpu.dma_semaphore, #tpu.memory_space<semaphore_mem>>) {add = true}
        %dma_wait3A_111 = arith.constant 0 : i32
        %dma_wait3A_112 = arith.constant 0 : i32
        %dma_wait3A_113 = tpu.memref_slice %arg12[%dma_wait3A_111, %dma_wait3A_112] : memref<10000x128xf32, #tpu.memory_space<vmem_shared>> -> memref<10000x128xf32, #tpu.memory_space<vmem_shared>>
        tpu.wait_indirect_dma semaphore(%run_scoped3A : memref<!tpu.dma_semaphore, #tpu.memory_space<semaphore_mem>>) src(%arg15 : memref<160x128xf32, #tpu.memory_space<vmem>>) dst(%dma_wait3A_113 : memref<10000x128xf32, #tpu.memory_space<vmem_shared>>)
        tpu.yield
      }) : () -> ()
    } else {
    }
    %barrier3A_34 = arith.constant 0 : index
    tpu.barrier barrier_id(%barrier3A_34)
    %eq3A_35 = arith.constant 1 : i32
    %eq3A_36 = arith.cmpi eq, %arg0, %eq3A_35 : i32
    %lt3A_37 = arith.constant 10 : i32
    %lt3A_38 = arith.cmpi slt, %arg1, %lt3A_37 : i32
    %and3A_39 = arith.andi %eq3A_36, %lt3A_38 : i1
    %convert_element_type3A_40 = arith.extui %and3A_39 : i1 to i32
    %cond3A_41 = arith.constant 0 : i32
    %cond3A_42 = arith.cmpi ne, %convert_element_type3A_40, %cond3A_41 : i32
    scf.if %cond3A_42 {
      "tpu.region"() ({
        %run_scoped3A = tpu.sem_alloc : memref<!tpu.dma_semaphore, #tpu.memory_space<semaphore_mem>>
        %dma_start3A = arith.constant 0 : i32
        %dma_start3A_89 = tpu.memref_slice %arg9[%mul3A_2, %dma_start3A] : memref<10000x128xf32, #tpu.memory_space<hbm>> -> memref<1000x128xf32, #tpu.memory_space<hbm>>
        %dma_start3A_90 = arith.constant 0 : i32
        %dma_start3A_91 = tpu.memref_slice %arg12[%mul3A_2, %dma_start3A_90] : memref<10000x128xf32, #tpu.memory_space<vmem_shared>> -> memref<1000x128xf32, #tpu.memory_space<vmem_shared>>
        tpu.enqueue_dma source(%dma_start3A_91 : memref<1000x128xf32, #tpu.memory_space<vmem_shared>>) target(%dma_start3A_89 : memref<1000x128xf32, #tpu.memory_space<hbm>>) target_semaphore(%run_scoped3A : memref<!tpu.dma_semaphore, #tpu.memory_space<semaphore_mem>>)
        %dma_wait3A = arith.constant 0 : i32
        %dma_wait3A_92 = tpu.memref_slice %arg9[%mul3A_2, %dma_wait3A] : memref<10000x128xf32, #tpu.memory_space<hbm>> -> memref<1000x128xf32, #tpu.memory_space<hbm>>
        %dma_wait3A_93 = arith.constant 0 : i32
        %dma_wait3A_94 = tpu.memref_slice %arg12[%mul3A_2, %dma_wait3A_93] : memref<10000x128xf32, #tpu.memory_space<vmem_shared>> -> memref<1000x128xf32, #tpu.memory_space<vmem_shared>>
        tpu.wait_dma2 semaphore(%run_scoped3A : memref<!tpu.dma_semaphore, #tpu.memory_space<semaphore_mem>>) src(%dma_wait3A_94 : memref<1000x128xf32, #tpu.memory_space<vmem_shared>>) dst(%dma_wait3A_92 : memref<1000x128xf32, #tpu.memory_space<hbm>>)
        tpu.yield
      }) : () -> ()
    } else {
    }
    %eq3A_43 = arith.constant 0 : i32
    %eq3A_44 = arith.cmpi eq, %arg0, %eq3A_43 : i32
    %lt3A_45 = arith.constant 10 : i32
    %lt3A_46 = arith.cmpi slt, %arg1, %lt3A_45 : i32
    %and3A_47 = arith.andi %eq3A_44, %lt3A_46 : i1
    %convert_element_type3A_48 = arith.extui %and3A_47 : i1 to i32
    %cond3A_49 = arith.constant 0 : i32
    %cond3A_50 = arith.cmpi ne, %convert_element_type3A_48, %cond3A_49 : i32
    scf.if %cond3A_50 {
      "tpu.region"() ({
        %run_scoped3A = tpu.sem_alloc : memref<!tpu.dma_semaphore, #tpu.memory_space<semaphore_mem>>
        %dma_start3A = arith.constant 0 : i32
        %dma_start3A_89 = tpu.memref_slice %arg12[%mul3A_2, %dma_start3A] : memref<10000x128xf32, #tpu.memory_space<vmem_shared>> -> memref<1000x128xf32, #tpu.memory_space<vmem_shared>>
        %dma_start3A_90 = arith.constant 0 : i32
        %dma_start3A_91 = tpu.memref_slice %arg7[%mul3A_2, %dma_start3A_90] : memref<10000x128xf32, #tpu.memory_space<hbm>> -> memref<1000x128xf32, #tpu.memory_space<hbm>>
        tpu.enqueue_dma source(%dma_start3A_91 : memref<1000x128xf32, #tpu.memory_space<hbm>>) target(%dma_start3A_89 : memref<1000x128xf32, #tpu.memory_space<vmem_shared>>) target_semaphore(%run_scoped3A : memref<!tpu.dma_semaphore, #tpu.memory_space<semaphore_mem>>)
        %dma_wait3A = arith.constant 0 : i32
        %dma_wait3A_92 = tpu.memref_slice %arg12[%mul3A_2, %dma_wait3A] : memref<10000x128xf32, #tpu.memory_space<vmem_shared>> -> memref<1000x128xf32, #tpu.memory_space<vmem_shared>>
        %dma_wait3A_93 = arith.constant 0 : i32
        %dma_wait3A_94 = tpu.memref_slice %arg7[%mul3A_2, %dma_wait3A_93] : memref<10000x128xf32, #tpu.memory_space<hbm>> -> memref<1000x128xf32, #tpu.memory_space<hbm>>
        tpu.wait_dma2 semaphore(%run_scoped3A : memref<!tpu.dma_semaphore, #tpu.memory_space<semaphore_mem>>) src(%dma_wait3A_94 : memref<1000x128xf32, #tpu.memory_space<hbm>>) dst(%dma_wait3A_92 : memref<1000x128xf32, #tpu.memory_space<vmem_shared>>)
        tpu.yield
      }) : () -> ()
    } else {
    }
    %barrier3A_51 = arith.constant 0 : index
    tpu.barrier barrier_id(%barrier3A_51)
    %eq3A_52 = arith.constant 0 : i32
    %eq3A_53 = arith.cmpi eq, %arg0, %eq3A_52 : i32
    %convert_element_type3A_54 = arith.extui %eq3A_53 : i1 to i32
    %cond3A_55 = arith.constant 0 : i32
    %cond3A_56 = arith.cmpi ne, %convert_element_type3A_54, %cond3A_55 : i32
    scf.if %cond3A_56 {
      %add3A = arith.constant 0 : i32
      %add3A_89 = arith.addi %mul3A_0, %add3A : i32
      %dma_start3A = tpu.memref_slice %arg2[%add3A_89] : memref<192000xi32, #tpu.memory_space<hbm>> -> memref<160xi32, #tpu.memory_space<hbm>>
      %dma_start3A_90 = tpu.memref_slice %arg2[%add3A_89] : memref<192000xi32, #tpu.memory_space<hbm>> -> memref<160xi32, #tpu.memory_space<hbm>>
      tpu.enqueue_dma source(%dma_start3A_90 : memref<160xi32, #tpu.memory_space<hbm>>) target(%arg13 : memref<160xi32, #tpu.memory_space<vmem>>) target_semaphore(%arg17 : memref<!tpu.dma_semaphore, #tpu.memory_space<semaphore_mem>>)
      %dma_start3A_91 = arith.constant 0 : i32
      %dma_start3A_92 = tpu.memref_slice %arg5[%add3A_89, %dma_start3A_91] : memref<192000x128xf32, #tpu.memory_space<hbm>> -> memref<160x128xf32, #tpu.memory_space<hbm>>
      %dma_start3A_93 = arith.constant 0 : i32
      %dma_start3A_94 = tpu.memref_slice %arg5[%add3A_89, %dma_start3A_93] : memref<192000x128xf32, #tpu.memory_space<hbm>> -> memref<160x128xf32, #tpu.memory_space<hbm>>
      tpu.enqueue_dma source(%dma_start3A_94 : memref<160x128xf32, #tpu.memory_space<hbm>>) target(%arg15 : memref<160x128xf32, #tpu.memory_space<vmem>>) target_semaphore(%arg19 : memref<!tpu.dma_semaphore, #tpu.memory_space<semaphore_mem>>)
      %scan3A = arith.constant 0 : i32
      %scan3A_95 = arith.constant 37 : i32
      %scan3A_96 = arith.addi %scan3A, %scan3A_95 : i32
      %scan3A_97 = arith.constant 1 : i32
      scf.for %scan3A_108 = %scan3A to %scan3A_96 step %scan3A_97  : i32 {
        %mul3A_109 = arith.constant 2 : i32
        %mul3A_110 = arith.muli %scan3A_108, %mul3A_109 : i32
        %add3A_111 = arith.constant 0 : i32
        %add3A_112 = arith.addi %add3A_111, %mul3A_110 : i32
        %add3A_113 = arith.constant 1 : i32
        %add3A_114 = arith.addi %add3A_112, %add3A_113 : i32
        %mul3A_115 = arith.constant 160 : i32
        %mul3A_116 = arith.muli %add3A_114, %mul3A_115 : i32
        %add3A_117 = arith.addi %mul3A_0, %mul3A_116 : i32
        %dma_start3A_118 = tpu.memref_slice %arg2[%add3A_117] : memref<192000xi32, #tpu.memory_space<hbm>> -> memref<160xi32, #tpu.memory_space<hbm>>
        %dma_start3A_119 = tpu.memref_slice %arg2[%add3A_117] : memref<192000xi32, #tpu.memory_space<hbm>> -> memref<160xi32, #tpu.memory_space<hbm>>
        tpu.enqueue_dma source(%dma_start3A_119 : memref<160xi32, #tpu.memory_space<hbm>>) target(%arg14 : memref<160xi32, #tpu.memory_space<vmem>>) target_semaphore(%arg18 : memref<!tpu.dma_semaphore, #tpu.memory_space<semaphore_mem>>)
        %dma_start3A_120 = arith.constant 0 : i32
        %dma_start3A_121 = tpu.memref_slice %arg5[%add3A_117, %dma_start3A_120] : memref<192000x128xf32, #tpu.memory_space<hbm>> -> memref<160x128xf32, #tpu.memory_space<hbm>>
        %dma_start3A_122 = arith.constant 0 : i32
        %dma_start3A_123 = tpu.memref_slice %arg5[%add3A_117, %dma_start3A_122] : memref<192000x128xf32, #tpu.memory_space<hbm>> -> memref<160x128xf32, #tpu.memory_space<hbm>>
        tpu.enqueue_dma source(%dma_start3A_123 : memref<160x128xf32, #tpu.memory_space<hbm>>) target(%arg16 : memref<160x128xf32, #tpu.memory_space<vmem>>) target_semaphore(%arg20 : memref<!tpu.dma_semaphore, #tpu.memory_space<semaphore_mem>>)
        %dma_wait3A_124 = arith.constant 0 : i32
        %dma_wait3A_125 = tpu.memref_slice %arg2[%dma_wait3A_124] : memref<192000xi32, #tpu.memory_space<hbm>> -> memref<160xi32, #tpu.memory_space<hbm>>
        %dma_wait3A_126 = arith.constant 0 : i32
        %dma_wait3A_127 = tpu.memref_slice %arg2[%dma_wait3A_126] : memref<192000xi32, #tpu.memory_space<hbm>> -> memref<160xi32, #tpu.memory_space<hbm>>
        tpu.wait_dma2 semaphore(%arg17 : memref<!tpu.dma_semaphore, #tpu.memory_space<semaphore_mem>>) src(%dma_wait3A_127 : memref<160xi32, #tpu.memory_space<hbm>>) dst(%arg13 : memref<160xi32, #tpu.memory_space<vmem>>)
        %dma_wait3A_128 = arith.constant 0 : i32
        %dma_wait3A_129 = arith.constant 0 : i32
        %dma_wait3A_130 = tpu.memref_slice %arg5[%dma_wait3A_128, %dma_wait3A_129] : memref<192000x128xf32, #tpu.memory_space<hbm>> -> memref<160x128xf32, #tpu.memory_space<hbm>>
        %dma_wait3A_131 = arith.constant 0 : i32
        %dma_wait3A_132 = arith.constant 0 : i32
        %dma_wait3A_133 = tpu.memref_slice %arg5[%dma_wait3A_131, %dma_wait3A_132] : memref<192000x128xf32, #tpu.memory_space<hbm>> -> memref<160x128xf32, #tpu.memory_space<hbm>>
        tpu.wait_dma2 semaphore(%arg19 : memref<!tpu.dma_semaphore, #tpu.memory_space<semaphore_mem>>) src(%dma_wait3A_133 : memref<160x128xf32, #tpu.memory_space<hbm>>) dst(%arg15 : memref<160x128xf32, #tpu.memory_space<vmem>>)
        "tpu.region"() ({
          %run_scoped3A = tpu.sem_alloc : memref<!tpu.dma_semaphore, #tpu.memory_space<semaphore_mem>>
          %dma_start3A_157 = arith.constant 0 : i32
          %dma_start3A_158 = arith.constant 0 : i32
          %dma_start3A_159 = tpu.memref_slice %arg12[%dma_start3A_157, %dma_start3A_158] : memref<10000x128xf32, #tpu.memory_space<vmem_shared>> -> memref<10000x128xf32, #tpu.memory_space<vmem_shared>>
          tpu.enqueue_indirect_dma source(%arg15 : memref<160x128xf32, #tpu.memory_space<vmem>>) target(%dma_start3A_159 : memref<10000x128xf32, #tpu.memory_space<vmem_shared>>) offsets(%arg13 : memref<160xi32, #tpu.memory_space<vmem>>) semaphore(%run_scoped3A : memref<!tpu.dma_semaphore, #tpu.memory_space<semaphore_mem>>) {add = true}
          %dma_wait3A_160 = arith.constant 0 : i32
          %dma_wait3A_161 = arith.constant 0 : i32
          %dma_wait3A_162 = tpu.memref_slice %arg12[%dma_wait3A_160, %dma_wait3A_161] : memref<10000x128xf32, #tpu.memory_space<vmem_shared>> -> memref<10000x128xf32, #tpu.memory_space<vmem_shared>>
          tpu.wait_indirect_dma semaphore(%run_scoped3A : memref<!tpu.dma_semaphore, #tpu.memory_space<semaphore_mem>>) src(%arg15 : memref<160x128xf32, #tpu.memory_space<vmem>>) dst(%dma_wait3A_162 : memref<10000x128xf32, #tpu.memory_space<vmem_shared>>)
          tpu.yield
        }) : () -> ()
        %add3A_134 = arith.constant 2 : i32
        %add3A_135 = arith.addi %add3A_112, %add3A_134 : i32
        %mul3A_136 = arith.constant 160 : i32
        %mul3A_137 = arith.muli %add3A_135, %mul3A_136 : i32
        %add3A_138 = arith.addi %mul3A_0, %mul3A_137 : i32
        %dma_start3A_139 = tpu.memref_slice %arg2[%add3A_138] : memref<192000xi32, #tpu.memory_space<hbm>> -> memref<160xi32, #tpu.memory_space<hbm>>
        %dma_start3A_140 = tpu.memref_slice %arg2[%add3A_138] : memref<192000xi32, #tpu.memory_space<hbm>> -> memref<160xi32, #tpu.memory_space<hbm>>
        tpu.enqueue_dma source(%dma_start3A_140 : memref<160xi32, #tpu.memory_space<hbm>>) target(%arg13 : memref<160xi32, #tpu.memory_space<vmem>>) target_semaphore(%arg17 : memref<!tpu.dma_semaphore, #tpu.memory_space<semaphore_mem>>)
        %dma_start3A_141 = arith.constant 0 : i32
        %dma_start3A_142 = tpu.memref_slice %arg5[%add3A_138, %dma_start3A_141] : memref<192000x128xf32, #tpu.memory_space<hbm>> -> memref<160x128xf32, #tpu.memory_space<hbm>>
        %dma_start3A_143 = arith.constant 0 : i32
        %dma_start3A_144 = tpu.memref_slice %arg5[%add3A_138, %dma_start3A_143] : memref<192000x128xf32, #tpu.memory_space<hbm>> -> memref<160x128xf32, #tpu.memory_space<hbm>>
        tpu.enqueue_dma source(%dma_start3A_144 : memref<160x128xf32, #tpu.memory_space<hbm>>) target(%arg15 : memref<160x128xf32, #tpu.memory_space<vmem>>) target_semaphore(%arg19 : memref<!tpu.dma_semaphore, #tpu.memory_space<semaphore_mem>>)
        %add3A_145 = arith.constant 1 : i32
        %add3A_146 = arith.addi %add3A_112, %add3A_145 : i32
        %dma_wait3A_147 = arith.constant 0 : i32
        %dma_wait3A_148 = tpu.memref_slice %arg2[%dma_wait3A_147] : memref<192000xi32, #tpu.memory_space<hbm>> -> memref<160xi32, #tpu.memory_space<hbm>>
        %dma_wait3A_149 = arith.constant 0 : i32
        %dma_wait3A_150 = tpu.memref_slice %arg2[%dma_wait3A_149] : memref<192000xi32, #tpu.memory_space<hbm>> -> memref<160xi32, #tpu.memory_space<hbm>>
        tpu.wait_dma2 semaphore(%arg18 : memref<!tpu.dma_semaphore, #tpu.memory_space<semaphore_mem>>) src(%dma_wait3A_150 : memref<160xi32, #tpu.memory_space<hbm>>) dst(%arg14 : memref<160xi32, #tpu.memory_space<vmem>>)
        %dma_wait3A_151 = arith.constant 0 : i32
        %dma_wait3A_152 = arith.constant 0 : i32
        %dma_wait3A_153 = tpu.memref_slice %arg5[%dma_wait3A_151, %dma_wait3A_152] : memref<192000x128xf32, #tpu.memory_space<hbm>> -> memref<160x128xf32, #tpu.memory_space<hbm>>
        %dma_wait3A_154 = arith.constant 0 : i32
        %dma_wait3A_155 = arith.constant 0 : i32
        %dma_wait3A_156 = tpu.memref_slice %arg5[%dma_wait3A_154, %dma_wait3A_155] : memref<192000x128xf32, #tpu.memory_space<hbm>> -> memref<160x128xf32, #tpu.memory_space<hbm>>
        tpu.wait_dma2 semaphore(%arg20 : memref<!tpu.dma_semaphore, #tpu.memory_space<semaphore_mem>>) src(%dma_wait3A_156 : memref<160x128xf32, #tpu.memory_space<hbm>>) dst(%arg16 : memref<160x128xf32, #tpu.memory_space<vmem>>)
        "tpu.region"() ({
          %run_scoped3A = tpu.sem_alloc : memref<!tpu.dma_semaphore, #tpu.memory_space<semaphore_mem>>
          %dma_start3A_157 = arith.constant 0 : i32
          %dma_start3A_158 = arith.constant 0 : i32
          %dma_start3A_159 = tpu.memref_slice %arg12[%dma_start3A_157, %dma_start3A_158] : memref<10000x128xf32, #tpu.memory_space<vmem_shared>> -> memref<10000x128xf32, #tpu.memory_space<vmem_shared>>
          tpu.enqueue_indirect_dma source(%arg16 : memref<160x128xf32, #tpu.memory_space<vmem>>) target(%dma_start3A_159 : memref<10000x128xf32, #tpu.memory_space<vmem_shared>>) offsets(%arg14 : memref<160xi32, #tpu.memory_space<vmem>>) semaphore(%run_scoped3A : memref<!tpu.dma_semaphore, #tpu.memory_space<semaphore_mem>>) {add = true}
          %dma_wait3A_160 = arith.constant 0 : i32
          %dma_wait3A_161 = arith.constant 0 : i32
          %dma_wait3A_162 = tpu.memref_slice %arg12[%dma_wait3A_160, %dma_wait3A_161] : memref<10000x128xf32, #tpu.memory_space<vmem_shared>> -> memref<10000x128xf32, #tpu.memory_space<vmem_shared>>
          tpu.wait_indirect_dma semaphore(%run_scoped3A : memref<!tpu.dma_semaphore, #tpu.memory_space<semaphore_mem>>) src(%arg16 : memref<160x128xf32, #tpu.memory_space<vmem>>) dst(%dma_wait3A_162 : memref<10000x128xf32, #tpu.memory_space<vmem_shared>>)
          tpu.yield
        }) : () -> ()
      }
      %scan3A_98 = arith.constant 37 : i32
      %dma_wait3A = arith.constant 0 : i32
      %dma_wait3A_99 = tpu.memref_slice %arg2[%dma_wait3A] : memref<192000xi32, #tpu.memory_space<hbm>> -> memref<160xi32, #tpu.memory_space<hbm>>
      %dma_wait3A_100 = arith.constant 0 : i32
      %dma_wait3A_101 = tpu.memref_slice %arg2[%dma_wait3A_100] : memref<192000xi32, #tpu.memory_space<hbm>> -> memref<160xi32, #tpu.memory_space<hbm>>
      tpu.wait_dma2 semaphore(%arg17 : memref<!tpu.dma_semaphore, #tpu.memory_space<semaphore_mem>>) src(%dma_wait3A_101 : memref<160xi32, #tpu.memory_space<hbm>>) dst(%arg13 : memref<160xi32, #tpu.memory_space<vmem>>)
      %dma_wait3A_102 = arith.constant 0 : i32
      %dma_wait3A_103 = arith.constant 0 : i32
      %dma_wait3A_104 = tpu.memref_slice %arg5[%dma_wait3A_102, %dma_wait3A_103] : memref<192000x128xf32, #tpu.memory_space<hbm>> -> memref<160x128xf32, #tpu.memory_space<hbm>>
      %dma_wait3A_105 = arith.constant 0 : i32
      %dma_wait3A_106 = arith.constant 0 : i32
      %dma_wait3A_107 = tpu.memref_slice %arg5[%dma_wait3A_105, %dma_wait3A_106] : memref<192000x128xf32, #tpu.memory_space<hbm>> -> memref<160x128xf32, #tpu.memory_space<hbm>>
      tpu.wait_dma2 semaphore(%arg19 : memref<!tpu.dma_semaphore, #tpu.memory_space<semaphore_mem>>) src(%dma_wait3A_107 : memref<160x128xf32, #tpu.memory_space<hbm>>) dst(%arg15 : memref<160x128xf32, #tpu.memory_space<vmem>>)
      "tpu.region"() ({
        %run_scoped3A = tpu.sem_alloc : memref<!tpu.dma_semaphore, #tpu.memory_space<semaphore_mem>>
        %dma_start3A_108 = arith.constant 0 : i32
        %dma_start3A_109 = arith.constant 0 : i32
        %dma_start3A_110 = tpu.memref_slice %arg12[%dma_start3A_108, %dma_start3A_109] : memref<10000x128xf32, #tpu.memory_space<vmem_shared>> -> memref<10000x128xf32, #tpu.memory_space<vmem_shared>>
        tpu.enqueue_indirect_dma source(%arg15 : memref<160x128xf32, #tpu.memory_space<vmem>>) target(%dma_start3A_110 : memref<10000x128xf32, #tpu.memory_space<vmem_shared>>) offsets(%arg13 : memref<160xi32, #tpu.memory_space<vmem>>) semaphore(%run_scoped3A : memref<!tpu.dma_semaphore, #tpu.memory_space<semaphore_mem>>) {add = true}
        %dma_wait3A_111 = arith.constant 0 : i32
        %dma_wait3A_112 = arith.constant 0 : i32
        %dma_wait3A_113 = tpu.memref_slice %arg12[%dma_wait3A_111, %dma_wait3A_112] : memref<10000x128xf32, #tpu.memory_space<vmem_shared>> -> memref<10000x128xf32, #tpu.memory_space<vmem_shared>>
        tpu.wait_indirect_dma semaphore(%run_scoped3A : memref<!tpu.dma_semaphore, #tpu.memory_space<semaphore_mem>>) src(%arg15 : memref<160x128xf32, #tpu.memory_space<vmem>>) dst(%dma_wait3A_113 : memref<10000x128xf32, #tpu.memory_space<vmem_shared>>)
        tpu.yield
      }) : () -> ()
    } else {
    }
    %barrier3A_57 = arith.constant 0 : index
    tpu.barrier barrier_id(%barrier3A_57)
    %eq3A_58 = arith.constant 0 : i32
    %eq3A_59 = arith.cmpi eq, %arg0, %eq3A_58 : i32
    %lt3A_60 = arith.constant 10 : i32
    %lt3A_61 = arith.cmpi slt, %arg1, %lt3A_60 : i32
    %and3A_62 = arith.andi %eq3A_59, %lt3A_61 : i1
    %convert_element_type3A_63 = arith.extui %and3A_62 : i1 to i32
    %cond3A_64 = arith.constant 0 : i32
    %cond3A_65 = arith.cmpi ne, %convert_element_type3A_63, %cond3A_64 : i32
    scf.if %cond3A_65 {
      "tpu.region"() ({
        %run_scoped3A = tpu.sem_alloc : memref<!tpu.dma_semaphore, #tpu.memory_space<semaphore_mem>>
        %dma_start3A = arith.constant 0 : i32
        %dma_start3A_89 = tpu.memref_slice %arg10[%mul3A_2, %dma_start3A] : memref<10000x128xf32, #tpu.memory_space<hbm>> -> memref<1000x128xf32, #tpu.memory_space<hbm>>
        %dma_start3A_90 = arith.constant 0 : i32
        %dma_start3A_91 = tpu.memref_slice %arg12[%mul3A_2, %dma_start3A_90] : memref<10000x128xf32, #tpu.memory_space<vmem_shared>> -> memref<1000x128xf32, #tpu.memory_space<vmem_shared>>
        tpu.enqueue_dma source(%dma_start3A_91 : memref<1000x128xf32, #tpu.memory_space<vmem_shared>>) target(%dma_start3A_89 : memref<1000x128xf32, #tpu.memory_space<hbm>>) target_semaphore(%run_scoped3A : memref<!tpu.dma_semaphore, #tpu.memory_space<semaphore_mem>>)
        %dma_wait3A = arith.constant 0 : i32
        %dma_wait3A_92 = tpu.memref_slice %arg10[%mul3A_2, %dma_wait3A] : memref<10000x128xf32, #tpu.memory_space<hbm>> -> memref<1000x128xf32, #tpu.memory_space<hbm>>
        %dma_wait3A_93 = arith.constant 0 : i32
        %dma_wait3A_94 = tpu.memref_slice %arg12[%mul3A_2, %dma_wait3A_93] : memref<10000x128xf32, #tpu.memory_space<vmem_shared>> -> memref<1000x128xf32, #tpu.memory_space<vmem_shared>>
        tpu.wait_dma2 semaphore(%run_scoped3A : memref<!tpu.dma_semaphore, #tpu.memory_space<semaphore_mem>>) src(%dma_wait3A_94 : memref<1000x128xf32, #tpu.memory_space<vmem_shared>>) dst(%dma_wait3A_92 : memref<1000x128xf32, #tpu.memory_space<hbm>>)
        tpu.yield
      }) : () -> ()
    } else {
    }
    %eq3A_66 = arith.constant 1 : i32
    %eq3A_67 = arith.cmpi eq, %arg0, %eq3A_66 : i32
    %lt3A_68 = arith.constant 10 : i32
    %lt3A_69 = arith.cmpi slt, %arg1, %lt3A_68 : i32
    %and3A_70 = arith.andi %eq3A_67, %lt3A_69 : i1
    %convert_element_type3A_71 = arith.extui %and3A_70 : i1 to i32
    %cond3A_72 = arith.constant 0 : i32
    %cond3A_73 = arith.cmpi ne, %convert_element_type3A_71, %cond3A_72 : i32
    scf.if %cond3A_73 {
      "tpu.region"() ({
        %run_scoped3A = tpu.sem_alloc : memref<!tpu.dma_semaphore, #tpu.memory_space<semaphore_mem>>
        %dma_start3A = arith.constant 0 : i32
        %dma_start3A_89 = tpu.memref_slice %arg12[%mul3A_2, %dma_start3A] : memref<10000x128xf32, #tpu.memory_space<vmem_shared>> -> memref<1000x128xf32, #tpu.memory_space<vmem_shared>>
        %dma_start3A_90 = arith.constant 0 : i32
        %dma_start3A_91 = tpu.memref_slice %arg7[%mul3A_2, %dma_start3A_90] : memref<10000x128xf32, #tpu.memory_space<hbm>> -> memref<1000x128xf32, #tpu.memory_space<hbm>>
        tpu.enqueue_dma source(%dma_start3A_91 : memref<1000x128xf32, #tpu.memory_space<hbm>>) target(%dma_start3A_89 : memref<1000x128xf32, #tpu.memory_space<vmem_shared>>) target_semaphore(%run_scoped3A : memref<!tpu.dma_semaphore, #tpu.memory_space<semaphore_mem>>)
        %dma_wait3A = arith.constant 0 : i32
        %dma_wait3A_92 = tpu.memref_slice %arg12[%mul3A_2, %dma_wait3A] : memref<10000x128xf32, #tpu.memory_space<vmem_shared>> -> memref<1000x128xf32, #tpu.memory_space<vmem_shared>>
        %dma_wait3A_93 = arith.constant 0 : i32
        %dma_wait3A_94 = tpu.memref_slice %arg7[%mul3A_2, %dma_wait3A_93] : memref<10000x128xf32, #tpu.memory_space<hbm>> -> memref<1000x128xf32, #tpu.memory_space<hbm>>
        tpu.wait_dma2 semaphore(%run_scoped3A : memref<!tpu.dma_semaphore, #tpu.memory_space<semaphore_mem>>) src(%dma_wait3A_94 : memref<1000x128xf32, #tpu.memory_space<hbm>>) dst(%dma_wait3A_92 : memref<1000x128xf32, #tpu.memory_space<vmem_shared>>)
        tpu.yield
      }) : () -> ()
    } else {
    }
    %barrier3A_74 = arith.constant 0 : index
    tpu.barrier barrier_id(%barrier3A_74)
    %eq3A_75 = arith.constant 1 : i32
    %eq3A_76 = arith.cmpi eq, %arg0, %eq3A_75 : i32
    %convert_element_type3A_77 = arith.extui %eq3A_76 : i1 to i32
    %cond3A_78 = arith.constant 0 : i32
    %cond3A_79 = arith.cmpi ne, %convert_element_type3A_77, %cond3A_78 : i32
    scf.if %cond3A_79 {
      %add3A = arith.constant 0 : i32
      %add3A_89 = arith.addi %mul3A_0, %add3A : i32
      %dma_start3A = tpu.memref_slice %arg2[%add3A_89] : memref<192000xi32, #tpu.memory_space<hbm>> -> memref<160xi32, #tpu.memory_space<hbm>>
      %dma_start3A_90 = tpu.memref_slice %arg2[%add3A_89] : memref<192000xi32, #tpu.memory_space<hbm>> -> memref<160xi32, #tpu.memory_space<hbm>>
      tpu.enqueue_dma source(%dma_start3A_90 : memref<160xi32, #tpu.memory_space<hbm>>) target(%arg13 : memref<160xi32, #tpu.memory_space<vmem>>) target_semaphore(%arg17 : memref<!tpu.dma_semaphore, #tpu.memory_space<semaphore_mem>>)
      %dma_start3A_91 = arith.constant 0 : i32
      %dma_start3A_92 = tpu.memref_slice %arg6[%add3A_89, %dma_start3A_91] : memref<192000x128xf32, #tpu.memory_space<hbm>> -> memref<160x128xf32, #tpu.memory_space<hbm>>
      %dma_start3A_93 = arith.constant 0 : i32
      %dma_start3A_94 = tpu.memref_slice %arg6[%add3A_89, %dma_start3A_93] : memref<192000x128xf32, #tpu.memory_space<hbm>> -> memref<160x128xf32, #tpu.memory_space<hbm>>
      tpu.enqueue_dma source(%dma_start3A_94 : memref<160x128xf32, #tpu.memory_space<hbm>>) target(%arg15 : memref<160x128xf32, #tpu.memory_space<vmem>>) target_semaphore(%arg19 : memref<!tpu.dma_semaphore, #tpu.memory_space<semaphore_mem>>)
      %scan3A = arith.constant 0 : i32
      %scan3A_95 = arith.constant 37 : i32
      %scan3A_96 = arith.addi %scan3A, %scan3A_95 : i32
      %scan3A_97 = arith.constant 1 : i32
      scf.for %scan3A_108 = %scan3A to %scan3A_96 step %scan3A_97  : i32 {
        %mul3A_109 = arith.constant 2 : i32
        %mul3A_110 = arith.muli %scan3A_108, %mul3A_109 : i32
        %add3A_111 = arith.constant 0 : i32
        %add3A_112 = arith.addi %add3A_111, %mul3A_110 : i32
        %add3A_113 = arith.constant 1 : i32
        %add3A_114 = arith.addi %add3A_112, %add3A_113 : i32
        %mul3A_115 = arith.constant 160 : i32
        %mul3A_116 = arith.muli %add3A_114, %mul3A_115 : i32
        %add3A_117 = arith.addi %mul3A_0, %mul3A_116 : i32
        %dma_start3A_118 = tpu.memref_slice %arg2[%add3A_117] : memref<192000xi32, #tpu.memory_space<hbm>> -> memref<160xi32, #tpu.memory_space<hbm>>
        %dma_start3A_119 = tpu.memref_slice %arg2[%add3A_117] : memref<192000xi32, #tpu.memory_space<hbm>> -> memref<160xi32, #tpu.memory_space<hbm>>
        tpu.enqueue_dma source(%dma_start3A_119 : memref<160xi32, #tpu.memory_space<hbm>>) target(%arg14 : memref<160xi32, #tpu.memory_space<vmem>>) target_semaphore(%arg18 : memref<!tpu.dma_semaphore, #tpu.memory_space<semaphore_mem>>)
        %dma_start3A_120 = arith.constant 0 : i32
        %dma_start3A_121 = tpu.memref_slice %arg6[%add3A_117, %dma_start3A_120] : memref<192000x128xf32, #tpu.memory_space<hbm>> -> memref<160x128xf32, #tpu.memory_space<hbm>>
        %dma_start3A_122 = arith.constant 0 : i32
        %dma_start3A_123 = tpu.memref_slice %arg6[%add3A_117, %dma_start3A_122] : memref<192000x128xf32, #tpu.memory_space<hbm>> -> memref<160x128xf32, #tpu.memory_space<hbm>>
        tpu.enqueue_dma source(%dma_start3A_123 : memref<160x128xf32, #tpu.memory_space<hbm>>) target(%arg16 : memref<160x128xf32, #tpu.memory_space<vmem>>) target_semaphore(%arg20 : memref<!tpu.dma_semaphore, #tpu.memory_space<semaphore_mem>>)
        %dma_wait3A_124 = arith.constant 0 : i32
        %dma_wait3A_125 = tpu.memref_slice %arg2[%dma_wait3A_124] : memref<192000xi32, #tpu.memory_space<hbm>> -> memref<160xi32, #tpu.memory_space<hbm>>
        %dma_wait3A_126 = arith.constant 0 : i32
        %dma_wait3A_127 = tpu.memref_slice %arg2[%dma_wait3A_126] : memref<192000xi32, #tpu.memory_space<hbm>> -> memref<160xi32, #tpu.memory_space<hbm>>
        tpu.wait_dma2 semaphore(%arg17 : memref<!tpu.dma_semaphore, #tpu.memory_space<semaphore_mem>>) src(%dma_wait3A_127 : memref<160xi32, #tpu.memory_space<hbm>>) dst(%arg13 : memref<160xi32, #tpu.memory_space<vmem>>)
        %dma_wait3A_128 = arith.constant 0 : i32
        %dma_wait3A_129 = arith.constant 0 : i32
        %dma_wait3A_130 = tpu.memref_slice %arg6[%dma_wait3A_128, %dma_wait3A_129] : memref<192000x128xf32, #tpu.memory_space<hbm>> -> memref<160x128xf32, #tpu.memory_space<hbm>>
        %dma_wait3A_131 = arith.constant 0 : i32
        %dma_wait3A_132 = arith.constant 0 : i32
        %dma_wait3A_133 = tpu.memref_slice %arg6[%dma_wait3A_131, %dma_wait3A_132] : memref<192000x128xf32, #tpu.memory_space<hbm>> -> memref<160x128xf32, #tpu.memory_space<hbm>>
        tpu.wait_dma2 semaphore(%arg19 : memref<!tpu.dma_semaphore, #tpu.memory_space<semaphore_mem>>) src(%dma_wait3A_133 : memref<160x128xf32, #tpu.memory_space<hbm>>) dst(%arg15 : memref<160x128xf32, #tpu.memory_space<vmem>>)
        "tpu.region"() ({
          %run_scoped3A = tpu.sem_alloc : memref<!tpu.dma_semaphore, #tpu.memory_space<semaphore_mem>>
          %dma_start3A_157 = arith.constant 0 : i32
          %dma_start3A_158 = arith.constant 0 : i32
          %dma_start3A_159 = tpu.memref_slice %arg12[%dma_start3A_157, %dma_start3A_158] : memref<10000x128xf32, #tpu.memory_space<vmem_shared>> -> memref<10000x128xf32, #tpu.memory_space<vmem_shared>>
          tpu.enqueue_indirect_dma source(%arg15 : memref<160x128xf32, #tpu.memory_space<vmem>>) target(%dma_start3A_159 : memref<10000x128xf32, #tpu.memory_space<vmem_shared>>) offsets(%arg13 : memref<160xi32, #tpu.memory_space<vmem>>) semaphore(%run_scoped3A : memref<!tpu.dma_semaphore, #tpu.memory_space<semaphore_mem>>) {add = true}
          %dma_wait3A_160 = arith.constant 0 : i32
          %dma_wait3A_161 = arith.constant 0 : i32
          %dma_wait3A_162 = tpu.memref_slice %arg12[%dma_wait3A_160, %dma_wait3A_161] : memref<10000x128xf32, #tpu.memory_space<vmem_shared>> -> memref<10000x128xf32, #tpu.memory_space<vmem_shared>>
          tpu.wait_indirect_dma semaphore(%run_scoped3A : memref<!tpu.dma_semaphore, #tpu.memory_space<semaphore_mem>>) src(%arg15 : memref<160x128xf32, #tpu.memory_space<vmem>>) dst(%dma_wait3A_162 : memref<10000x128xf32, #tpu.memory_space<vmem_shared>>)
          tpu.yield
        }) : () -> ()
        %add3A_134 = arith.constant 2 : i32
        %add3A_135 = arith.addi %add3A_112, %add3A_134 : i32
        %mul3A_136 = arith.constant 160 : i32
        %mul3A_137 = arith.muli %add3A_135, %mul3A_136 : i32
        %add3A_138 = arith.addi %mul3A_0, %mul3A_137 : i32
        %dma_start3A_139 = tpu.memref_slice %arg2[%add3A_138] : memref<192000xi32, #tpu.memory_space<hbm>> -> memref<160xi32, #tpu.memory_space<hbm>>
        %dma_start3A_140 = tpu.memref_slice %arg2[%add3A_138] : memref<192000xi32, #tpu.memory_space<hbm>> -> memref<160xi32, #tpu.memory_space<hbm>>
        tpu.enqueue_dma source(%dma_start3A_140 : memref<160xi32, #tpu.memory_space<hbm>>) target(%arg13 : memref<160xi32, #tpu.memory_space<vmem>>) target_semaphore(%arg17 : memref<!tpu.dma_semaphore, #tpu.memory_space<semaphore_mem>>)
        %dma_start3A_141 = arith.constant 0 : i32
        %dma_start3A_142 = tpu.memref_slice %arg6[%add3A_138, %dma_start3A_141] : memref<192000x128xf32, #tpu.memory_space<hbm>> -> memref<160x128xf32, #tpu.memory_space<hbm>>
        %dma_start3A_143 = arith.constant 0 : i32
        %dma_start3A_144 = tpu.memref_slice %arg6[%add3A_138, %dma_start3A_143] : memref<192000x128xf32, #tpu.memory_space<hbm>> -> memref<160x128xf32, #tpu.memory_space<hbm>>
        tpu.enqueue_dma source(%dma_start3A_144 : memref<160x128xf32, #tpu.memory_space<hbm>>) target(%arg15 : memref<160x128xf32, #tpu.memory_space<vmem>>) target_semaphore(%arg19 : memref<!tpu.dma_semaphore, #tpu.memory_space<semaphore_mem>>)
        %add3A_145 = arith.constant 1 : i32
        %add3A_146 = arith.addi %add3A_112, %add3A_145 : i32
        %dma_wait3A_147 = arith.constant 0 : i32
        %dma_wait3A_148 = tpu.memref_slice %arg2[%dma_wait3A_147] : memref<192000xi32, #tpu.memory_space<hbm>> -> memref<160xi32, #tpu.memory_space<hbm>>
        %dma_wait3A_149 = arith.constant 0 : i32
        %dma_wait3A_150 = tpu.memref_slice %arg2[%dma_wait3A_149] : memref<192000xi32, #tpu.memory_space<hbm>> -> memref<160xi32, #tpu.memory_space<hbm>>
        tpu.wait_dma2 semaphore(%arg18 : memref<!tpu.dma_semaphore, #tpu.memory_space<semaphore_mem>>) src(%dma_wait3A_150 : memref<160xi32, #tpu.memory_space<hbm>>) dst(%arg14 : memref<160xi32, #tpu.memory_space<vmem>>)
        %dma_wait3A_151 = arith.constant 0 : i32
        %dma_wait3A_152 = arith.constant 0 : i32
        %dma_wait3A_153 = tpu.memref_slice %arg6[%dma_wait3A_151, %dma_wait3A_152] : memref<192000x128xf32, #tpu.memory_space<hbm>> -> memref<160x128xf32, #tpu.memory_space<hbm>>
        %dma_wait3A_154 = arith.constant 0 : i32
        %dma_wait3A_155 = arith.constant 0 : i32
        %dma_wait3A_156 = tpu.memref_slice %arg6[%dma_wait3A_154, %dma_wait3A_155] : memref<192000x128xf32, #tpu.memory_space<hbm>> -> memref<160x128xf32, #tpu.memory_space<hbm>>
        tpu.wait_dma2 semaphore(%arg20 : memref<!tpu.dma_semaphore, #tpu.memory_space<semaphore_mem>>) src(%dma_wait3A_156 : memref<160x128xf32, #tpu.memory_space<hbm>>) dst(%arg16 : memref<160x128xf32, #tpu.memory_space<vmem>>)
        "tpu.region"() ({
          %run_scoped3A = tpu.sem_alloc : memref<!tpu.dma_semaphore, #tpu.memory_space<semaphore_mem>>
          %dma_start3A_157 = arith.constant 0 : i32
          %dma_start3A_158 = arith.constant 0 : i32
          %dma_start3A_159 = tpu.memref_slice %arg12[%dma_start3A_157, %dma_start3A_158] : memref<10000x128xf32, #tpu.memory_space<vmem_shared>> -> memref<10000x128xf32, #tpu.memory_space<vmem_shared>>
          tpu.enqueue_indirect_dma source(%arg16 : memref<160x128xf32, #tpu.memory_space<vmem>>) target(%dma_start3A_159 : memref<10000x128xf32, #tpu.memory_space<vmem_shared>>) offsets(%arg14 : memref<160xi32, #tpu.memory_space<vmem>>) semaphore(%run_scoped3A : memref<!tpu.dma_semaphore, #tpu.memory_space<semaphore_mem>>) {add = true}
          %dma_wait3A_160 = arith.constant 0 : i32
          %dma_wait3A_161 = arith.constant 0 : i32
          %dma_wait3A_162 = tpu.memref_slice %arg12[%dma_wait3A_160, %dma_wait3A_161] : memref<10000x128xf32, #tpu.memory_space<vmem_shared>> -> memref<10000x128xf32, #tpu.memory_space<vmem_shared>>
          tpu.wait_indirect_dma semaphore(%run_scoped3A : memref<!tpu.dma_semaphore, #tpu.memory_space<semaphore_mem>>) src(%arg16 : memref<160x128xf32, #tpu.memory_space<vmem>>) dst(%dma_wait3A_162 : memref<10000x128xf32, #tpu.memory_space<vmem_shared>>)
          tpu.yield
        }) : () -> ()
      }
      %scan3A_98 = arith.constant 37 : i32
      %dma_wait3A = arith.constant 0 : i32
      %dma_wait3A_99 = tpu.memref_slice %arg2[%dma_wait3A] : memref<192000xi32, #tpu.memory_space<hbm>> -> memref<160xi32, #tpu.memory_space<hbm>>
      %dma_wait3A_100 = arith.constant 0 : i32
      %dma_wait3A_101 = tpu.memref_slice %arg2[%dma_wait3A_100] : memref<192000xi32, #tpu.memory_space<hbm>> -> memref<160xi32, #tpu.memory_space<hbm>>
      tpu.wait_dma2 semaphore(%arg17 : memref<!tpu.dma_semaphore, #tpu.memory_space<semaphore_mem>>) src(%dma_wait3A_101 : memref<160xi32, #tpu.memory_space<hbm>>) dst(%arg13 : memref<160xi32, #tpu.memory_space<vmem>>)
      %dma_wait3A_102 = arith.constant 0 : i32
      %dma_wait3A_103 = arith.constant 0 : i32
      %dma_wait3A_104 = tpu.memref_slice %arg6[%dma_wait3A_102, %dma_wait3A_103] : memref<192000x128xf32, #tpu.memory_space<hbm>> -> memref<160x128xf32, #tpu.memory_space<hbm>>
      %dma_wait3A_105 = arith.constant 0 : i32
      %dma_wait3A_106 = arith.constant 0 : i32
      %dma_wait3A_107 = tpu.memref_slice %arg6[%dma_wait3A_105, %dma_wait3A_106] : memref<192000x128xf32, #tpu.memory_space<hbm>> -> memref<160x128xf32, #tpu.memory_space<hbm>>
      tpu.wait_dma2 semaphore(%arg19 : memref<!tpu.dma_semaphore, #tpu.memory_space<semaphore_mem>>) src(%dma_wait3A_107 : memref<160x128xf32, #tpu.memory_space<hbm>>) dst(%arg15 : memref<160x128xf32, #tpu.memory_space<vmem>>)
      "tpu.region"() ({
        %run_scoped3A = tpu.sem_alloc : memref<!tpu.dma_semaphore, #tpu.memory_space<semaphore_mem>>
        %dma_start3A_108 = arith.constant 0 : i32
        %dma_start3A_109 = arith.constant 0 : i32
        %dma_start3A_110 = tpu.memref_slice %arg12[%dma_start3A_108, %dma_start3A_109] : memref<10000x128xf32, #tpu.memory_space<vmem_shared>> -> memref<10000x128xf32, #tpu.memory_space<vmem_shared>>
        tpu.enqueue_indirect_dma source(%arg15 : memref<160x128xf32, #tpu.memory_space<vmem>>) target(%dma_start3A_110 : memref<10000x128xf32, #tpu.memory_space<vmem_shared>>) offsets(%arg13 : memref<160xi32, #tpu.memory_space<vmem>>) semaphore(%run_scoped3A : memref<!tpu.dma_semaphore, #tpu.memory_space<semaphore_mem>>) {add = true}
        %dma_wait3A_111 = arith.constant 0 : i32
        %dma_wait3A_112 = arith.constant 0 : i32
        %dma_wait3A_113 = tpu.memref_slice %arg12[%dma_wait3A_111, %dma_wait3A_112] : memref<10000x128xf32, #tpu.memory_space<vmem_shared>> -> memref<10000x128xf32, #tpu.memory_space<vmem_shared>>
        tpu.wait_indirect_dma semaphore(%run_scoped3A : memref<!tpu.dma_semaphore, #tpu.memory_space<semaphore_mem>>) src(%arg15 : memref<160x128xf32, #tpu.memory_space<vmem>>) dst(%dma_wait3A_113 : memref<10000x128xf32, #tpu.memory_space<vmem_shared>>)
        tpu.yield
      }) : () -> ()
    } else {
    }
    %barrier3A_80 = arith.constant 0 : index
    tpu.barrier barrier_id(%barrier3A_80)
    %eq3A_81 = arith.constant 1 : i32
    %eq3A_82 = arith.cmpi eq, %arg0, %eq3A_81 : i32
    %lt3A_83 = arith.constant 10 : i32
    %lt3A_84 = arith.cmpi slt, %arg1, %lt3A_83 : i32
    %and3A_85 = arith.andi %eq3A_82, %lt3A_84 : i1
    %convert_element_type3A_86 = arith.extui %and3A_85 : i1 to i32
    %cond3A_87 = arith.constant 0 : i32
    %cond3A_88 = arith.cmpi ne, %convert_element_type3A_86, %cond3A_87 : i32
    scf.if %cond3A_88 {
      "tpu.region"() ({
        %run_scoped3A = tpu.sem_alloc : memref<!tpu.dma_semaphore, #tpu.memory_space<semaphore_mem>>
        %dma_start3A = arith.constant 0 : i32
        %dma_start3A_89 = tpu.memref_slice %arg11[%mul3A_2, %dma_start3A] : memref<10000x128xf32, #tpu.memory_space<hbm>> -> memref<1000x128xf32, #tpu.memory_space<hbm>>
        %dma_start3A_90 = arith.constant 0 : i32
        %dma_start3A_91 = tpu.memref_slice %arg12[%mul3A_2, %dma_start3A_90] : memref<10000x128xf32, #tpu.memory_space<vmem_shared>> -> memref<1000x128xf32, #tpu.memory_space<vmem_shared>>
        tpu.enqueue_dma source(%dma_start3A_91 : memref<1000x128xf32, #tpu.memory_space<vmem_shared>>) target(%dma_start3A_89 : memref<1000x128xf32, #tpu.memory_space<hbm>>) target_semaphore(%run_scoped3A : memref<!tpu.dma_semaphore, #tpu.memory_space<semaphore_mem>>)
        %dma_wait3A = arith.constant 0 : i32
        %dma_wait3A_92 = tpu.memref_slice %arg11[%mul3A_2, %dma_wait3A] : memref<10000x128xf32, #tpu.memory_space<hbm>> -> memref<1000x128xf32, #tpu.memory_space<hbm>>
        %dma_wait3A_93 = arith.constant 0 : i32
        %dma_wait3A_94 = tpu.memref_slice %arg12[%mul3A_2, %dma_wait3A_93] : memref<10000x128xf32, #tpu.memory_space<vmem_shared>> -> memref<1000x128xf32, #tpu.memory_space<vmem_shared>>
        tpu.wait_dma2 semaphore(%run_scoped3A : memref<!tpu.dma_semaphore, #tpu.memory_space<semaphore_mem>>) src(%dma_wait3A_94 : memref<1000x128xf32, #tpu.memory_space<vmem_shared>>) dst(%dma_wait3A_92 : memref<1000x128xf32, #tpu.memory_space<hbm>>)
        tpu.yield
      }) : () -> ()
    } else {
    }
    return
  }
}

module attributes {stable_mosaic.version = 14 : i64} {
  func.func @_pre_body(%arg0: i32, %arg1: memref<1000x128xf32, #tpu.memory_space<vmem>>, %arg2: memref<1000x128xf32, #tpu.memory_space<vmem>>, %arg3: memref<1000x128xf32, #tpu.memory_space<vmem>>, %arg4: memref<1000x128xf32, #tpu.memory_space<vmem>>, %arg5: memref<128x128xf32, #tpu.memory_space<vmem>>, %arg6: memref<1x128xf32, #tpu.memory_space<vmem>>, %arg7: memref<1000x256xi32, #tpu.memory_space<vmem>>) attributes {dimension_semantics = [#tpu.dimension_semantics<arbitrary>], iteration_bounds = array<i64: 10>, scalar_prefetch = 0 : i64, scratch_operands = 0 : i64, tpu.core_type = #tpu.core_type<tc>, window_params = [{transform_indices = @transform_0, window_bounds = array<i64: 1000, 128>}, {transform_indices = @transform_1, window_bounds = array<i64: 1000, 128>}, {transform_indices = @transform_2, window_bounds = array<i64: 1000, 128>}, {transform_indices = @transform_3, window_bounds = array<i64: 1000, 128>}, {pipeline_mode = #tpu.pipeline_mode<synchronous>, transform_indices = @transform_4, window_bounds = array<i64: 128, 128>}, {pipeline_mode = #tpu.pipeline_mode<synchronous>, transform_indices = @transform_5, window_bounds = array<i64: 1, 128>}, {transform_indices = @transform_6, window_bounds = array<i64: 1000, 256>}]} {
    %get3A = arith.constant 0 : index
    %get3A_0 = arith.constant 0 : index
    %get3A_1 = vector.load %arg1[%get3A, %get3A_0] : memref<1000x128xf32, #tpu.memory_space<vmem>>, vector<1000x128xf32>
    %get3A_2 = arith.constant 0 : index
    %get3A_3 = arith.constant 0 : index
    %get3A_4 = vector.load %arg5[%get3A_2, %get3A_3] : memref<128x128xf32, #tpu.memory_space<vmem>>, vector<128x128xf32>
    %dot_general3A = arith.constant dense<0.000000e+00> : vector<1000x128xf32>
    %dot_general3A_5 = tpu.matmul %get3A_1, %get3A_4, %dot_general3A {dimension_numbers = #tpu.dot_dimension_numbers<[1], [0], [0], [1], [0, 0, 1, 1], [], []>, transpose_lhs_hint = false} : vector<1000x128xf32>, vector<128x128xf32>, vector<1000x128xf32> -> vector<1000x128xf32>
    %get3A_6 = arith.constant 0 : index
    %get3A_7 = arith.constant 0 : index
    %get3A_8 = vector.load %arg6[%get3A_6, %get3A_7] : memref<1x128xf32, #tpu.memory_space<vmem>>, vector<1x128xf32>
    %add3A = vector.broadcast %get3A_8 : vector<1x128xf32> to vector<1000x128xf32>
    %add3A_9 = arith.addf %dot_general3A_5, %add3A : vector<1000x128xf32>
    %bitcast_convert_type3A = tpu.bitcast %add3A_9 : vector<1000x128xf32> -> vector<1000x128xi32>
    %add3A_10 = arith.constant 32767 : i32
    %add3A_11 = vector.broadcast %add3A_10 : i32 to vector<1000x128xi32>
    %add3A_12 = arith.addi %bitcast_convert_type3A, %add3A_11 : vector<1000x128xi32>
    %shift_right_logical3A = arith.constant 16 : i32
    %shift_right_logical3A_13 = vector.broadcast %shift_right_logical3A : i32 to vector<1000x128xi32>
    %shift_right_logical3A_14 = arith.shrui %bitcast_convert_type3A, %shift_right_logical3A_13 : vector<1000x128xi32>
    %and3A = arith.constant 1 : i32
    %and3A_15 = vector.broadcast %and3A : i32 to vector<1000x128xi32>
    %and3A_16 = arith.andi %shift_right_logical3A_14, %and3A_15 : vector<1000x128xi32>
    %add3A_17 = arith.addi %add3A_12, %and3A_16 : vector<1000x128xi32>
    %shift_right_logical3A_18 = arith.constant 16 : i32
    %shift_right_logical3A_19 = vector.broadcast %shift_right_logical3A_18 : i32 to vector<1000x128xi32>
    %shift_right_logical3A_20 = arith.shrui %add3A_17, %shift_right_logical3A_19 : vector<1000x128xi32>
    %get3A_21 = arith.constant 0 : index
    %get3A_22 = arith.constant 0 : index
    %get3A_23 = vector.load %arg2[%get3A_21, %get3A_22] : memref<1000x128xf32, #tpu.memory_space<vmem>>, vector<1000x128xf32>
    %bitcast_convert_type3A_24 = tpu.bitcast %get3A_23 : vector<1000x128xf32> -> vector<1000x128xi32>
    %add3A_25 = arith.constant 32767 : i32
    %add3A_26 = vector.broadcast %add3A_25 : i32 to vector<1000x128xi32>
    %add3A_27 = arith.addi %bitcast_convert_type3A_24, %add3A_26 : vector<1000x128xi32>
    %shift_right_logical3A_28 = arith.constant 16 : i32
    %shift_right_logical3A_29 = vector.broadcast %shift_right_logical3A_28 : i32 to vector<1000x128xi32>
    %shift_right_logical3A_30 = arith.shrui %bitcast_convert_type3A_24, %shift_right_logical3A_29 : vector<1000x128xi32>
    %and3A_31 = arith.constant 1 : i32
    %and3A_32 = vector.broadcast %and3A_31 : i32 to vector<1000x128xi32>
    %and3A_33 = arith.andi %shift_right_logical3A_30, %and3A_32 : vector<1000x128xi32>
    %add3A_34 = arith.addi %add3A_27, %and3A_33 : vector<1000x128xi32>
    %shift_right_logical3A_35 = arith.constant 16 : i32
    %shift_right_logical3A_36 = vector.broadcast %shift_right_logical3A_35 : i32 to vector<1000x128xi32>
    %shift_right_logical3A_37 = arith.shrui %add3A_34, %shift_right_logical3A_36 : vector<1000x128xi32>
    %shift_left3A = arith.constant 16 : i32
    %shift_left3A_38 = vector.broadcast %shift_left3A : i32 to vector<1000x128xi32>
    %shift_left3A_39 = arith.shli %shift_right_logical3A_37, %shift_left3A_38 : vector<1000x128xi32>
    %or3A = arith.ori %shift_right_logical3A_20, %shift_left3A_39 : vector<1000x128xi32>
    %get3A_40 = arith.constant 0 : index
    %get3A_41 = arith.constant 0 : index
    %get3A_42 = vector.load %arg3[%get3A_40, %get3A_41] : memref<1000x128xf32, #tpu.memory_space<vmem>>, vector<1000x128xf32>
    %bitcast_convert_type3A_43 = tpu.bitcast %get3A_42 : vector<1000x128xf32> -> vector<1000x128xi32>
    %add3A_44 = arith.constant 32767 : i32
    %add3A_45 = vector.broadcast %add3A_44 : i32 to vector<1000x128xi32>
    %add3A_46 = arith.addi %bitcast_convert_type3A_43, %add3A_45 : vector<1000x128xi32>
    %shift_right_logical3A_47 = arith.constant 16 : i32
    %shift_right_logical3A_48 = vector.broadcast %shift_right_logical3A_47 : i32 to vector<1000x128xi32>
    %shift_right_logical3A_49 = arith.shrui %bitcast_convert_type3A_43, %shift_right_logical3A_48 : vector<1000x128xi32>
    %and3A_50 = arith.constant 1 : i32
    %and3A_51 = vector.broadcast %and3A_50 : i32 to vector<1000x128xi32>
    %and3A_52 = arith.andi %shift_right_logical3A_49, %and3A_51 : vector<1000x128xi32>
    %add3A_53 = arith.addi %add3A_46, %and3A_52 : vector<1000x128xi32>
    %shift_right_logical3A_54 = arith.constant 16 : i32
    %shift_right_logical3A_55 = vector.broadcast %shift_right_logical3A_54 : i32 to vector<1000x128xi32>
    %shift_right_logical3A_56 = arith.shrui %add3A_53, %shift_right_logical3A_55 : vector<1000x128xi32>
    %get3A_57 = arith.constant 0 : index
    %get3A_58 = arith.constant 0 : index
    %get3A_59 = vector.load %arg4[%get3A_57, %get3A_58] : memref<1000x128xf32, #tpu.memory_space<vmem>>, vector<1000x128xf32>
    %bitcast_convert_type3A_60 = tpu.bitcast %get3A_59 : vector<1000x128xf32> -> vector<1000x128xi32>
    %add3A_61 = arith.constant 32767 : i32
    %add3A_62 = vector.broadcast %add3A_61 : i32 to vector<1000x128xi32>
    %add3A_63 = arith.addi %bitcast_convert_type3A_60, %add3A_62 : vector<1000x128xi32>
    %shift_right_logical3A_64 = arith.constant 16 : i32
    %shift_right_logical3A_65 = vector.broadcast %shift_right_logical3A_64 : i32 to vector<1000x128xi32>
    %shift_right_logical3A_66 = arith.shrui %bitcast_convert_type3A_60, %shift_right_logical3A_65 : vector<1000x128xi32>
    %and3A_67 = arith.constant 1 : i32
    %and3A_68 = vector.broadcast %and3A_67 : i32 to vector<1000x128xi32>
    %and3A_69 = arith.andi %shift_right_logical3A_66, %and3A_68 : vector<1000x128xi32>
    %add3A_70 = arith.addi %add3A_63, %and3A_69 : vector<1000x128xi32>
    %shift_right_logical3A_71 = arith.constant 16 : i32
    %shift_right_logical3A_72 = vector.broadcast %shift_right_logical3A_71 : i32 to vector<1000x128xi32>
    %shift_right_logical3A_73 = arith.shrui %add3A_70, %shift_right_logical3A_72 : vector<1000x128xi32>
    %shift_left3A_74 = arith.constant 16 : i32
    %shift_left3A_75 = vector.broadcast %shift_left3A_74 : i32 to vector<1000x128xi32>
    %shift_left3A_76 = arith.shli %shift_right_logical3A_73, %shift_left3A_75 : vector<1000x128xi32>
    %or3A_77 = arith.ori %shift_right_logical3A_56, %shift_left3A_76 : vector<1000x128xi32>
    %bitcast_convert_type3A_78 = tpu.bitcast %or3A : vector<1000x128xi32> -> vector<1000x128xi32>
    %swap3A = arith.constant 0 : index
    %swap3A_79 = arith.constant 0 : index
    %swap3A_80 = vector.load %arg7[%swap3A, %swap3A_79] : memref<1000x256xi32, #tpu.memory_space<vmem>>, vector<1000x128xi32>
    tpu.vector_store %arg7[%swap3A, %swap3A_79], %bitcast_convert_type3A_78 {strides = array<i32>} : memref<1000x256xi32, #tpu.memory_space<vmem>>, vector<1000x128xi32>,
    %bitcast_convert_type3A_81 = tpu.bitcast %or3A_77 : vector<1000x128xi32> -> vector<1000x128xi32>
    %swap3A_82 = arith.constant 0 : index
    %swap3A_83 = arith.constant 128 : index
    %swap3A_84 = vector.load %arg7[%swap3A_82, %swap3A_83] : memref<1000x256xi32, #tpu.memory_space<vmem>>, vector<1000x128xi32>
    tpu.vector_store %arg7[%swap3A_82, %swap3A_83], %bitcast_convert_type3A_81 {strides = array<i32>} : memref<1000x256xi32, #tpu.memory_space<vmem>>, vector<1000x128xi32>,
    return
  }
  func.func @transform_0(%arg0: i32) -> (i32, i32) {
    %c0_i32 = arith.constant 0 : i32
    %c0_i32_0 = arith.constant 0 : i32
    return %arg0, %c0_i32 : i32, i32
  }
  func.func @transform_1(%arg0: i32) -> (i32, i32) {
    %c0_i32 = arith.constant 0 : i32
    %c0_i32_0 = arith.constant 0 : i32
    return %arg0, %c0_i32 : i32, i32
  }
  func.func @transform_2(%arg0: i32) -> (i32, i32) {
    %c0_i32 = arith.constant 0 : i32
    %c0_i32_0 = arith.constant 0 : i32
    return %arg0, %c0_i32 : i32, i32
  }
  func.func @transform_3(%arg0: i32) -> (i32, i32) {
    %c0_i32 = arith.constant 0 : i32
    %c0_i32_0 = arith.constant 0 : i32
    return %arg0, %c0_i32 : i32, i32
  }
  func.func @transform_4(%arg0: i32) -> (i32, i32) {
    %c0_i32 = arith.constant 0 : i32
    %c0_i32_0 = arith.constant 0 : i32
    %c0_i32_1 = arith.constant 0 : i32
    return %c0_i32, %c0_i32_0 : i32, i32
  }
  func.func @transform_5(%arg0: i32) -> (i32, i32) {
    %c0_i32 = arith.constant 0 : i32
    %c0_i32_0 = arith.constant 0 : i32
    %c0_i32_1 = arith.constant 0 : i32
    return %c0_i32, %c0_i32_0 : i32, i32
  }
  func.func @transform_6(%arg0: i32) -> (i32, i32) {
    %c0_i32 = arith.constant 0 : i32
    %c0_i32_0 = arith.constant 0 : i32
    return %arg0, %c0_i32 : i32, i32
  }
}

module attributes {stable_mosaic.version = 14 : i64} {
  func.func @_edge_body(%arg0: i32, %arg1: memref<2000x256xi32, #tpu.memory_space<vmem>>, %arg2: memref<2000x16xf32, #tpu.memory_space<vmem>>, %arg3: memref<2000x1xf32, #tpu.memory_space<vmem>>, %arg4: memref<2000x1xf32, #tpu.memory_space<vmem>>, %arg5: memref<2000x1xf32, #tpu.memory_space<vmem>>, %arg6: memref<16x128xf32, #tpu.memory_space<vmem>>, %arg7: memref<128x128xf32, #tpu.memory_space<vmem>>, %arg8: memref<128x128xf32, #tpu.memory_space<vmem>>, %arg9: memref<128x128xf32, #tpu.memory_space<vmem>>, %arg10: memref<1x128xf32, #tpu.memory_space<vmem>>, %arg11: memref<1x128xf32, #tpu.memory_space<vmem>>, %arg12: memref<1x128xf32, #tpu.memory_space<vmem>>, %arg13: memref<2000x128xf32, #tpu.memory_space<vmem>>, %arg14: memref<2000x128xf32, #tpu.memory_space<vmem>>, %arg15: memref<2000x128xf32, #tpu.memory_space<vmem>>, %arg16: memref<2000x128xf32, #tpu.memory_space<vmem>>) attributes {dimension_semantics = [#tpu.dimension_semantics<arbitrary>], iteration_bounds = array<i64: 96>, scalar_prefetch = 0 : i64, scratch_operands = 0 : i64, tpu.core_type = #tpu.core_type<tc>, window_params = [{transform_indices = @transform_0, window_bounds = array<i64: 2000, 256>}, {transform_indices = @transform_1, window_bounds = array<i64: 2000, 16>}, {transform_indices = @transform_2, window_bounds = array<i64: 2000, 1>}, {transform_indices = @transform_3, window_bounds = array<i64: 2000, 1>}, {transform_indices = @transform_4, window_bounds = array<i64: 2000, 1>}, {pipeline_mode = #tpu.pipeline_mode<synchronous>, transform_indices = @transform_5, window_bounds = array<i64: 16, 128>}, {pipeline_mode = #tpu.pipeline_mode<synchronous>, transform_indices = @transform_6, window_bounds = array<i64: 128, 128>}, {pipeline_mode = #tpu.pipeline_mode<synchronous>, transform_indices = @transform_7, window_bounds = array<i64: 128, 128>}, {pipeline_mode = #tpu.pipeline_mode<synchronous>, transform_indices = @transform_8, window_bounds = array<i64: 128, 128>}, {pipeline_mode = #tpu.pipeline_mode<synchronous>, transform_indices = @transform_9, window_bounds = array<i64: 1, 128>}, {pipeline_mode = #tpu.pipeline_mode<synchronous>, transform_indices = @transform_10, window_bounds = array<i64: 1, 128>}, {pipeline_mode = #tpu.pipeline_mode<synchronous>, transform_indices = @transform_11, window_bounds = array<i64: 1, 128>}, {transform_indices = @transform_12, window_bounds = array<i64: 2000, 128>}, {transform_indices = @transform_13, window_bounds = array<i64: 2000, 128>}, {transform_indices = @transform_14, window_bounds = array<i64: 2000, 128>}, {transform_indices = @transform_15, window_bounds = array<i64: 2000, 128>}]} {
    %get3A = arith.constant 0 : index
    %get3A_0 = arith.constant 0 : index
    %get3A_1 = vector.load %arg1[%get3A, %get3A_0] : memref<2000x256xi32, #tpu.memory_space<vmem>>, vector<2000x256xi32>
    %bitcast_convert_type3A = tpu.bitcast %get3A_1 : vector<2000x256xi32> -> vector<2000x256xi32>
    %slice3A = vector.extract_strided_slice %bitcast_convert_type3A {offsets = [0, 0], sizes = [2000, 128], strides = [1, 1]} : vector<2000x256xi32> to vector<2000x128xi32>
    %slice3A_2 = vector.extract_strided_slice %bitcast_convert_type3A {offsets = [0, 128], sizes = [2000, 128], strides = [1, 1]} : vector<2000x256xi32> to vector<2000x128xi32>
    %shift_left3A = arith.constant 16 : i32
    %shift_left3A_3 = vector.broadcast %shift_left3A : i32 to vector<2000x128xi32>
    %shift_left3A_4 = arith.shli %slice3A, %shift_left3A_3 : vector<2000x128xi32>
    %bitcast_convert_type3A_5 = tpu.bitcast %shift_left3A_4 : vector<2000x128xi32> -> vector<2000x128xf32>
    %get3A_6 = arith.constant 0 : index
    %get3A_7 = arith.constant 0 : index
    %get3A_8 = vector.load %arg2[%get3A_6, %get3A_7] : memref<2000x16xf32, #tpu.memory_space<vmem>>, vector<2000x16xf32>
    %get3A_9 = arith.constant 0 : index
    %get3A_10 = arith.constant 0 : index
    %get3A_11 = vector.load %arg6[%get3A_9, %get3A_10] : memref<16x128xf32, #tpu.memory_space<vmem>>, vector<16x128xf32>
    %dot_general3A = arith.constant dense<0.000000e+00> : vector<2000x128xf32>
    %dot_general3A_12 = tpu.matmul %get3A_8, %get3A_11, %dot_general3A {dimension_numbers = #tpu.dot_dimension_numbers<[1], [0], [0], [1], [0, 0, 1, 1], [], []>, transpose_lhs_hint = false} : vector<2000x16xf32>, vector<16x128xf32>, vector<2000x128xf32> -> vector<2000x128xf32>
    %add3A = arith.addf %bitcast_convert_type3A_5, %dot_general3A_12 : vector<2000x128xf32>
    %logistic3A = arith.negf %add3A : vector<2000x128xf32>
    %logistic3A_13 = math.exp %logistic3A : vector<2000x128xf32>
    %logistic3A_14 = arith.constant 1.000000e+00 : f32
    %logistic3A_15 = vector.broadcast %logistic3A_14 : f32 to vector<2000x128xf32>
    %logistic3A_16 = arith.addf %logistic3A_15, %logistic3A_13 : vector<2000x128xf32>
    %logistic3A_17 = arith.divf %logistic3A_15, %logistic3A_16 : vector<2000x128xf32>
    %mul3A = arith.mulf %add3A, %logistic3A_17 : vector<2000x128xf32>
    %get3A_18 = arith.constant 0 : index
    %get3A_19 = arith.constant 0 : index
    %get3A_20 = vector.load %arg7[%get3A_18, %get3A_19] : memref<128x128xf32, #tpu.memory_space<vmem>>, vector<128x128xf32>
    %dot_general3A_21 = arith.constant dense<0.000000e+00> : vector<2000x128xf32>
    %dot_general3A_22 = tpu.matmul %mul3A, %get3A_20, %dot_general3A_21 {dimension_numbers = #tpu.dot_dimension_numbers<[1], [0], [0], [1], [0, 0, 1, 1], [], []>, transpose_lhs_hint = false} : vector<2000x128xf32>, vector<128x128xf32>, vector<2000x128xf32> -> vector<2000x128xf32>
    %get3A_23 = arith.constant 0 : index
    %get3A_24 = arith.constant 0 : index
    %get3A_25 = vector.load %arg10[%get3A_23, %get3A_24] : memref<1x128xf32, #tpu.memory_space<vmem>>, vector<1x128xf32>
    %add3A_26 = vector.broadcast %get3A_25 : vector<1x128xf32> to vector<2000x128xf32>
    %add3A_27 = arith.addf %dot_general3A_22, %add3A_26 : vector<2000x128xf32>
    %get3A_28 = arith.constant 0 : index
    %get3A_29 = arith.constant 0 : index
    %get3A_30 = vector.load %arg8[%get3A_28, %get3A_29] : memref<128x128xf32, #tpu.memory_space<vmem>>, vector<128x128xf32>
    %dot_general3A_31 = arith.constant dense<0.000000e+00> : vector<2000x128xf32>
    %dot_general3A_32 = tpu.matmul %mul3A, %get3A_30, %dot_general3A_31 {dimension_numbers = #tpu.dot_dimension_numbers<[1], [0], [0], [1], [0, 0, 1, 1], [], []>, transpose_lhs_hint = false} : vector<2000x128xf32>, vector<128x128xf32>, vector<2000x128xf32> -> vector<2000x128xf32>
    %get3A_33 = arith.constant 0 : index
    %get3A_34 = arith.constant 0 : index
    %get3A_35 = vector.load %arg11[%get3A_33, %get3A_34] : memref<1x128xf32, #tpu.memory_space<vmem>>, vector<1x128xf32>
    %add3A_36 = vector.broadcast %get3A_35 : vector<1x128xf32> to vector<2000x128xf32>
    %add3A_37 = arith.addf %dot_general3A_32, %add3A_36 : vector<2000x128xf32>
    %get3A_38 = arith.constant 0 : index
    %get3A_39 = arith.constant 0 : index
    %get3A_40 = vector.load %arg9[%get3A_38, %get3A_39] : memref<128x128xf32, #tpu.memory_space<vmem>>, vector<128x128xf32>
    %dot_general3A_41 = arith.constant dense<0.000000e+00> : vector<2000x128xf32>
    %dot_general3A_42 = tpu.matmul %mul3A, %get3A_40, %dot_general3A_41 {dimension_numbers = #tpu.dot_dimension_numbers<[1], [0], [0], [1], [0, 0, 1, 1], [], []>, transpose_lhs_hint = false} : vector<2000x128xf32>, vector<128x128xf32>, vector<2000x128xf32> -> vector<2000x128xf32>
    %get3A_43 = arith.constant 0 : index
    %get3A_44 = arith.constant 0 : index
    %get3A_45 = vector.load %arg12[%get3A_43, %get3A_44] : memref<1x128xf32, #tpu.memory_space<vmem>>, vector<1x128xf32>
    %add3A_46 = vector.broadcast %get3A_45 : vector<1x128xf32> to vector<2000x128xf32>
    %add3A_47 = arith.addf %dot_general3A_42, %add3A_46 : vector<2000x128xf32>
    %swap3A = arith.constant 0 : index
    %swap3A_48 = arith.constant 0 : index
    %swap3A_49 = vector.load %arg13[%swap3A, %swap3A_48] : memref<2000x128xf32, #tpu.memory_space<vmem>>, vector<2000x128xf32>
    tpu.vector_store %arg13[%swap3A, %swap3A_48], %add3A_27 {strides = array<i32>} : memref<2000x128xf32, #tpu.memory_space<vmem>>, vector<2000x128xf32>,
    %get3A_50 = arith.constant 0 : index
    %get3A_51 = arith.constant 0 : index
    %get3A_52 = vector.load %arg3[%get3A_50, %get3A_51] : memref<2000x1xf32, #tpu.memory_space<vmem>>, vector<2000x1xf32>
    %mul3A_53 = vector.broadcast %get3A_52 : vector<2000x1xf32> to vector<2000x128xf32>
    %mul3A_54 = arith.mulf %add3A_37, %mul3A_53 : vector<2000x128xf32>
    %and3A = arith.constant -65536 : i32
    %and3A_55 = vector.broadcast %and3A : i32 to vector<2000x128xi32>
    %and3A_56 = arith.andi %slice3A, %and3A_55 : vector<2000x128xi32>
    %bitcast_convert_type3A_57 = tpu.bitcast %and3A_56 : vector<2000x128xi32> -> vector<2000x128xf32>
    %mul3A_58 = arith.mulf %add3A_47, %bitcast_convert_type3A_57 : vector<2000x128xf32>
    %add3A_59 = arith.addf %mul3A_54, %mul3A_58 : vector<2000x128xf32>
    %swap3A_60 = arith.constant 0 : index
    %swap3A_61 = arith.constant 0 : index
    %swap3A_62 = vector.load %arg14[%swap3A_60, %swap3A_61] : memref<2000x128xf32, #tpu.memory_space<vmem>>, vector<2000x128xf32>
    tpu.vector_store %arg14[%swap3A_60, %swap3A_61], %add3A_59 {strides = array<i32>} : memref<2000x128xf32, #tpu.memory_space<vmem>>, vector<2000x128xf32>,
    %get3A_63 = arith.constant 0 : index
    %get3A_64 = arith.constant 0 : index
    %get3A_65 = vector.load %arg4[%get3A_63, %get3A_64] : memref<2000x1xf32, #tpu.memory_space<vmem>>, vector<2000x1xf32>
    %mul3A_66 = vector.broadcast %get3A_65 : vector<2000x1xf32> to vector<2000x128xf32>
    %mul3A_67 = arith.mulf %add3A_37, %mul3A_66 : vector<2000x128xf32>
    %shift_left3A_68 = arith.constant 16 : i32
    %shift_left3A_69 = vector.broadcast %shift_left3A_68 : i32 to vector<2000x128xi32>
    %shift_left3A_70 = arith.shli %slice3A_2, %shift_left3A_69 : vector<2000x128xi32>
    %bitcast_convert_type3A_71 = tpu.bitcast %shift_left3A_70 : vector<2000x128xi32> -> vector<2000x128xf32>
    %mul3A_72 = arith.mulf %add3A_47, %bitcast_convert_type3A_71 : vector<2000x128xf32>
    %add3A_73 = arith.addf %mul3A_67, %mul3A_72 : vector<2000x128xf32>
    %swap3A_74 = arith.constant 0 : index
    %swap3A_75 = arith.constant 0 : index
    %swap3A_76 = vector.load %arg15[%swap3A_74, %swap3A_75] : memref<2000x128xf32, #tpu.memory_space<vmem>>, vector<2000x128xf32>
    tpu.vector_store %arg15[%swap3A_74, %swap3A_75], %add3A_73 {strides = array<i32>} : memref<2000x128xf32, #tpu.memory_space<vmem>>, vector<2000x128xf32>,
    %get3A_77 = arith.constant 0 : index
    %get3A_78 = arith.constant 0 : index
    %get3A_79 = vector.load %arg5[%get3A_77, %get3A_78] : memref<2000x1xf32, #tpu.memory_space<vmem>>, vector<2000x1xf32>
    %mul3A_80 = vector.broadcast %get3A_79 : vector<2000x1xf32> to vector<2000x128xf32>
    %mul3A_81 = arith.mulf %add3A_37, %mul3A_80 : vector<2000x128xf32>
    %and3A_82 = arith.constant -65536 : i32
    %and3A_83 = vector.broadcast %and3A_82 : i32 to vector<2000x128xi32>
    %and3A_84 = arith.andi %slice3A_2, %and3A_83 : vector<2000x128xi32>
    %bitcast_convert_type3A_85 = tpu.bitcast %and3A_84 : vector<2000x128xi32> -> vector<2000x128xf32>
    %mul3A_86 = arith.mulf %add3A_47, %bitcast_convert_type3A_85 : vector<2000x128xf32>
    %add3A_87 = arith.addf %mul3A_81, %mul3A_86 : vector<2000x128xf32>
    %swap3A_88 = arith.constant 0 : index
    %swap3A_89 = arith.constant 0 : index
    %swap3A_90 = vector.load %arg16[%swap3A_88, %swap3A_89] : memref<2000x128xf32, #tpu.memory_space<vmem>>, vector<2000x128xf32>
    tpu.vector_store %arg16[%swap3A_88, %swap3A_89], %add3A_87 {strides = array<i32>} : memref<2000x128xf32, #tpu.memory_space<vmem>>, vector<2000x128xf32>,
    return
  }
  func.func @transform_0(%arg0: i32) -> (i32, i32) {
    %c0_i32 = arith.constant 0 : i32
    %c0_i32_0 = arith.constant 0 : i32
    return %arg0, %c0_i32 : i32, i32
  }
  func.func @transform_1(%arg0: i32) -> (i32, i32) {
    %c0_i32 = arith.constant 0 : i32
    %c0_i32_0 = arith.constant 0 : i32
    return %arg0, %c0_i32 : i32, i32
  }
  func.func @transform_2(%arg0: i32) -> (i32, i32) {
    %c0_i32 = arith.constant 0 : i32
    %c0_i32_0 = arith.constant 0 : i32
    return %arg0, %c0_i32 : i32, i32
  }
  func.func @transform_3(%arg0: i32) -> (i32, i32) {
    %c0_i32 = arith.constant 0 : i32
    %c0_i32_0 = arith.constant 0 : i32
    return %arg0, %c0_i32 : i32, i32
  }
  func.func @transform_4(%arg0: i32) -> (i32, i32) {
    %c0_i32 = arith.constant 0 : i32
    %c0_i32_0 = arith.constant 0 : i32
    return %arg0, %c0_i32 : i32, i32
  }
  func.func @transform_5(%arg0: i32) -> (i32, i32) {
    %c0_i32 = arith.constant 0 : i32
    %c0_i32_0 = arith.constant 0 : i32
    %c0_i32_1 = arith.constant 0 : i32
    return %c0_i32, %c0_i32_0 : i32, i32
  }
  func.func @transform_6(%arg0: i32) -> (i32, i32) {
    %c0_i32 = arith.constant 0 : i32
    %c0_i32_0 = arith.constant 0 : i32
    %c0_i32_1 = arith.constant 0 : i32
    return %c0_i32, %c0_i32_0 : i32, i32
  }
  func.func @transform_7(%arg0: i32) -> (i32, i32) {
    %c0_i32 = arith.constant 0 : i32
    %c0_i32_0 = arith.constant 0 : i32
    %c0_i32_1 = arith.constant 0 : i32
    return %c0_i32, %c0_i32_0 : i32, i32
  }
  func.func @transform_8(%arg0: i32) -> (i32, i32) {
    %c0_i32 = arith.constant 0 : i32
    %c0_i32_0 = arith.constant 0 : i32
    %c0_i32_1 = arith.constant 0 : i32
    return %c0_i32, %c0_i32_0 : i32, i32
  }
  func.func @transform_9(%arg0: i32) -> (i32, i32) {
    %c0_i32 = arith.constant 0 : i32
    %c0_i32_0 = arith.constant 0 : i32
    %c0_i32_1 = arith.constant 0 : i32
    return %c0_i32, %c0_i32_0 : i32, i32
  }
  func.func @transform_10(%arg0: i32) -> (i32, i32) {
    %c0_i32 = arith.constant 0 : i32
    %c0_i32_0 = arith.constant 0 : i32
    %c0_i32_1 = arith.constant 0 : i32
    return %c0_i32, %c0_i32_0 : i32, i32
  }
  func.func @transform_11(%arg0: i32) -> (i32, i32) {
    %c0_i32 = arith.constant 0 : i32
    %c0_i32_0 = arith.constant 0 : i32
    %c0_i32_1 = arith.constant 0 : i32
    return %c0_i32, %c0_i32_0 : i32, i32
  }
  func.func @transform_12(%arg0: i32) -> (i32, i32) {
    %c0_i32 = arith.constant 0 : i32
    %c0_i32_0 = arith.constant 0 : i32
    return %arg0, %c0_i32 : i32, i32
  }
  func.func @transform_13(%arg0: i32) -> (i32, i32) {
    %c0_i32 = arith.constant 0 : i32
    %c0_i32_0 = arith.constant 0 : i32
    return %arg0, %c0_i32 : i32, i32
  }
  func.func @transform_14(%arg0: i32) -> (i32, i32) {
    %c0_i32 = arith.constant 0 : i32
    %c0_i32_0 = arith.constant 0 : i32
    return %arg0, %c0_i32 : i32, i32
  }
  func.func @transform_15(%arg0: i32) -> (i32, i32) {
    %c0_i32 = arith.constant 0 : i32
    %c0_i32_0 = arith.constant 0 : i32
    return %arg0, %c0_i32 : i32, i32
  }
}

module attributes {stable_mosaic.version = 14 : i64} {
  func.func @_edge_body(%arg0: i32, %arg1: memref<2000x256xi32, #tpu.memory_space<vmem>>, %arg2: memref<2000x16xf32, #tpu.memory_space<vmem>>, %arg3: memref<2000x1xf32, #tpu.memory_space<vmem>>, %arg4: memref<2000x1xf32, #tpu.memory_space<vmem>>, %arg5: memref<2000x1xf32, #tpu.memory_space<vmem>>, %arg6: memref<16x128xf32, #tpu.memory_space<vmem>>, %arg7: memref<128x128xf32, #tpu.memory_space<vmem>>, %arg8: memref<128x128xf32, #tpu.memory_space<vmem>>, %arg9: memref<128x128xf32, #tpu.memory_space<vmem>>, %arg10: memref<1x128xf32, #tpu.memory_space<vmem>>, %arg11: memref<1x128xf32, #tpu.memory_space<vmem>>, %arg12: memref<1x128xf32, #tpu.memory_space<vmem>>, %arg13: memref<2000x128xf32, #tpu.memory_space<vmem>>, %arg14: memref<2000x128xf32, #tpu.memory_space<vmem>>, %arg15: memref<2000x128xf32, #tpu.memory_space<vmem>>, %arg16: memref<2000x128xf32, #tpu.memory_space<vmem>>) attributes {dimension_semantics = [#tpu.dimension_semantics<arbitrary>], iteration_bounds = array<i64: 64>, scalar_prefetch = 0 : i64, scratch_operands = 0 : i64, tpu.core_type = #tpu.core_type<tc>, window_params = [{transform_indices = @transform_0, window_bounds = array<i64: 2000, 256>}, {transform_indices = @transform_1, window_bounds = array<i64: 2000, 16>}, {transform_indices = @transform_2, window_bounds = array<i64: 2000, 1>}, {transform_indices = @transform_3, window_bounds = array<i64: 2000, 1>}, {transform_indices = @transform_4, window_bounds = array<i64: 2000, 1>}, {pipeline_mode = #tpu.pipeline_mode<synchronous>, transform_indices = @transform_5, window_bounds = array<i64: 16, 128>}, {pipeline_mode = #tpu.pipeline_mode<synchronous>, transform_indices = @transform_6, window_bounds = array<i64: 128, 128>}, {pipeline_mode = #tpu.pipeline_mode<synchronous>, transform_indices = @transform_7, window_bounds = array<i64: 128, 128>}, {pipeline_mode = #tpu.pipeline_mode<synchronous>, transform_indices = @transform_8, window_bounds = array<i64: 128, 128>}, {pipeline_mode = #tpu.pipeline_mode<synchronous>, transform_indices = @transform_9, window_bounds = array<i64: 1, 128>}, {pipeline_mode = #tpu.pipeline_mode<synchronous>, transform_indices = @transform_10, window_bounds = array<i64: 1, 128>}, {pipeline_mode = #tpu.pipeline_mode<synchronous>, transform_indices = @transform_11, window_bounds = array<i64: 1, 128>}, {transform_indices = @transform_12, window_bounds = array<i64: 2000, 128>}, {transform_indices = @transform_13, window_bounds = array<i64: 2000, 128>}, {transform_indices = @transform_14, window_bounds = array<i64: 2000, 128>}, {transform_indices = @transform_15, window_bounds = array<i64: 2000, 128>}]} {
    %get3A = arith.constant 0 : index
    %get3A_0 = arith.constant 0 : index
    %get3A_1 = vector.load %arg1[%get3A, %get3A_0] : memref<2000x256xi32, #tpu.memory_space<vmem>>, vector<2000x256xi32>
    %bitcast_convert_type3A = tpu.bitcast %get3A_1 : vector<2000x256xi32> -> vector<2000x256xi32>
    %slice3A = vector.extract_strided_slice %bitcast_convert_type3A {offsets = [0, 0], sizes = [2000, 128], strides = [1, 1]} : vector<2000x256xi32> to vector<2000x128xi32>
    %slice3A_2 = vector.extract_strided_slice %bitcast_convert_type3A {offsets = [0, 128], sizes = [2000, 128], strides = [1, 1]} : vector<2000x256xi32> to vector<2000x128xi32>
    %shift_left3A = arith.constant 16 : i32
    %shift_left3A_3 = vector.broadcast %shift_left3A : i32 to vector<2000x128xi32>
    %shift_left3A_4 = arith.shli %slice3A, %shift_left3A_3 : vector<2000x128xi32>
    %bitcast_convert_type3A_5 = tpu.bitcast %shift_left3A_4 : vector<2000x128xi32> -> vector<2000x128xf32>
    %get3A_6 = arith.constant 0 : index
    %get3A_7 = arith.constant 0 : index
    %get3A_8 = vector.load %arg2[%get3A_6, %get3A_7] : memref<2000x16xf32, #tpu.memory_space<vmem>>, vector<2000x16xf32>
    %get3A_9 = arith.constant 0 : index
    %get3A_10 = arith.constant 0 : index
    %get3A_11 = vector.load %arg6[%get3A_9, %get3A_10] : memref<16x128xf32, #tpu.memory_space<vmem>>, vector<16x128xf32>
    %dot_general3A = arith.constant dense<0.000000e+00> : vector<2000x128xf32>
    %dot_general3A_12 = tpu.matmul %get3A_8, %get3A_11, %dot_general3A {dimension_numbers = #tpu.dot_dimension_numbers<[1], [0], [0], [1], [0, 0, 1, 1], [], []>, transpose_lhs_hint = false} : vector<2000x16xf32>, vector<16x128xf32>, vector<2000x128xf32> -> vector<2000x128xf32>
    %add3A = arith.addf %bitcast_convert_type3A_5, %dot_general3A_12 : vector<2000x128xf32>
    %logistic3A = arith.negf %add3A : vector<2000x128xf32>
    %logistic3A_13 = math.exp %logistic3A : vector<2000x128xf32>
    %logistic3A_14 = arith.constant 1.000000e+00 : f32
    %logistic3A_15 = vector.broadcast %logistic3A_14 : f32 to vector<2000x128xf32>
    %logistic3A_16 = arith.addf %logistic3A_15, %logistic3A_13 : vector<2000x128xf32>
    %logistic3A_17 = arith.divf %logistic3A_15, %logistic3A_16 : vector<2000x128xf32>
    %mul3A = arith.mulf %add3A, %logistic3A_17 : vector<2000x128xf32>
    %get3A_18 = arith.constant 0 : index
    %get3A_19 = arith.constant 0 : index
    %get3A_20 = vector.load %arg7[%get3A_18, %get3A_19] : memref<128x128xf32, #tpu.memory_space<vmem>>, vector<128x128xf32>
    %dot_general3A_21 = arith.constant dense<0.000000e+00> : vector<2000x128xf32>
    %dot_general3A_22 = tpu.matmul %mul3A, %get3A_20, %dot_general3A_21 {dimension_numbers = #tpu.dot_dimension_numbers<[1], [0], [0], [1], [0, 0, 1, 1], [], []>, transpose_lhs_hint = false} : vector<2000x128xf32>, vector<128x128xf32>, vector<2000x128xf32> -> vector<2000x128xf32>
    %get3A_23 = arith.constant 0 : index
    %get3A_24 = arith.constant 0 : index
    %get3A_25 = vector.load %arg10[%get3A_23, %get3A_24] : memref<1x128xf32, #tpu.memory_space<vmem>>, vector<1x128xf32>
    %add3A_26 = vector.broadcast %get3A_25 : vector<1x128xf32> to vector<2000x128xf32>
    %add3A_27 = arith.addf %dot_general3A_22, %add3A_26 : vector<2000x128xf32>
    %get3A_28 = arith.constant 0 : index
    %get3A_29 = arith.constant 0 : index
    %get3A_30 = vector.load %arg8[%get3A_28, %get3A_29] : memref<128x128xf32, #tpu.memory_space<vmem>>, vector<128x128xf32>
    %dot_general3A_31 = arith.constant dense<0.000000e+00> : vector<2000x128xf32>
    %dot_general3A_32 = tpu.matmul %mul3A, %get3A_30, %dot_general3A_31 {dimension_numbers = #tpu.dot_dimension_numbers<[1], [0], [0], [1], [0, 0, 1, 1], [], []>, transpose_lhs_hint = false} : vector<2000x128xf32>, vector<128x128xf32>, vector<2000x128xf32> -> vector<2000x128xf32>
    %get3A_33 = arith.constant 0 : index
    %get3A_34 = arith.constant 0 : index
    %get3A_35 = vector.load %arg11[%get3A_33, %get3A_34] : memref<1x128xf32, #tpu.memory_space<vmem>>, vector<1x128xf32>
    %add3A_36 = vector.broadcast %get3A_35 : vector<1x128xf32> to vector<2000x128xf32>
    %add3A_37 = arith.addf %dot_general3A_32, %add3A_36 : vector<2000x128xf32>
    %get3A_38 = arith.constant 0 : index
    %get3A_39 = arith.constant 0 : index
    %get3A_40 = vector.load %arg9[%get3A_38, %get3A_39] : memref<128x128xf32, #tpu.memory_space<vmem>>, vector<128x128xf32>
    %dot_general3A_41 = arith.constant dense<0.000000e+00> : vector<2000x128xf32>
    %dot_general3A_42 = tpu.matmul %mul3A, %get3A_40, %dot_general3A_41 {dimension_numbers = #tpu.dot_dimension_numbers<[1], [0], [0], [1], [0, 0, 1, 1], [], []>, transpose_lhs_hint = false} : vector<2000x128xf32>, vector<128x128xf32>, vector<2000x128xf32> -> vector<2000x128xf32>
    %get3A_43 = arith.constant 0 : index
    %get3A_44 = arith.constant 0 : index
    %get3A_45 = vector.load %arg12[%get3A_43, %get3A_44] : memref<1x128xf32, #tpu.memory_space<vmem>>, vector<1x128xf32>
    %add3A_46 = vector.broadcast %get3A_45 : vector<1x128xf32> to vector<2000x128xf32>
    %add3A_47 = arith.addf %dot_general3A_42, %add3A_46 : vector<2000x128xf32>
    %swap3A = arith.constant 0 : index
    %swap3A_48 = arith.constant 0 : index
    %swap3A_49 = vector.load %arg13[%swap3A, %swap3A_48] : memref<2000x128xf32, #tpu.memory_space<vmem>>, vector<2000x128xf32>
    tpu.vector_store %arg13[%swap3A, %swap3A_48], %add3A_27 {strides = array<i32>} : memref<2000x128xf32, #tpu.memory_space<vmem>>, vector<2000x128xf32>,
    %get3A_50 = arith.constant 0 : index
    %get3A_51 = arith.constant 0 : index
    %get3A_52 = vector.load %arg3[%get3A_50, %get3A_51] : memref<2000x1xf32, #tpu.memory_space<vmem>>, vector<2000x1xf32>
    %mul3A_53 = vector.broadcast %get3A_52 : vector<2000x1xf32> to vector<2000x128xf32>
    %mul3A_54 = arith.mulf %add3A_37, %mul3A_53 : vector<2000x128xf32>
    %and3A = arith.constant -65536 : i32
    %and3A_55 = vector.broadcast %and3A : i32 to vector<2000x128xi32>
    %and3A_56 = arith.andi %slice3A, %and3A_55 : vector<2000x128xi32>
    %bitcast_convert_type3A_57 = tpu.bitcast %and3A_56 : vector<2000x128xi32> -> vector<2000x128xf32>
    %mul3A_58 = arith.mulf %add3A_47, %bitcast_convert_type3A_57 : vector<2000x128xf32>
    %add3A_59 = arith.addf %mul3A_54, %mul3A_58 : vector<2000x128xf32>
    %swap3A_60 = arith.constant 0 : index
    %swap3A_61 = arith.constant 0 : index
    %swap3A_62 = vector.load %arg14[%swap3A_60, %swap3A_61] : memref<2000x128xf32, #tpu.memory_space<vmem>>, vector<2000x128xf32>
    tpu.vector_store %arg14[%swap3A_60, %swap3A_61], %add3A_59 {strides = array<i32>} : memref<2000x128xf32, #tpu.memory_space<vmem>>, vector<2000x128xf32>,
    %get3A_63 = arith.constant 0 : index
    %get3A_64 = arith.constant 0 : index
    %get3A_65 = vector.load %arg4[%get3A_63, %get3A_64] : memref<2000x1xf32, #tpu.memory_space<vmem>>, vector<2000x1xf32>
    %mul3A_66 = vector.broadcast %get3A_65 : vector<2000x1xf32> to vector<2000x128xf32>
    %mul3A_67 = arith.mulf %add3A_37, %mul3A_66 : vector<2000x128xf32>
    %shift_left3A_68 = arith.constant 16 : i32
    %shift_left3A_69 = vector.broadcast %shift_left3A_68 : i32 to vector<2000x128xi32>
    %shift_left3A_70 = arith.shli %slice3A_2, %shift_left3A_69 : vector<2000x128xi32>
    %bitcast_convert_type3A_71 = tpu.bitcast %shift_left3A_70 : vector<2000x128xi32> -> vector<2000x128xf32>
    %mul3A_72 = arith.mulf %add3A_47, %bitcast_convert_type3A_71 : vector<2000x128xf32>
    %add3A_73 = arith.addf %mul3A_67, %mul3A_72 : vector<2000x128xf32>
    %swap3A_74 = arith.constant 0 : index
    %swap3A_75 = arith.constant 0 : index
    %swap3A_76 = vector.load %arg15[%swap3A_74, %swap3A_75] : memref<2000x128xf32, #tpu.memory_space<vmem>>, vector<2000x128xf32>
    tpu.vector_store %arg15[%swap3A_74, %swap3A_75], %add3A_73 {strides = array<i32>} : memref<2000x128xf32, #tpu.memory_space<vmem>>, vector<2000x128xf32>,
    %get3A_77 = arith.constant 0 : index
    %get3A_78 = arith.constant 0 : index
    %get3A_79 = vector.load %arg5[%get3A_77, %get3A_78] : memref<2000x1xf32, #tpu.memory_space<vmem>>, vector<2000x1xf32>
    %mul3A_80 = vector.broadcast %get3A_79 : vector<2000x1xf32> to vector<2000x128xf32>
    %mul3A_81 = arith.mulf %add3A_37, %mul3A_80 : vector<2000x128xf32>
    %and3A_82 = arith.constant -65536 : i32
    %and3A_83 = vector.broadcast %and3A_82 : i32 to vector<2000x128xi32>
    %and3A_84 = arith.andi %slice3A_2, %and3A_83 : vector<2000x128xi32>
    %bitcast_convert_type3A_85 = tpu.bitcast %and3A_84 : vector<2000x128xi32> -> vector<2000x128xf32>
    %mul3A_86 = arith.mulf %add3A_47, %bitcast_convert_type3A_85 : vector<2000x128xf32>
    %add3A_87 = arith.addf %mul3A_81, %mul3A_86 : vector<2000x128xf32>
    %swap3A_88 = arith.constant 0 : index
    %swap3A_89 = arith.constant 0 : index
    %swap3A_90 = vector.load %arg16[%swap3A_88, %swap3A_89] : memref<2000x128xf32, #tpu.memory_space<vmem>>, vector<2000x128xf32>
    tpu.vector_store %arg16[%swap3A_88, %swap3A_89], %add3A_87 {strides = array<i32>} : memref<2000x128xf32, #tpu.memory_space<vmem>>, vector<2000x128xf32>,
    return
  }
  func.func @transform_0(%arg0: i32) -> (i32, i32) {
    %c0_i32 = arith.constant 0 : i32
    %c0_i32_0 = arith.constant 0 : i32
    return %arg0, %c0_i32 : i32, i32
  }
  func.func @transform_1(%arg0: i32) -> (i32, i32) {
    %c0_i32 = arith.constant 0 : i32
    %c0_i32_0 = arith.constant 0 : i32
    return %arg0, %c0_i32 : i32, i32
  }
  func.func @transform_2(%arg0: i32) -> (i32, i32) {
    %c0_i32 = arith.constant 0 : i32
    %c0_i32_0 = arith.constant 0 : i32
    return %arg0, %c0_i32 : i32, i32
  }
  func.func @transform_3(%arg0: i32) -> (i32, i32) {
    %c0_i32 = arith.constant 0 : i32
    %c0_i32_0 = arith.constant 0 : i32
    return %arg0, %c0_i32 : i32, i32
  }
  func.func @transform_4(%arg0: i32) -> (i32, i32) {
    %c0_i32 = arith.constant 0 : i32
    %c0_i32_0 = arith.constant 0 : i32
    return %arg0, %c0_i32 : i32, i32
  }
  func.func @transform_5(%arg0: i32) -> (i32, i32) {
    %c0_i32 = arith.constant 0 : i32
    %c0_i32_0 = arith.constant 0 : i32
    %c0_i32_1 = arith.constant 0 : i32
    return %c0_i32, %c0_i32_0 : i32, i32
  }
  func.func @transform_6(%arg0: i32) -> (i32, i32) {
    %c0_i32 = arith.constant 0 : i32
    %c0_i32_0 = arith.constant 0 : i32
    %c0_i32_1 = arith.constant 0 : i32
    return %c0_i32, %c0_i32_0 : i32, i32
  }
  func.func @transform_7(%arg0: i32) -> (i32, i32) {
    %c0_i32 = arith.constant 0 : i32
    %c0_i32_0 = arith.constant 0 : i32
    %c0_i32_1 = arith.constant 0 : i32
    return %c0_i32, %c0_i32_0 : i32, i32
  }
  func.func @transform_8(%arg0: i32) -> (i32, i32) {
    %c0_i32 = arith.constant 0 : i32
    %c0_i32_0 = arith.constant 0 : i32
    %c0_i32_1 = arith.constant 0 : i32
    return %c0_i32, %c0_i32_0 : i32, i32
  }
  func.func @transform_9(%arg0: i32) -> (i32, i32) {
    %c0_i32 = arith.constant 0 : i32
    %c0_i32_0 = arith.constant 0 : i32
    %c0_i32_1 = arith.constant 0 : i32
    return %c0_i32, %c0_i32_0 : i32, i32
  }
  func.func @transform_10(%arg0: i32) -> (i32, i32) {
    %c0_i32 = arith.constant 0 : i32
    %c0_i32_0 = arith.constant 0 : i32
    %c0_i32_1 = arith.constant 0 : i32
    return %c0_i32, %c0_i32_0 : i32, i32
  }
  func.func @transform_11(%arg0: i32) -> (i32, i32) {
    %c0_i32 = arith.constant 0 : i32
    %c0_i32_0 = arith.constant 0 : i32
    %c0_i32_1 = arith.constant 0 : i32
    return %c0_i32, %c0_i32_0 : i32, i32
  }
  func.func @transform_12(%arg0: i32) -> (i32, i32) {
    %c0_i32 = arith.constant 0 : i32
    %c0_i32_0 = arith.constant 0 : i32
    return %arg0, %c0_i32 : i32, i32
  }
  func.func @transform_13(%arg0: i32) -> (i32, i32) {
    %c0_i32 = arith.constant 0 : i32
    %c0_i32_0 = arith.constant 0 : i32
    return %arg0, %c0_i32 : i32, i32
  }
  func.func @transform_14(%arg0: i32) -> (i32, i32) {
    %c0_i32 = arith.constant 0 : i32
    %c0_i32_0 = arith.constant 0 : i32
    return %arg0, %c0_i32 : i32, i32
  }
  func.func @transform_15(%arg0: i32) -> (i32, i32) {
    %c0_i32 = arith.constant 0 : i32
    %c0_i32_0 = arith.constant 0 : i32
    return %arg0, %c0_i32 : i32, i32
  }
}

module attributes {stable_mosaic.version = 14 : i64} {
  func.func @_node_body(%arg0: i32, %arg1: memref<1000x128xf32, #tpu.memory_space<vmem>>, %arg2: memref<1000x128xf32, #tpu.memory_space<vmem>>, %arg3: memref<1000x128xf32, #tpu.memory_space<vmem>>, %arg4: memref<1000x128xf32, #tpu.memory_space<vmem>>, %arg5: memref<1000x128xf32, #tpu.memory_space<vmem>>, %arg6: memref<1000x128xf32, #tpu.memory_space<vmem>>, %arg7: memref<1000x128xf32, #tpu.memory_space<vmem>>, %arg8: memref<1000x128xf32, #tpu.memory_space<vmem>>, %arg9: memref<1000x128xf32, #tpu.memory_space<vmem>>, %arg10: memref<1000x128xf32, #tpu.memory_space<vmem>>, %arg11: memref<1000x128xf32, #tpu.memory_space<vmem>>, %arg12: memref<1000x128xf32, #tpu.memory_space<vmem>>, %arg13: memref<128x128xf32, #tpu.memory_space<vmem>>, %arg14: memref<128x128xf32, #tpu.memory_space<vmem>>, %arg15: memref<1x128xf32, #tpu.memory_space<vmem>>, %arg16: memref<128x128xf32, #tpu.memory_space<vmem>>, %arg17: memref<128x128xf32, #tpu.memory_space<vmem>>, %arg18: memref<1x128xf32, #tpu.memory_space<vmem>>, %arg19: memref<1x128xf32, #tpu.memory_space<vmem>>, %arg20: memref<1x128xf32, #tpu.memory_space<vmem>>, %arg21: memref<1x128xf32, #tpu.memory_space<vmem>>, %arg22: memref<1000x128xf32, #tpu.memory_space<vmem>>, %arg23: memref<1000x128xf32, #tpu.memory_space<vmem>>, %arg24: memref<1000x128xf32, #tpu.memory_space<vmem>>, %arg25: memref<1000x128xf32, #tpu.memory_space<vmem>>) attributes {dimension_semantics = [#tpu.dimension_semantics<arbitrary>], iteration_bounds = array<i64: 10>, scalar_prefetch = 0 : i64, scratch_operands = 0 : i64, tpu.core_type = #tpu.core_type<tc>, window_params = [{transform_indices = @transform_0, window_bounds = array<i64: 1000, 128>}, {transform_indices = @transform_1, window_bounds = array<i64: 1000, 128>}, {transform_indices = @transform_2, window_bounds = array<i64: 1000, 128>}, {transform_indices = @transform_3, window_bounds = array<i64: 1000, 128>}, {transform_indices = @transform_4, window_bounds = array<i64: 1000, 128>}, {transform_indices = @transform_5, window_bounds = array<i64: 1000, 128>}, {transform_indices = @transform_6, window_bounds = array<i64: 1000, 128>}, {transform_indices = @transform_7, window_bounds = array<i64: 1000, 128>}, {transform_indices = @transform_8, window_bounds = array<i64: 1000, 128>}, {transform_indices = @transform_9, window_bounds = array<i64: 1000, 128>}, {transform_indices = @transform_10, window_bounds = array<i64: 1000, 128>}, {transform_indices = @transform_11, window_bounds = array<i64: 1000, 128>}, {pipeline_mode = #tpu.pipeline_mode<synchronous>, transform_indices = @transform_12, window_bounds = array<i64: 128, 128>}, {pipeline_mode = #tpu.pipeline_mode<synchronous>, transform_indices = @transform_13, window_bounds = array<i64: 128, 128>}, {pipeline_mode = #tpu.pipeline_mode<synchronous>, transform_indices = @transform_14, window_bounds = array<i64: 1, 128>}, {pipeline_mode = #tpu.pipeline_mode<synchronous>, transform_indices = @transform_15, window_bounds = array<i64: 128, 128>}, {pipeline_mode = #tpu.pipeline_mode<synchronous>, transform_indices = @transform_16, window_bounds = array<i64: 128, 128>}, {pipeline_mode = #tpu.pipeline_mode<synchronous>, transform_indices = @transform_17, window_bounds = array<i64: 1, 128>}, {pipeline_mode = #tpu.pipeline_mode<synchronous>, transform_indices = @transform_18, window_bounds = array<i64: 1, 128>}, {pipeline_mode = #tpu.pipeline_mode<synchronous>, transform_indices = @transform_19, window_bounds = array<i64: 1, 128>}, {pipeline_mode = #tpu.pipeline_mode<synchronous>, transform_indices = @transform_20, window_bounds = array<i64: 1, 128>}, {transform_indices = @transform_21, window_bounds = array<i64: 1000, 128>}, {transform_indices = @transform_22, window_bounds = array<i64: 1000, 128>}, {transform_indices = @transform_23, window_bounds = array<i64: 1000, 128>}, {transform_indices = @transform_24, window_bounds = array<i64: 1000, 128>}]} {
    %get3A = arith.constant 0 : index
    %get3A_0 = arith.constant 0 : index
    %get3A_1 = vector.load %arg4[%get3A, %get3A_0] : memref<1000x128xf32, #tpu.memory_space<vmem>>, vector<1000x128xf32>
    %get3A_2 = arith.constant 0 : index
    %get3A_3 = arith.constant 0 : index
    %get3A_4 = vector.load %arg7[%get3A_2, %get3A_3] : memref<1000x128xf32, #tpu.memory_space<vmem>>, vector<1000x128xf32>
    %add3A = arith.addf %get3A_1, %get3A_4 : vector<1000x128xf32>
    %get3A_5 = arith.constant 0 : index
    %get3A_6 = arith.constant 0 : index
    %get3A_7 = vector.load %arg8[%get3A_5, %get3A_6] : memref<1000x128xf32, #tpu.memory_space<vmem>>, vector<1000x128xf32>
    %add3A_8 = arith.addf %add3A, %get3A_7 : vector<1000x128xf32>
    %get3A_9 = arith.constant 0 : index
    %get3A_10 = arith.constant 0 : index
    %get3A_11 = vector.load %arg5[%get3A_9, %get3A_10] : memref<1000x128xf32, #tpu.memory_space<vmem>>, vector<1000x128xf32>
    %get3A_12 = arith.constant 0 : index
    %get3A_13 = arith.constant 0 : index
    %get3A_14 = vector.load %arg9[%get3A_12, %get3A_13] : memref<1000x128xf32, #tpu.memory_space<vmem>>, vector<1000x128xf32>
    %add3A_15 = arith.addf %get3A_11, %get3A_14 : vector<1000x128xf32>
    %get3A_16 = arith.constant 0 : index
    %get3A_17 = arith.constant 0 : index
    %get3A_18 = vector.load %arg10[%get3A_16, %get3A_17] : memref<1000x128xf32, #tpu.memory_space<vmem>>, vector<1000x128xf32>
    %add3A_19 = arith.addf %add3A_15, %get3A_18 : vector<1000x128xf32>
    %get3A_20 = arith.constant 0 : index
    %get3A_21 = arith.constant 0 : index
    %get3A_22 = vector.load %arg6[%get3A_20, %get3A_21] : memref<1000x128xf32, #tpu.memory_space<vmem>>, vector<1000x128xf32>
    %get3A_23 = arith.constant 0 : index
    %get3A_24 = arith.constant 0 : index
    %get3A_25 = vector.load %arg11[%get3A_23, %get3A_24] : memref<1000x128xf32, #tpu.memory_space<vmem>>, vector<1000x128xf32>
    %add3A_26 = arith.addf %get3A_22, %get3A_25 : vector<1000x128xf32>
    %get3A_27 = arith.constant 0 : index
    %get3A_28 = arith.constant 0 : index
    %get3A_29 = vector.load %arg12[%get3A_27, %get3A_28] : memref<1000x128xf32, #tpu.memory_space<vmem>>, vector<1000x128xf32>
    %add3A_30 = arith.addf %add3A_26, %get3A_29 : vector<1000x128xf32>
    %mul3A = arith.mulf %add3A_8, %add3A_8 : vector<1000x128xf32>
    %mul3A_31 = arith.mulf %add3A_19, %add3A_19 : vector<1000x128xf32>
    %add3A_32 = arith.addf %mul3A, %mul3A_31 : vector<1000x128xf32>
    %mul3A_33 = arith.mulf %add3A_30, %add3A_30 : vector<1000x128xf32>
    %add3A_34 = arith.addf %add3A_32, %mul3A_33 : vector<1000x128xf32>
    %sqrt3A = math.sqrt %add3A_34 : vector<1000x128xf32>
    %get3A_35 = arith.constant 0 : index
    %get3A_36 = arith.constant 0 : index
    %get3A_37 = vector.load %arg1[%get3A_35, %get3A_36] : memref<1000x128xf32, #tpu.memory_space<vmem>>, vector<1000x128xf32>
    %get3A_38 = arith.constant 0 : index
    %get3A_39 = arith.constant 0 : index
    %get3A_40 = vector.load %arg2[%get3A_38, %get3A_39] : memref<1000x128xf32, #tpu.memory_space<vmem>>, vector<1000x128xf32>
    %add3A_41 = arith.addf %get3A_37, %get3A_40 : vector<1000x128xf32>
    %get3A_42 = arith.constant 0 : index
    %get3A_43 = arith.constant 0 : index
    %get3A_44 = vector.load %arg3[%get3A_42, %get3A_43] : memref<1000x128xf32, #tpu.memory_space<vmem>>, vector<1000x128xf32>
    %add3A_45 = arith.addf %add3A_41, %get3A_44 : vector<1000x128xf32>
    %get3A_46 = arith.constant 0 : index
    %get3A_47 = arith.constant 0 : index
    %get3A_48 = vector.load %arg13[%get3A_46, %get3A_47] : memref<128x128xf32, #tpu.memory_space<vmem>>, vector<128x128xf32>
    %dot_general3A = arith.constant dense<0.000000e+00> : vector<1000x128xf32>
    %dot_general3A_49 = tpu.matmul %add3A_45, %get3A_48, %dot_general3A {dimension_numbers = #tpu.dot_dimension_numbers<[1], [0], [0], [1], [0, 0, 1, 1], [], []>, transpose_lhs_hint = false} : vector<1000x128xf32>, vector<128x128xf32>, vector<1000x128xf32> -> vector<1000x128xf32>
    %get3A_50 = arith.constant 0 : index
    %get3A_51 = arith.constant 0 : index
    %get3A_52 = vector.load %arg14[%get3A_50, %get3A_51] : memref<128x128xf32, #tpu.memory_space<vmem>>, vector<128x128xf32>
    %dot_general3A_53 = arith.constant dense<0.000000e+00> : vector<1000x128xf32>
    %dot_general3A_54 = tpu.matmul %sqrt3A, %get3A_52, %dot_general3A_53 {dimension_numbers = #tpu.dot_dimension_numbers<[1], [0], [0], [1], [0, 0, 1, 1], [], []>, transpose_lhs_hint = false} : vector<1000x128xf32>, vector<128x128xf32>, vector<1000x128xf32> -> vector<1000x128xf32>
    %add3A_55 = arith.addf %dot_general3A_49, %dot_general3A_54 : vector<1000x128xf32>
    %get3A_56 = arith.constant 0 : index
    %get3A_57 = arith.constant 0 : index
    %get3A_58 = vector.load %arg15[%get3A_56, %get3A_57] : memref<1x128xf32, #tpu.memory_space<vmem>>, vector<1x128xf32>
    %add3A_59 = vector.broadcast %get3A_58 : vector<1x128xf32> to vector<1000x128xf32>
    %add3A_60 = arith.addf %add3A_55, %add3A_59 : vector<1000x128xf32>
    %logistic3A = arith.negf %add3A_60 : vector<1000x128xf32>
    %logistic3A_61 = math.exp %logistic3A : vector<1000x128xf32>
    %logistic3A_62 = arith.constant 1.000000e+00 : f32
    %logistic3A_63 = vector.broadcast %logistic3A_62 : f32 to vector<1000x128xf32>
    %logistic3A_64 = arith.addf %logistic3A_63, %logistic3A_61 : vector<1000x128xf32>
    %logistic3A_65 = arith.divf %logistic3A_63, %logistic3A_64 : vector<1000x128xf32>
    %mul3A_66 = arith.mulf %add3A_60, %logistic3A_65 : vector<1000x128xf32>
    %get3A_67 = arith.constant 0 : index
    %get3A_68 = arith.constant 0 : index
    %get3A_69 = vector.load %arg16[%get3A_67, %get3A_68] : memref<128x128xf32, #tpu.memory_space<vmem>>, vector<128x128xf32>
    %dot_general3A_70 = arith.constant dense<0.000000e+00> : vector<1000x128xf32>
    %dot_general3A_71 = tpu.matmul %mul3A_66, %get3A_69, %dot_general3A_70 {dimension_numbers = #tpu.dot_dimension_numbers<[1], [0], [0], [1], [0, 0, 1, 1], [], []>, transpose_lhs_hint = false} : vector<1000x128xf32>, vector<128x128xf32>, vector<1000x128xf32> -> vector<1000x128xf32>
    %get3A_72 = arith.constant 0 : index
    %get3A_73 = arith.constant 0 : index
    %get3A_74 = vector.load %arg18[%get3A_72, %get3A_73] : memref<1x128xf32, #tpu.memory_space<vmem>>, vector<1x128xf32>
    %add3A_75 = vector.broadcast %get3A_74 : vector<1x128xf32> to vector<1000x128xf32>
    %add3A_76 = arith.addf %dot_general3A_71, %add3A_75 : vector<1000x128xf32>
    %get3A_77 = arith.constant 0 : index
    %get3A_78 = arith.constant 0 : index
    %get3A_79 = vector.load %arg17[%get3A_77, %get3A_78] : memref<128x128xf32, #tpu.memory_space<vmem>>, vector<128x128xf32>
    %dot_general3A_80 = arith.constant dense<0.000000e+00> : vector<1000x128xf32>
    %dot_general3A_81 = tpu.matmul %mul3A_66, %get3A_79, %dot_general3A_80 {dimension_numbers = #tpu.dot_dimension_numbers<[1], [0], [0], [1], [0, 0, 1, 1], [], []>, transpose_lhs_hint = false} : vector<1000x128xf32>, vector<128x128xf32>, vector<1000x128xf32> -> vector<1000x128xf32>
    %get3A_82 = arith.constant 0 : index
    %get3A_83 = arith.constant 0 : index
    %get3A_84 = vector.load %arg19[%get3A_82, %get3A_83] : memref<1x128xf32, #tpu.memory_space<vmem>>, vector<1x128xf32>
    %add3A_85 = vector.broadcast %get3A_84 : vector<1x128xf32> to vector<1000x128xf32>
    %add3A_86 = arith.addf %dot_general3A_81, %add3A_85 : vector<1000x128xf32>
    %get3A_87 = arith.constant 0 : index
    %get3A_88 = arith.constant 0 : index
    %get3A_89 = vector.load %arg1[%get3A_87, %get3A_88] : memref<1000x128xf32, #tpu.memory_space<vmem>>, vector<1000x128xf32>
    %add3A_90 = arith.addf %get3A_89, %add3A_76 : vector<1000x128xf32>
    %reduce_sum3A = arith.constant dense<0.000000e+00> : vector<1000xf32>
    %reduce_sum3A_91 = vector.multi_reduction <add>, %add3A_90, %reduce_sum3A [1] : vector<1000x128xf32> to vector<1000xf32>
    %broadcast_in_dim3A = vector.shape_cast %reduce_sum3A_91 : vector<1000xf32> to vector<1000x1xf32>
    %div3A = arith.constant 1.280000e+02 : f32
    %div3A_92 = vector.broadcast %div3A : f32 to vector<1000x1xf32>
    %div3A_93 = arith.divf %broadcast_in_dim3A, %div3A_92 : vector<1000x1xf32>
    %sub3A = vector.broadcast %div3A_93 : vector<1000x1xf32> to vector<1000x128xf32>
    %sub3A_94 = arith.subf %add3A_90, %sub3A : vector<1000x128xf32>
    %sub3A_95 = vector.broadcast %div3A_93 : vector<1000x1xf32> to vector<1000x128xf32>
    %sub3A_96 = arith.subf %add3A_90, %sub3A_95 : vector<1000x128xf32>
    %mul3A_97 = arith.mulf %sub3A_94, %sub3A_96 : vector<1000x128xf32>
    %reduce_sum3A_98 = arith.constant dense<0.000000e+00> : vector<1000xf32>
    %reduce_sum3A_99 = vector.multi_reduction <add>, %mul3A_97, %reduce_sum3A_98 [1] : vector<1000x128xf32> to vector<1000xf32>
    %broadcast_in_dim3A_100 = vector.shape_cast %reduce_sum3A_99 : vector<1000xf32> to vector<1000x1xf32>
    %div3A_101 = arith.constant 1.280000e+02 : f32
    %div3A_102 = vector.broadcast %div3A_101 : f32 to vector<1000x1xf32>
    %div3A_103 = arith.divf %broadcast_in_dim3A_100, %div3A_102 : vector<1000x1xf32>
    %sub3A_104 = vector.broadcast %div3A_93 : vector<1000x1xf32> to vector<1000x128xf32>
    %sub3A_105 = arith.subf %add3A_90, %sub3A_104 : vector<1000x128xf32>
    %add3A_106 = arith.constant 9.99999974E-6 : f32
    %add3A_107 = vector.broadcast %add3A_106 : f32 to vector<1000x1xf32>
    %add3A_108 = arith.addf %div3A_103, %add3A_107 : vector<1000x1xf32>
    %rsqrt3A = math.rsqrt %add3A_108 : vector<1000x1xf32>
    %mul3A_109 = vector.broadcast %rsqrt3A : vector<1000x1xf32> to vector<1000x128xf32>
    %mul3A_110 = arith.mulf %sub3A_105, %mul3A_109 : vector<1000x128xf32>
    %get3A_111 = arith.constant 0 : index
    %get3A_112 = arith.constant 0 : index
    %get3A_113 = vector.load %arg20[%get3A_111, %get3A_112] : memref<1x128xf32, #tpu.memory_space<vmem>>, vector<1x128xf32>
    %mul3A_114 = vector.broadcast %get3A_113 : vector<1x128xf32> to vector<1000x128xf32>
    %mul3A_115 = arith.mulf %mul3A_110, %mul3A_114 : vector<1000x128xf32>
    %get3A_116 = arith.constant 0 : index
    %get3A_117 = arith.constant 0 : index
    %get3A_118 = vector.load %arg21[%get3A_116, %get3A_117] : memref<1x128xf32, #tpu.memory_space<vmem>>, vector<1x128xf32>
    %add3A_119 = vector.broadcast %get3A_118 : vector<1x128xf32> to vector<1000x128xf32>
    %add3A_120 = arith.addf %mul3A_115, %add3A_119 : vector<1000x128xf32>
    %swap3A = arith.constant 0 : index
    %swap3A_121 = arith.constant 0 : index
    %swap3A_122 = vector.load %arg22[%swap3A, %swap3A_121] : memref<1000x128xf32, #tpu.memory_space<vmem>>, vector<1000x128xf32>
    tpu.vector_store %arg22[%swap3A, %swap3A_121], %add3A_120 {strides = array<i32>} : memref<1000x128xf32, #tpu.memory_space<vmem>>, vector<1000x128xf32>,
    %mul3A_123 = arith.mulf %add3A_86, %add3A_8 : vector<1000x128xf32>
    %swap3A_124 = arith.constant 0 : index
    %swap3A_125 = arith.constant 0 : index
    %swap3A_126 = vector.load %arg23[%swap3A_124, %swap3A_125] : memref<1000x128xf32, #tpu.memory_space<vmem>>, vector<1000x128xf32>
    tpu.vector_store %arg23[%swap3A_124, %swap3A_125], %mul3A_123 {strides = array<i32>} : memref<1000x128xf32, #tpu.memory_space<vmem>>, vector<1000x128xf32>,
    %mul3A_127 = arith.mulf %add3A_86, %add3A_19 : vector<1000x128xf32>
    %swap3A_128 = arith.constant 0 : index
    %swap3A_129 = arith.constant 0 : index
    %swap3A_130 = vector.load %arg24[%swap3A_128, %swap3A_129] : memref<1000x128xf32, #tpu.memory_space<vmem>>, vector<1000x128xf32>
    tpu.vector_store %arg24[%swap3A_128, %swap3A_129], %mul3A_127 {strides = array<i32>} : memref<1000x128xf32, #tpu.memory_space<vmem>>, vector<1000x128xf32>,
    %mul3A_131 = arith.mulf %add3A_86, %add3A_30 : vector<1000x128xf32>
    %swap3A_132 = arith.constant 0 : index
    %swap3A_133 = arith.constant 0 : index
    %swap3A_134 = vector.load %arg25[%swap3A_132, %swap3A_133] : memref<1000x128xf32, #tpu.memory_space<vmem>>, vector<1000x128xf32>
    tpu.vector_store %arg25[%swap3A_132, %swap3A_133], %mul3A_131 {strides = array<i32>} : memref<1000x128xf32, #tpu.memory_space<vmem>>, vector<1000x128xf32>,
    return
  }
  func.func @transform_0(%arg0: i32) -> (i32, i32) {
    %c0_i32 = arith.constant 0 : i32
    %c0_i32_0 = arith.constant 0 : i32
    return %arg0, %c0_i32 : i32, i32
  }
  func.func @transform_1(%arg0: i32) -> (i32, i32) {
    %c0_i32 = arith.constant 0 : i32
    %c0_i32_0 = arith.constant 0 : i32
    return %arg0, %c0_i32 : i32, i32
  }
  func.func @transform_2(%arg0: i32) -> (i32, i32) {
    %c0_i32 = arith.constant 0 : i32
    %c0_i32_0 = arith.constant 0 : i32
    return %arg0, %c0_i32 : i32, i32
  }
  func.func @transform_3(%arg0: i32) -> (i32, i32) {
    %c0_i32 = arith.constant 0 : i32
    %c0_i32_0 = arith.constant 0 : i32
    return %arg0, %c0_i32 : i32, i32
  }
  func.func @transform_4(%arg0: i32) -> (i32, i32) {
    %c0_i32 = arith.constant 0 : i32
    %c0_i32_0 = arith.constant 0 : i32
    return %arg0, %c0_i32 : i32, i32
  }
  func.func @transform_5(%arg0: i32) -> (i32, i32) {
    %c0_i32 = arith.constant 0 : i32
    %c0_i32_0 = arith.constant 0 : i32
    return %arg0, %c0_i32 : i32, i32
  }
  func.func @transform_6(%arg0: i32) -> (i32, i32) {
    %c0_i32 = arith.constant 0 : i32
    %c0_i32_0 = arith.constant 0 : i32
    return %arg0, %c0_i32 : i32, i32
  }
  func.func @transform_7(%arg0: i32) -> (i32, i32) {
    %c0_i32 = arith.constant 0 : i32
    %c0_i32_0 = arith.constant 0 : i32
    return %arg0, %c0_i32 : i32, i32
  }
  func.func @transform_8(%arg0: i32) -> (i32, i32) {
    %c0_i32 = arith.constant 0 : i32
    %c0_i32_0 = arith.constant 0 : i32
    return %arg0, %c0_i32 : i32, i32
  }
  func.func @transform_9(%arg0: i32) -> (i32, i32) {
    %c0_i32 = arith.constant 0 : i32
    %c0_i32_0 = arith.constant 0 : i32
    return %arg0, %c0_i32 : i32, i32
  }
  func.func @transform_10(%arg0: i32) -> (i32, i32) {
    %c0_i32 = arith.constant 0 : i32
    %c0_i32_0 = arith.constant 0 : i32
    return %arg0, %c0_i32 : i32, i32
  }
  func.func @transform_11(%arg0: i32) -> (i32, i32) {
    %c0_i32 = arith.constant 0 : i32
    %c0_i32_0 = arith.constant 0 : i32
    return %arg0, %c0_i32 : i32, i32
  }
  func.func @transform_12(%arg0: i32) -> (i32, i32) {
    %c0_i32 = arith.constant 0 : i32
    %c0_i32_0 = arith.constant 0 : i32
    %c0_i32_1 = arith.constant 0 : i32
    return %c0_i32, %c0_i32_0 : i32, i32
  }
  func.func @transform_13(%arg0: i32) -> (i32, i32) {
    %c0_i32 = arith.constant 0 : i32
    %c0_i32_0 = arith.constant 0 : i32
    %c0_i32_1 = arith.constant 0 : i32
    return %c0_i32, %c0_i32_0 : i32, i32
  }
  func.func @transform_14(%arg0: i32) -> (i32, i32) {
    %c0_i32 = arith.constant 0 : i32
    %c0_i32_0 = arith.constant 0 : i32
    %c0_i32_1 = arith.constant 0 : i32
    return %c0_i32, %c0_i32_0 : i32, i32
  }
  func.func @transform_15(%arg0: i32) -> (i32, i32) {
    %c0_i32 = arith.constant 0 : i32
    %c0_i32_0 = arith.constant 0 : i32
    %c0_i32_1 = arith.constant 0 : i32
    return %c0_i32, %c0_i32_0 : i32, i32
  }
  func.func @transform_16(%arg0: i32) -> (i32, i32) {
    %c0_i32 = arith.constant 0 : i32
    %c0_i32_0 = arith.constant 0 : i32
    %c0_i32_1 = arith.constant 0 : i32
    return %c0_i32, %c0_i32_0 : i32, i32
  }
  func.func @transform_17(%arg0: i32) -> (i32, i32) {
    %c0_i32 = arith.constant 0 : i32
    %c0_i32_0 = arith.constant 0 : i32
    %c0_i32_1 = arith.constant 0 : i32
    return %c0_i32, %c0_i32_0 : i32, i32
  }
  func.func @transform_18(%arg0: i32) -> (i32, i32) {
    %c0_i32 = arith.constant 0 : i32
    %c0_i32_0 = arith.constant 0 : i32
    %c0_i32_1 = arith.constant 0 : i32
    return %c0_i32, %c0_i32_0 : i32, i32
  }
  func.func @transform_19(%arg0: i32) -> (i32, i32) {
    %c0_i32 = arith.constant 0 : i32
    %c0_i32_0 = arith.constant 0 : i32
    %c0_i32_1 = arith.constant 0 : i32
    return %c0_i32, %c0_i32_0 : i32, i32
  }
  func.func @transform_20(%arg0: i32) -> (i32, i32) {
    %c0_i32 = arith.constant 0 : i32
    %c0_i32_0 = arith.constant 0 : i32
    %c0_i32_1 = arith.constant 0 : i32
    return %c0_i32, %c0_i32_0 : i32, i32
  }
  func.func @transform_21(%arg0: i32) -> (i32, i32) {
    %c0_i32 = arith.constant 0 : i32
    %c0_i32_0 = arith.constant 0 : i32
    return %arg0, %c0_i32 : i32, i32
  }
  func.func @transform_22(%arg0: i32) -> (i32, i32) {
    %c0_i32 = arith.constant 0 : i32
    %c0_i32_0 = arith.constant 0 : i32
    return %arg0, %c0_i32 : i32, i32
  }
  func.func @transform_23(%arg0: i32) -> (i32, i32) {
    %c0_i32 = arith.constant 0 : i32
    %c0_i32_0 = arith.constant 0 : i32
    return %arg0, %c0_i32 : i32, i32
  }
  func.func @transform_24(%arg0: i32) -> (i32, i32) {
    %c0_i32 = arith.constant 0 : i32
    %c0_i32_0 = arith.constant 0 : i32
    return %arg0, %c0_i32 : i32, i32
  }
}

</mosaic_0001>

<sc_bundles>
// kernel: kernel.10.cloned.1.call-start
scs
__scs_entry_jumppad:
0x0: {  	(pc) =	sbr.rel $0x88, $3  }
0x1: {  	(tag) =	ssettag $0x0;
	lr =	simm.s32 $0x1  }
0x2: {  	[smem:$0x3F92] =	sst lr;
	_ =	strace $0xD0000000  }
0x3: {  	_ = 	snop  }
0x4: {  	_ = 	snop  }
0x5: {  	_ = 	snop  }
0x6: {  	_ = 	snop  }
0x7: {  	_ = 	snop  }
__scs_overlays_trampoline_lowered:
0x8: {  	[smem:$0x3FA1] =	sst s0  }
0x9: {  	[smem:$0x3FA2] =	sst s1  }
0xa: {  	[smem:$0x3FA3] =	sst s2  }
0xb: {  	[smem:$0x3FA4] =	sst s3  }
0xc: {  	[smem:$0x3FA5] =	sst s4  }
0xd: {  	[smem:$0x3FA6] =	sst s5  }
0xe: {  	[smem:$0x3FA7] =	sst s6  }
0xf: {  	[smem:$0x3FA8] =	sst s7  }
0x10: {  	[smem:$0x3FA9] =	sst s8  }
0x11: {  	[smem:$0x3FAA] =	sst s9;
	s0 =	simm.s32 @!p0 $0x0  }
0x12: {  	s1 =	sld [smem:$0x3F90];
	s0 =	simm.s32 @p0 $0x1  }
0x13: {  	[smem:$0x3FAB] =	sst s0;
	s0 =	simm.s32 @!p1 $0x0  }
0x14: {  	s2 =	sld [smem:$0x3F8F];
	s0 =	simm.s32 @p1 $0x1  }
0x15: {  	[smem:$0x3FAC] =	sst s0;
	s0 =	simm.s32 @!p2 $0x0  }
0x16: {  	s3 =	sld [smem:$0x3FDB];
	s0 =	simm.s32 @p2 $0x1  }
0x17: {  	s4 =	simm.s32 $0x1BF5;
	[smem:$0x3FAE] =	sst s0  }
0x18: {  	s0 =	sld [smem:$0x3F91];
	_ =	swait.ge [sflag:s4], $0x0  }
0x19: {  	s7 =	sld [smem:$0x3F92]  }
0x1a: {  	s8 =	sadd.s32 $0xFFFFE003, lr  }
0x1b: {  	s9 =	sadd.s32 $0xFFFFFEF7, lr;
	s5 =	simm.s32 $0xFFFFFFFF;
	p2 =	slt.u32 s8, $0xFFFFF086  }
0x1c: {  	p1 =	slt.u32 s9, $0xF7A;
	s5 =	simm.s32 @!p2 $0x0  }
0x1d: {  	s5 =	simm.s32 @p1 $0x1;
	p0 =	seq.s32 s7, s2  }
0x1e: {  	s7 =	smul.u32 @!p0 $0xF7A, s2;
	p2 =	seq.s32 @!p0 s5, $0x0  }
0x1f: {  	s9 =	smul.u32 $0xF7A, s1;
	s8 =	simm.s32 @!p0 $0x1BF5;
	p2 =	por !p2, p0  }
0x20: {  	[sflag:s8] =	ssyncset.s32 @!p0 $0xFFFFF086;
	s6 =	sadd.s32 @!p0 s3, s7;
	s7 =	simm.s32 @!p0 $0x108  }
0x21: {  	s3 =	sadd.s32 s3, s9;
	s6 =	sadd.s32 @!p0 $0x88, s6;
	s7 =	simm.s32 @p2 $0x1082  }
0x22: {  	[simem:s7], [sflag:s8] =	dma.local @!p0 [hbm:s6], $0xF7A  }
0x23: {  	s9 =	sor.u32 $0xD0000000, s2;
	s6 =	simm.s32 $0x108;
	_ =	swait.ge @!p0 [sflag:s8], $0x0  }
0x24: {  	s3 =	sadd.s32 $0x88, s3;
	s6 =	simm.s32 @!p1 $0x1082;
	[sflag:s4] =	ssyncset.s32 $0xFFFFF086  }
0x25: {  	[simem:s6], [sflag:s4] =	dma.local [hbm:s3], $0xF7A  }
0x26: {  	[smem:$0x3F92] =	sst s1;
	(tag) =	ssettag s2;
	_ =	strace s9  }
0x27: {  	s1 =	sld [smem:$0x3FA2]  }
0x28: {  	s2 =	sld [smem:$0x3FA3]  }
0x29: {  	s4 =	sld [smem:$0x3FA5]  }
0x2a: {  	p0 =	seq.s32 s5, $0x0;
	s5 =	sld [smem:$0x3FA6]  }
0x2b: {  	s6 =	sld [smem:$0x3FA7]  }
0x2c: {  	s7 =	sld [smem:$0x3FA8]  }
0x2d: {  	s3 =	simm.s32 $0x108;
	s8 =	sld [smem:$0x3FA9]  }
0x2e: {  	s3 =	simm.s32 @!p0 $0x1082;
	s9 =	sld [smem:$0x3FAA]  }
0x2f: {  	lr =	sadd.s32 s0, s3;
	s0 =	sld [smem:$0x3FA1]  }
0x30: {  	s3 =	sld [smem:$0x3FA4]  }
0x31: {  	[smem:$0x3FAD] =	sst s10  }
0x32: {  	s10 =	sld [smem:$0x3FAB];
	_ =	sdelay $0x3  }
0x33: {  	p0 =	seq.s32 s10, $0x1;
	s10 =	sld [smem:$0x3FAD];
	_ =	sdelay $0x3  }
0x34: {  	[smem:$0x3FAD] =	sst s10  }
0x35: {  	s10 =	sld [smem:$0x3FAC];
	_ =	sdelay $0x3  }
0x36: {  	p1 =	seq.s32 s10, $0x1;
	s10 =	sld [smem:$0x3FAD];
	_ =	sdelay $0x3  }
0x37: {  	[smem:$0x3FAD] =	sst s10  }
0x38: {  	s10 =	sld [smem:$0x3FAE]  }
0x39: {  	_ = 	snop;
	(pc) =	sbr.ind lr, $3  }
0x3a: {  	_ = 	snop  }
0x3b: {  	_ = 	snop  }
0x3c: {  	p2 =	seq.s32 s10, $0x1;
	s10 =	sld [smem:$0x3FAD]  }
0x3d: {  	_ =	shalt  }
0x3e: {  	_ =	shalt  }
0x3f: {  	_ =	shalt  }
0x40: {  	_ =	shalt  }
0x41: {  	_ =	shalt  }
0x42: {  	_ =	shalt  }
0x43: {  	_ =	shalt  }
0x44: {  	_ =	shalt  }
0x45: {  	_ =	shalt  }
0x46: {  	_ =	shalt  }
0x47: {  	_ =	shalt  }
0x48: {  	_ =	shalt  }
0x49: {  	_ =	shalt  }
0x4a: {  	_ =	shalt  }
0x4b: {  	_ =	shalt  }
0x4c: {  	_ =	shalt  }
0x4d: {  	_ =	shalt  }
0x4e: {  	_ =	shalt  }
0x4f: {  	_ =	shalt  }
0x50: {  	_ =	shalt  }
0x51: {  	_ =	shalt  }
0x52: {  	_ =	shalt  }
0x53: {  	_ =	shalt  }
0x54: {  	_ =	shalt  }
0x55: {  	_ =	shalt  }
0x56: {  	_ =	shalt  }
0x57: {  	_ =	shalt  }
0x58: {  	_ =	shalt  }
0x59: {  	_ =	shalt  }
0x5a: {  	_ =	shalt  }
0x5b: {  	_ =	shalt  }
0x5c: {  	_ =	shalt  }
0x5d: {  	_ =	shalt  }
0x5e: {  	_ =	shalt  }
0x5f: {  	_ =	shalt  }
0x60: {  	_ =	shalt  }
0x61: {  	_ =	shalt  }
0x62: {  	_ =	shalt  }
0x63: {  	_ =	shalt  }
0x64: {  	_ =	shalt  }
0x65: {  	_ =	shalt  }
0x66: {  	_ =	shalt  }
0x67: {  	_ =	shalt  }
0x68: {  	_ =	shalt  }
0x69: {  	_ =	shalt  }
0x6a: {  	_ =	shalt  }
0x6b: {  	_ =	shalt  }
0x6c: {  	_ =	shalt  }
0x6d: {  	_ =	shalt  }
0x6e: {  	_ =	shalt  }
0x6f: {  	_ =	shalt  }
0x70: {  	_ =	shalt  }
0x71: {  	_ =	shalt  }
0x72: {  	_ =	shalt  }
0x73: {  	_ =	shalt  }
0x74: {  	_ =	shalt  }
0x75: {  	_ =	shalt  }
0x76: {  	_ =	shalt  }
0x77: {  	_ =	shalt  }
0x78: {  	_ =	shalt  }
0x79: {  	_ =	shalt  }
0x7a: {  	_ =	shalt  }
0x7b: {  	_ =	shalt  }
0x7c: {  	_ =	shalt  }
0x7d: {  	_ =	shalt  }
0x7e: {  	_ =	shalt  }
0x7f: {  	_ =	shalt  }
0x80: {  	_ =	shalt  }
0x81: {  	_ =	shalt  }
0x82: {  	_ =	shalt  }
0x83: {  	_ =	shalt  }
0x84: {  	_ =	shalt  }
0x85: {  	_ =	shalt  }
0x86: {  	_ =	shalt  }
0x87: {  	_ =	shalt  }
.Lfunc_end0:
.L_simem_size_0:
called_computation_lowered:
.L_overlay_start_0:
0x88: {  	s2 =	sld [smem:$0x3FD9]  }
0x89: {  	s3 =	sld [smem:$0x3FFE];
	_ =	sdelay $0x1  }
0x8a: {  	s1 =	srdreg.scid  }
0x8b: {  	s0 =	sand.u32 $0x1, s1  }
0x8c: {  	s14 =	sshll.u32 s0, $0xA;
	s2 =	sadd.s32 s3, s2  }
0x8d: {  	s2 =	sadd.s32 s2, s14  }
0x8e: {  	[smem:$0x3FB9] =	sst s2  }
0x8f: {  	_ = 	snop  }
0x90: {  	s2 =	sld [smem:$0x3FD0];
	_ =	sdelay $0x2  }
0x91: {  	s15 =	simm.s32 $0xB;
	s4 =	simm.s32 $0x10  }
0x92: {  	[smem:s4], [sflag:s15] =	dma.local [hbm:s2], $0x1  }
0x93: {  	_ =	swait.eq [sflag:s15], $0x1  }
0x94: {  	[sflag:s15] =	ssyncset.done $0x0  }
0x95: {  	s16 =	sld [smem:$0x10];
	[sflag:s15] =	ssyncadd.s32 $0xFFFFFFFF  }
0x96: {  	s17 =	sld [smem:$0x11];
	(tm) =	ssettm $0x1  }
0x97: {  	s18 =	sld [smem:$0x3FFB];
	_ =	sdelay $0x3  }
0x98: {  	_ =	strace s18  }
0x99: {  	s4 =	sld [smem:$0x3FFC];
	_ =	sdelay $0x3  }
0x9a: {  	_ =	strace s4  }
0x9b: {  	s4 =	sld [smem:$0x3FFD];
	_ =	sdelay $0x3  }
0x9c: {  	_ =	strace s4  }
0x9d: {  	_ =	strace $0x8FFFFFFF  }
0x9e: {  	s19 =	sld [smem:$0x3FDB];
	_ =	sdelay $0x1  }
0x9f: {  	s5 =	simm.s32 $_scs_section_size  }
0xa0: {  	s6 =	simm.s32 $_size__tile_overlayer_lowered;
	s7 =	simm.s32 $_tile_overlayer_lowered  }
0xa1: {  	s22 =	simm.s32 $0x1BFF;
	s21 =	sshll.u32 s7, $0x1;
	s4 =	sadd.s32 s5, s19  }
0xa2: {  	s8 =	simm.s32 $0x0;
	s20 =	sshll.u32 s6, $0x1;
	s6 =	sadd.s32 s21, s4  }
0xa3: {  	[timem:s8], [sflag:s22] =	dma.local [hbm:s6], s20  }
0xa4: {  	_ =	swait.ge [sflag:s22], s20  }
0xa5: {  	s5 =	ssub.s32 $0x0, s20;
	[sflag:s22] =	ssyncset.done $0x0  }
0xa6: {  	[sflag:s22] =	ssyncadd.s32 s5;
	_ =	sdelay $0x1  }
0xa7: {  	s23 =	simm.s32 $0x1B8B  }
0xa8: {  	_ =	swait.ge [sflag:s23], $0x1  }
0xa9: {  	[sflag:s23] =	ssyncset.done $0x0  }
0xaa: {  	s25 =	simm.s32 $0x1B8E;
	s24 =	sld [smem:$0x3FFE];
	[sflag:s23] =	ssyncadd.s32 $0xFFFFFFFF  }
0xab: {  	s26 =	simm.s32 $execute0_lowered;
	[smem:$0x3FD2] =	sst s25  }
0xac: {  	s6 =	sshll.u32 s26, $0x1;
	_ =	strace $0x80000046;
	[dreg:$0x1] =	wrdreg $0xFFFFFFFF  }
0xad: {  	s28 =	simm.s32 $_size_execute0_lowered;
	s4 =	sadd.s32 s4, s6;
	[dreg:$0x0] =	wrdreg $0x0  }
0xae: {  	s6 =	sshll.u32 s28, $0x1;
	[dreg:$0x2] =	wrdreg s4  }
0xaf: {  	[dreg:$0x3] =	wrdreg s6  }
0xb0: {  	[dreg:$0x4] =	wrdreg $0xC0  }
0xb1: {  	_ =	task [dreg:s8], $0x5FFFF  }
0xb2: {  	[dreg:$0x1] =	wrdreg $0xFFFFFFFF  }
0xb3: {  	[dreg:$0x0] =	wrdreg $0x60  }
0xb4: {  	[dreg:$0x2] =	wrdreg s16  }
0xb5: {  	[dreg:$0x3] =	wrdreg s17  }
0xb6: {  	[dreg:$0x4] =	wrdreg s24  }
0xb7: {  	[dreg:$0x5] =	wrdreg $0x9  }
0xb8: {  	_ =	task.clear_ibuf [dreg:s8], $0x6FFFF;
	_ =	strace $0x90000046  }
0xb9: {  	s29 =	simm.s32 $0x9;
	_ =	strace $0x80000048  }
0xba: {  	_ =	swait.ge [sflag:s29], $0x1  }
0xbb: {  	[sflag:s29] =	ssyncadd.s32 $0xFFFFFFFF  }
0xbc: {  	_ =	strace $0x90000048  }
0xbd: {  	_ =	sfence  }
0xbe: {  	s30 =	sld [smem:$0x0];
	_ =	sdelay $0x2  }
0xbf: {  	s31 =	sshll.u32 s1, $0xD;
	s1 =	sshrl.u32 s1, $0x2  }
0xc0: {  	s3 =	sand.u32 $0x4000, s31;
	s1 =	sadd.s32 s1, s30  }
0xc1: {  	s0 =	sor.u32 s3, s0;
	s1 =	sshll.u32 s1, $0x11  }
0xc2: {  	s0 =	sor.u32 s1, s0  }
0xc3: {  	s0 =	sadd.s32 $0x8F2B, s0  }
0xc4: {  	[sflag:s0] =	ssyncadd.remote.s32 $0x1  }
0xc5: {  	_ =	sfence.sel $0xFFFF  }
0xc6: {  	[dreg:$0x0] =	wrdreg $0xFFFFFFFF;
	(pc) =	sbr.abs _section_cstart, $3  }
0xc7: {  	[dreg:$0x1] =	wrdreg $0xFFFFFFFF  }
0xc8: {  	_ =	task.clear_ibuf [dreg:s8], $0x2FFFF;
	_ =	strace $0x9FFFFFFF  }
0xc9: {  	(tm) =	ssettm $0x7FFFFFFF  }
tec
execute0_lowered:
.L_overlay_start_1:
0x0: {  	(tag) =	ssettag $0x1  }
0x1: {  	s0 =	rddreg [dreg:$0x0]  }
0x2: {  	s2 =	rddreg [dreg:$0x1];
	s1 =	srdreg.scid  }
0x3: {  	s9 =	stileid.u32;
	s4 =	rddreg [dreg:$0x2];
	s3 =	simm.s32 $0x0  }
0x4: {  	s10 =	simm.s32 $0x2780;
	s11 =	simm.s32 $0x2F80;
	s12 =	simm.s32 $0x3780  }
0x5: {  	s13 =	simm.s32 $0x3F80;
	s14 =	simm.s32 $0x4780;
	s15 =	simm.s32 $0x4F80  }
0x6: {  	s16 =	simm.s32 $0x5780;
	s17 =	simm.s32 $0x5F80;
	s18 =	simm.s32 $0x6780  }
0x7: {  	s19 =	simm.s32 $0x6F80;
	s20 =	simm.s32 $0x7780;
	s21 =	simm.s32 $0x7F80  }
0x8: {  	s22 =	simm.s32 $0x8780;
	s28 =	simm.s32 $0xAF80;
	s29 =	simm.s32 $0xB780  }
0x9: {  	s30 =	simm.s32 $0xCF80;
	s1 =	sand.u32 $0x1, s1;
	s5 =	sshll.u32 s9, $0x1  }
0xa: {  	s31 =	simm.s32 $0xD780;
	s9 =	smul.u32 $0x5DC00, s9;
	s5 =	sor.u32 s1, s5  }
0xb: {  	[smem:$0x7FF] =	sst s3;
	s7 =	ssub.s32 $0x2, s1;
	s6 =	smul.u32 $0x1770, s5  }
0xc: {  	s4 =	sadd.s32 $0x81A00, s4;
	s5 =	smul.u32 $0x177000, s5;
	s8 =	sshrl.u32 s7, $0x1  }
0xd: {  	_ =	strace $0x80000047;
	s1 =	smul.u32 $0x2EE00, s1;
	s7 =	ssub.s32 s7, s8  }
0xe: {  	s8 =	simm.s32 $0x3;
	s5 =	sshrl.u32 s5, $0x3;
	s6 =	sshrl.u32 s6, $0x3  }
0xf: {  	s26 =	smax.u32 s7, $0x1;
	s7 =	simm.s32 $0x1F80;
	s5 =	sadd.s32 s4, s5  }
0x10: {  	s4 =	sadd.s32 s9, s4;
	s0 =	sadd.s32 s0, s6;
	[dreg:$0x8] =	wrdreg s26  }
0x11: {  	s26 =	simm.s32 $0xA780;
	s6 =	simm.s32 $0x0;
	[dreg:$0x5] =	wrdreg s0  }
0x12: {  	s9 =	simm.s32 $0xC780;
	s23 =	sadd.s32 $0x2BC00, s5;
	[dreg:$0x9] =	wrdreg s6  }
0x13: {  	s24 =	sadd.s32 s1, s4;
	s25 =	sadd.s32 $0x2D500, s5;
	[dreg:$0x6] =	wrdreg s23  }
0x14: {  	v2 =	vlaneseq.u32;
	s5 =	simm.s32 $0x1780;
	s1 =	simm.s32 $0xBF80;
	[dreg:$0x7] =	wrdreg s25  }
0x15: {  	vm0 =	vmmov $0xffff;
	v1 =	vshrl.u32 v2, $0x3;
	s0 =	simm.s32 $0x1;
	s4 =	simm.s32 $0x2;
	[dreg:$0x4] =	wrdreg s24  }
0x16: {  	v0 =	vand.u32 $0x7, v2;
	v2 =	vor.u32 $0x8, v2;
	v1 =	vmul.u32 $0x8, v1;
	s23 =	simm.s32 $0x8F80;
	s24 =	simm.s32 $0x9780;
	s25 =	simm.s32 $0x9F80  }
.LBB2_1:
0x17: {  	s6 =	rddreg [dreg:$0x5]  }
0x18: {  	[tilespmem:s3], [sflag:$0x3] =	stream.linear.gather [hbm4b:s6+s3], $0x1770, $0x38;
	[tilespmem:$0x1A780] =	vst v63  }
0x19: {  	_ =	swait.ge [sflag:s8], $0x1770  }
0x1a: {  	[sflag:s8] =	ssyncset.done $0x0  }
0x1b: {  	[sflag:s8] =	ssyncadd.s32 $0xFFFFE890  }
0x1c: {  	v3 =	vld [tilespmem:$0x0];
	_ =	sdelay $0x4  }
0x1d: {  	v4 =	vshll.u32 v3, $0x1  }
0x1e: {  	v3 =	vand.u32 $0x7, v3;
	v4 =	vand.u32 $0xFFFFFFF0, v4  }
0x1f: {  	v3 =	vor.u32 v3, v4  }
0x20: {  	v4 =	vperm.xlane v3, v0;
	_ =	sdelay $0x1  }
0x21: {  	v3 =	vperm.xlane v3, v2;
	v4 =	vadd.s32 v1, v4;
	_ =	sdelay $0x1  }
0x22: {  	v3 =	vadd.s32 v1, v3;
	_ =	sdelay $0x2  }
0x23: {  	[tilespmem:s5], [sflag:$0x1] =	stream.indirect_vreg.gather [hbm4b:s2+s3], $0x80, v4, vm0, $0xb8;
	[tilespmem:$0x1A780] =	vst v63  }
0x24: {  	_ = 	snop  }
0x25: {  	[tilespmem:s7], [sflag:$0x1] =	stream.indirect_vreg.gather [hbm4b:s2+s3], $0x80, v3, vm0, $0xb8;
	[tilespmem:$0x1A780] =	vst v63  }
0x26: {  	v3 =	vld [tilespmem:$0x10];
	_ =	sdelay $0x4  }
0x27: {  	v52 =	vshll.u32 v3, $0x1  }
0x28: {  	v3 =	vand.u32 $0x7, v3;
	v4 =	vand.u32 $0xFFFFFFF0, v52  }
0x29: {  	v3 =	vor.u32 v3, v4  }
0x2a: {  	v4 =	vperm.xlane v3, v0;
	_ =	sdelay $0x1  }
0x2b: {  	v3 =	vperm.xlane v3, v2;
	v4 =	vadd.s32 v1, v4;
	_ =	sdelay $0x1  }
0x2c: {  	v3 =	vadd.s32 v1, v3;
	_ =	sdelay $0x2  }
0x2d: {  	[tilespmem:s10], [sflag:$0x1] =	stream.indirect_vreg.gather [hbm4b:s2+s3], $0x80, v4, vm0, $0xb8;
	[tilespmem:$0x1A780] =	vst v63  }
0x2e: {  	_ = 	snop  }
0x2f: {  	[tilespmem:s11], [sflag:$0x1] =	stream.indirect_vreg.gather [hbm4b:s2+s3], $0x80, v3, vm0, $0xb8;
	[tilespmem:$0x1A780] =	vst v63  }
0x30: {  	v3 =	vld [tilespmem:$0x20];
	_ =	sdelay $0x4  }
0x31: {  	v53 =	vshll.u32 v3, $0x1  }
0x32: {  	v3 =	vand.u32 $0x7, v3;
	v4 =	vand.u32 $0xFFFFFFF0, v53  }
0x33: {  	v3 =	vor.u32 v3, v4  }
0x34: {  	v4 =	vperm.xlane v3, v0;
	_ =	sdelay $0x1  }
0x35: {  	v3 =	vperm.xlane v3, v2;
	v4 =	vadd.s32 v1, v4;
	_ =	sdelay $0x1  }
0x36: {  	v3 =	vadd.s32 v1, v3;
	_ =	sdelay $0x2  }
0x37: {  	[tilespmem:s12], [sflag:$0x1] =	stream.indirect_vreg.gather [hbm4b:s2+s3], $0x80, v4, vm0, $0xb8;
	[tilespmem:$0x1A780] =	vst v63  }
0x38: {  	_ = 	snop  }
0x39: {  	[tilespmem:s13], [sflag:$0x1] =	stream.indirect_vreg.gather [hbm4b:s2+s3], $0x80, v3, vm0, $0xb8;
	[tilespmem:$0x1A780] =	vst v63  }
0x3a: {  	v3 =	vld [tilespmem:$0x30];
	_ =	sdelay $0x4  }
0x3b: {  	v54 =	vshll.u32 v3, $0x1  }
0x3c: {  	v3 =	vand.u32 $0x7, v3;
	v4 =	vand.u32 $0xFFFFFFF0, v54  }
0x3d: {  	v3 =	vor.u32 v3, v4  }
0x3e: {  	v4 =	vperm.xlane v3, v0;
	_ =	sdelay $0x1  }
0x3f: {  	v3 =	vperm.xlane v3, v2;
	v4 =	vadd.s32 v1, v4;
	_ =	sdelay $0x1  }
0x40: {  	v3 =	vadd.s32 v1, v3;
	_ =	sdelay $0x2  }
0x41: {  	[tilespmem:s14], [sflag:$0x1] =	stream.indirect_vreg.gather [hbm4b:s2+s3], $0x80, v4, vm0, $0xb8;
	[tilespmem:$0x1A780] =	vst v63  }
0x42: {  	_ = 	snop  }
0x43: {  	[tilespmem:s15], [sflag:$0x1] =	stream.indirect_vreg.gather [hbm4b:s2+s3], $0x80, v3, vm0, $0xb8;
	[tilespmem:$0x1A780] =	vst v63  }
0x44: {  	v3 =	vld [tilespmem:$0x40];
	_ =	sdelay $0x4  }
0x45: {  	v55 =	vshll.u32 v3, $0x1  }
0x46: {  	v3 =	vand.u32 $0x7, v3;
	v4 =	vand.u32 $0xFFFFFFF0, v55  }
0x47: {  	v3 =	vor.u32 v3, v4  }
0x48: {  	v4 =	vperm.xlane v3, v0;
	_ =	sdelay $0x1  }
0x49: {  	v3 =	vperm.xlane v3, v2;
	v4 =	vadd.s32 v1, v4;
	_ =	sdelay $0x1  }
0x4a: {  	v3 =	vadd.s32 v1, v3;
	_ =	sdelay $0x2  }
0x4b: {  	[tilespmem:s16], [sflag:$0x1] =	stream.indirect_vreg.gather [hbm4b:s2+s3], $0x80, v4, vm0, $0xb8;
	[tilespmem:$0x1A780] =	vst v63  }
0x4c: {  	_ = 	snop  }
0x4d: {  	[tilespmem:s17], [sflag:$0x1] =	stream.indirect_vreg.gather [hbm4b:s2+s3], $0x80, v3, vm0, $0xb8;
	[tilespmem:$0x1A780] =	vst v63  }
0x4e: {  	v3 =	vld [tilespmem:$0x50];
	_ =	sdelay $0x4  }
0x4f: {  	v56 =	vshll.u32 v3, $0x1  }
0x50: {  	v3 =	vand.u32 $0x7, v3;
	v4 =	vand.u32 $0xFFFFFFF0, v56  }
0x51: {  	v3 =	vor.u32 v3, v4  }
0x52: {  	v4 =	vperm.xlane v3, v0;
	_ =	sdelay $0x1  }
0x53: {  	v3 =	vperm.xlane v3, v2;
	v4 =	vadd.s32 v1, v4;
	_ =	sdelay $0x1  }
0x54: {  	v3 =	vadd.s32 v1, v3;
	_ =	sdelay $0x2  }
0x55: {  	[tilespmem:s18], [sflag:$0x1] =	stream.indirect_vreg.gather [hbm4b:s2+s3], $0x80, v4, vm0, $0xb8;
	[tilespmem:$0x1A780] =	vst v63  }
0x56: {  	_ = 	snop  }
0x57: {  	[tilespmem:s19], [sflag:$0x1] =	stream.indirect_vreg.gather [hbm4b:s2+s3], $0x80, v3, vm0, $0xb8;
	[tilespmem:$0x1A780] =	vst v63  }
0x58: {  	v3 =	vld [tilespmem:$0x60];
	_ =	sdelay $0x4  }
0x59: {  	v57 =	vshll.u32 v3, $0x1  }
0x5a: {  	v3 =	vand.u32 $0x7, v3;
	v4 =	vand.u32 $0xFFFFFFF0, v57  }
0x5b: {  	v3 =	vor.u32 v3, v4  }
0x5c: {  	v4 =	vperm.xlane v3, v0;
	_ =	sdelay $0x1  }
0x5d: {  	v3 =	vperm.xlane v3, v2;
	v4 =	vadd.s32 v1, v4;
	_ =	sdelay $0x1  }
0x5e: {  	v3 =	vadd.s32 v1, v3;
	_ =	sdelay $0x2  }
0x5f: {  	[tilespmem:s20], [sflag:$0x1] =	stream.indirect_vreg.gather [hbm4b:s2+s3], $0x80, v4, vm0, $0xb8;
	[tilespmem:$0x1A780] =	vst v63  }
0x60: {  	_ = 	snop  }
0x61: {  	[tilespmem:s21], [sflag:$0x1] =	stream.indirect_vreg.gather [hbm4b:s2+s3], $0x80, v3, vm0, $0xb8;
	[tilespmem:$0x1A780] =	vst v63  }
0x62: {  	v3 =	vld [tilespmem:$0x70];
	_ =	sdelay $0x4  }
0x63: {  	v58 =	vshll.u32 v3, $0x1  }
0x64: {  	v3 =	vand.u32 $0x7, v3;
	v4 =	vand.u32 $0xFFFFFFF0, v58  }
0x65: {  	v3 =	vor.u32 v3, v4  }
0x66: {  	v4 =	vperm.xlane v3, v0;
	_ =	sdelay $0x1  }
0x67: {  	v3 =	vperm.xlane v3, v2;
	v4 =	vadd.s32 v1, v4;
	_ =	sdelay $0x1  }
0x68: {  	v3 =	vadd.s32 v1, v3;
	_ =	sdelay $0x2  }
0x69: {  	[tilespmem:s22], [sflag:$0x1] =	stream.indirect_vreg.gather [hbm4b:s2+s3], $0x80, v4, vm0, $0xb8;
	[tilespmem:$0x1A780] =	vst v63  }
0x6a: {  	_ = 	snop  }
0x6b: {  	[tilespmem:s23], [sflag:$0x1] =	stream.indirect_vreg.gather [hbm4b:s2+s3], $0x80, v3, vm0, $0xb8;
	[tilespmem:$0x1A780] =	vst v63  }
0x6c: {  	v3 =	vld [tilespmem:$0x80];
	_ =	sdelay $0x4  }
0x6d: {  	v59 =	vshll.u32 v3, $0x1  }
0x6e: {  	v3 =	vand.u32 $0x7, v3;
	v4 =	vand.u32 $0xFFFFFFF0, v59  }
0x6f: {  	v3 =	vor.u32 v3, v4  }
0x70: {  	v4 =	vperm.xlane v3, v0;
	_ =	sdelay $0x1  }
0x71: {  	v3 =	vperm.xlane v3, v2;
	v4 =	vadd.s32 v1, v4;
	_ =	sdelay $0x1  }
0x72: {  	v3 =	vadd.s32 v1, v3;
	_ =	sdelay $0x2  }
0x73: {  	[tilespmem:s24], [sflag:$0x1] =	stream.indirect_vreg.gather [hbm4b:s2+s3], $0x80, v4, vm0, $0xb8;
	[tilespmem:$0x1A780] =	vst v63  }
0x74: {  	_ = 	snop  }
0x75: {  	[tilespmem:s25], [sflag:$0x1] =	stream.indirect_vreg.gather [hbm4b:s2+s3], $0x80, v3, vm0, $0xb8;
	[tilespmem:$0x1A780] =	vst v63  }
0x76: {  	v3 =	vld [tilespmem:$0x90];
	_ =	sdelay $0x4  }
0x77: {  	v60 =	vshll.u32 v3, $0x1  }
0x78: {  	v3 =	vand.u32 $0x7, v3;
	v4 =	vand.u32 $0xFFFFFFF0, v60  }
0x79: {  	v3 =	vor.u32 v3, v4  }
0x7a: {  	v4 =	vperm.xlane v3, v0;
	_ =	sdelay $0x1  }
0x7b: {  	v3 =	vperm.xlane v3, v2;
	v4 =	vadd.s32 v1, v4;
	_ =	sdelay $0x1  }
0x7c: {  	v3 =	vadd.s32 v1, v3;
	_ =	sdelay $0x2  }
0x7d: {  	[tilespmem:s26], [sflag:$0x1] =	stream.indirect_vreg.gather [hbm4b:s2+s3], $0x80, v4, vm0, $0xb8;
	[tilespmem:$0x1A780] =	vst v63  }
0x7e: {  	_ = 	snop  }
0x7f: {  	[tilespmem:s28], [sflag:$0x1] =	stream.indirect_vreg.gather [hbm4b:s2+s3], $0x80, v3, vm0, $0xb8;
	[tilespmem:$0x1A780] =	vst v63  }
0x80: {  	v3 =	vld [tilespmem:$0xA0];
	_ =	sdelay $0x4  }
0x81: {  	v61 =	vshll.u32 v3, $0x1  }
0x82: {  	v3 =	vand.u32 $0x7, v3;
	v4 =	vand.u32 $0xFFFFFFF0, v61  }
0x83: {  	v3 =	vor.u32 v3, v4  }
0x84: {  	v4 =	vperm.xlane v3, v0;
	_ =	sdelay $0x1  }
0x85: {  	v3 =	vperm.xlane v3, v2;
	v4 =	vadd.s32 v1, v4;
	_ =	sdelay $0x1  }
0x86: {  	v3 =	vadd.s32 v1, v3;
	_ =	sdelay $0x2  }
0x87: {  	[tilespmem:s29], [sflag:$0x1] =	stream.indirect_vreg.gather [hbm4b:s2+s3], $0x80, v4, vm0, $0xb8;
	[tilespmem:$0x1A780] =	vst v63  }
0x88: {  	_ = 	snop  }
0x89: {  	[tilespmem:s1], [sflag:$0x1] =	stream.indirect_vreg.gather [hbm4b:s2+s3], $0x80, v3, vm0, $0xb8;
	[tilespmem:$0x1A780] =	vst v63  }
0x8a: {  	v3 =	vld [tilespmem:$0xB0];
	_ =	sdelay $0x4  }
0x8b: {  	v62 =	vshll.u32 v3, $0x1  }
0x8c: {  	v3 =	vand.u32 $0x7, v3;
	v4 =	vand.u32 $0xFFFFFFF0, v62  }
0x8d: {  	v3 =	vor.u32 v3, v4  }
0x8e: {  	v4 =	vperm.xlane v3, v0;
	_ =	sdelay $0x1  }
0x8f: {  	v3 =	vperm.xlane v3, v2;
	v4 =	vadd.s32 v1, v4;
	_ =	sdelay $0x1  }
0x90: {  	v3 =	vadd.s32 v1, v3;
	_ =	sdelay $0x2  }
0x91: {  	[tilespmem:s9], [sflag:$0x1] =	stream.indirect_vreg.gather [hbm4b:s2+s3], $0x80, v4, vm0, $0xb8;
	[tilespmem:$0x1A780] =	vst v63  }
0x92: {  	_ = 	snop  }
0x93: {  	[tilespmem:s30], [sflag:$0x1] =	stream.indirect_vreg.gather [hbm4b:s2+s3], $0x80, v3, vm0, $0xb8;
	[tilespmem:$0x1A780] =	vst v63  }
0x94: {  	v3 =	vld.msk [tilespmem:$0xC0], $0xff;
	_ =	sdelay $0x4  }
0x95: {  	v63 =	vshll.u32 v3, $0x1  }
0x96: {  	v3 =	vand.u32 $0x7, v3;
	v4 =	vand.u32 $0xFFFFFFF0, v63  }
0x97: {  	v3 =	vor.u32 v3, v4  }
0x98: {  	s6 =	simm.s32 $0x128;
	s7 =	simm.s32 $0x0;
	v3 =	vperm.xlane v3, v0  }
0x99: {  	s11 =	simm.s32 $0xF780;
	s12 =	simm.s32 $0x2780;
	s14 =	simm.s32 $0x3780  }
0x9a: {  	s15 =	simm.s32 $0x3F80;
	s16 =	simm.s32 $0x4780;
	s17 =	simm.s32 $0xDF80;
	v3 =	vadd.s32 v1, v3  }
0x9b: {  	s18 =	simm.s32 $0x5780;
	s19 =	simm.s32 $0x5F80;
	s20 =	simm.s32 $0x6780  }
0x9c: {  	s21 =	simm.s32 $0xCF80;
	s22 =	simm.s32 $0x7780;
	s23 =	simm.s32 $0x7F80  }
0x9d: {  	s24 =	simm.s32 $0x8780;
	s25 =	simm.s32 $0xD780;
	s26 =	simm.s32 $0x9780  }
0x9e: {  	s28 =	simm.s32 $0x9F80;
	s29 =	simm.s32 $0xA780;
	s1 =	simm.s32 $0xEF80  }
0x9f: {  	[tilespmem:s31], [sflag:$0x1] =	stream.indirect_vreg.gather [hbm4b:s2+s3], $0x80, v3, vm0, $0xb8;
	[tilespmem:$0x1A780] =	vst v63  }
0xa0: {  	s9 =	simm.s32 $0xC780;
	s30 =	simm.s32 $0xE780;
	s31 =	simm.s32 $0xB780  }
.LBB2_2:
0xa1: {  	v3 =	vld [tilespmem:s6+$0xFFFFFFA0];
	_ =	sdelay $0x4  }
0xa2: {  	v4 =	vshll.u32 v3, $0x1  }
0xa3: {  	v3 =	vand.u32 $0x7, v3;
	v4 =	vand.u32 $0xFFFFFFF0, v4  }
0xa4: {  	v3 =	vor.u32 v3, v4  }
0xa5: {  	v4 =	vperm.xlane v3, v0;
	_ =	sdelay $0x1  }
0xa6: {  	v3 =	vperm.xlane v3, v2;
	v4 =	vadd.s32 v1, v4;
	_ =	sdelay $0x1  }
0xa7: {  	v3 =	vadd.s32 v1, v3;
	_ =	sdelay $0x2  }
0xa8: {  	[tilespmem:s17], [sflag:$0x2] =	stream.indirect_vreg.gather [hbm4b:s2+s3], $0x80, v4, vm0, $0xb8;
	[tilespmem:$0x1A780] =	vst v63  }
0xa9: {  	_ = 	snop  }
0xaa: {  	[tilespmem:s30], [sflag:$0x2] =	stream.indirect_vreg.gather [hbm4b:s2+s3], $0x80, v3, vm0, $0xb8;
	[tilespmem:$0x1A780] =	vst v63  }
0xab: {  	v3 =	vld [tilespmem:s6+$0xFFFFFFB0];
	_ =	sdelay $0x4  }
0xac: {  	v39 =	vshll.u32 v3, $0x1  }
0xad: {  	v3 =	vand.u32 $0x7, v3;
	v4 =	vand.u32 $0xFFFFFFF0, v39  }
0xae: {  	v3 =	vor.u32 v3, v4  }
0xaf: {  	v4 =	vperm.xlane v3, v0;
	_ =	sdelay $0x1  }
0xb0: {  	v3 =	vperm.xlane v3, v2;
	v4 =	vadd.s32 v1, v4;
	_ =	sdelay $0x1  }
0xb1: {  	v3 =	vadd.s32 v1, v3;
	_ =	sdelay $0x2  }
0xb2: {  	[tilespmem:s1], [sflag:$0x2] =	stream.indirect_vreg.gather [hbm4b:s2+s3], $0x80, v4, vm0, $0xb8;
	[tilespmem:$0x1A780] =	vst v63  }
0xb3: {  	_ = 	snop  }
0xb4: {  	[tilespmem:s11], [sflag:$0x2] =	stream.indirect_vreg.gather [hbm4b:s2+s3], $0x80, v3, vm0, $0xb8;
	[tilespmem:$0x1A780] =	vst v63  }
0xb5: {  	v3 =	vld [tilespmem:s6+$0xFFFFFFC0];
	_ =	sdelay $0x4  }
0xb6: {  	v40 =	vshll.u32 v3, $0x1  }
0xb7: {  	v3 =	vand.u32 $0x7, v3;
	v4 =	vand.u32 $0xFFFFFFF0, v40  }
0xb8: {  	v3 =	vor.u32 v3, v4  }
0xb9: {  	v4 =	vperm.xlane v3, v0;
	_ =	sdelay $0x1  }
0xba: {  	v3 =	vperm.xlane v3, v2;
	v4 =	vadd.s32 v1, v4;
	_ =	sdelay $0x1  }
0xbb: {  	v3 =	vadd.s32 v1, v3;
	_ =	sdelay $0x1  }
0xbc: {  	s5 =	simm.s32 $0xFF80  }
0xbd: {  	[tilespmem:s5], [sflag:$0x2] =	stream.indirect_vreg.gather [hbm4b:s2+s3], $0x80, v4, vm0, $0xb8;
	[tilespmem:$0x1A780] =	vst v63  }
0xbe: {  	s10 =	simm.s32 $0x10780  }
0xbf: {  	[tilespmem:s10], [sflag:$0x2] =	stream.indirect_vreg.gather [hbm4b:s2+s3], $0x80, v3, vm0, $0xb8;
	[tilespmem:$0x1A780] =	vst v63  }
0xc0: {  	v3 =	vld [tilespmem:s6+$0xFFFFFFD0];
	_ =	sdelay $0x4  }
0xc1: {  	v41 =	vshll.u32 v3, $0x1  }
0xc2: {  	v3 =	vand.u32 $0x7, v3;
	v4 =	vand.u32 $0xFFFFFFF0, v41  }
0xc3: {  	v3 =	vor.u32 v3, v4  }
0xc4: {  	v4 =	vperm.xlane v3, v0;
	_ =	sdelay $0x1  }
0xc5: {  	v3 =	vperm.xlane v3, v2;
	v4 =	vadd.s32 v1, v4;
	_ =	sdelay $0x1  }
0xc6: {  	v3 =	vadd.s32 v1, v3;
	_ =	sdelay $0x1  }
0xc7: {  	s13 =	simm.s32 $0x10F80  }
0xc8: {  	[tilespmem:s13], [sflag:$0x2] =	stream.indirect_vreg.gather [hbm4b:s2+s3], $0x80, v4, vm0, $0xb8;
	[tilespmem:$0x1A780] =	vst v63  }
0xc9: {  	s10 =	simm.s32 $0x11780  }
0xca: {  	[tilespmem:s10], [sflag:$0x2] =	stream.indirect_vreg.gather [hbm4b:s2+s3], $0x80, v3, vm0, $0xb8;
	[tilespmem:$0x1A780] =	vst v63  }
0xcb: {  	v3 =	vld [tilespmem:s6+$0xFFFFFFE0];
	_ =	sdelay $0x4  }
0xcc: {  	v42 =	vshll.u32 v3, $0x1  }
0xcd: {  	v3 =	vand.u32 $0x7, v3;
	v4 =	vand.u32 $0xFFFFFFF0, v42  }
0xce: {  	v3 =	vor.u32 v3, v4  }
0xcf: {  	v4 =	vperm.xlane v3, v0;
	_ =	sdelay $0x1  }
0xd0: {  	v3 =	vperm.xlane v3, v2;
	v4 =	vadd.s32 v1, v4;
	_ =	sdelay $0x1  }
0xd1: {  	v3 =	vadd.s32 v1, v3;
	_ =	sdelay $0x1  }
0xd2: {  	s13 =	simm.s32 $0x11F80  }
0xd3: {  	[tilespmem:s13], [sflag:$0x2] =	stream.indirect_vreg.gather [hbm4b:s2+s3], $0x80, v4, vm0, $0xb8;
	[tilespmem:$0x1A780] =	vst v63  }
0xd4: {  	s10 =	simm.s32 $0x12780  }
0xd5: {  	[tilespmem:s10], [sflag:$0x2] =	stream.indirect_vreg.gather [hbm4b:s2+s3], $0x80, v3, vm0, $0xb8;
	[tilespmem:$0x1A780] =	vst v63  }
0xd6: {  	v3 =	vld [tilespmem:s6+$0xFFFFFFF0];
	_ =	sdelay $0x4  }
0xd7: {  	v43 =	vshll.u32 v3, $0x1  }
0xd8: {  	v3 =	vand.u32 $0x7, v3;
	v4 =	vand.u32 $0xFFFFFFF0, v43  }
0xd9: {  	v3 =	vor.u32 v3, v4  }
0xda: {  	v4 =	vperm.xlane v3, v0;
	_ =	sdelay $0x1  }
0xdb: {  	v3 =	vperm.xlane v3, v2;
	v4 =	vadd.s32 v1, v4;
	_ =	sdelay $0x1  }
0xdc: {  	v3 =	vadd.s32 v1, v3;
	_ =	sdelay $0x1  }
0xdd: {  	s13 =	simm.s32 $0x12F80  }
0xde: {  	[tilespmem:s13], [sflag:$0x2] =	stream.indirect_vreg.gather [hbm4b:s2+s3], $0x80, v4, vm0, $0xb8;
	[tilespmem:$0x1A780] =	vst v63  }
0xdf: {  	s10 =	simm.s32 $0x13780  }
0xe0: {  	[tilespmem:s10], [sflag:$0x2] =	stream.indirect_vreg.gather [hbm4b:s2+s3], $0x80, v3, vm0, $0xb8;
	[tilespmem:$0x1A780] =	vst v63  }
0xe1: {  	v3 =	vld [tilespmem:s6+$0x0];
	_ =	sdelay $0x4  }
0xe2: {  	v44 =	vshll.u32 v3, $0x1  }
0xe3: {  	v3 =	vand.u32 $0x7, v3;
	v4 =	vand.u32 $0xFFFFFFF0, v44  }
0xe4: {  	v3 =	vor.u32 v3, v4  }
0xe5: {  	v4 =	vperm.xlane v3, v0;
	_ =	sdelay $0x1  }
0xe6: {  	v3 =	vperm.xlane v3, v2;
	v4 =	vadd.s32 v1, v4;
	_ =	sdelay $0x1  }
0xe7: {  	v3 =	vadd.s32 v1, v3;
	_ =	sdelay $0x1  }
0xe8: {  	s13 =	simm.s32 $0x13F80  }
0xe9: {  	[tilespmem:s13], [sflag:$0x2] =	stream.indirect_vreg.gather [hbm4b:s2+s3], $0x80, v4, vm0, $0xb8;
	[tilespmem:$0x1A780] =	vst v63  }
0xea: {  	s10 =	simm.s32 $0x14780  }
0xeb: {  	[tilespmem:s10], [sflag:$0x2] =	stream.indirect_vreg.gather [hbm4b:s2+s3], $0x80, v3, vm0, $0xb8;
	[tilespmem:$0x1A780] =	vst v63  }
0xec: {  	v3 =	vld [tilespmem:s6+$0x10];
	_ =	sdelay $0x4  }
0xed: {  	v45 =	vshll.u32 v3, $0x1  }
0xee: {  	v3 =	vand.u32 $0x7, v3;
	v4 =	vand.u32 $0xFFFFFFF0, v45  }
0xef: {  	v3 =	vor.u32 v3, v4  }
0xf0: {  	v4 =	vperm.xlane v3, v0;
	_ =	sdelay $0x1  }
0xf1: {  	v3 =	vperm.xlane v3, v2;
	v4 =	vadd.s32 v1, v4;
	_ =	sdelay $0x1  }
0xf2: {  	v3 =	vadd.s32 v1, v3;
	_ =	sdelay $0x1  }
0xf3: {  	s13 =	simm.s32 $0x14F80  }
0xf4: {  	[tilespmem:s13], [sflag:$0x2] =	stream.indirect_vreg.gather [hbm4b:s2+s3], $0x80, v4, vm0, $0xb8;
	[tilespmem:$0x1A780] =	vst v63  }
0xf5: {  	s10 =	simm.s32 $0x15780  }
0xf6: {  	[tilespmem:s10], [sflag:$0x2] =	stream.indirect_vreg.gather [hbm4b:s2+s3], $0x80, v3, vm0, $0xb8;
	[tilespmem:$0x1A780] =	vst v63  }
0xf7: {  	v3 =	vld [tilespmem:s6+$0x20];
	_ =	sdelay $0x4  }
0xf8: {  	v46 =	vshll.u32 v3, $0x1  }
0xf9: {  	v3 =	vand.u32 $0x7, v3;
	v4 =	vand.u32 $0xFFFFFFF0, v46  }
0xfa: {  	v3 =	vor.u32 v3, v4  }
0xfb: {  	v4 =	vperm.xlane v3, v0;
	_ =	sdelay $0x1  }
0xfc: {  	v3 =	vperm.xlane v3, v2;
	v4 =	vadd.s32 v1, v4;
	_ =	sdelay $0x1  }
0xfd: {  	v3 =	vadd.s32 v1, v3;
	_ =	sdelay $0x1  }
0xfe: {  	s13 =	simm.s32 $0x15F80  }
0xff: {  	[tilespmem:s13], [sflag:$0x2] =	stream.indirect_vreg.gather [hbm4b:s2+s3], $0x80, v4, vm0, $0xb8;
	[tilespmem:$0x1A780] =	vst v63  }
0x100: {  	s10 =	simm.s32 $0x16780  }
0x101: {  	[tilespmem:s10], [sflag:$0x2] =	stream.indirect_vreg.gather [hbm4b:s2+s3], $0x80, v3, vm0, $0xb8;
	[tilespmem:$0x1A780] =	vst v63  }
0x102: {  	v3 =	vld [tilespmem:s6+$0x30];
	_ =	sdelay $0x4  }
0x103: {  	v47 =	vshll.u32 v3, $0x1  }
0x104: {  	v3 =	vand.u32 $0x7, v3;
	v4 =	vand.u32 $0xFFFFFFF0, v47  }
0x105: {  	v3 =	vor.u32 v3, v4  }
0x106: {  	v4 =	vperm.xlane v3, v0;
	_ =	sdelay $0x1  }
0x107: {  	v3 =	vperm.xlane v3, v2;
	v4 =	vadd.s32 v1, v4;
	_ =	sdelay $0x1  }
0x108: {  	v3 =	vadd.s32 v1, v3;
	_ =	sdelay $0x1  }
0x109: {  	s13 =	simm.s32 $0x16F80  }
0x10a: {  	[tilespmem:s13], [sflag:$0x2] =	stream.indirect_vreg.gather [hbm4b:s2+s3], $0x80, v4, vm0, $0xb8;
	[tilespmem:$0x1A780] =	vst v63  }
0x10b: {  	s10 =	simm.s32 $0x17780  }
0x10c: {  	[tilespmem:s10], [sflag:$0x2] =	stream.indirect_vreg.gather [hbm4b:s2+s3], $0x80, v3, vm0, $0xb8;
	[tilespmem:$0x1A780] =	vst v63  }
0x10d: {  	v3 =	vld [tilespmem:s6+$0x40];
	_ =	sdelay $0x4  }
0x10e: {  	v48 =	vshll.u32 v3, $0x1  }
0x10f: {  	v3 =	vand.u32 $0x7, v3;
	v4 =	vand.u32 $0xFFFFFFF0, v48  }
0x110: {  	v3 =	vor.u32 v3, v4  }
0x111: {  	v4 =	vperm.xlane v3, v0;
	_ =	sdelay $0x1  }
0x112: {  	v3 =	vperm.xlane v3, v2;
	v4 =	vadd.s32 v1, v4;
	_ =	sdelay $0x1  }
0x113: {  	v3 =	vadd.s32 v1, v3;
	_ =	sdelay $0x1  }
0x114: {  	s13 =	simm.s32 $0x17F80  }
0x115: {  	[tilespmem:s13], [sflag:$0x2] =	stream.indirect_vreg.gather [hbm4b:s2+s3], $0x80, v4, vm0, $0xb8;
	[tilespmem:$0x1A780] =	vst v63  }
0x116: {  	s10 =	simm.s32 $0x18780  }
0x117: {  	[tilespmem:s10], [sflag:$0x2] =	stream.indirect_vreg.gather [hbm4b:s2+s3], $0x80, v3, vm0, $0xb8;
	[tilespmem:$0x1A780] =	vst v63  }
0x118: {  	v3 =	vld [tilespmem:s6+$0x50];
	_ =	sdelay $0x4  }
0x119: {  	v49 =	vshll.u32 v3, $0x1  }
0x11a: {  	v3 =	vand.u32 $0x7, v3;
	v4 =	vand.u32 $0xFFFFFFF0, v49  }
0x11b: {  	v3 =	vor.u32 v3, v4  }
0x11c: {  	v4 =	vperm.xlane v3, v0;
	_ =	sdelay $0x1  }
0x11d: {  	v3 =	vperm.xlane v3, v2;
	v4 =	vadd.s32 v1, v4;
	_ =	sdelay $0x1  }
0x11e: {  	v3 =	vadd.s32 v1, v3;
	_ =	sdelay $0x1  }
0x11f: {  	s13 =	simm.s32 $0x18F80  }
0x120: {  	[tilespmem:s13], [sflag:$0x2] =	stream.indirect_vreg.gather [hbm4b:s2+s3], $0x80, v4, vm0, $0xb8;
	[tilespmem:$0x1A780] =	vst v63  }
0x121: {  	s10 =	simm.s32 $0x19780  }
0x122: {  	[tilespmem:s10], [sflag:$0x2] =	stream.indirect_vreg.gather [hbm4b:s2+s3], $0x80, v3, vm0, $0xb8;
	[tilespmem:$0x1A780] =	vst v63  }
0x123: {  	v3 =	vld.msk [tilespmem:s6+$0x60], $0xff;
	_ =	sdelay $0x4  }
0x124: {  	v50 =	vshll.u32 v3, $0x1  }
0x125: {  	v3 =	vand.u32 $0x7, v3;
	v4 =	vand.u32 $0xFFFFFFF0, v50  }
0x126: {  	v3 =	vor.u32 v3, v4  }
0x127: {  	v3 =	vperm.xlane v3, v0;
	_ =	sdelay $0x1  }
0x128: {  	v3 =	vadd.s32 v1, v3;
	_ =	sdelay $0x3  }
0x129: {  	s13 =	simm.s32 $0x19F80  }
0x12a: {  	[tilespmem:s13], [sflag:$0x2] =	stream.indirect_vreg.gather [hbm4b:s2+s3], $0x80, v3, vm0, $0xb8;
	[tilespmem:$0x1A780] =	vst v63  }
0x12b: {  	_ =	swait.ge [sflag:s0], $0xC800  }
0x12c: {  	s10 =	rddreg [dreg:$0x4];
	[sflag:s0] =	ssyncset.done $0x0  }
0x12d: {  	s13 =	simm.s32 $0x1780;
	[sflag:s0] =	ssyncadd.s32 $0xFFFF3800;
	s10 =	sadd.s32 s7, s10  }
0x12e: {  	[hbm4b:s10+s3] =	stream.linear.scatter [tilespmem:s13], [sflag:$0x3], $0xC800, $0x38;
	[tilespmem:$0x1A780] =	vst v63  }
0x12f: {  	_ =	swait.ge [sflag:s8], $0xC800  }
0x130: {  	[sflag:s8] =	ssyncset.done $0x0  }
0x131: {  	[sflag:s8] =	ssyncadd.s32 $0xFFFF3800  }
0x132: {  	v3 =	vld [tilespmem:s6+$0x68];
	_ =	sdelay $0x4  }
0x133: {  	v51 =	vshll.u32 v3, $0x1  }
0x134: {  	v3 =	vand.u32 $0x7, v3;
	v4 =	vand.u32 $0xFFFFFFF0, v51  }
0x135: {  	v3 =	vor.u32 v3, v4  }
0x136: {  	v4 =	vperm.xlane v3, v0;
	_ =	sdelay $0x1  }
0x137: {  	v3 =	vperm.xlane v3, v2;
	v4 =	vadd.s32 v1, v4;
	_ =	sdelay $0x1  }
0x138: {  	v3 =	vadd.s32 v1, v3;
	_ =	sdelay $0x2  }
0x139: {  	[tilespmem:s13], [sflag:$0x1] =	stream.indirect_vreg.gather [hbm4b:s2+s3], $0x80, v4, vm0, $0xb8;
	[tilespmem:$0x1A780] =	vst v63  }
0x13a: {  	s13 =	simm.s32 $0x1F80  }
0x13b: {  	[tilespmem:s13], [sflag:$0x1] =	stream.indirect_vreg.gather [hbm4b:s2+s3], $0x80, v3, vm0, $0xb8;
	[tilespmem:$0x1A780] =	vst v63  }
0x13c: {  	v3 =	vld [tilespmem:s6+$0x78];
	_ =	sdelay $0x4  }
0x13d: {  	v52 =	vshll.u32 v3, $0x1  }
0x13e: {  	v3 =	vand.u32 $0x7, v3;
	v4 =	vand.u32 $0xFFFFFFF0, v52  }
0x13f: {  	v3 =	vor.u32 v3, v4  }
0x140: {  	v4 =	vperm.xlane v3, v0;
	_ =	sdelay $0x1  }
0x141: {  	v3 =	vperm.xlane v3, v2;
	v4 =	vadd.s32 v1, v4;
	_ =	sdelay $0x1  }
0x142: {  	v3 =	vadd.s32 v1, v3;
	_ =	sdelay $0x2  }
0x143: {  	[tilespmem:s12], [sflag:$0x1] =	stream.indirect_vreg.gather [hbm4b:s2+s3], $0x80, v4, vm0, $0xb8;
	[tilespmem:$0x1A780] =	vst v63  }
0x144: {  	s13 =	simm.s32 $0x2F80  }
0x145: {  	[tilespmem:s13], [sflag:$0x1] =	stream.indirect_vreg.gather [hbm4b:s2+s3], $0x80, v3, vm0, $0xb8;
	[tilespmem:$0x1A780] =	vst v63  }
0x146: {  	v3 =	vld [tilespmem:s6+$0x88];
	_ =	sdelay $0x4  }
0x147: {  	v53 =	vshll.u32 v3, $0x1  }
0x148: {  	v3 =	vand.u32 $0x7, v3;
	v4 =	vand.u32 $0xFFFFFFF0, v53  }
0x149: {  	v3 =	vor.u32 v3, v4  }
0x14a: {  	v4 =	vperm.xlane v3, v0;
	_ =	sdelay $0x1  }
0x14b: {  	v3 =	vperm.xlane v3, v2;
	v4 =	vadd.s32 v1, v4;
	_ =	sdelay $0x1  }
0x14c: {  	v3 =	vadd.s32 v1, v3;
	_ =	sdelay $0x2  }
0x14d: {  	[tilespmem:s14], [sflag:$0x1] =	stream.indirect_vreg.gather [hbm4b:s2+s3], $0x80, v4, vm0, $0xb8;
	[tilespmem:$0x1A780] =	vst v63  }
0x14e: {  	_ = 	snop  }
0x14f: {  	[tilespmem:s15], [sflag:$0x1] =	stream.indirect_vreg.gather [hbm4b:s2+s3], $0x80, v3, vm0, $0xb8;
	[tilespmem:$0x1A780] =	vst v63  }
0x150: {  	v3 =	vld [tilespmem:s6+$0x98];
	_ =	sdelay $0x4  }
0x151: {  	v54 =	vshll.u32 v3, $0x1  }
0x152: {  	v3 =	vand.u32 $0x7, v3;
	v4 =	vand.u32 $0xFFFFFFF0, v54  }
0x153: {  	v3 =	vor.u32 v3, v4  }
0x154: {  	v4 =	vperm.xlane v3, v0;
	_ =	sdelay $0x1  }
0x155: {  	v3 =	vperm.xlane v3, v2;
	v4 =	vadd.s32 v1, v4;
	_ =	sdelay $0x1  }
0x156: {  	v3 =	vadd.s32 v1, v3;
	_ =	sdelay $0x2  }
0x157: {  	[tilespmem:s16], [sflag:$0x1] =	stream.indirect_vreg.gather [hbm4b:s2+s3], $0x80, v4, vm0, $0xb8;
	[tilespmem:$0x1A780] =	vst v63  }
0x158: {  	s13 =	simm.s32 $0x4F80  }
0x159: {  	[tilespmem:s13], [sflag:$0x1] =	stream.indirect_vreg.gather [hbm4b:s2+s3], $0x80, v3, vm0, $0xb8;
	[tilespmem:$0x1A780] =	vst v63  }
0x15a: {  	v3 =	vld [tilespmem:s6+$0xA8];
	_ =	sdelay $0x4  }
0x15b: {  	v55 =	vshll.u32 v3, $0x1  }
0x15c: {  	v3 =	vand.u32 $0x7, v3;
	v4 =	vand.u32 $0xFFFFFFF0, v55  }
0x15d: {  	v3 =	vor.u32 v3, v4  }
0x15e: {  	v4 =	vperm.xlane v3, v0;
	_ =	sdelay $0x1  }
0x15f: {  	v3 =	vperm.xlane v3, v2;
	v4 =	vadd.s32 v1, v4;
	_ =	sdelay $0x1  }
0x160: {  	v3 =	vadd.s32 v1, v3;
	_ =	sdelay $0x2  }
0x161: {  	[tilespmem:s18], [sflag:$0x1] =	stream.indirect_vreg.gather [hbm4b:s2+s3], $0x80, v4, vm0, $0xb8;
	[tilespmem:$0x1A780] =	vst v63  }
0x162: {  	_ = 	snop  }
0x163: {  	[tilespmem:s19], [sflag:$0x1] =	stream.indirect_vreg.gather [hbm4b:s2+s3], $0x80, v3, vm0, $0xb8;
	[tilespmem:$0x1A780] =	vst v63  }
0x164: {  	v3 =	vld [tilespmem:s6+$0xB8];
	_ =	sdelay $0x4  }
0x165: {  	v56 =	vshll.u32 v3, $0x1  }
0x166: {  	v3 =	vand.u32 $0x7, v3;
	v4 =	vand.u32 $0xFFFFFFF0, v56  }
0x167: {  	v3 =	vor.u32 v3, v4  }
0x168: {  	v4 =	vperm.xlane v3, v0;
	_ =	sdelay $0x1  }
0x169: {  	v3 =	vperm.xlane v3, v2;
	v4 =	vadd.s32 v1, v4;
	_ =	sdelay $0x1  }
0x16a: {  	v3 =	vadd.s32 v1, v3;
	_ =	sdelay $0x2  }
0x16b: {  	[tilespmem:s20], [sflag:$0x1] =	stream.indirect_vreg.gather [hbm4b:s2+s3], $0x80, v4, vm0, $0xb8;
	[tilespmem:$0x1A780] =	vst v63  }
0x16c: {  	s13 =	simm.s32 $0x6F80  }
0x16d: {  	[tilespmem:s13], [sflag:$0x1] =	stream.indirect_vreg.gather [hbm4b:s2+s3], $0x80, v3, vm0, $0xb8;
	[tilespmem:$0x1A780] =	vst v63  }
0x16e: {  	v3 =	vld [tilespmem:s6+$0xC8];
	_ =	sdelay $0x4  }
0x16f: {  	v57 =	vshll.u32 v3, $0x1  }
0x170: {  	v3 =	vand.u32 $0x7, v3;
	v4 =	vand.u32 $0xFFFFFFF0, v57  }
0x171: {  	v3 =	vor.u32 v3, v4  }
0x172: {  	v4 =	vperm.xlane v3, v0;
	_ =	sdelay $0x1  }
0x173: {  	v3 =	vperm.xlane v3, v2;
	v4 =	vadd.s32 v1, v4;
	_ =	sdelay $0x1  }
0x174: {  	v3 =	vadd.s32 v1, v3;
	_ =	sdelay $0x2  }
0x175: {  	[tilespmem:s22], [sflag:$0x1] =	stream.indirect_vreg.gather [hbm4b:s2+s3], $0x80, v4, vm0, $0xb8;
	[tilespmem:$0x1A780] =	vst v63  }
0x176: {  	_ = 	snop  }
0x177: {  	[tilespmem:s23], [sflag:$0x1] =	stream.indirect_vreg.gather [hbm4b:s2+s3], $0x80, v3, vm0, $0xb8;
	[tilespmem:$0x1A780] =	vst v63  }
0x178: {  	v3 =	vld [tilespmem:s6+$0xD8];
	_ =	sdelay $0x4  }
0x179: {  	v58 =	vshll.u32 v3, $0x1  }
0x17a: {  	v3 =	vand.u32 $0x7, v3;
	v4 =	vand.u32 $0xFFFFFFF0, v58  }
0x17b: {  	v3 =	vor.u32 v3, v4  }
0x17c: {  	v4 =	vperm.xlane v3, v0;
	_ =	sdelay $0x1  }
0x17d: {  	v3 =	vperm.xlane v3, v2;
	v4 =	vadd.s32 v1, v4;
	_ =	sdelay $0x1  }
0x17e: {  	v3 =	vadd.s32 v1, v3;
	_ =	sdelay $0x2  }
0x17f: {  	[tilespmem:s24], [sflag:$0x1] =	stream.indirect_vreg.gather [hbm4b:s2+s3], $0x80, v4, vm0, $0xb8;
	[tilespmem:$0x1A780] =	vst v63  }
0x180: {  	s13 =	simm.s32 $0x8F80  }
0x181: {  	[tilespmem:s13], [sflag:$0x1] =	stream.indirect_vreg.gather [hbm4b:s2+s3], $0x80, v3, vm0, $0xb8;
	[tilespmem:$0x1A780] =	vst v63  }
0x182: {  	v3 =	vld [tilespmem:s6+$0xE8];
	_ =	sdelay $0x4  }
0x183: {  	v59 =	vshll.u32 v3, $0x1  }
0x184: {  	v3 =	vand.u32 $0x7, v3;
	v4 =	vand.u32 $0xFFFFFFF0, v59  }
0x185: {  	v3 =	vor.u32 v3, v4  }
0x186: {  	v4 =	vperm.xlane v3, v0;
	_ =	sdelay $0x1  }
0x187: {  	v3 =	vperm.xlane v3, v2;
	v4 =	vadd.s32 v1, v4;
	_ =	sdelay $0x1  }
0x188: {  	v3 =	vadd.s32 v1, v3;
	_ =	sdelay $0x2  }
0x189: {  	[tilespmem:s26], [sflag:$0x1] =	stream.indirect_vreg.gather [hbm4b:s2+s3], $0x80, v4, vm0, $0xb8;
	[tilespmem:$0x1A780] =	vst v63  }
0x18a: {  	_ = 	snop  }
0x18b: {  	[tilespmem:s28], [sflag:$0x1] =	stream.indirect_vreg.gather [hbm4b:s2+s3], $0x80, v3, vm0, $0xb8;
	[tilespmem:$0x1A780] =	vst v63  }
0x18c: {  	v3 =	vld [tilespmem:s6+$0xF8];
	_ =	sdelay $0x4  }
0x18d: {  	v60 =	vshll.u32 v3, $0x1  }
0x18e: {  	v3 =	vand.u32 $0x7, v3;
	v4 =	vand.u32 $0xFFFFFFF0, v60  }
0x18f: {  	v3 =	vor.u32 v3, v4  }
0x190: {  	v4 =	vperm.xlane v3, v0;
	_ =	sdelay $0x1  }
0x191: {  	v3 =	vperm.xlane v3, v2;
	v4 =	vadd.s32 v1, v4;
	_ =	sdelay $0x1  }
0x192: {  	v3 =	vadd.s32 v1, v3;
	_ =	sdelay $0x2  }
0x193: {  	[tilespmem:s29], [sflag:$0x1] =	stream.indirect_vreg.gather [hbm4b:s2+s3], $0x80, v4, vm0, $0xb8;
	[tilespmem:$0x1A780] =	vst v63  }
0x194: {  	s13 =	simm.s32 $0xAF80  }
0x195: {  	[tilespmem:s13], [sflag:$0x1] =	stream.indirect_vreg.gather [hbm4b:s2+s3], $0x80, v3, vm0, $0xb8;
	[tilespmem:$0x1A780] =	vst v63  }
0x196: {  	v3 =	vld [tilespmem:s6+$0x108];
	_ =	sdelay $0x4  }
0x197: {  	v61 =	vshll.u32 v3, $0x1  }
0x198: {  	v3 =	vand.u32 $0x7, v3;
	v4 =	vand.u32 $0xFFFFFFF0, v61  }
0x199: {  	v3 =	vor.u32 v3, v4  }
0x19a: {  	v4 =	vperm.xlane v3, v0;
	_ =	sdelay $0x1  }
0x19b: {  	v3 =	vperm.xlane v3, v2;
	v4 =	vadd.s32 v1, v4;
	_ =	sdelay $0x1  }
0x19c: {  	v3 =	vadd.s32 v1, v3;
	_ =	sdelay $0x2  }
0x19d: {  	[tilespmem:s31], [sflag:$0x1] =	stream.indirect_vreg.gather [hbm4b:s2+s3], $0x80, v4, vm0, $0xb8;
	[tilespmem:$0x1A780] =	vst v63  }
0x19e: {  	s13 =	simm.s32 $0xBF80  }
0x19f: {  	[tilespmem:s13], [sflag:$0x1] =	stream.indirect_vreg.gather [hbm4b:s2+s3], $0x80, v3, vm0, $0xb8;
	[tilespmem:$0x1A780] =	vst v63  }
0x1a0: {  	v3 =	vld [tilespmem:s6+$0x118];
	_ =	sdelay $0x4  }
0x1a1: {  	v62 =	vshll.u32 v3, $0x1  }
0x1a2: {  	v3 =	vand.u32 $0x7, v3;
	v4 =	vand.u32 $0xFFFFFFF0, v62  }
0x1a3: {  	v3 =	vor.u32 v3, v4  }
0x1a4: {  	v4 =	vperm.xlane v3, v0;
	_ =	sdelay $0x1  }
0x1a5: {  	v3 =	vperm.xlane v3, v2;
	v4 =	vadd.s32 v1, v4;
	_ =	sdelay $0x1  }
0x1a6: {  	v3 =	vadd.s32 v1, v3;
	_ =	sdelay $0x2  }
0x1a7: {  	[tilespmem:s9], [sflag:$0x1] =	stream.indirect_vreg.gather [hbm4b:s2+s3], $0x80, v4, vm0, $0xb8;
	[tilespmem:$0x1A780] =	vst v63  }
0x1a8: {  	_ = 	snop  }
0x1a9: {  	[tilespmem:s21], [sflag:$0x1] =	stream.indirect_vreg.gather [hbm4b:s2+s3], $0x80, v3, vm0, $0xb8;
	[tilespmem:$0x1A780] =	vst v63  }
0x1aa: {  	v3 =	vld.msk [tilespmem:s6+$0x128], $0xff;
	_ =	sdelay $0x4  }
0x1ab: {  	v63 =	vshll.u32 v3, $0x1  }
0x1ac: {  	v3 =	vand.u32 $0x7, v3;
	v4 =	vand.u32 $0xFFFFFFF0, v63  }
0x1ad: {  	v3 =	vor.u32 v3, v4  }
0x1ae: {  	v3 =	vperm.xlane v3, v0;
	_ =	sdelay $0x1  }
0x1af: {  	v3 =	vadd.s32 v1, v3;
	_ =	sdelay $0x4  }
0x1b0: {  	[tilespmem:s25], [sflag:$0x1] =	stream.indirect_vreg.gather [hbm4b:s2+s3], $0x80, v3, vm0, $0xb8;
	[tilespmem:$0x1A780] =	vst v63  }
0x1b1: {  	_ =	swait.ge [sflag:s4], $0xC800  }
0x1b2: {  	p0 =	sne.s32 s7, $0x28A00;
	[sflag:s4] =	ssyncset.done $0x0  }
.Ltmp0:
0x1b3: {  	s10 =	sadd.s32 $0x1900, s10;
	[sflag:s4] =	ssyncadd.s32 $0xFFFF3800;
	(pc) =	sbr.rel @p0 .LBB2_2-.Ltmp0, $4  }
0x1b4: {  	[hbm4b:s10+s3] =	stream.linear.scatter [tilespmem:s17], [sflag:$0x3], $0xC800, $0x38;
	[tilespmem:$0x1A780] =	vst v63  }
0x1b5: {  	_ =	swait.ge [sflag:s8], $0xC800  }
0x1b6: {  	s5 =	simm.s32 $0x1780;
	[sflag:s8] =	ssyncset.done $0x0  }
0x1b7: {  	s7 =	sadd.s32 $0x3200, s7;
	s6 =	sadd.s32 $0x190, s6;
	[sflag:s8] =	ssyncadd.s32 $0xFFFF3800  }
0x1b8: {  	v3 =	vld [tilespmem:$0x16A8];
	_ =	sdelay $0x4  }
0x1b9: {  	v4 =	vshll.u32 v3, $0x1  }
0x1ba: {  	v3 =	vand.u32 $0x7, v3;
	v4 =	vand.u32 $0xFFFFFFF0, v4  }
0x1bb: {  	v3 =	vor.u32 v3, v4  }
0x1bc: {  	v4 =	vperm.xlane v3, v0;
	_ =	sdelay $0x1  }
0x1bd: {  	v3 =	vperm.xlane v3, v2;
	v4 =	vadd.s32 v1, v4;
	_ =	sdelay $0x1  }
0x1be: {  	v3 =	vadd.s32 v1, v3;
	_ =	sdelay $0x2  }
0x1bf: {  	[tilespmem:s17], [sflag:$0x2] =	stream.indirect_vreg.gather [hbm4b:s2+s3], $0x80, v4, vm0, $0xb8;
	[tilespmem:$0x1A780] =	vst v63  }
0x1c0: {  	_ = 	snop  }
0x1c1: {  	[tilespmem:s30], [sflag:$0x2] =	stream.indirect_vreg.gather [hbm4b:s2+s3], $0x80, v3, vm0, $0xb8;
	[tilespmem:$0x1A780] =	vst v63  }
0x1c2: {  	v3 =	vld [tilespmem:$0x16B8];
	_ =	sdelay $0x4  }
0x1c3: {  	v52 =	vshll.u32 v3, $0x1  }
0x1c4: {  	v3 =	vand.u32 $0x7, v3;
	v4 =	vand.u32 $0xFFFFFFF0, v52  }
0x1c5: {  	v3 =	vor.u32 v3, v4  }
0x1c6: {  	v4 =	vperm.xlane v3, v0;
	_ =	sdelay $0x1  }
0x1c7: {  	v3 =	vperm.xlane v3, v2;
	v4 =	vadd.s32 v1, v4;
	_ =	sdelay $0x1  }
0x1c8: {  	v3 =	vadd.s32 v1, v3;
	_ =	sdelay $0x2  }
0x1c9: {  	[tilespmem:s1], [sflag:$0x2] =	stream.indirect_vreg.gather [hbm4b:s2+s3], $0x80, v4, vm0, $0xb8;
	[tilespmem:$0x1A780] =	vst v63  }
0x1ca: {  	_ = 	snop  }
0x1cb: {  	[tilespmem:s11], [sflag:$0x2] =	stream.indirect_vreg.gather [hbm4b:s2+s3], $0x80, v3, vm0, $0xb8;
	[tilespmem:$0x1A780] =	vst v63  }
0x1cc: {  	v3 =	vld [tilespmem:$0x16C8];
	_ =	sdelay $0x4  }
0x1cd: {  	v53 =	vshll.u32 v3, $0x1  }
0x1ce: {  	v3 =	vand.u32 $0x7, v3;
	v4 =	vand.u32 $0xFFFFFFF0, v53  }
0x1cf: {  	v3 =	vor.u32 v3, v4  }
0x1d0: {  	v4 =	vperm.xlane v3, v0;
	_ =	sdelay $0x1  }
0x1d1: {  	v3 =	vperm.xlane v3, v2;
	v4 =	vadd.s32 v1, v4;
	_ =	sdelay $0x1  }
0x1d2: {  	v3 =	vadd.s32 v1, v3;
	_ =	sdelay $0x1  }
0x1d3: {  	s22 =	simm.s32 $0xFF80  }
0x1d4: {  	[tilespmem:s22], [sflag:$0x2] =	stream.indirect_vreg.gather [hbm4b:s2+s3], $0x80, v4, vm0, $0xb8;
	[tilespmem:$0x1A780] =	vst v63  }
0x1d5: {  	s23 =	simm.s32 $0x10780  }
0x1d6: {  	[tilespmem:s23], [sflag:$0x2] =	stream.indirect_vreg.gather [hbm4b:s2+s3], $0x80, v3, vm0, $0xb8;
	[tilespmem:$0x1A780] =	vst v63  }
0x1d7: {  	v3 =	vld [tilespmem:$0x16D8];
	_ =	sdelay $0x4  }
0x1d8: {  	v54 =	vshll.u32 v3, $0x1  }
0x1d9: {  	v3 =	vand.u32 $0x7, v3;
	v4 =	vand.u32 $0xFFFFFFF0, v54  }
0x1da: {  	v3 =	vor.u32 v3, v4  }
0x1db: {  	v4 =	vperm.xlane v3, v0;
	_ =	sdelay $0x1  }
0x1dc: {  	v3 =	vperm.xlane v3, v2;
	v4 =	vadd.s32 v1, v4;
	_ =	sdelay $0x1  }
0x1dd: {  	v3 =	vadd.s32 v1, v3;
	_ =	sdelay $0x1  }
0x1de: {  	s24 =	simm.s32 $0x10F80  }
0x1df: {  	[tilespmem:s24], [sflag:$0x2] =	stream.indirect_vreg.gather [hbm4b:s2+s3], $0x80, v4, vm0, $0xb8;
	[tilespmem:$0x1A780] =	vst v63  }
0x1e0: {  	s25 =	simm.s32 $0x11780  }
0x1e1: {  	[tilespmem:s25], [sflag:$0x2] =	stream.indirect_vreg.gather [hbm4b:s2+s3], $0x80, v3, vm0, $0xb8;
	[tilespmem:$0x1A780] =	vst v63  }
0x1e2: {  	v3 =	vld [tilespmem:$0x16E8];
	_ =	sdelay $0x4  }
0x1e3: {  	v55 =	vshll.u32 v3, $0x1  }
0x1e4: {  	v3 =	vand.u32 $0x7, v3;
	v4 =	vand.u32 $0xFFFFFFF0, v55  }
0x1e5: {  	v3 =	vor.u32 v3, v4  }
0x1e6: {  	v4 =	vperm.xlane v3, v0;
	_ =	sdelay $0x1  }
0x1e7: {  	v3 =	vperm.xlane v3, v2;
	v4 =	vadd.s32 v1, v4;
	_ =	sdelay $0x1  }
0x1e8: {  	v3 =	vadd.s32 v1, v3;
	_ =	sdelay $0x1  }
0x1e9: {  	s26 =	simm.s32 $0x11F80  }
0x1ea: {  	[tilespmem:s26], [sflag:$0x2] =	stream.indirect_vreg.gather [hbm4b:s2+s3], $0x80, v4, vm0, $0xb8;
	[tilespmem:$0x1A780] =	vst v63  }
0x1eb: {  	s6 =	simm.s32 $0x12780  }
0x1ec: {  	[tilespmem:s6], [sflag:$0x2] =	stream.indirect_vreg.gather [hbm4b:s2+s3], $0x80, v3, vm0, $0xb8;
	[tilespmem:$0x1A780] =	vst v63  }
0x1ed: {  	v3 =	vld [tilespmem:$0x16F8];
	_ =	sdelay $0x4  }
0x1ee: {  	v56 =	vshll.u32 v3, $0x1  }
0x1ef: {  	v3 =	vand.u32 $0x7, v3;
	v4 =	vand.u32 $0xFFFFFFF0, v56  }
0x1f0: {  	v3 =	vor.u32 v3, v4  }
0x1f1: {  	v4 =	vperm.xlane v3, v0;
	_ =	sdelay $0x1  }
0x1f2: {  	v3 =	vperm.xlane v3, v2;
	v4 =	vadd.s32 v1, v4;
	_ =	sdelay $0x1  }
0x1f3: {  	v3 =	vadd.s32 v1, v3;
	_ =	sdelay $0x1  }
0x1f4: {  	s7 =	simm.s32 $0x12F80  }
0x1f5: {  	[tilespmem:s7], [sflag:$0x2] =	stream.indirect_vreg.gather [hbm4b:s2+s3], $0x80, v4, vm0, $0xb8;
	[tilespmem:$0x1A780] =	vst v63  }
0x1f6: {  	s9 =	simm.s32 $0x13780  }
0x1f7: {  	[tilespmem:s9], [sflag:$0x2] =	stream.indirect_vreg.gather [hbm4b:s2+s3], $0x80, v3, vm0, $0xb8;
	[tilespmem:$0x1A780] =	vst v63  }
0x1f8: {  	v3 =	vld [tilespmem:$0x1708];
	_ =	sdelay $0x4  }
0x1f9: {  	v57 =	vshll.u32 v3, $0x1  }
0x1fa: {  	v3 =	vand.u32 $0x7, v3;
	v4 =	vand.u32 $0xFFFFFFF0, v57  }
0x1fb: {  	v3 =	vor.u32 v3, v4  }
0x1fc: {  	v4 =	vperm.xlane v3, v0;
	_ =	sdelay $0x1  }
0x1fd: {  	v3 =	vperm.xlane v3, v2;
	v4 =	vadd.s32 v1, v4;
	_ =	sdelay $0x1  }
0x1fe: {  	v3 =	vadd.s32 v1, v3;
	_ =	sdelay $0x1  }
0x1ff: {  	s10 =	simm.s32 $0x13F80  }
0x200: {  	[tilespmem:s10], [sflag:$0x2] =	stream.indirect_vreg.gather [hbm4b:s2+s3], $0x80, v4, vm0, $0xb8;
	[tilespmem:$0x1A780] =	vst v63  }
0x201: {  	s11 =	simm.s32 $0x14780  }
0x202: {  	[tilespmem:s11], [sflag:$0x2] =	stream.indirect_vreg.gather [hbm4b:s2+s3], $0x80, v3, vm0, $0xb8;
	[tilespmem:$0x1A780] =	vst v63  }
0x203: {  	v3 =	vld [tilespmem:$0x1718];
	_ =	sdelay $0x4  }
0x204: {  	v58 =	vshll.u32 v3, $0x1  }
0x205: {  	v3 =	vand.u32 $0x7, v3;
	v4 =	vand.u32 $0xFFFFFFF0, v58  }
0x206: {  	v3 =	vor.u32 v3, v4  }
0x207: {  	v4 =	vperm.xlane v3, v0;
	_ =	sdelay $0x1  }
0x208: {  	v3 =	vperm.xlane v3, v2;
	v4 =	vadd.s32 v1, v4;
	_ =	sdelay $0x1  }
0x209: {  	v3 =	vadd.s32 v1, v3;
	_ =	sdelay $0x1  }
0x20a: {  	s12 =	simm.s32 $0x14F80  }
0x20b: {  	[tilespmem:s12], [sflag:$0x2] =	stream.indirect_vreg.gather [hbm4b:s2+s3], $0x80, v4, vm0, $0xb8;
	[tilespmem:$0x1A780] =	vst v63  }
0x20c: {  	s13 =	simm.s32 $0x15780  }
0x20d: {  	[tilespmem:s13], [sflag:$0x2] =	stream.indirect_vreg.gather [hbm4b:s2+s3], $0x80, v3, vm0, $0xb8;
	[tilespmem:$0x1A780] =	vst v63  }
0x20e: {  	v3 =	vld [tilespmem:$0x1728];
	_ =	sdelay $0x4  }
0x20f: {  	v59 =	vshll.u32 v3, $0x1  }
0x210: {  	v3 =	vand.u32 $0x7, v3;
	v4 =	vand.u32 $0xFFFFFFF0, v59  }
0x211: {  	v3 =	vor.u32 v3, v4  }
0x212: {  	v4 =	vperm.xlane v3, v0;
	_ =	sdelay $0x1  }
0x213: {  	v3 =	vperm.xlane v3, v2;
	v4 =	vadd.s32 v1, v4;
	_ =	sdelay $0x1  }
0x214: {  	v3 =	vadd.s32 v1, v3;
	_ =	sdelay $0x1  }
0x215: {  	s14 =	simm.s32 $0x15F80  }
0x216: {  	[tilespmem:s14], [sflag:$0x2] =	stream.indirect_vreg.gather [hbm4b:s2+s3], $0x80, v4, vm0, $0xb8;
	[tilespmem:$0x1A780] =	vst v63  }
0x217: {  	s15 =	simm.s32 $0x16780  }
0x218: {  	[tilespmem:s15], [sflag:$0x2] =	stream.indirect_vreg.gather [hbm4b:s2+s3], $0x80, v3, vm0, $0xb8;
	[tilespmem:$0x1A780] =	vst v63  }
0x219: {  	v3 =	vld [tilespmem:$0x1738];
	_ =	sdelay $0x4  }
0x21a: {  	v60 =	vshll.u32 v3, $0x1  }
0x21b: {  	v3 =	vand.u32 $0x7, v3;
	v4 =	vand.u32 $0xFFFFFFF0, v60  }
0x21c: {  	v3 =	vor.u32 v3, v4  }
0x21d: {  	v4 =	vperm.xlane v3, v0;
	_ =	sdelay $0x1  }
0x21e: {  	v3 =	vperm.xlane v3, v2;
	v4 =	vadd.s32 v1, v4;
	_ =	sdelay $0x1  }
0x21f: {  	v3 =	vadd.s32 v1, v3;
	_ =	sdelay $0x1  }
0x220: {  	s16 =	simm.s32 $0x16F80  }
0x221: {  	[tilespmem:s16], [sflag:$0x2] =	stream.indirect_vreg.gather [hbm4b:s2+s3], $0x80, v4, vm0, $0xb8;
	[tilespmem:$0x1A780] =	vst v63  }
0x222: {  	s18 =	simm.s32 $0x17780  }
0x223: {  	[tilespmem:s18], [sflag:$0x2] =	stream.indirect_vreg.gather [hbm4b:s2+s3], $0x80, v3, vm0, $0xb8;
	[tilespmem:$0x1A780] =	vst v63  }
0x224: {  	v3 =	vld [tilespmem:$0x1748];
	_ =	sdelay $0x4  }
0x225: {  	v61 =	vshll.u32 v3, $0x1  }
0x226: {  	v3 =	vand.u32 $0x7, v3;
	v4 =	vand.u32 $0xFFFFFFF0, v61  }
0x227: {  	v3 =	vor.u32 v3, v4  }
0x228: {  	v4 =	vperm.xlane v3, v0;
	_ =	sdelay $0x1  }
0x229: {  	v3 =	vperm.xlane v3, v2;
	v4 =	vadd.s32 v1, v4;
	_ =	sdelay $0x1  }
0x22a: {  	v3 =	vadd.s32 v1, v3;
	_ =	sdelay $0x1  }
0x22b: {  	s19 =	simm.s32 $0x17F80  }
0x22c: {  	[tilespmem:s19], [sflag:$0x2] =	stream.indirect_vreg.gather [hbm4b:s2+s3], $0x80, v4, vm0, $0xb8;
	[tilespmem:$0x1A780] =	vst v63  }
0x22d: {  	s20 =	simm.s32 $0x18780  }
0x22e: {  	[tilespmem:s20], [sflag:$0x2] =	stream.indirect_vreg.gather [hbm4b:s2+s3], $0x80, v3, vm0, $0xb8;
	[tilespmem:$0x1A780] =	vst v63  }
0x22f: {  	v3 =	vld [tilespmem:$0x1758];
	_ =	sdelay $0x4  }
0x230: {  	v62 =	vshll.u32 v3, $0x1  }
0x231: {  	v3 =	vand.u32 $0x7, v3;
	v4 =	vand.u32 $0xFFFFFFF0, v62  }
0x232: {  	v3 =	vor.u32 v3, v4  }
0x233: {  	v4 =	vperm.xlane v3, v0;
	_ =	sdelay $0x1  }
0x234: {  	v3 =	vperm.xlane v3, v2;
	v4 =	vadd.s32 v1, v4;
	_ =	sdelay $0x1  }
0x235: {  	v3 =	vadd.s32 v1, v3;
	_ =	sdelay $0x1  }
0x236: {  	s21 =	simm.s32 $0x18F80  }
0x237: {  	[tilespmem:s21], [sflag:$0x2] =	stream.indirect_vreg.gather [hbm4b:s2+s3], $0x80, v4, vm0, $0xb8;
	[tilespmem:$0x1A780] =	vst v63  }
0x238: {  	s22 =	simm.s32 $0x19780  }
0x239: {  	[tilespmem:s22], [sflag:$0x2] =	stream.indirect_vreg.gather [hbm4b:s2+s3], $0x80, v3, vm0, $0xb8;
	[tilespmem:$0x1A780] =	vst v63  }
0x23a: {  	v3 =	vld.msk [tilespmem:$0x1768], $0xff;
	_ =	sdelay $0x4  }
0x23b: {  	v63 =	vshll.u32 v3, $0x1  }
0x23c: {  	v3 =	vand.u32 $0x7, v3;
	v4 =	vand.u32 $0xFFFFFFF0, v63  }
0x23d: {  	v3 =	vor.u32 v3, v4  }
0x23e: {  	v3 =	vperm.xlane v3, v0;
	_ =	sdelay $0x1  }
0x23f: {  	v3 =	vadd.s32 v1, v3;
	_ =	sdelay $0x3  }
0x240: {  	s23 =	simm.s32 $0x19F80  }
0x241: {  	[tilespmem:s23], [sflag:$0x2] =	stream.indirect_vreg.gather [hbm4b:s2+s3], $0x80, v3, vm0, $0xb8;
	[tilespmem:$0x1A780] =	vst v63  }
0x242: {  	_ =	swait.ge [sflag:s0], $0xC800  }
0x243: {  	[sflag:s0] =	ssyncset.done $0x0  }
0x244: {  	s6 =	rddreg [dreg:$0x6];
	[sflag:s0] =	ssyncadd.s32 $0xFFFF3800  }
0x245: {  	[hbm4b:s6+s3] =	stream.linear.scatter [tilespmem:s5], [sflag:$0x3], $0xC800, $0x38;
	[tilespmem:$0x1A780] =	vst v63  }
0x246: {  	_ =	swait.ge [sflag:s8], $0xC800  }
0x247: {  	[sflag:s8] =	ssyncset.done $0x0  }
0x248: {  	s28 =	simm.s32 $0xAF80;
	[sflag:s8] =	ssyncadd.s32 $0xFFFF3800  }
0x249: {  	s29 =	simm.s32 $0xB780;
	s31 =	simm.s32 $0xD780;
	_ =	swait.ge [sflag:s4], $0xC800  }
0x24a: {  	s30 =	simm.s32 $0xCF80;
	s7 =	simm.s32 $0x1F80;
	[sflag:s4] =	ssyncset.done $0x0  }
0x24b: {  	s9 =	simm.s32 $0xC780;
	s24 =	rddreg [dreg:$0x7];
	[sflag:s4] =	ssyncadd.s32 $0xFFFF3800  }
0x24c: {  	[hbm4b:s24+s3] =	stream.linear.scatter [tilespmem:s17], [sflag:$0x3], $0xC800, $0x38;
	[tilespmem:$0x1A780] =	vst v63  }
0x24d: {  	s10 =	simm.s32 $0x2780;
	s11 =	simm.s32 $0x2F80;
	_ =	swait.ge [sflag:s8], $0xC800  }
0x24e: {  	s12 =	simm.s32 $0x3780;
	s13 =	simm.s32 $0x3F80;
	s25 =	rddreg [dreg:$0x9]  }
0x24f: {  	s14 =	simm.s32 $0x4780;
	s26 =	rddreg [dreg:$0x8];
	s1 =	sadd.s32 $0x1, s25  }
0x250: {  	s15 =	simm.s32 $0x4F80;
	s16 =	simm.s32 $0x5780;
	p0 =	sne.s32 s1, s26  }
.Ltmp1:
0x251: {  	s18 =	simm.s32 $0x6780;
	s19 =	simm.s32 $0x6F80;
	(pc) =	sbr.rel @p0 .LBB2_1-.Ltmp1, $4  }
0x252: {  	s20 =	simm.s32 $0x7780;
	s21 =	simm.s32 $0x7F80;
	s22 =	simm.s32 $0x8780  }
0x253: {  	s23 =	simm.s32 $0x8F80;
	s17 =	simm.s32 $0x5F80;
	[sflag:s8] =	ssyncset.done $0x0  }
0x254: {  	s24 =	simm.s32 $0x9780;
	[sflag:s8] =	ssyncadd.s32 $0xFFFF3800;
	s25 =	simm.s32 $0x9F80  }
0x255: {  	[dreg:$0x9] =	wrdreg s1;
	s26 =	simm.s32 $0xA780;
	s1 =	simm.s32 $0xBF80  }
0x256: {  	_ =	sfence.sel $0x180000  }
0x257: {  	[bflag:$0x0] =	sbarrier.arrive $0xFFFF  }
0x258: {  	_ =	strace $0x90000047  }
0x259: {  	s0 =	stileid.u32;
	[bflag:$0x2] =	sbarrier.arrive $0xFFFF  }
0x25a: {  	p0 =	sne.s32 s0, $0x0;
	s0 =	rddreg [dreg:$0x3]  }
0x25b: {  	s0 =	sadd.s32 @!p0 $0x100000, s0  }
0x25c: {  	[sflag:s0] =	ssyncadd.tile.s32 @!p0 $0x1;
	_ =	shalt  }
.Lfunc_end2:
_tile_overlayer_lowered:
.L_overlay_start_2:
0x25d: {  	(tag) =	ssettag $0x2  }
0x25e: {  	s0 =	rddreg [dreg:$0x0];
	s2 =	stileid.u32  }
0x25f: {  	s1 =	rddreg [dreg:$0x1];
	p0 =	sne.s32 s2, $0x0  }
0x260: {  	s3 =	rddreg [dreg:$0x2];
	[bflag:$0x3] =	sbarrier.arrive $0xFFFF;
	s2 =	simm.s32 @!p0 $0x1C03  }
0x261: {  	[timem:s3], [sflag:s2] =	dma.local @!p0 [hbm:s0], s1  }
0x262: {  	s0 =	simm.s32 @!p0 $0x3  }
0x263: {  	_ =	swait.ge @!p0 [sflag:s0], s1  }
0x264: {  	s1 =	ssub.s32 @!p0 $0x0, s1;
	[sflag:s0] =	ssyncset.done @!p0 $0x0  }
0x265: {  	[sflag:s0] =	ssyncadd.s32 @!p0 s1  }
0x266: {  	[bflag:$0x3] =	sbarrier.arrive $0xFFFF  }
0x267: {  	_ =	shalt  }

// kernel: kernel.13.cloned.1.call-start
scs
__scs_entry_jumppad:
0x0: {  	(pc) =	sbr.rel $0x88, $3  }
0x1: {  	(tag) =	ssettag $0x0;
	lr =	simm.s32 $0x1  }
0x2: {  	[smem:$0x3F92] =	sst lr;
	_ =	strace $0xD0000000  }
0x3: {  	_ = 	snop  }
0x4: {  	_ = 	snop  }
0x5: {  	_ = 	snop  }
0x6: {  	_ = 	snop  }
0x7: {  	_ = 	snop  }
__scs_overlays_trampoline_lowered:
0x8: {  	[smem:$0x3FA1] =	sst s0  }
0x9: {  	[smem:$0x3FA2] =	sst s1  }
0xa: {  	[smem:$0x3FA3] =	sst s2  }
0xb: {  	[smem:$0x3FA4] =	sst s3  }
0xc: {  	[smem:$0x3FA5] =	sst s4  }
0xd: {  	[smem:$0x3FA6] =	sst s5  }
0xe: {  	[smem:$0x3FA7] =	sst s6  }
0xf: {  	[smem:$0x3FA8] =	sst s7  }
0x10: {  	[smem:$0x3FA9] =	sst s8  }
0x11: {  	[smem:$0x3FAA] =	sst s9;
	s0 =	simm.s32 @!p0 $0x0  }
0x12: {  	s1 =	sld [smem:$0x3F90];
	s0 =	simm.s32 @p0 $0x1  }
0x13: {  	[smem:$0x3FAB] =	sst s0;
	s0 =	simm.s32 @!p1 $0x0  }
0x14: {  	s2 =	sld [smem:$0x3F8F];
	s0 =	simm.s32 @p1 $0x1  }
0x15: {  	[smem:$0x3FAC] =	sst s0;
	s0 =	simm.s32 @!p2 $0x0  }
0x16: {  	s3 =	sld [smem:$0x3FDB];
	s0 =	simm.s32 @p2 $0x1  }
0x17: {  	s4 =	simm.s32 $0x1BF5;
	[smem:$0x3FAE] =	sst s0  }
0x18: {  	s0 =	sld [smem:$0x3F91];
	_ =	swait.ge [sflag:s4], $0x0  }
0x19: {  	s7 =	sld [smem:$0x3F92]  }
0x1a: {  	s8 =	sadd.s32 $0xFFFFE003, lr  }
0x1b: {  	s9 =	sadd.s32 $0xFFFFFEF7, lr;
	s5 =	simm.s32 $0xFFFFFFFF;
	p2 =	slt.u32 s8, $0xFFFFF086  }
0x1c: {  	p1 =	slt.u32 s9, $0xF7A;
	s5 =	simm.s32 @!p2 $0x0  }
0x1d: {  	s5 =	simm.s32 @p1 $0x1;
	p0 =	seq.s32 s7, s2  }
0x1e: {  	s7 =	smul.u32 @!p0 $0xF7A, s2;
	p2 =	seq.s32 @!p0 s5, $0x0  }
0x1f: {  	s9 =	smul.u32 $0xF7A, s1;
	s8 =	simm.s32 @!p0 $0x1BF5;
	p2 =	por !p2, p0  }
0x20: {  	[sflag:s8] =	ssyncset.s32 @!p0 $0xFFFFF086;
	s6 =	sadd.s32 @!p0 s3, s7;
	s7 =	simm.s32 @!p0 $0x108  }
0x21: {  	s3 =	sadd.s32 s3, s9;
	s6 =	sadd.s32 @!p0 $0x88, s6;
	s7 =	simm.s32 @p2 $0x1082  }
0x22: {  	[simem:s7], [sflag:s8] =	dma.local @!p0 [hbm:s6], $0xF7A  }
0x23: {  	s9 =	sor.u32 $0xD0000000, s2;
	s6 =	simm.s32 $0x108;
	_ =	swait.ge @!p0 [sflag:s8], $0x0  }
0x24: {  	s3 =	sadd.s32 $0x88, s3;
	s6 =	simm.s32 @!p1 $0x1082;
	[sflag:s4] =	ssyncset.s32 $0xFFFFF086  }
0x25: {  	[simem:s6], [sflag:s4] =	dma.local [hbm:s3], $0xF7A  }
0x26: {  	[smem:$0x3F92] =	sst s1;
	(tag) =	ssettag s2;
	_ =	strace s9  }
0x27: {  	s1 =	sld [smem:$0x3FA2]  }
0x28: {  	s2 =	sld [smem:$0x3FA3]  }
0x29: {  	s4 =	sld [smem:$0x3FA5]  }
0x2a: {  	p0 =	seq.s32 s5, $0x0;
	s5 =	sld [smem:$0x3FA6]  }
0x2b: {  	s6 =	sld [smem:$0x3FA7]  }
0x2c: {  	s7 =	sld [smem:$0x3FA8]  }
0x2d: {  	s3 =	simm.s32 $0x108;
	s8 =	sld [smem:$0x3FA9]  }
0x2e: {  	s3 =	simm.s32 @!p0 $0x1082;
	s9 =	sld [smem:$0x3FAA]  }
0x2f: {  	lr =	sadd.s32 s0, s3;
	s0 =	sld [smem:$0x3FA1]  }
0x30: {  	s3 =	sld [smem:$0x3FA4]  }
0x31: {  	[smem:$0x3FAD] =	sst s10  }
0x32: {  	s10 =	sld [smem:$0x3FAB];
	_ =	sdelay $0x3  }
0x33: {  	p0 =	seq.s32 s10, $0x1;
	s10 =	sld [smem:$0x3FAD];
	_ =	sdelay $0x3  }
0x34: {  	[smem:$0x3FAD] =	sst s10  }
0x35: {  	s10 =	sld [smem:$0x3FAC];
	_ =	sdelay $0x3  }
0x36: {  	p1 =	seq.s32 s10, $0x1;
	s10 =	sld [smem:$0x3FAD];
	_ =	sdelay $0x3  }
0x37: {  	[smem:$0x3FAD] =	sst s10  }
0x38: {  	s10 =	sld [smem:$0x3FAE]  }
0x39: {  	_ = 	snop;
	(pc) =	sbr.ind lr, $3  }
0x3a: {  	_ = 	snop  }
0x3b: {  	_ = 	snop  }
0x3c: {  	p2 =	seq.s32 s10, $0x1;
	s10 =	sld [smem:$0x3FAD]  }
0x3d: {  	_ =	shalt  }
0x3e: {  	_ =	shalt  }
0x3f: {  	_ =	shalt  }
0x40: {  	_ =	shalt  }
0x41: {  	_ =	shalt  }
0x42: {  	_ =	shalt  }
0x43: {  	_ =	shalt  }
0x44: {  	_ =	shalt  }
0x45: {  	_ =	shalt  }
0x46: {  	_ =	shalt  }
0x47: {  	_ =	shalt  }
0x48: {  	_ =	shalt  }
0x49: {  	_ =	shalt  }
0x4a: {  	_ =	shalt  }
0x4b: {  	_ =	shalt  }
0x4c: {  	_ =	shalt  }
0x4d: {  	_ =	shalt  }
0x4e: {  	_ =	shalt  }
0x4f: {  	_ =	shalt  }
0x50: {  	_ =	shalt  }
0x51: {  	_ =	shalt  }
0x52: {  	_ =	shalt  }
0x53: {  	_ =	shalt  }
0x54: {  	_ =	shalt  }
0x55: {  	_ =	shalt  }
0x56: {  	_ =	shalt  }
0x57: {  	_ =	shalt  }
0x58: {  	_ =	shalt  }
0x59: {  	_ =	shalt  }
0x5a: {  	_ =	shalt  }
0x5b: {  	_ =	shalt  }
0x5c: {  	_ =	shalt  }
0x5d: {  	_ =	shalt  }
0x5e: {  	_ =	shalt  }
0x5f: {  	_ =	shalt  }
0x60: {  	_ =	shalt  }
0x61: {  	_ =	shalt  }
0x62: {  	_ =	shalt  }
0x63: {  	_ =	shalt  }
0x64: {  	_ =	shalt  }
0x65: {  	_ =	shalt  }
0x66: {  	_ =	shalt  }
0x67: {  	_ =	shalt  }
0x68: {  	_ =	shalt  }
0x69: {  	_ =	shalt  }
0x6a: {  	_ =	shalt  }
0x6b: {  	_ =	shalt  }
0x6c: {  	_ =	shalt  }
0x6d: {  	_ =	shalt  }
0x6e: {  	_ =	shalt  }
0x6f: {  	_ =	shalt  }
0x70: {  	_ =	shalt  }
0x71: {  	_ =	shalt  }
0x72: {  	_ =	shalt  }
0x73: {  	_ =	shalt  }
0x74: {  	_ =	shalt  }
0x75: {  	_ =	shalt  }
0x76: {  	_ =	shalt  }
0x77: {  	_ =	shalt  }
0x78: {  	_ =	shalt  }
0x79: {  	_ =	shalt  }
0x7a: {  	_ =	shalt  }
0x7b: {  	_ =	shalt  }
0x7c: {  	_ =	shalt  }
0x7d: {  	_ =	shalt  }
0x7e: {  	_ =	shalt  }
0x7f: {  	_ =	shalt  }
0x80: {  	_ =	shalt  }
0x81: {  	_ =	shalt  }
0x82: {  	_ =	shalt  }
0x83: {  	_ =	shalt  }
0x84: {  	_ =	shalt  }
0x85: {  	_ =	shalt  }
0x86: {  	_ =	shalt  }
0x87: {  	_ =	shalt  }
.Lfunc_end0:
.L_simem_size_0:
called_computation.1_lowered:
.L_overlay_start_0:
0x88: {  	s2 =	sld [smem:$0x3FD9]  }
0x89: {  	s3 =	sld [smem:$0x3FFE];
	_ =	sdelay $0x1  }
0x8a: {  	s1 =	srdreg.scid  }
0x8b: {  	s0 =	sand.u32 $0x1, s1  }
0x8c: {  	s15 =	sshll.u32 s0, $0xA;
	s2 =	sadd.s32 s3, s2  }
0x8d: {  	s2 =	sadd.s32 s2, s15  }
0x8e: {  	[smem:$0x3FB9] =	sst s2  }
0x8f: {  	_ = 	snop  }
0x90: {  	s2 =	sld [smem:$0x3FD0];
	_ =	sdelay $0x2  }
0x91: {  	s16 =	simm.s32 $0xB;
	s4 =	simm.s32 $0x10  }
0x92: {  	[smem:s4], [sflag:s16] =	dma.local [hbm:s2], $0x1  }
0x93: {  	_ =	swait.eq [sflag:s16], $0x1  }
0x94: {  	[sflag:s16] =	ssyncset.done $0x0  }
0x95: {  	[sflag:s16] =	ssyncadd.s32 $0xFFFFFFFF  }
0x96: {  	s17 =	sld [smem:$0x10];
	(tm) =	ssettm $0x1  }
0x97: {  	s18 =	sld [smem:$0x3FFB];
	_ =	sdelay $0x3  }
0x98: {  	_ =	strace s18  }
0x99: {  	s2 =	sld [smem:$0x3FFC];
	_ =	sdelay $0x3  }
0x9a: {  	_ =	strace s2  }
0x9b: {  	s2 =	sld [smem:$0x3FFD];
	_ =	sdelay $0x3  }
0x9c: {  	_ =	strace s2  }
0x9d: {  	_ =	strace $0x8FFFFFFF  }
0x9e: {  	s19 =	sld [smem:$0x3FDB];
	_ =	sdelay $0x1  }
0x9f: {  	s20 =	simm.s32 $_scs_section_size  }
0xa0: {  	s5 =	simm.s32 $_size__tile_overlayer_lowered;
	s6 =	simm.s32 $_tile_overlayer_lowered  }
0xa1: {  	s7 =	simm.s32 $0x1BFF;
	s21 =	sshll.u32 s6, $0x1;
	s4 =	sadd.s32 s20, s19  }
0xa2: {  	s22 =	simm.s32 $0x0;
	s5 =	sshll.u32 s5, $0x1;
	s6 =	sadd.s32 s21, s4  }
0xa3: {  	[timem:s22], [sflag:s7] =	dma.local [hbm:s6], s5  }
0xa4: {  	_ =	swait.ge [sflag:s7], s5  }
0xa5: {  	s5 =	ssub.s32 $0x0, s5;
	[sflag:s7] =	ssyncset.done $0x0  }
0xa6: {  	[sflag:s7] =	ssyncadd.s32 s5;
	_ =	sdelay $0x1  }
0xa7: {  	s23 =	simm.s32 $0x1B8B  }
0xa8: {  	_ =	swait.ge [sflag:s23], $0x1  }
0xa9: {  	[sflag:s23] =	ssyncset.done $0x0  }
0xaa: {  	[sflag:s23] =	ssyncadd.s32 $0xFFFFFFFF  }
0xab: {  	s5 =	sld [smem:$0x0]  }
0xac: {  	s6 =	sand.u32 $0xFFFFFFFE, s1  }
0xad: {  	p0 =	sne.s32 s1, s6  }
0xae: {  	s6 =	sshll.u32 @p0 s6, $0xE  }
0xaf: {  	s6 =	sadd.s32 @p0 $0x11B8D, s6;
	s7 =	sshll.u32 @p0 s5, $0x11  }
0xb0: {  	s6 =	sor.u32 @p0 s7, s6  }
0xb1: {  	[sflag:s6] =	ssyncadd.remote.s32 @p0 $0x1;
	_ =	sdelay $0x1  }
0xb2: {  	s6 =	simm.s32 @p0 $0x1B8D  }
0xb3: {  	_ =	swait.eq @p0 [sflag:s6], $0x1  }
0xb4: {  	[sflag:s6] =	ssyncadd.s32 @p0 $0xFFFFFFFF  }
0xb5: {  	s7 =	sshll.u32 @!p0 s1, $0xE  }
0xb6: {  	s7 =	sor.u32 @!p0 $0x4000, s7;
	s6 =	simm.s32 @!p0 $0x1B8D  }
0xb7: {  	s5 =	sshll.u32 @!p0 s5, $0x11;
	s7 =	sadd.s32 @!p0 $0x11B8D, s7;
	_ =	swait.eq @!p0 [sflag:s6], $0x1  }
0xb8: {  	s5 =	sor.u32 @!p0 s5, s7;
	[sflag:s6] =	ssyncadd.s32 @!p0 $0xFFFFFFFF  }
0xb9: {  	s25 =	simm.s32 $0x1B8E;
	s24 =	sld [smem:$0x3FFE];
	[sflag:s5] =	ssyncadd.remote.s32 @!p0 $0x1  }
0xba: {  	s26 =	simm.s32 $execute0_lowered;
	[smem:$0x3FD2] =	sst s25  }
0xbb: {  	s6 =	sshll.u32 s26, $0x1;
	_ =	strace $0x8000004C;
	[dreg:$0x1] =	wrdreg $0xFFFFFFFF  }
0xbc: {  	s28 =	simm.s32 $_size_execute0_lowered;
	s4 =	sadd.s32 s4, s6;
	[dreg:$0x0] =	wrdreg $0x0  }
0xbd: {  	s6 =	sshll.u32 s28, $0x1;
	[dreg:$0x2] =	wrdreg s4  }
0xbe: {  	[dreg:$0x3] =	wrdreg s6  }
0xbf: {  	[dreg:$0x4] =	wrdreg $0xC0  }
0xc0: {  	_ =	task [dreg:s22], $0x5FFFF  }
0xc1: {  	[dreg:$0x1] =	wrdreg $0xFFFFFFFF  }
0xc2: {  	[dreg:$0x0] =	wrdreg $0x60  }
0xc3: {  	[dreg:$0x2] =	wrdreg s24  }
0xc4: {  	[dreg:$0x3] =	wrdreg s17  }
0xc5: {  	[dreg:$0x4] =	wrdreg $0x0  }
0xc6: {  	[dreg:$0x5] =	wrdreg $0x9  }
0xc7: {  	_ =	task.clear_ibuf [dreg:s22], $0x6FFFF;
	_ =	strace $0x9000004C  }
0xc8: {  	s29 =	simm.s32 $0x9;
	_ =	strace $0x8000004E  }
0xc9: {  	_ =	swait.ge [sflag:s29], $0x1  }
0xca: {  	[sflag:s29] =	ssyncadd.s32 $0xFFFFFFFF  }
0xcb: {  	_ =	strace $0x9000004E  }
0xcc: {  	_ =	sfence  }
0xcd: {  	s30 =	sld [smem:$0x0];
	_ =	sdelay $0x2  }
0xce: {  	s31 =	sshll.u32 s1, $0xD;
	s1 =	sshrl.u32 s1, $0x2  }
0xcf: {  	s4 =	sand.u32 $0x4000, s31;
	s1 =	sadd.s32 s1, s30  }
0xd0: {  	s0 =	sor.u32 s4, s0;
	s1 =	sshll.u32 s1, $0x11  }
0xd1: {  	s0 =	sor.u32 s1, s0  }
0xd2: {  	s0 =	sadd.s32 $0x8F2B, s0  }
0xd3: {  	[sflag:s0] =	ssyncadd.remote.s32 $0x1  }
0xd4: {  	_ =	sfence.sel $0xFFFF  }
0xd5: {  	[dreg:$0x0] =	wrdreg $0xFFFFFFFF;
	(pc) =	sbr.abs _section_cstart, $3  }
0xd6: {  	[dreg:$0x1] =	wrdreg $0xFFFFFFFF  }
0xd7: {  	_ =	task.clear_ibuf [dreg:s22], $0x2FFFF;
	_ =	strace $0x9FFFFFFF  }
0xd8: {  	(tm) =	ssettm $0x7FFFFFFF  }
0xd9: {  	_ =	shalt  }
tec
execute0_lowered:
.L_overlay_start_1:
0x0: {  	(tag) =	ssettag $0x1  }
0x1: {  	s0 =	rddreg [dreg:$0x0]  }
0x2: {  	s5 =	rddreg [dreg:$0x1]  }
0x3: {  	s2 =	rddreg [dreg:$0x2];
	s3 =	simm.s32 $0x0;
	s1 =	stileid.u32  }
0x4: {  	s7 =	srdreg.scid;
	s28 =	simm.s32 $0x2;
	s4 =	smul.u32 $0x2EE00, s1  }
0x5: {  	s29 =	simm.s32 $0x4;
	s30 =	simm.s32 $0x0;
	s6 =	smul.u32 $0x3E80, s1  }
0x6: {  	[smem:$0x7FF] =	sst s3;
	s8 =	sadd.s32 $0x6600, s0;
	s17 =	smul.u32 $0x7D000, s1  }
0x7: {  	s9 =	sand.u32 $0x1, s7;
	p3 =	slt.u32 s1, $0xA;
	s12 =	smul.u32 $0x2EE0, s1  }
0x8: {  	s21 =	smul.u32 $0x5DC, s1;
	s24 =	sshll.u32 s1, $0x6;
	_ =	strace $0x8000004D  }
0x9: {  	s16 =	ssub.s32 $0x2, s9;
	p0 =	seq.s32 s9, $0x0;
	p2 =	seq.s32 s9, $0x1  }
0xa: {  	s26 =	sor.u32 $0x1C05, s24;
	s24 =	simm.s32 $0x1;
	s11 =	sadd.s32 s4, s0  }
0xb: {  	s0 =	sadd.s32 s6, s0;
	s10 =	sshrl.u32 s16, $0x1;
	p1 =	por !p0, !p3  }
0xc: {  	s18 =	sshrl.u32 s17, $0x2;
	s5 =	sadd.s32 s5, s6;
	s19 =	sshrl.u32 s12, $0x3  }
0xd: {  	p3 =	por !p3, !p2;
	s23 =	sadd.s32 s21, s8;
	[dreg:$0x9] =	wrdreg s26  }
0xe: {  	s21 =	simm.s32 $0x13A80;
	s26 =	simm.s32 $0xA0;
	s14 =	ssub.s32 s16, s10  }
0xf: {  	p1 =	por !p1, !p1;
	s4 =	sadd.s32 s18, s2;
	s7 =	sadd.s32 $0x160D800, s11  }
0x10: {  	s6 =	sadd.s32 s8, s19;
	s20 =	sadd.s32 $0x81A00, s0;
	s9 =	sadd.s32 $0x18FB800, s11  }
0x11: {  	p3 =	por !p3, !p3;
	s10 =	sadd.s32 $0x1BE9800, s11;
	s13 =	sadd.s32 $0xA8C00, s0  }
0x12: {  	s22 =	sadd.s32 $0xCFE00, s0;
	s0 =	sadd.s32 $0xF7000, s0;
	[dreg:$0x4] =	wrdreg s20  }
.Ltmp0:
0x13: {  	s16 =	sadd.s32 $0x28, s23;
	[dreg:$0x5] =	wrdreg s13;
	(pc) =	sbr.rel .LBB2_1-.Ltmp0, $4  }
0x14: {  	s19 =	simm.s32 $0x5;
	s23 =	simm.s32 $0x18A80;
	[dreg:$0x6] =	wrdreg s22  }
0x15: {  	s13 =	sadd.s32 $0x1ED7800, s11;
	[dreg:$0x7] =	wrdreg s0;
	s25 =	smax.u32 s14, $0x1  }
0x16: {  	s31 =	sshrl.u32 s4, $0x3;
	s20 =	simm.s32 $0x13880;
	[dreg:$0x8] =	wrdreg s25  }
0x17: {  	s22 =	simm.s32 $0x13980;
	[dreg:$0xa] =	wrdreg s31;
	s25 =	simm.s32 $0x3  }
.LBB2_21:
0x18: {  	[bflag:$0x0] =	sbarrier.arrive $0xFFFF  }
.LBB2_25:
0x19: {  	s30 =	sadd.s32 $0x1, s30;
	s0 =	rddreg [dreg:$0x8]  }
0x1a: {  	p4 =	sne.s32 s30, s0  }
.Ltmp1:
0x1b: {  	_ = 	snop;
	(pc) =	sbr.rel @!p4 .LBB2_26-.Ltmp1, $1  }
0x1c: {  	_ =	sdelay $0x3  }
.LBB2_1:
.Ltmp2:
0x1d: {  	(pc) =	sbr.rel @!p1 .LBB2_6-.Ltmp2, $3  }
0x1e: {  	_ =	sdelay $0x1  }
0x1f: {  	s0 =	sshll.u32 @p1 s1, $0x6  }
0x20: {  	s31 =	sshrl.u32 @p1 s4, $0x3;
	s0 =	sor.u32 @p1 $0x1C05, s0  }
0x21: {  	s8 =	rddreg [dreg:$0x9]  }
0x22: {  	s11 =	rddreg [dreg:$0xa]  }
0x23: {  	[spmem:s11], [sflag:s8] =	dma.local [hbm:s5], $0x3E80  }
.Ltmp3:
0x24: {  	_ =	swait.ge [sflag:s19], $0x3E80;
	(pc) =	sbr.rel .LBB2_3-.Ltmp3, $3  }
0x25: {  	[sflag:s19] =	ssyncset.done $0x0  }
0x26: {  	[sflag:s19] =	ssyncadd.s32 $0xFFFFC180  }
0x27: {  	[bflag:$0x0] =	sbarrier.arrive $0xFFFF;
	_ =	sdelay $0x1  }
.LBB2_6:
.Ltmp4:
0x28: {  	(pc) =	sbr.rel @!p0 .LBB2_7-.Ltmp4, $2  }
0x29: {  	_ =	sdelay $0x1  }
0x2a: {  	[bflag:$0x0] =	sbarrier.arrive $0xFFFF;
	_ =	sdelay $0x1  }
.LBB2_3:
0x2b: {  	s8 =	simm.s32 $0x0  }
0x2c: {  	[tilespmem:s20], [sflag:$0x1] =	stream.linear.gather [hbm4b:s6+s8], $0xA0, $0x38;
	[tilespmem:$0x1DA80] =	vst v63  }
0x2d: {  	_ = 	snop  }
0x2e: {  	[tilespmem:s21], [sflag:$0x3] =	stream.linear.gather [hbm4b:s7+s8], $0x5000, $0x38;
	[tilespmem:$0x1DA80] =	vst v63  }
0x2f: {  	s15 =	sadd.s32 $0xFFFFFFEC, s16;
	s11 =	sadd.s32 $0x0, s7  }
0x30: {  	[tilespmem:s22], [sflag:$0x2] =	stream.linear.gather [hbm4b:s15+s3], $0xA0, $0x38;
	[tilespmem:$0x1DA80] =	vst v63  }
0x31: {  	s17 =	sadd.s32 $0xA00, s11  }
0x32: {  	[tilespmem:s23], [sflag:$0x4] =	stream.linear.gather [hbm4b:s17+s3], $0x5000, $0x38;
	[tilespmem:$0x1DA80] =	vst v63  }
0x33: {  	_ =	swait.ge [sflag:s24], $0xA0  }
0x34: {  	[sflag:s24] =	ssyncset.done $0x0  }
0x35: {  	[sflag:s24] =	ssyncadd.s32 $0xFFFFFF60  }
0x36: {  	_ =	swait.ge [sflag:s25], $0x5000  }
0x37: {  	[sflag:s25] =	ssyncset.done $0x0  }
0x38: {  	[sflag:s25] =	ssyncadd.s32 $0xFFFFB000  }
0x39: {  	[spmem:s2] =	stream.indirect.scatter.add.f32 [tilespmem:s21], [sflag:$0x5], $0x80, s20, s26, $0xb8;
	[tilespmem:$0x1DA80] =	vst v63  }
0x3a: {  	_ =	swait.ge [sflag:s19], $0x5000  }
0x3b: {  	[sflag:s19] =	ssyncset.done $0x0  }
0x3c: {  	[sflag:s19] =	ssyncadd.s32 $0xFFFFB000  }
0x3d: {  	[tilespmem:s20], [sflag:$0x1] =	stream.linear.gather [hbm4b:s16+s3], $0xA0, $0x38;
	[tilespmem:$0x1DA80] =	vst v63  }
0x3e: {  	s18 =	sadd.s32 $0x1400, s11  }
0x3f: {  	[tilespmem:s21], [sflag:$0x3] =	stream.linear.gather [hbm4b:s18+s3], $0x5000, $0x38;
	[tilespmem:$0x1DA80] =	vst v63  }
0x40: {  	_ =	swait.ge [sflag:s28], $0xA0  }
0x41: {  	[sflag:s28] =	ssyncset.done $0x0  }
0x42: {  	[sflag:s28] =	ssyncadd.s32 $0xFFFFFF60  }
0x43: {  	_ =	swait.ge [sflag:s29], $0x5000  }
0x44: {  	[sflag:s29] =	ssyncset.done $0x0  }
0x45: {  	[sflag:s29] =	ssyncadd.s32 $0xFFFFB000  }
0x46: {  	[spmem:s2] =	stream.indirect.scatter.add.f32 [tilespmem:s23], [sflag:$0x5], $0x80, s22, s26, $0xb8;
	[tilespmem:$0x1DA80] =	vst v63  }
0x47: {  	s12 =	simm.s32 $0x2800;
	_ =	swait.ge [sflag:s19], $0x5000  }
0x48: {  	s11 =	sadd.s32 $0x28, s16;
	s8 =	simm.s32 $0x1400;
	[sflag:s19] =	ssyncset.done $0x0  }
.LBB2_4:
0x49: {  	s14 =	sadd.s32 $0xFFFFFFEC, s11  }
0x4a: {  	s15 =	sadd.s32 s8, s7;
	[sflag:s19] =	ssyncadd.s32 $0xFFFFB000;
	s8 =	smov.u32 s12  }
0x4b: {  	[tilespmem:s22], [sflag:$0x2] =	stream.linear.gather [hbm4b:s14+s3], $0xA0, $0x38;
	[tilespmem:$0x1DA80] =	vst v63  }
0x4c: {  	p4 =	sne.s32 s12, $0x2D000;
	s12 =	sadd.s32 $0x1400, s12;
	s14 =	sadd.s32 $0xA00, s15  }
0x4d: {  	[tilespmem:s23], [sflag:$0x4] =	stream.linear.gather [hbm4b:s14+s3], $0x5000, $0x38;
	[tilespmem:$0x1DA80] =	vst v63  }
0x4e: {  	_ =	swait.ge [sflag:s24], $0xA0  }
0x4f: {  	[sflag:s24] =	ssyncset.done $0x0  }
0x50: {  	[sflag:s24] =	ssyncadd.s32 $0xFFFFFF60  }
0x51: {  	_ =	swait.ge [sflag:s25], $0x5000  }
0x52: {  	[sflag:s25] =	ssyncset.done $0x0  }
0x53: {  	[sflag:s25] =	ssyncadd.s32 $0xFFFFB000  }
0x54: {  	[spmem:s2] =	stream.indirect.scatter.add.f32 [tilespmem:s21], [sflag:$0x5], $0x80, s20, s26, $0xb8;
	[tilespmem:$0x1DA80] =	vst v63  }
0x55: {  	_ =	swait.ge [sflag:s19], $0x5000  }
0x56: {  	[sflag:s19] =	ssyncset.done $0x0  }
0x57: {  	[sflag:s19] =	ssyncadd.s32 $0xFFFFB000  }
0x58: {  	[tilespmem:s20], [sflag:$0x1] =	stream.linear.gather [hbm4b:s11+s3], $0xA0, $0x38;
	[tilespmem:$0x1DA80] =	vst v63  }
0x59: {  	s14 =	sadd.s32 $0x1400, s15  }
0x5a: {  	[tilespmem:s21], [sflag:$0x3] =	stream.linear.gather [hbm4b:s14+s3], $0x5000, $0x38;
	[tilespmem:$0x1DA80] =	vst v63  }
0x5b: {  	_ =	swait.ge [sflag:s28], $0xA0  }
0x5c: {  	[sflag:s28] =	ssyncset.done $0x0  }
0x5d: {  	[sflag:s28] =	ssyncadd.s32 $0xFFFFFF60  }
0x5e: {  	_ =	swait.ge [sflag:s29], $0x5000  }
.Ltmp5:
0x5f: {  	[sflag:s29] =	ssyncset.done $0x0;
	(pc) =	sbr.rel @p4 .LBB2_4-.Ltmp5, $4  }
0x60: {  	[sflag:s29] =	ssyncadd.s32 $0xFFFFB000  }
0x61: {  	[spmem:s2] =	stream.indirect.scatter.add.f32 [tilespmem:s23], [sflag:$0x5], $0x80, s22, s26, $0xb8;
	[tilespmem:$0x1DA80] =	vst v63  }
0x62: {  	_ =	swait.ge [sflag:s19], $0x5000  }
0x63: {  	s11 =	sadd.s32 $0x28, s11;
	[sflag:s19] =	ssyncset.done $0x0  }
0x64: {  	s12 =	sadd.s32 $0xFFFFFFEC, s11;
	s8 =	sadd.s32 s8, s7;
	[sflag:s19] =	ssyncadd.s32 $0xFFFFB000  }
0x65: {  	[tilespmem:s22], [sflag:$0x2] =	stream.linear.gather [hbm4b:s12+s3], $0xA0, $0x38;
	[tilespmem:$0x1DA80] =	vst v63  }
0x66: {  	s18 =	sadd.s32 $0xA00, s8  }
0x67: {  	[tilespmem:s23], [sflag:$0x4] =	stream.linear.gather [hbm4b:s18+s3], $0x5000, $0x38;
	[tilespmem:$0x1DA80] =	vst v63  }
0x68: {  	_ =	swait.ge [sflag:s24], $0xA0  }
0x69: {  	[sflag:s24] =	ssyncset.done $0x0  }
0x6a: {  	[sflag:s24] =	ssyncadd.s32 $0xFFFFFF60  }
0x6b: {  	_ =	swait.ge [sflag:s25], $0x5000  }
0x6c: {  	[sflag:s25] =	ssyncset.done $0x0  }
0x6d: {  	[sflag:s25] =	ssyncadd.s32 $0xFFFFB000  }
0x6e: {  	[spmem:s2] =	stream.indirect.scatter.add.f32 [tilespmem:s21], [sflag:$0x5], $0x80, s20, s26, $0xb8;
	[tilespmem:$0x1DA80] =	vst v63  }
0x6f: {  	_ =	swait.ge [sflag:s19], $0x5000  }
0x70: {  	[sflag:s19] =	ssyncset.done $0x0  }
0x71: {  	[sflag:s19] =	ssyncadd.s32 $0xFFFFB000  }
0x72: {  	[tilespmem:s20], [sflag:$0x1] =	stream.linear.gather [hbm4b:s11+s3], $0xA0, $0x38;
	[tilespmem:$0x1DA80] =	vst v63  }
0x73: {  	s8 =	sadd.s32 $0x1400, s8  }
0x74: {  	[tilespmem:s21], [sflag:$0x3] =	stream.linear.gather [hbm4b:s8+s3], $0x5000, $0x38;
	[tilespmem:$0x1DA80] =	vst v63  }
0x75: {  	_ =	swait.ge [sflag:s28], $0xA0  }
0x76: {  	[sflag:s28] =	ssyncset.done $0x0  }
0x77: {  	[sflag:s28] =	ssyncadd.s32 $0xFFFFFF60  }
0x78: {  	_ =	swait.ge [sflag:s29], $0x5000  }
0x79: {  	[sflag:s29] =	ssyncset.done $0x0  }
0x7a: {  	[sflag:s29] =	ssyncadd.s32 $0xFFFFB000  }
0x7b: {  	[spmem:s2] =	stream.indirect.scatter.add.f32 [tilespmem:s23], [sflag:$0x5], $0x80, s22, s26, $0xb8;
	[tilespmem:$0x1DA80] =	vst v63  }
0x7c: {  	_ =	swait.ge [sflag:s19], $0x5000  }
0x7d: {  	[sflag:s19] =	ssyncset.done $0x0  }
0x7e: {  	[sflag:s19] =	ssyncadd.s32 $0xFFFFB000  }
0x7f: {  	_ =	swait.ge [sflag:s24], $0xA0  }
0x80: {  	[sflag:s24] =	ssyncset.done $0x0  }
0x81: {  	[sflag:s24] =	ssyncadd.s32 $0xFFFFFF60  }
0x82: {  	_ =	swait.ge [sflag:s25], $0x5000  }
0x83: {  	[sflag:s25] =	ssyncset.done $0x0  }
0x84: {  	[sflag:s25] =	ssyncadd.s32 $0xFFFFB000  }
0x85: {  	[spmem:s2] =	stream.indirect.scatter.add.f32 [tilespmem:s21], [sflag:$0x5], $0x80, s20, s26, $0xb8;
	[tilespmem:$0x1DA80] =	vst v63  }
0x86: {  	_ =	swait.ge [sflag:s19], $0x5000  }
0x87: {  	[sflag:s19] =	ssyncset.done $0x0  }
0x88: {  	[sflag:s19] =	ssyncadd.s32 $0xFFFFB000  }
0x89: {  	[bflag:$0x0] =	sbarrier.arrive $0xFFFF  }
0x8a: {  	s8 =	rddreg [dreg:$0x4]  }
0x8b: {  	[hbm:s8], [sflag:s0] =	dma.local @p1 [spmem:s31], $0x3E80  }
.Ltmp6:
0x8c: {  	_ = 	snop;
	(pc) =	sbr.rel .LBB2_8-.Ltmp6, $4  }
0x8d: {  	s8 =	simm.s32 @p1 $0x5  }
0x8e: {  	_ =	swait.ge @p1 [sflag:s8], $0x3E80  }
0x8f: {  	[sflag:s8] =	ssyncset.done @p1 $0x0  }
0x90: {  	[sflag:s8] =	ssyncadd.s32 @p1 $0xFFFFC180  }
.LBB2_7:
0x91: {  	[bflag:$0x0] =	sbarrier.arrive $0xFFFF  }
.LBB2_8:
0x92: {  	s8 =	sshll.u32 @p3 s1, $0x6  }
0x93: {  	s14 =	sshrl.u32 @p3 s4, $0x3;
	s11 =	sor.u32 @p3 $0x1C05, s8;
	s8 =	simm.s32 @p3 $0x5  }
0x94: {  	[spmem:s14], [sflag:s11] =	dma.local @p3 [hbm:s5], $0x3E80  }
.Ltmp7:
0x95: {  	_ =	swait.ge @p3 [sflag:s8], $0x3E80;
	(pc) =	sbr.rel @!p2 .LBB2_9-.Ltmp7, $3  }
0x96: {  	[sflag:s8] =	ssyncset.done @p3 $0x0  }
0x97: {  	[sflag:s8] =	ssyncadd.s32 @p3 $0xFFFFC180  }
0x98: {  	[bflag:$0x0] =	sbarrier.arrive $0xFFFF;
	_ =	sdelay $0x1  }
0x99: {  	s8 =	simm.s32 $0x0  }
0x9a: {  	[tilespmem:s20], [sflag:$0x1] =	stream.linear.gather [hbm4b:s6+s8], $0xA0, $0x38;
	[tilespmem:$0x1DA80] =	vst v63  }
0x9b: {  	_ = 	snop  }
0x9c: {  	[tilespmem:s21], [sflag:$0x3] =	stream.linear.gather [hbm4b:s9+s8], $0x5000, $0x38;
	[tilespmem:$0x1DA80] =	vst v63  }
0x9d: {  	s15 =	sadd.s32 $0xFFFFFFEC, s16;
	s12 =	sadd.s32 $0x0, s9  }
0x9e: {  	[tilespmem:s22], [sflag:$0x2] =	stream.linear.gather [hbm4b:s15+s3], $0xA0, $0x38;
	[tilespmem:$0x1DA80] =	vst v63  }
0x9f: {  	s17 =	sadd.s32 $0xA00, s12  }
0xa0: {  	[tilespmem:s23], [sflag:$0x4] =	stream.linear.gather [hbm4b:s17+s3], $0x5000, $0x38;
	[tilespmem:$0x1DA80] =	vst v63  }
0xa1: {  	_ =	swait.ge [sflag:s24], $0xA0  }
0xa2: {  	[sflag:s24] =	ssyncset.done $0x0  }
0xa3: {  	[sflag:s24] =	ssyncadd.s32 $0xFFFFFF60  }
0xa4: {  	_ =	swait.ge [sflag:s25], $0x5000  }
0xa5: {  	[sflag:s25] =	ssyncset.done $0x0  }
0xa6: {  	[sflag:s25] =	ssyncadd.s32 $0xFFFFB000  }
0xa7: {  	[spmem:s2] =	stream.indirect.scatter.add.f32 [tilespmem:s21], [sflag:$0x5], $0x80, s20, s26, $0xb8;
	[tilespmem:$0x1DA80] =	vst v63  }
0xa8: {  	_ =	swait.ge [sflag:s19], $0x5000  }
0xa9: {  	[sflag:s19] =	ssyncset.done $0x0  }
0xaa: {  	[sflag:s19] =	ssyncadd.s32 $0xFFFFB000  }
0xab: {  	[tilespmem:s20], [sflag:$0x1] =	stream.linear.gather [hbm4b:s16+s3], $0xA0, $0x38;
	[tilespmem:$0x1DA80] =	vst v63  }
0xac: {  	s18 =	sadd.s32 $0x1400, s12  }
0xad: {  	[tilespmem:s21], [sflag:$0x3] =	stream.linear.gather [hbm4b:s18+s3], $0x5000, $0x38;
	[tilespmem:$0x1DA80] =	vst v63  }
0xae: {  	_ =	swait.ge [sflag:s28], $0xA0  }
0xaf: {  	[sflag:s28] =	ssyncset.done $0x0  }
0xb0: {  	[sflag:s28] =	ssyncadd.s32 $0xFFFFFF60  }
0xb1: {  	_ =	swait.ge [sflag:s29], $0x5000  }
0xb2: {  	[sflag:s29] =	ssyncset.done $0x0  }
0xb3: {  	[sflag:s29] =	ssyncadd.s32 $0xFFFFB000  }
0xb4: {  	[spmem:s2] =	stream.indirect.scatter.add.f32 [tilespmem:s23], [sflag:$0x5], $0x80, s22, s26, $0xb8;
	[tilespmem:$0x1DA80] =	vst v63  }
0xb5: {  	s12 =	simm.s32 $0x1400;
	_ =	swait.ge [sflag:s19], $0x5000  }
0xb6: {  	s8 =	sadd.s32 $0x28, s16;
	s15 =	simm.s32 $0x2800;
	[sflag:s19] =	ssyncset.done $0x0  }
.LBB2_11:
0xb7: {  	s17 =	sadd.s32 $0xFFFFFFEC, s8  }
0xb8: {  	s18 =	sadd.s32 s12, s9;
	[sflag:s19] =	ssyncadd.s32 $0xFFFFB000;
	s12 =	smov.u32 s15  }
0xb9: {  	[tilespmem:s22], [sflag:$0x2] =	stream.linear.gather [hbm4b:s17+s3], $0xA0, $0x38;
	[tilespmem:$0x1DA80] =	vst v63  }
0xba: {  	p4 =	sne.s32 s15, $0x2D000;
	s15 =	sadd.s32 $0x1400, s15;
	s17 =	sadd.s32 $0xA00, s18  }
0xbb: {  	[tilespmem:s23], [sflag:$0x4] =	stream.linear.gather [hbm4b:s17+s3], $0x5000, $0x38;
	[tilespmem:$0x1DA80] =	vst v63  }
0xbc: {  	_ =	swait.ge [sflag:s24], $0xA0  }
0xbd: {  	[sflag:s24] =	ssyncset.done $0x0  }
0xbe: {  	[sflag:s24] =	ssyncadd.s32 $0xFFFFFF60  }
0xbf: {  	_ =	swait.ge [sflag:s25], $0x5000  }
0xc0: {  	[sflag:s25] =	ssyncset.done $0x0  }
0xc1: {  	[sflag:s25] =	ssyncadd.s32 $0xFFFFB000  }
0xc2: {  	[spmem:s2] =	stream.indirect.scatter.add.f32 [tilespmem:s21], [sflag:$0x5], $0x80, s20, s26, $0xb8;
	[tilespmem:$0x1DA80] =	vst v63  }
0xc3: {  	_ =	swait.ge [sflag:s19], $0x5000  }
0xc4: {  	[sflag:s19] =	ssyncset.done $0x0  }
0xc5: {  	[sflag:s19] =	ssyncadd.s32 $0xFFFFB000  }
0xc6: {  	[tilespmem:s20], [sflag:$0x1] =	stream.linear.gather [hbm4b:s8+s3], $0xA0, $0x38;
	[tilespmem:$0x1DA80] =	vst v63  }
0xc7: {  	s17 =	sadd.s32 $0x1400, s18  }
0xc8: {  	[tilespmem:s21], [sflag:$0x3] =	stream.linear.gather [hbm4b:s17+s3], $0x5000, $0x38;
	[tilespmem:$0x1DA80] =	vst v63  }
0xc9: {  	_ =	swait.ge [sflag:s28], $0xA0  }
0xca: {  	[sflag:s28] =	ssyncset.done $0x0  }
0xcb: {  	[sflag:s28] =	ssyncadd.s32 $0xFFFFFF60  }
0xcc: {  	_ =	swait.ge [sflag:s29], $0x5000  }
.Ltmp8:
0xcd: {  	[sflag:s29] =	ssyncset.done $0x0;
	(pc) =	sbr.rel @p4 .LBB2_11-.Ltmp8, $4  }
0xce: {  	[sflag:s29] =	ssyncadd.s32 $0xFFFFB000  }
0xcf: {  	[spmem:s2] =	stream.indirect.scatter.add.f32 [tilespmem:s23], [sflag:$0x5], $0x80, s22, s26, $0xb8;
	[tilespmem:$0x1DA80] =	vst v63  }
0xd0: {  	_ =	swait.ge [sflag:s19], $0x5000  }
0xd1: {  	s8 =	sadd.s32 $0x28, s8;
	[sflag:s19] =	ssyncset.done $0x0  }
0xd2: {  	s15 =	sadd.s32 $0xFFFFFFEC, s8;
	s12 =	sadd.s32 s12, s9;
	[sflag:s19] =	ssyncadd.s32 $0xFFFFB000  }
0xd3: {  	[tilespmem:s22], [sflag:$0x2] =	stream.linear.gather [hbm4b:s15+s3], $0xA0, $0x38;
	[tilespmem:$0x1DA80] =	vst v63  }
0xd4: {  	s17 =	sadd.s32 $0xA00, s12  }
0xd5: {  	[tilespmem:s23], [sflag:$0x4] =	stream.linear.gather [hbm4b:s17+s3], $0x5000, $0x38;
	[tilespmem:$0x1DA80] =	vst v63  }
0xd6: {  	_ =	swait.ge [sflag:s24], $0xA0  }
0xd7: {  	[sflag:s24] =	ssyncset.done $0x0  }
0xd8: {  	[sflag:s24] =	ssyncadd.s32 $0xFFFFFF60  }
0xd9: {  	_ =	swait.ge [sflag:s25], $0x5000  }
0xda: {  	[sflag:s25] =	ssyncset.done $0x0  }
0xdb: {  	[sflag:s25] =	ssyncadd.s32 $0xFFFFB000  }
0xdc: {  	[spmem:s2] =	stream.indirect.scatter.add.f32 [tilespmem:s21], [sflag:$0x5], $0x80, s20, s26, $0xb8;
	[tilespmem:$0x1DA80] =	vst v63  }
0xdd: {  	_ =	swait.ge [sflag:s19], $0x5000  }
0xde: {  	[sflag:s19] =	ssyncset.done $0x0  }
0xdf: {  	[sflag:s19] =	ssyncadd.s32 $0xFFFFB000  }
0xe0: {  	[tilespmem:s20], [sflag:$0x1] =	stream.linear.gather [hbm4b:s8+s3], $0xA0, $0x38;
	[tilespmem:$0x1DA80] =	vst v63  }
0xe1: {  	s18 =	sadd.s32 $0x1400, s12  }
0xe2: {  	[tilespmem:s21], [sflag:$0x3] =	stream.linear.gather [hbm4b:s18+s3], $0x5000, $0x38;
	[tilespmem:$0x1DA80] =	vst v63  }
0xe3: {  	_ =	swait.ge [sflag:s28], $0xA0  }
0xe4: {  	[sflag:s28] =	ssyncset.done $0x0  }
0xe5: {  	[sflag:s28] =	ssyncadd.s32 $0xFFFFFF60  }
0xe6: {  	_ =	swait.ge [sflag:s29], $0x5000  }
0xe7: {  	[sflag:s29] =	ssyncset.done $0x0  }
0xe8: {  	[sflag:s29] =	ssyncadd.s32 $0xFFFFB000  }
0xe9: {  	[spmem:s2] =	stream.indirect.scatter.add.f32 [tilespmem:s23], [sflag:$0x5], $0x80, s22, s26, $0xb8;
	[tilespmem:$0x1DA80] =	vst v63  }
0xea: {  	_ =	swait.ge [sflag:s19], $0x5000  }
0xeb: {  	[sflag:s19] =	ssyncset.done $0x0  }
0xec: {  	[sflag:s19] =	ssyncadd.s32 $0xFFFFB000  }
0xed: {  	_ =	swait.ge [sflag:s24], $0xA0  }
0xee: {  	[sflag:s24] =	ssyncset.done $0x0  }
0xef: {  	[sflag:s24] =	ssyncadd.s32 $0xFFFFFF60  }
0xf0: {  	_ =	swait.ge [sflag:s25], $0x5000  }
0xf1: {  	[sflag:s25] =	ssyncset.done $0x0  }
0xf2: {  	[sflag:s25] =	ssyncadd.s32 $0xFFFFB000  }
0xf3: {  	[spmem:s2] =	stream.indirect.scatter.add.f32 [tilespmem:s21], [sflag:$0x5], $0x80, s20, s26, $0xb8;
	[tilespmem:$0x1DA80] =	vst v63  }
0xf4: {  	_ =	swait.ge [sflag:s19], $0x5000  }
0xf5: {  	[sflag:s19] =	ssyncset.done $0x0  }
0xf6: {  	[sflag:s19] =	ssyncadd.s32 $0xFFFFB000  }
0xf7: {  	[bflag:$0x0] =	sbarrier.arrive $0xFFFF  }
0xf8: {  	s8 =	rddreg [dreg:$0x5]  }
0xf9: {  	[hbm:s8], [sflag:s11] =	dma.local @p3 [spmem:s14], $0x3E80  }
.Ltmp9:
0xfa: {  	_ = 	snop;
	(pc) =	sbr.rel .LBB2_13-.Ltmp9, $4  }
0xfb: {  	s8 =	simm.s32 @p3 $0x5  }
0xfc: {  	_ =	swait.ge @p3 [sflag:s8], $0x3E80  }
0xfd: {  	[sflag:s8] =	ssyncset.done @p3 $0x0  }
0xfe: {  	[sflag:s8] =	ssyncadd.s32 @p3 $0xFFFFC180  }
.LBB2_9:
0xff: {  	[bflag:$0x0] =	sbarrier.arrive $0xFFFF  }
.LBB2_13:
.Ltmp10:
0x100: {  	(pc) =	sbr.rel @!p1 .LBB2_18-.Ltmp10, $1  }
0x101: {  	_ =	sdelay $0x3  }
0x102: {  	s8 =	rddreg [dreg:$0x9]  }
0x103: {  	s12 =	rddreg [dreg:$0xa]  }
0x104: {  	[spmem:s12], [sflag:s8] =	dma.local [hbm:s5], $0x3E80  }
.Ltmp11:
0x105: {  	_ =	swait.ge [sflag:s19], $0x3E80;
	(pc) =	sbr.rel .LBB2_15-.Ltmp11, $3  }
0x106: {  	[sflag:s19] =	ssyncset.done $0x0  }
0x107: {  	[sflag:s19] =	ssyncadd.s32 $0xFFFFC180  }
0x108: {  	[bflag:$0x0] =	sbarrier.arrive $0xFFFF;
	_ =	sdelay $0x1  }
.LBB2_18:
.Ltmp12:
0x109: {  	(pc) =	sbr.rel @!p0 .LBB2_19-.Ltmp12, $2  }
0x10a: {  	_ =	sdelay $0x1  }
0x10b: {  	[bflag:$0x0] =	sbarrier.arrive $0xFFFF;
	_ =	sdelay $0x1  }
.LBB2_15:
0x10c: {  	s8 =	simm.s32 $0x0  }
0x10d: {  	[tilespmem:s20], [sflag:$0x1] =	stream.linear.gather [hbm4b:s6+s8], $0xA0, $0x38;
	[tilespmem:$0x1DA80] =	vst v63  }
0x10e: {  	_ = 	snop  }
0x10f: {  	[tilespmem:s21], [sflag:$0x3] =	stream.linear.gather [hbm4b:s10+s8], $0x5000, $0x38;
	[tilespmem:$0x1DA80] =	vst v63  }
0x110: {  	s15 =	sadd.s32 $0xFFFFFFEC, s16;
	s12 =	sadd.s32 $0x0, s10  }
0x111: {  	[tilespmem:s22], [sflag:$0x2] =	stream.linear.gather [hbm4b:s15+s3], $0xA0, $0x38;
	[tilespmem:$0x1DA80] =	vst v63  }
0x112: {  	s17 =	sadd.s32 $0xA00, s12  }
0x113: {  	[tilespmem:s23], [sflag:$0x4] =	stream.linear.gather [hbm4b:s17+s3], $0x5000, $0x38;
	[tilespmem:$0x1DA80] =	vst v63  }
0x114: {  	_ =	swait.ge [sflag:s24], $0xA0  }
0x115: {  	[sflag:s24] =	ssyncset.done $0x0  }
0x116: {  	[sflag:s24] =	ssyncadd.s32 $0xFFFFFF60  }
0x117: {  	_ =	swait.ge [sflag:s25], $0x5000  }
0x118: {  	[sflag:s25] =	ssyncset.done $0x0  }
0x119: {  	[sflag:s25] =	ssyncadd.s32 $0xFFFFB000  }
0x11a: {  	[spmem:s2] =	stream.indirect.scatter.add.f32 [tilespmem:s21], [sflag:$0x5], $0x80, s20, s26, $0xb8;
	[tilespmem:$0x1DA80] =	vst v63  }
0x11b: {  	_ =	swait.ge [sflag:s19], $0x5000  }
0x11c: {  	[sflag:s19] =	ssyncset.done $0x0  }
0x11d: {  	[sflag:s19] =	ssyncadd.s32 $0xFFFFB000  }
0x11e: {  	[tilespmem:s20], [sflag:$0x1] =	stream.linear.gather [hbm4b:s16+s3], $0xA0, $0x38;
	[tilespmem:$0x1DA80] =	vst v63  }
0x11f: {  	s18 =	sadd.s32 $0x1400, s12  }
0x120: {  	[tilespmem:s21], [sflag:$0x3] =	stream.linear.gather [hbm4b:s18+s3], $0x5000, $0x38;
	[tilespmem:$0x1DA80] =	vst v63  }
0x121: {  	_ =	swait.ge [sflag:s28], $0xA0  }
0x122: {  	[sflag:s28] =	ssyncset.done $0x0  }
0x123: {  	[sflag:s28] =	ssyncadd.s32 $0xFFFFFF60  }
0x124: {  	_ =	swait.ge [sflag:s29], $0x5000  }
0x125: {  	[sflag:s29] =	ssyncset.done $0x0  }
0x126: {  	[sflag:s29] =	ssyncadd.s32 $0xFFFFB000  }
0x127: {  	[spmem:s2] =	stream.indirect.scatter.add.f32 [tilespmem:s23], [sflag:$0x5], $0x80, s22, s26, $0xb8;
	[tilespmem:$0x1DA80] =	vst v63  }
0x128: {  	s12 =	simm.s32 $0x1400;
	_ =	swait.ge [sflag:s19], $0x5000  }
0x129: {  	s8 =	sadd.s32 $0x28, s16;
	s15 =	simm.s32 $0x2800;
	[sflag:s19] =	ssyncset.done $0x0  }
.LBB2_16:
0x12a: {  	s17 =	sadd.s32 $0xFFFFFFEC, s8  }
0x12b: {  	s18 =	sadd.s32 s12, s10;
	[sflag:s19] =	ssyncadd.s32 $0xFFFFB000;
	s12 =	smov.u32 s15  }
0x12c: {  	[tilespmem:s22], [sflag:$0x2] =	stream.linear.gather [hbm4b:s17+s3], $0xA0, $0x38;
	[tilespmem:$0x1DA80] =	vst v63  }
0x12d: {  	p4 =	sne.s32 s15, $0x2D000;
	s15 =	sadd.s32 $0x1400, s15;
	s17 =	sadd.s32 $0xA00, s18  }
0x12e: {  	[tilespmem:s23], [sflag:$0x4] =	stream.linear.gather [hbm4b:s17+s3], $0x5000, $0x38;
	[tilespmem:$0x1DA80] =	vst v63  }
0x12f: {  	_ =	swait.ge [sflag:s24], $0xA0  }
0x130: {  	[sflag:s24] =	ssyncset.done $0x0  }
0x131: {  	[sflag:s24] =	ssyncadd.s32 $0xFFFFFF60  }
0x132: {  	_ =	swait.ge [sflag:s25], $0x5000  }
0x133: {  	[sflag:s25] =	ssyncset.done $0x0  }
0x134: {  	[sflag:s25] =	ssyncadd.s32 $0xFFFFB000  }
0x135: {  	[spmem:s2] =	stream.indirect.scatter.add.f32 [tilespmem:s21], [sflag:$0x5], $0x80, s20, s26, $0xb8;
	[tilespmem:$0x1DA80] =	vst v63  }
0x136: {  	_ =	swait.ge [sflag:s19], $0x5000  }
0x137: {  	[sflag:s19] =	ssyncset.done $0x0  }
0x138: {  	[sflag:s19] =	ssyncadd.s32 $0xFFFFB000  }
0x139: {  	[tilespmem:s20], [sflag:$0x1] =	stream.linear.gather [hbm4b:s8+s3], $0xA0, $0x38;
	[tilespmem:$0x1DA80] =	vst v63  }
0x13a: {  	s17 =	sadd.s32 $0x1400, s18  }
0x13b: {  	[tilespmem:s21], [sflag:$0x3] =	stream.linear.gather [hbm4b:s17+s3], $0x5000, $0x38;
	[tilespmem:$0x1DA80] =	vst v63  }
0x13c: {  	_ =	swait.ge [sflag:s28], $0xA0  }
0x13d: {  	[sflag:s28] =	ssyncset.done $0x0  }
0x13e: {  	[sflag:s28] =	ssyncadd.s32 $0xFFFFFF60  }
0x13f: {  	_ =	swait.ge [sflag:s29], $0x5000  }
.Ltmp13:
0x140: {  	[sflag:s29] =	ssyncset.done $0x0;
	(pc) =	sbr.rel @p4 .LBB2_16-.Ltmp13, $4  }
0x141: {  	[sflag:s29] =	ssyncadd.s32 $0xFFFFB000  }
0x142: {  	[spmem:s2] =	stream.indirect.scatter.add.f32 [tilespmem:s23], [sflag:$0x5], $0x80, s22, s26, $0xb8;
	[tilespmem:$0x1DA80] =	vst v63  }
0x143: {  	_ =	swait.ge [sflag:s19], $0x5000  }
0x144: {  	s8 =	sadd.s32 $0x28, s8;
	[sflag:s19] =	ssyncset.done $0x0  }
0x145: {  	s15 =	sadd.s32 $0xFFFFFFEC, s8;
	s12 =	sadd.s32 s12, s10;
	[sflag:s19] =	ssyncadd.s32 $0xFFFFB000  }
0x146: {  	[tilespmem:s22], [sflag:$0x2] =	stream.linear.gather [hbm4b:s15+s3], $0xA0, $0x38;
	[tilespmem:$0x1DA80] =	vst v63  }
0x147: {  	s17 =	sadd.s32 $0xA00, s12  }
0x148: {  	[tilespmem:s23], [sflag:$0x4] =	stream.linear.gather [hbm4b:s17+s3], $0x5000, $0x38;
	[tilespmem:$0x1DA80] =	vst v63  }
0x149: {  	_ =	swait.ge [sflag:s24], $0xA0  }
0x14a: {  	[sflag:s24] =	ssyncset.done $0x0  }
0x14b: {  	[sflag:s24] =	ssyncadd.s32 $0xFFFFFF60  }
0x14c: {  	_ =	swait.ge [sflag:s25], $0x5000  }
0x14d: {  	[sflag:s25] =	ssyncset.done $0x0  }
0x14e: {  	[sflag:s25] =	ssyncadd.s32 $0xFFFFB000  }
0x14f: {  	[spmem:s2] =	stream.indirect.scatter.add.f32 [tilespmem:s21], [sflag:$0x5], $0x80, s20, s26, $0xb8;
	[tilespmem:$0x1DA80] =	vst v63  }
0x150: {  	_ =	swait.ge [sflag:s19], $0x5000  }
0x151: {  	[sflag:s19] =	ssyncset.done $0x0  }
0x152: {  	[sflag:s19] =	ssyncadd.s32 $0xFFFFB000  }
0x153: {  	[tilespmem:s20], [sflag:$0x1] =	stream.linear.gather [hbm4b:s8+s3], $0xA0, $0x38;
	[tilespmem:$0x1DA80] =	vst v63  }
0x154: {  	s18 =	sadd.s32 $0x1400, s12  }
0x155: {  	[tilespmem:s21], [sflag:$0x3] =	stream.linear.gather [hbm4b:s18+s3], $0x5000, $0x38;
	[tilespmem:$0x1DA80] =	vst v63  }
0x156: {  	_ =	swait.ge [sflag:s28], $0xA0  }
0x157: {  	[sflag:s28] =	ssyncset.done $0x0  }
0x158: {  	[sflag:s28] =	ssyncadd.s32 $0xFFFFFF60  }
0x159: {  	_ =	swait.ge [sflag:s29], $0x5000  }
0x15a: {  	[sflag:s29] =	ssyncset.done $0x0  }
0x15b: {  	[sflag:s29] =	ssyncadd.s32 $0xFFFFB000  }
0x15c: {  	[spmem:s2] =	stream.indirect.scatter.add.f32 [tilespmem:s23], [sflag:$0x5], $0x80, s22, s26, $0xb8;
	[tilespmem:$0x1DA80] =	vst v63  }
0x15d: {  	_ =	swait.ge [sflag:s19], $0x5000  }
0x15e: {  	[sflag:s19] =	ssyncset.done $0x0  }
0x15f: {  	[sflag:s19] =	ssyncadd.s32 $0xFFFFB000  }
0x160: {  	_ =	swait.ge [sflag:s24], $0xA0  }
0x161: {  	[sflag:s24] =	ssyncset.done $0x0  }
0x162: {  	[sflag:s24] =	ssyncadd.s32 $0xFFFFFF60  }
0x163: {  	_ =	swait.ge [sflag:s25], $0x5000  }
0x164: {  	[sflag:s25] =	ssyncset.done $0x0  }
0x165: {  	[sflag:s25] =	ssyncadd.s32 $0xFFFFB000  }
0x166: {  	[spmem:s2] =	stream.indirect.scatter.add.f32 [tilespmem:s21], [sflag:$0x5], $0x80, s20, s26, $0xb8;
	[tilespmem:$0x1DA80] =	vst v63  }
0x167: {  	_ =	swait.ge [sflag:s19], $0x5000  }
0x168: {  	[sflag:s19] =	ssyncset.done $0x0  }
0x169: {  	[sflag:s19] =	ssyncadd.s32 $0xFFFFB000  }
0x16a: {  	[bflag:$0x0] =	sbarrier.arrive $0xFFFF  }
0x16b: {  	s8 =	rddreg [dreg:$0x6]  }
0x16c: {  	[hbm:s8], [sflag:s0] =	dma.local @p1 [spmem:s31], $0x3E80  }
.Ltmp14:
0x16d: {  	_ = 	snop;
	(pc) =	sbr.rel .LBB2_20-.Ltmp14, $4  }
0x16e: {  	s0 =	simm.s32 @p1 $0x5  }
0x16f: {  	_ =	swait.ge @p1 [sflag:s0], $0x3E80  }
0x170: {  	[sflag:s0] =	ssyncset.done @p1 $0x0  }
0x171: {  	[sflag:s0] =	ssyncadd.s32 @p1 $0xFFFFC180  }
.LBB2_19:
0x172: {  	[bflag:$0x0] =	sbarrier.arrive $0xFFFF  }
.LBB2_20:
0x173: {  	[spmem:s14], [sflag:s11] =	dma.local @p3 [hbm:s5], $0x3E80  }
0x174: {  	s0 =	simm.s32 @p3 $0x5  }
.Ltmp15:
0x175: {  	_ =	swait.ge @p3 [sflag:s0], $0x3E80;
	(pc) =	sbr.rel @!p2 .LBB2_21-.Ltmp15, $3  }
0x176: {  	[sflag:s0] =	ssyncset.done @p3 $0x0  }
0x177: {  	[sflag:s0] =	ssyncadd.s32 @p3 $0xFFFFC180  }
0x178: {  	[bflag:$0x0] =	sbarrier.arrive $0xFFFF;
	_ =	sdelay $0x1  }
0x179: {  	s0 =	simm.s32 $0x0  }
0x17a: {  	[tilespmem:s20], [sflag:$0x1] =	stream.linear.gather [hbm4b:s6+s0], $0xA0, $0x38;
	[tilespmem:$0x1DA80] =	vst v63  }
0x17b: {  	_ = 	snop  }
0x17c: {  	[tilespmem:s21], [sflag:$0x3] =	stream.linear.gather [hbm4b:s13+s0], $0x5000, $0x38;
	[tilespmem:$0x1DA80] =	vst v63  }
0x17d: {  	s17 =	sadd.s32 $0xFFFFFFEC, s16;
	s8 =	sadd.s32 $0x0, s13  }
0x17e: {  	[tilespmem:s22], [sflag:$0x2] =	stream.linear.gather [hbm4b:s17+s3], $0xA0, $0x38;
	[tilespmem:$0x1DA80] =	vst v63  }
0x17f: {  	s18 =	sadd.s32 $0xA00, s8  }
0x180: {  	[tilespmem:s23], [sflag:$0x4] =	stream.linear.gather [hbm4b:s18+s3], $0x5000, $0x38;
	[tilespmem:$0x1DA80] =	vst v63  }
0x181: {  	_ =	swait.ge [sflag:s24], $0xA0  }
0x182: {  	[sflag:s24] =	ssyncset.done $0x0  }
0x183: {  	[sflag:s24] =	ssyncadd.s32 $0xFFFFFF60  }
0x184: {  	_ =	swait.ge [sflag:s25], $0x5000  }
0x185: {  	[sflag:s25] =	ssyncset.done $0x0  }
0x186: {  	[sflag:s25] =	ssyncadd.s32 $0xFFFFB000  }
0x187: {  	[spmem:s2] =	stream.indirect.scatter.add.f32 [tilespmem:s21], [sflag:$0x5], $0x80, s20, s26, $0xb8;
	[tilespmem:$0x1DA80] =	vst v63  }
0x188: {  	_ =	swait.ge [sflag:s19], $0x5000  }
0x189: {  	[sflag:s19] =	ssyncset.done $0x0  }
0x18a: {  	[sflag:s19] =	ssyncadd.s32 $0xFFFFB000  }
0x18b: {  	[tilespmem:s20], [sflag:$0x1] =	stream.linear.gather [hbm4b:s16+s3], $0xA0, $0x38;
	[tilespmem:$0x1DA80] =	vst v63  }
0x18c: {  	s31 =	sadd.s32 $0x1400, s8  }
0x18d: {  	[tilespmem:s21], [sflag:$0x3] =	stream.linear.gather [hbm4b:s31+s3], $0x5000, $0x38;
	[tilespmem:$0x1DA80] =	vst v63  }
0x18e: {  	_ =	swait.ge [sflag:s28], $0xA0  }
0x18f: {  	[sflag:s28] =	ssyncset.done $0x0  }
0x190: {  	[sflag:s28] =	ssyncadd.s32 $0xFFFFFF60  }
0x191: {  	_ =	swait.ge [sflag:s29], $0x5000  }
0x192: {  	[sflag:s29] =	ssyncset.done $0x0  }
0x193: {  	[sflag:s29] =	ssyncadd.s32 $0xFFFFB000  }
0x194: {  	[spmem:s2] =	stream.indirect.scatter.add.f32 [tilespmem:s23], [sflag:$0x5], $0x80, s22, s26, $0xb8;
	[tilespmem:$0x1DA80] =	vst v63  }
0x195: {  	s12 =	simm.s32 $0x2800;
	_ =	swait.ge [sflag:s19], $0x5000  }
0x196: {  	s8 =	simm.s32 $0x1400;
	s0 =	sadd.s32 $0x28, s16;
	[sflag:s19] =	ssyncset.done $0x0  }
.LBB2_23:
0x197: {  	s15 =	sadd.s32 $0xFFFFFFEC, s0  }
0x198: {  	s17 =	sadd.s32 s8, s13;
	[sflag:s19] =	ssyncadd.s32 $0xFFFFB000;
	s8 =	smov.u32 s12  }
0x199: {  	[tilespmem:s22], [sflag:$0x2] =	stream.linear.gather [hbm4b:s15+s3], $0xA0, $0x38;
	[tilespmem:$0x1DA80] =	vst v63  }
0x19a: {  	p4 =	sne.s32 s12, $0x2D000;
	s12 =	sadd.s32 $0x1400, s12;
	s15 =	sadd.s32 $0xA00, s17  }
0x19b: {  	[tilespmem:s23], [sflag:$0x4] =	stream.linear.gather [hbm4b:s15+s3], $0x5000, $0x38;
	[tilespmem:$0x1DA80] =	vst v63  }
0x19c: {  	_ =	swait.ge [sflag:s24], $0xA0  }
0x19d: {  	[sflag:s24] =	ssyncset.done $0x0  }
0x19e: {  	[sflag:s24] =	ssyncadd.s32 $0xFFFFFF60  }
0x19f: {  	_ =	swait.ge [sflag:s25], $0x5000  }
0x1a0: {  	[sflag:s25] =	ssyncset.done $0x0  }
0x1a1: {  	[sflag:s25] =	ssyncadd.s32 $0xFFFFB000  }
0x1a2: {  	[spmem:s2] =	stream.indirect.scatter.add.f32 [tilespmem:s21], [sflag:$0x5], $0x80, s20, s26, $0xb8;
	[tilespmem:$0x1DA80] =	vst v63  }
0x1a3: {  	_ =	swait.ge [sflag:s19], $0x5000  }
0x1a4: {  	[sflag:s19] =	ssyncset.done $0x0  }
0x1a5: {  	[sflag:s19] =	ssyncadd.s32 $0xFFFFB000  }
0x1a6: {  	[tilespmem:s20], [sflag:$0x1] =	stream.linear.gather [hbm4b:s0+s3], $0xA0, $0x38;
	[tilespmem:$0x1DA80] =	vst v63  }
0x1a7: {  	s15 =	sadd.s32 $0x1400, s17  }
0x1a8: {  	[tilespmem:s21], [sflag:$0x3] =	stream.linear.gather [hbm4b:s15+s3], $0x5000, $0x38;
	[tilespmem:$0x1DA80] =	vst v63  }
0x1a9: {  	_ =	swait.ge [sflag:s28], $0xA0  }
0x1aa: {  	[sflag:s28] =	ssyncset.done $0x0  }
0x1ab: {  	[sflag:s28] =	ssyncadd.s32 $0xFFFFFF60  }
0x1ac: {  	_ =	swait.ge [sflag:s29], $0x5000  }
.Ltmp16:
0x1ad: {  	[sflag:s29] =	ssyncset.done $0x0;
	(pc) =	sbr.rel @p4 .LBB2_23-.Ltmp16, $4  }
0x1ae: {  	[sflag:s29] =	ssyncadd.s32 $0xFFFFB000  }
0x1af: {  	[spmem:s2] =	stream.indirect.scatter.add.f32 [tilespmem:s23], [sflag:$0x5], $0x80, s22, s26, $0xb8;
	[tilespmem:$0x1DA80] =	vst v63  }
0x1b0: {  	_ =	swait.ge [sflag:s19], $0x5000  }
0x1b1: {  	s0 =	sadd.s32 $0x28, s0;
	[sflag:s19] =	ssyncset.done $0x0  }
0x1b2: {  	s12 =	sadd.s32 $0xFFFFFFEC, s0;
	s8 =	sadd.s32 s8, s13;
	[sflag:s19] =	ssyncadd.s32 $0xFFFFB000  }
0x1b3: {  	[tilespmem:s22], [sflag:$0x2] =	stream.linear.gather [hbm4b:s12+s3], $0xA0, $0x38;
	[tilespmem:$0x1DA80] =	vst v63  }
0x1b4: {  	s18 =	sadd.s32 $0xA00, s8  }
0x1b5: {  	[tilespmem:s23], [sflag:$0x4] =	stream.linear.gather [hbm4b:s18+s3], $0x5000, $0x38;
	[tilespmem:$0x1DA80] =	vst v63  }
0x1b6: {  	_ =	swait.ge [sflag:s24], $0xA0  }
0x1b7: {  	[sflag:s24] =	ssyncset.done $0x0  }
0x1b8: {  	[sflag:s24] =	ssyncadd.s32 $0xFFFFFF60  }
0x1b9: {  	_ =	swait.ge [sflag:s25], $0x5000  }
0x1ba: {  	[sflag:s25] =	ssyncset.done $0x0  }
0x1bb: {  	[sflag:s25] =	ssyncadd.s32 $0xFFFFB000  }
0x1bc: {  	[spmem:s2] =	stream.indirect.scatter.add.f32 [tilespmem:s21], [sflag:$0x5], $0x80, s20, s26, $0xb8;
	[tilespmem:$0x1DA80] =	vst v63  }
0x1bd: {  	_ =	swait.ge [sflag:s19], $0x5000  }
0x1be: {  	[sflag:s19] =	ssyncset.done $0x0  }
0x1bf: {  	[sflag:s19] =	ssyncadd.s32 $0xFFFFB000  }
0x1c0: {  	[tilespmem:s20], [sflag:$0x1] =	stream.linear.gather [hbm4b:s0+s3], $0xA0, $0x38;
	[tilespmem:$0x1DA80] =	vst v63  }
0x1c1: {  	s31 =	sadd.s32 $0x1400, s8  }
0x1c2: {  	[tilespmem:s21], [sflag:$0x3] =	stream.linear.gather [hbm4b:s31+s3], $0x5000, $0x38;
	[tilespmem:$0x1DA80] =	vst v63  }
0x1c3: {  	_ =	swait.ge [sflag:s28], $0xA0  }
0x1c4: {  	[sflag:s28] =	ssyncset.done $0x0  }
0x1c5: {  	[sflag:s28] =	ssyncadd.s32 $0xFFFFFF60  }
0x1c6: {  	_ =	swait.ge [sflag:s29], $0x5000  }
0x1c7: {  	[sflag:s29] =	ssyncset.done $0x0  }
0x1c8: {  	[sflag:s29] =	ssyncadd.s32 $0xFFFFB000  }
0x1c9: {  	[spmem:s2] =	stream.indirect.scatter.add.f32 [tilespmem:s23], [sflag:$0x5], $0x80, s22, s26, $0xb8;
	[tilespmem:$0x1DA80] =	vst v63  }
0x1ca: {  	_ =	swait.ge [sflag:s19], $0x5000  }
0x1cb: {  	[sflag:s19] =	ssyncset.done $0x0  }
0x1cc: {  	[sflag:s19] =	ssyncadd.s32 $0xFFFFB000  }
0x1cd: {  	_ =	swait.ge [sflag:s24], $0xA0  }
0x1ce: {  	[sflag:s24] =	ssyncset.done $0x0  }
0x1cf: {  	[sflag:s24] =	ssyncadd.s32 $0xFFFFFF60  }
0x1d0: {  	_ =	swait.ge [sflag:s25], $0x5000  }
0x1d1: {  	[sflag:s25] =	ssyncset.done $0x0  }
0x1d2: {  	[sflag:s25] =	ssyncadd.s32 $0xFFFFB000  }
0x1d3: {  	[spmem:s2] =	stream.indirect.scatter.add.f32 [tilespmem:s21], [sflag:$0x5], $0x80, s20, s26, $0xb8;
	[tilespmem:$0x1DA80] =	vst v63  }
0x1d4: {  	_ =	swait.ge [sflag:s19], $0x5000  }
0x1d5: {  	[sflag:s19] =	ssyncset.done $0x0  }
0x1d6: {  	[sflag:s19] =	ssyncadd.s32 $0xFFFFB000  }
0x1d7: {  	[bflag:$0x0] =	sbarrier.arrive $0xFFFF  }
0x1d8: {  	s0 =	rddreg [dreg:$0x7]  }
0x1d9: {  	[hbm:s0], [sflag:s11] =	dma.local @p3 [spmem:s14], $0x3E80  }
.Ltmp17:
0x1da: {  	_ = 	snop;
	(pc) =	sbr.rel .LBB2_25-.Ltmp17, $4  }
0x1db: {  	s0 =	simm.s32 @p3 $0x5  }
0x1dc: {  	_ =	swait.ge @p3 [sflag:s0], $0x3E80  }
0x1dd: {  	[sflag:s0] =	ssyncset.done @p3 $0x0  }
0x1de: {  	[sflag:s0] =	ssyncadd.s32 @p3 $0xFFFFC180  }
.LBB2_26:
0x1df: {  	_ =	sfence.sel $0x180000  }
0x1e0: {  	[bflag:$0x0] =	sbarrier.arrive $0xFFFF  }
0x1e1: {  	_ =	strace $0x9000004D  }
0x1e2: {  	[bflag:$0x2] =	sbarrier.arrive $0xFFFF  }
0x1e3: {  	p0 =	sne.s32 s1, $0x0;
	s0 =	rddreg [dreg:$0x3]  }
0x1e4: {  	s0 =	sadd.s32 @!p0 $0x100000, s0  }
0x1e5: {  	[sflag:s0] =	ssyncadd.tile.s32 @!p0 $0x1;
	_ =	shalt  }
.Lfunc_end2:
_tile_overlayer_lowered:
.L_overlay_start_2:
0x1e6: {  	(tag) =	ssettag $0x2  }
0x1e7: {  	s0 =	rddreg [dreg:$0x0];
	s2 =	stileid.u32  }
0x1e8: {  	s1 =	rddreg [dreg:$0x1];
	p0 =	sne.s32 s2, $0x0  }
0x1e9: {  	s3 =	rddreg [dreg:$0x2];
	[bflag:$0x3] =	sbarrier.arrive $0xFFFF;
	s2 =	simm.s32 @!p0 $0x1C05  }
0x1ea: {  	[timem:s3], [sflag:s2] =	dma.local @!p0 [hbm:s0], s1  }
0x1eb: {  	s0 =	simm.s32 @!p0 $0x5  }
0x1ec: {  	_ =	swait.ge @!p0 [sflag:s0], s1  }
0x1ed: {  	s1 =	ssub.s32 @!p0 $0x0, s1;
	[sflag:s0] =	ssyncset.done @!p0 $0x0  }
0x1ee: {  	[sflag:s0] =	ssyncadd.s32 @!p0 s1  }
0x1ef: {  	[bflag:$0x3] =	sbarrier.arrive $0xFFFF  }
0x1f0: {  	_ =	shalt  }

// kernel: kernel.16.cloned.1.call-start
scs
__scs_entry_jumppad:
0x0: {  	(pc) =	sbr.rel $0x88, $3  }
0x1: {  	(tag) =	ssettag $0x0;
	lr =	simm.s32 $0x1  }
0x2: {  	[smem:$0x3F92] =	sst lr;
	_ =	strace $0xD0000000  }
0x3: {  	_ = 	snop  }
0x4: {  	_ = 	snop  }
0x5: {  	_ = 	snop  }
0x6: {  	_ = 	snop  }
0x7: {  	_ = 	snop  }
__scs_overlays_trampoline_lowered:
0x8: {  	[smem:$0x3FA1] =	sst s0  }
0x9: {  	[smem:$0x3FA2] =	sst s1  }
0xa: {  	[smem:$0x3FA3] =	sst s2  }
0xb: {  	[smem:$0x3FA4] =	sst s3  }
0xc: {  	[smem:$0x3FA5] =	sst s4  }
0xd: {  	[smem:$0x3FA6] =	sst s5  }
0xe: {  	[smem:$0x3FA7] =	sst s6  }
0xf: {  	[smem:$0x3FA8] =	sst s7  }
0x10: {  	[smem:$0x3FA9] =	sst s8  }
0x11: {  	[smem:$0x3FAA] =	sst s9;
	s0 =	simm.s32 @!p0 $0x0  }
0x12: {  	s1 =	sld [smem:$0x3F90];
	s0 =	simm.s32 @p0 $0x1  }
0x13: {  	[smem:$0x3FAB] =	sst s0;
	s0 =	simm.s32 @!p1 $0x0  }
0x14: {  	s2 =	sld [smem:$0x3F8F];
	s0 =	simm.s32 @p1 $0x1  }
0x15: {  	[smem:$0x3FAC] =	sst s0;
	s0 =	simm.s32 @!p2 $0x0  }
0x16: {  	s3 =	sld [smem:$0x3FDB];
	s0 =	simm.s32 @p2 $0x1  }
0x17: {  	s4 =	simm.s32 $0x1BF5;
	[smem:$0x3FAE] =	sst s0  }
0x18: {  	s0 =	sld [smem:$0x3F91];
	_ =	swait.ge [sflag:s4], $0x0  }
0x19: {  	s7 =	sld [smem:$0x3F92]  }
0x1a: {  	s8 =	sadd.s32 $0xFFFFE003, lr  }
0x1b: {  	s9 =	sadd.s32 $0xFFFFFEF7, lr;
	s5 =	simm.s32 $0xFFFFFFFF;
	p2 =	slt.u32 s8, $0xFFFFF086  }
0x1c: {  	p1 =	slt.u32 s9, $0xF7A;
	s5 =	simm.s32 @!p2 $0x0  }
0x1d: {  	s5 =	simm.s32 @p1 $0x1;
	p0 =	seq.s32 s7, s2  }
0x1e: {  	s7 =	smul.u32 @!p0 $0xF7A, s2;
	p2 =	seq.s32 @!p0 s5, $0x0  }
0x1f: {  	s9 =	smul.u32 $0xF7A, s1;
	s8 =	simm.s32 @!p0 $0x1BF5;
	p2 =	por !p2, p0  }
0x20: {  	[sflag:s8] =	ssyncset.s32 @!p0 $0xFFFFF086;
	s6 =	sadd.s32 @!p0 s3, s7;
	s7 =	simm.s32 @!p0 $0x108  }
0x21: {  	s3 =	sadd.s32 s3, s9;
	s6 =	sadd.s32 @!p0 $0x88, s6;
	s7 =	simm.s32 @p2 $0x1082  }
0x22: {  	[simem:s7], [sflag:s8] =	dma.local @!p0 [hbm:s6], $0xF7A  }
0x23: {  	s9 =	sor.u32 $0xD0000000, s2;
	s6 =	simm.s32 $0x108;
	_ =	swait.ge @!p0 [sflag:s8], $0x0  }
0x24: {  	s3 =	sadd.s32 $0x88, s3;
	s6 =	simm.s32 @!p1 $0x1082;
	[sflag:s4] =	ssyncset.s32 $0xFFFFF086  }
0x25: {  	[simem:s6], [sflag:s4] =	dma.local [hbm:s3], $0xF7A  }
0x26: {  	[smem:$0x3F92] =	sst s1;
	(tag) =	ssettag s2;
	_ =	strace s9  }
0x27: {  	s1 =	sld [smem:$0x3FA2]  }
0x28: {  	s2 =	sld [smem:$0x3FA3]  }
0x29: {  	s4 =	sld [smem:$0x3FA5]  }
0x2a: {  	p0 =	seq.s32 s5, $0x0;
	s5 =	sld [smem:$0x3FA6]  }
0x2b: {  	s6 =	sld [smem:$0x3FA7]  }
0x2c: {  	s7 =	sld [smem:$0x3FA8]  }
0x2d: {  	s3 =	simm.s32 $0x108;
	s8 =	sld [smem:$0x3FA9]  }
0x2e: {  	s3 =	simm.s32 @!p0 $0x1082;
	s9 =	sld [smem:$0x3FAA]  }
0x2f: {  	lr =	sadd.s32 s0, s3;
	s0 =	sld [smem:$0x3FA1]  }
0x30: {  	s3 =	sld [smem:$0x3FA4]  }
0x31: {  	[smem:$0x3FAD] =	sst s10  }
0x32: {  	s10 =	sld [smem:$0x3FAB];
	_ =	sdelay $0x3  }
0x33: {  	p0 =	seq.s32 s10, $0x1;
	s10 =	sld [smem:$0x3FAD];
	_ =	sdelay $0x3  }
0x34: {  	[smem:$0x3FAD] =	sst s10  }
0x35: {  	s10 =	sld [smem:$0x3FAC];
	_ =	sdelay $0x3  }
0x36: {  	p1 =	seq.s32 s10, $0x1;
	s10 =	sld [smem:$0x3FAD];
	_ =	sdelay $0x3  }
0x37: {  	[smem:$0x3FAD] =	sst s10  }
0x38: {  	s10 =	sld [smem:$0x3FAE]  }
0x39: {  	_ = 	snop;
	(pc) =	sbr.ind lr, $3  }
0x3a: {  	_ = 	snop  }
0x3b: {  	_ = 	snop  }
0x3c: {  	p2 =	seq.s32 s10, $0x1;
	s10 =	sld [smem:$0x3FAD]  }
0x3d: {  	_ =	shalt  }
0x3e: {  	_ =	shalt  }
0x3f: {  	_ =	shalt  }
0x40: {  	_ =	shalt  }
0x41: {  	_ =	shalt  }
0x42: {  	_ =	shalt  }
0x43: {  	_ =	shalt  }
0x44: {  	_ =	shalt  }
0x45: {  	_ =	shalt  }
0x46: {  	_ =	shalt  }
0x47: {  	_ =	shalt  }
0x48: {  	_ =	shalt  }
0x49: {  	_ =	shalt  }
0x4a: {  	_ =	shalt  }
0x4b: {  	_ =	shalt  }
0x4c: {  	_ =	shalt  }
0x4d: {  	_ =	shalt  }
0x4e: {  	_ =	shalt  }
0x4f: {  	_ =	shalt  }
0x50: {  	_ =	shalt  }
0x51: {  	_ =	shalt  }
0x52: {  	_ =	shalt  }
0x53: {  	_ =	shalt  }
0x54: {  	_ =	shalt  }
0x55: {  	_ =	shalt  }
0x56: {  	_ =	shalt  }
0x57: {  	_ =	shalt  }
0x58: {  	_ =	shalt  }
0x59: {  	_ =	shalt  }
0x5a: {  	_ =	shalt  }
0x5b: {  	_ =	shalt  }
0x5c: {  	_ =	shalt  }
0x5d: {  	_ =	shalt  }
0x5e: {  	_ =	shalt  }
0x5f: {  	_ =	shalt  }
0x60: {  	_ =	shalt  }
0x61: {  	_ =	shalt  }
0x62: {  	_ =	shalt  }
0x63: {  	_ =	shalt  }
0x64: {  	_ =	shalt  }
0x65: {  	_ =	shalt  }
0x66: {  	_ =	shalt  }
0x67: {  	_ =	shalt  }
0x68: {  	_ =	shalt  }
0x69: {  	_ =	shalt  }
0x6a: {  	_ =	shalt  }
0x6b: {  	_ =	shalt  }
0x6c: {  	_ =	shalt  }
0x6d: {  	_ =	shalt  }
0x6e: {  	_ =	shalt  }
0x6f: {  	_ =	shalt  }
0x70: {  	_ =	shalt  }
0x71: {  	_ =	shalt  }
0x72: {  	_ =	shalt  }
0x73: {  	_ =	shalt  }
0x74: {  	_ =	shalt  }
0x75: {  	_ =	shalt  }
0x76: {  	_ =	shalt  }
0x77: {  	_ =	shalt  }
0x78: {  	_ =	shalt  }
0x79: {  	_ =	shalt  }
0x7a: {  	_ =	shalt  }
0x7b: {  	_ =	shalt  }
0x7c: {  	_ =	shalt  }
0x7d: {  	_ =	shalt  }
0x7e: {  	_ =	shalt  }
0x7f: {  	_ =	shalt  }
0x80: {  	_ =	shalt  }
0x81: {  	_ =	shalt  }
0x82: {  	_ =	shalt  }
0x83: {  	_ =	shalt  }
0x84: {  	_ =	shalt  }
0x85: {  	_ =	shalt  }
0x86: {  	_ =	shalt  }
0x87: {  	_ =	shalt  }
.Lfunc_end0:
.L_simem_size_0:
called_computation.2_lowered:
.L_overlay_start_0:
0x88: {  	s2 =	sld [smem:$0x3FD9]  }
0x89: {  	s3 =	sld [smem:$0x3FFE];
	_ =	sdelay $0x1  }
0x8a: {  	s1 =	srdreg.scid  }
0x8b: {  	s0 =	sand.u32 $0x1, s1  }
0x8c: {  	s15 =	sshll.u32 s0, $0xA;
	s2 =	sadd.s32 s3, s2  }
0x8d: {  	s2 =	sadd.s32 s2, s15  }
0x8e: {  	[smem:$0x3FB9] =	sst s2  }
0x8f: {  	_ = 	snop  }
0x90: {  	s2 =	sld [smem:$0x3FD0];
	_ =	sdelay $0x2  }
0x91: {  	s16 =	simm.s32 $0xB;
	s4 =	simm.s32 $0x10  }
0x92: {  	[smem:s4], [sflag:s16] =	dma.local [hbm:s2], $0x1  }
0x93: {  	_ =	swait.eq [sflag:s16], $0x1  }
0x94: {  	[sflag:s16] =	ssyncset.done $0x0  }
0x95: {  	[sflag:s16] =	ssyncadd.s32 $0xFFFFFFFF  }
0x96: {  	s17 =	sld [smem:$0x11];
	(tm) =	ssettm $0x1  }
0x97: {  	s18 =	sld [smem:$0x3FFB];
	_ =	sdelay $0x3  }
0x98: {  	_ =	strace s18  }
0x99: {  	s2 =	sld [smem:$0x3FFC];
	_ =	sdelay $0x3  }
0x9a: {  	_ =	strace s2  }
0x9b: {  	s2 =	sld [smem:$0x3FFD];
	_ =	sdelay $0x3  }
0x9c: {  	_ =	strace s2  }
0x9d: {  	_ =	strace $0x8FFFFFFF  }
0x9e: {  	s19 =	sld [smem:$0x3FDB];
	_ =	sdelay $0x1  }
0x9f: {  	s20 =	simm.s32 $_scs_section_size  }
0xa0: {  	s5 =	simm.s32 $_size__tile_overlayer_lowered;
	s6 =	simm.s32 $_tile_overlayer_lowered  }
0xa1: {  	s7 =	simm.s32 $0x1BFF;
	s21 =	sshll.u32 s6, $0x1;
	s4 =	sadd.s32 s20, s19  }
0xa2: {  	s22 =	simm.s32 $0x0;
	s5 =	sshll.u32 s5, $0x1;
	s6 =	sadd.s32 s21, s4  }
0xa3: {  	[timem:s22], [sflag:s7] =	dma.local [hbm:s6], s5  }
0xa4: {  	_ =	swait.ge [sflag:s7], s5  }
0xa5: {  	s5 =	ssub.s32 $0x0, s5;
	[sflag:s7] =	ssyncset.done $0x0  }
0xa6: {  	[sflag:s7] =	ssyncadd.s32 s5;
	_ =	sdelay $0x1  }
0xa7: {  	s23 =	simm.s32 $0x1B8B  }
0xa8: {  	_ =	swait.ge [sflag:s23], $0x1  }
0xa9: {  	[sflag:s23] =	ssyncset.done $0x0  }
0xaa: {  	[sflag:s23] =	ssyncadd.s32 $0xFFFFFFFF  }
0xab: {  	s5 =	sld [smem:$0x0]  }
0xac: {  	s6 =	sand.u32 $0xFFFFFFFE, s1  }
0xad: {  	p0 =	sne.s32 s1, s6  }
0xae: {  	s6 =	sshll.u32 @p0 s6, $0xE  }
0xaf: {  	s6 =	sadd.s32 @p0 $0x11B8D, s6;
	s7 =	sshll.u32 @p0 s5, $0x11  }
0xb0: {  	s6 =	sor.u32 @p0 s7, s6  }
0xb1: {  	[sflag:s6] =	ssyncadd.remote.s32 @p0 $0x1;
	_ =	sdelay $0x1  }
0xb2: {  	s6 =	simm.s32 @p0 $0x1B8D  }
0xb3: {  	_ =	swait.eq @p0 [sflag:s6], $0x1  }
0xb4: {  	[sflag:s6] =	ssyncadd.s32 @p0 $0xFFFFFFFF  }
0xb5: {  	s7 =	sshll.u32 @!p0 s1, $0xE  }
0xb6: {  	s7 =	sor.u32 @!p0 $0x4000, s7;
	s6 =	simm.s32 @!p0 $0x1B8D  }
0xb7: {  	s5 =	sshll.u32 @!p0 s5, $0x11;
	s7 =	sadd.s32 @!p0 $0x11B8D, s7;
	_ =	swait.eq @!p0 [sflag:s6], $0x1  }
0xb8: {  	s5 =	sor.u32 @!p0 s5, s7;
	[sflag:s6] =	ssyncadd.s32 @!p0 $0xFFFFFFFF  }
0xb9: {  	s25 =	simm.s32 $0x1B8E;
	s24 =	sld [smem:$0x3FFE];
	[sflag:s5] =	ssyncadd.remote.s32 @!p0 $0x1  }
0xba: {  	s26 =	simm.s32 $execute0_lowered;
	[smem:$0x3FD2] =	sst s25  }
0xbb: {  	s6 =	sshll.u32 s26, $0x1;
	_ =	strace $0x80000049;
	[dreg:$0x1] =	wrdreg $0xFFFFFFFF  }
0xbc: {  	s28 =	simm.s32 $_size_execute0_lowered;
	s4 =	sadd.s32 s4, s6;
	[dreg:$0x0] =	wrdreg $0x0  }
0xbd: {  	s6 =	sshll.u32 s28, $0x1;
	[dreg:$0x2] =	wrdreg s4  }
0xbe: {  	[dreg:$0x3] =	wrdreg s6  }
0xbf: {  	[dreg:$0x4] =	wrdreg $0xC0  }
0xc0: {  	_ =	task [dreg:s22], $0x5FFFF  }
0xc1: {  	[dreg:$0x1] =	wrdreg $0xFFFFFFFF  }
0xc2: {  	[dreg:$0x0] =	wrdreg $0x60  }
0xc3: {  	[dreg:$0x2] =	wrdreg s24  }
0xc4: {  	[dreg:$0x3] =	wrdreg s17  }
0xc5: {  	[dreg:$0x4] =	wrdreg $0xA  }
0xc6: {  	_ =	task.clear_ibuf [dreg:s22], $0x5FFFF;
	_ =	strace $0x90000049  }
0xc7: {  	s29 =	simm.s32 $0xA;
	_ =	strace $0x8000004B  }
0xc8: {  	_ =	swait.ge [sflag:s29], $0x1  }
0xc9: {  	[sflag:s29] =	ssyncadd.s32 $0xFFFFFFFF  }
0xca: {  	_ =	strace $0x9000004B  }
0xcb: {  	_ =	sfence  }
0xcc: {  	s30 =	sld [smem:$0x0];
	_ =	sdelay $0x2  }
0xcd: {  	s31 =	sshll.u32 s1, $0xD;
	s1 =	sshrl.u32 s1, $0x2  }
0xce: {  	s4 =	sand.u32 $0x4000, s31;
	s1 =	sadd.s32 s1, s30  }
0xcf: {  	s0 =	sor.u32 s4, s0;
	s1 =	sshll.u32 s1, $0x11  }
0xd0: {  	s0 =	sor.u32 s1, s0  }
0xd1: {  	s0 =	sadd.s32 $0x8F2B, s0  }
0xd2: {  	[sflag:s0] =	ssyncadd.remote.s32 $0x1  }
0xd3: {  	_ =	sfence.sel $0xFFFF  }
0xd4: {  	[dreg:$0x0] =	wrdreg $0xFFFFFFFF;
	(pc) =	sbr.abs _section_cstart, $3  }
0xd5: {  	[dreg:$0x1] =	wrdreg $0xFFFFFFFF  }
0xd6: {  	_ =	task.clear_ibuf [dreg:s22], $0x2FFFF;
	_ =	strace $0x9FFFFFFF  }
0xd7: {  	(tm) =	ssettm $0x7FFFFFFF  }
tec
execute0_lowered:
.L_overlay_start_1:
0x0: {  	(tag) =	ssettag $0x1  }
0x1: {  	s0 =	srdreg.scid  }
0x2: {  	s7 =	stileid.u32;
	s4 =	rddreg [dreg:$0x0]  }
0x3: {  	s2 =	rddreg [dreg:$0x1];
	s3 =	simm.s32 $0x0;
	s10 =	simm.s32 $0x2000  }
0x4: {  	s11 =	simm.s32 $0x2800;
	s12 =	simm.s32 $0x3000;
	s13 =	simm.s32 $0x3800  }
0x5: {  	s14 =	simm.s32 $0x4000;
	s15 =	simm.s32 $0x4800;
	s16 =	simm.s32 $0x5000  }
0x6: {  	s17 =	simm.s32 $0x5800;
	s18 =	simm.s32 $0x6000;
	s19 =	simm.s32 $0x6800  }
0x7: {  	s20 =	simm.s32 $0x7000;
	s21 =	simm.s32 $0x7800;
	s22 =	simm.s32 $0x8000  }
0x8: {  	s23 =	simm.s32 $0x8800;
	s24 =	simm.s32 $0x9000;
	s28 =	simm.s32 $0xA800  }
0x9: {  	s29 =	simm.s32 $0xB000;
	s9 =	simm.s32 $0xC000;
	s30 =	simm.s32 $0xC800  }
0xa: {  	s0 =	sand.u32 $0x1, s0;
	s1 =	sshll.u32 s7, $0x1;
	s7 =	smul.u32 $0x3E800, s7  }
0xb: {  	s1 =	sor.u32 s0, s1;
	s6 =	ssub.s32 $0x2, s0;
	s0 =	smul.u32 $0x1F400, s0  }
0xc: {  	s31 =	simm.s32 $0xD000;
	[smem:$0x7FF] =	sst s3;
	s5 =	smul.u32 $0xFA0, s1  }
0xd: {  	_ =	strace $0x8000004A;
	s1 =	smul.u32 $0xFA000, s1;
	s8 =	sshrl.u32 s6, $0x1  }
0xe: {  	s6 =	ssub.s32 s6, s8;
	s8 =	simm.s32 $0x3;
	s5 =	sshrl.u32 s5, $0x3  }
0xf: {  	s1 =	sshrl.u32 s1, $0x3;
	s26 =	smax.u32 s6, $0x1;
	s6 =	simm.s32 $0x0  }
0x10: {  	s5 =	sadd.s32 s5, s4;
	s4 =	sadd.s32 $0x66B800, s4;
	[dreg:$0x7] =	wrdreg s26  }
0x11: {  	[dreg:$0x8] =	wrdreg s6;
	s1 =	sadd.s32 s4, s1;
	s5 =	sadd.s32 $0x667800, s5  }
0x12: {  	s26 =	simm.s32 $0xA000;
	[dreg:$0x4] =	wrdreg s5;
	s25 =	sadd.s32 $0x1C200, s1  }
0x13: {  	s4 =	sadd.s32 s7, s4;
	s1 =	sadd.s32 $0x1DB00, s1;
	[dreg:$0x5] =	wrdreg s25  }
0x14: {  	v2 =	vlaneseq.u32;
	s7 =	simm.s32 $0x1800;
	s0 =	sadd.s32 s0, s4;
	[dreg:$0x6] =	wrdreg s1  }
0x15: {  	vm0 =	vmmov $0xffff;
	v1 =	vshrl.u32 v2, $0x3;
	s5 =	simm.s32 $0x1000;
	s4 =	simm.s32 $0x2;
	[dreg:$0x3] =	wrdreg s0  }
0x16: {  	v0 =	vand.u32 $0x7, v2;
	v2 =	vor.u32 $0x8, v2;
	v1 =	vmul.u32 $0x8, v1;
	s25 =	simm.s32 $0x9800;
	s1 =	simm.s32 $0xB800;
	s0 =	simm.s32 $0x1  }
.LBB2_1:
0x17: {  	s6 =	rddreg [dreg:$0x4]  }
0x18: {  	[tilespmem:s3], [sflag:$0x3] =	stream.linear.gather [hbm4b:s6+s3], $0xFA0, $0x38;
	[tilespmem:$0x1A000] =	vst v63  }
0x19: {  	_ =	swait.ge [sflag:s8], $0xFA0  }
0x1a: {  	[sflag:s8] =	ssyncset.done $0x0  }
0x1b: {  	[sflag:s8] =	ssyncadd.s32 $0xFFFFF060  }
0x1c: {  	v3 =	vld [tilespmem:$0x0];
	_ =	sdelay $0x4  }
0x1d: {  	v4 =	vshll.u32 v3, $0x1  }
0x1e: {  	v3 =	vand.u32 $0x7, v3;
	v4 =	vand.u32 $0xFFFFFFF0, v4  }
0x1f: {  	v3 =	vor.u32 v3, v4  }
0x20: {  	v4 =	vperm.xlane v3, v0;
	_ =	sdelay $0x1  }
0x21: {  	v3 =	vperm.xlane v3, v2;
	v4 =	vadd.s32 v1, v4;
	_ =	sdelay $0x1  }
0x22: {  	v3 =	vadd.s32 v1, v3;
	_ =	sdelay $0x2  }
0x23: {  	[tilespmem:s5], [sflag:$0x1] =	stream.indirect_vreg.gather [hbm4b:s2+s3], $0x80, v4, vm0, $0xb8;
	[tilespmem:$0x1A000] =	vst v63  }
0x24: {  	_ = 	snop  }
0x25: {  	[tilespmem:s7], [sflag:$0x1] =	stream.indirect_vreg.gather [hbm4b:s2+s3], $0x80, v3, vm0, $0xb8;
	[tilespmem:$0x1A000] =	vst v63  }
0x26: {  	v3 =	vld [tilespmem:$0x10];
	_ =	sdelay $0x4  }
0x27: {  	v52 =	vshll.u32 v3, $0x1  }
0x28: {  	v3 =	vand.u32 $0x7, v3;
	v4 =	vand.u32 $0xFFFFFFF0, v52  }
0x29: {  	v3 =	vor.u32 v3, v4  }
0x2a: {  	v4 =	vperm.xlane v3, v0;
	_ =	sdelay $0x1  }
0x2b: {  	v3 =	vperm.xlane v3, v2;
	v4 =	vadd.s32 v1, v4;
	_ =	sdelay $0x1  }
0x2c: {  	v3 =	vadd.s32 v1, v3;
	_ =	sdelay $0x2  }
0x2d: {  	[tilespmem:s10], [sflag:$0x1] =	stream.indirect_vreg.gather [hbm4b:s2+s3], $0x80, v4, vm0, $0xb8;
	[tilespmem:$0x1A000] =	vst v63  }
0x2e: {  	_ = 	snop  }
0x2f: {  	[tilespmem:s11], [sflag:$0x1] =	stream.indirect_vreg.gather [hbm4b:s2+s3], $0x80, v3, vm0, $0xb8;
	[tilespmem:$0x1A000] =	vst v63  }
0x30: {  	v3 =	vld [tilespmem:$0x20];
	_ =	sdelay $0x4  }
0x31: {  	v53 =	vshll.u32 v3, $0x1  }
0x32: {  	v3 =	vand.u32 $0x7, v3;
	v4 =	vand.u32 $0xFFFFFFF0, v53  }
0x33: {  	v3 =	vor.u32 v3, v4  }
0x34: {  	v4 =	vperm.xlane v3, v0;
	_ =	sdelay $0x1  }
0x35: {  	v3 =	vperm.xlane v3, v2;
	v4 =	vadd.s32 v1, v4;
	_ =	sdelay $0x1  }
0x36: {  	v3 =	vadd.s32 v1, v3;
	_ =	sdelay $0x2  }
0x37: {  	[tilespmem:s12], [sflag:$0x1] =	stream.indirect_vreg.gather [hbm4b:s2+s3], $0x80, v4, vm0, $0xb8;
	[tilespmem:$0x1A000] =	vst v63  }
0x38: {  	_ = 	snop  }
0x39: {  	[tilespmem:s13], [sflag:$0x1] =	stream.indirect_vreg.gather [hbm4b:s2+s3], $0x80, v3, vm0, $0xb8;
	[tilespmem:$0x1A000] =	vst v63  }
0x3a: {  	v3 =	vld [tilespmem:$0x30];
	_ =	sdelay $0x4  }
0x3b: {  	v54 =	vshll.u32 v3, $0x1  }
0x3c: {  	v3 =	vand.u32 $0x7, v3;
	v4 =	vand.u32 $0xFFFFFFF0, v54  }
0x3d: {  	v3 =	vor.u32 v3, v4  }
0x3e: {  	v4 =	vperm.xlane v3, v0;
	_ =	sdelay $0x1  }
0x3f: {  	v3 =	vperm.xlane v3, v2;
	v4 =	vadd.s32 v1, v4;
	_ =	sdelay $0x1  }
0x40: {  	v3 =	vadd.s32 v1, v3;
	_ =	sdelay $0x2  }
0x41: {  	[tilespmem:s14], [sflag:$0x1] =	stream.indirect_vreg.gather [hbm4b:s2+s3], $0x80, v4, vm0, $0xb8;
	[tilespmem:$0x1A000] =	vst v63  }
0x42: {  	_ = 	snop  }
0x43: {  	[tilespmem:s15], [sflag:$0x1] =	stream.indirect_vreg.gather [hbm4b:s2+s3], $0x80, v3, vm0, $0xb8;
	[tilespmem:$0x1A000] =	vst v63  }
0x44: {  	v3 =	vld [tilespmem:$0x40];
	_ =	sdelay $0x4  }
0x45: {  	v55 =	vshll.u32 v3, $0x1  }
0x46: {  	v3 =	vand.u32 $0x7, v3;
	v4 =	vand.u32 $0xFFFFFFF0, v55  }
0x47: {  	v3 =	vor.u32 v3, v4  }
0x48: {  	v4 =	vperm.xlane v3, v0;
	_ =	sdelay $0x1  }
0x49: {  	v3 =	vperm.xlane v3, v2;
	v4 =	vadd.s32 v1, v4;
	_ =	sdelay $0x1  }
0x4a: {  	v3 =	vadd.s32 v1, v3;
	_ =	sdelay $0x2  }
0x4b: {  	[tilespmem:s16], [sflag:$0x1] =	stream.indirect_vreg.gather [hbm4b:s2+s3], $0x80, v4, vm0, $0xb8;
	[tilespmem:$0x1A000] =	vst v63  }
0x4c: {  	_ = 	snop  }
0x4d: {  	[tilespmem:s17], [sflag:$0x1] =	stream.indirect_vreg.gather [hbm4b:s2+s3], $0x80, v3, vm0, $0xb8;
	[tilespmem:$0x1A000] =	vst v63  }
0x4e: {  	v3 =	vld [tilespmem:$0x50];
	_ =	sdelay $0x4  }
0x4f: {  	v56 =	vshll.u32 v3, $0x1  }
0x50: {  	v3 =	vand.u32 $0x7, v3;
	v4 =	vand.u32 $0xFFFFFFF0, v56  }
0x51: {  	v3 =	vor.u32 v3, v4  }
0x52: {  	v4 =	vperm.xlane v3, v0;
	_ =	sdelay $0x1  }
0x53: {  	v3 =	vperm.xlane v3, v2;
	v4 =	vadd.s32 v1, v4;
	_ =	sdelay $0x1  }
0x54: {  	v3 =	vadd.s32 v1, v3;
	_ =	sdelay $0x2  }
0x55: {  	[tilespmem:s18], [sflag:$0x1] =	stream.indirect_vreg.gather [hbm4b:s2+s3], $0x80, v4, vm0, $0xb8;
	[tilespmem:$0x1A000] =	vst v63  }
0x56: {  	_ = 	snop  }
0x57: {  	[tilespmem:s19], [sflag:$0x1] =	stream.indirect_vreg.gather [hbm4b:s2+s3], $0x80, v3, vm0, $0xb8;
	[tilespmem:$0x1A000] =	vst v63  }
0x58: {  	v3 =	vld [tilespmem:$0x60];
	_ =	sdelay $0x4  }
0x59: {  	v57 =	vshll.u32 v3, $0x1  }
0x5a: {  	v3 =	vand.u32 $0x7, v3;
	v4 =	vand.u32 $0xFFFFFFF0, v57  }
0x5b: {  	v3 =	vor.u32 v3, v4  }
0x5c: {  	v4 =	vperm.xlane v3, v0;
	_ =	sdelay $0x1  }
0x5d: {  	v3 =	vperm.xlane v3, v2;
	v4 =	vadd.s32 v1, v4;
	_ =	sdelay $0x1  }
0x5e: {  	v3 =	vadd.s32 v1, v3;
	_ =	sdelay $0x2  }
0x5f: {  	[tilespmem:s20], [sflag:$0x1] =	stream.indirect_vreg.gather [hbm4b:s2+s3], $0x80, v4, vm0, $0xb8;
	[tilespmem:$0x1A000] =	vst v63  }
0x60: {  	_ = 	snop  }
0x61: {  	[tilespmem:s21], [sflag:$0x1] =	stream.indirect_vreg.gather [hbm4b:s2+s3], $0x80, v3, vm0, $0xb8;
	[tilespmem:$0x1A000] =	vst v63  }
0x62: {  	v3 =	vld [tilespmem:$0x70];
	_ =	sdelay $0x4  }
0x63: {  	v58 =	vshll.u32 v3, $0x1  }
0x64: {  	v3 =	vand.u32 $0x7, v3;
	v4 =	vand.u32 $0xFFFFFFF0, v58  }
0x65: {  	v3 =	vor.u32 v3, v4  }
0x66: {  	v4 =	vperm.xlane v3, v0;
	_ =	sdelay $0x1  }
0x67: {  	v3 =	vperm.xlane v3, v2;
	v4 =	vadd.s32 v1, v4;
	_ =	sdelay $0x1  }
0x68: {  	v3 =	vadd.s32 v1, v3;
	_ =	sdelay $0x2  }
0x69: {  	[tilespmem:s22], [sflag:$0x1] =	stream.indirect_vreg.gather [hbm4b:s2+s3], $0x80, v4, vm0, $0xb8;
	[tilespmem:$0x1A000] =	vst v63  }
0x6a: {  	_ = 	snop  }
0x6b: {  	[tilespmem:s23], [sflag:$0x1] =	stream.indirect_vreg.gather [hbm4b:s2+s3], $0x80, v3, vm0, $0xb8;
	[tilespmem:$0x1A000] =	vst v63  }
0x6c: {  	v3 =	vld [tilespmem:$0x80];
	_ =	sdelay $0x4  }
0x6d: {  	v59 =	vshll.u32 v3, $0x1  }
0x6e: {  	v3 =	vand.u32 $0x7, v3;
	v4 =	vand.u32 $0xFFFFFFF0, v59  }
0x6f: {  	v3 =	vor.u32 v3, v4  }
0x70: {  	v4 =	vperm.xlane v3, v0;
	_ =	sdelay $0x1  }
0x71: {  	v3 =	vperm.xlane v3, v2;
	v4 =	vadd.s32 v1, v4;
	_ =	sdelay $0x1  }
0x72: {  	v3 =	vadd.s32 v1, v3;
	_ =	sdelay $0x2  }
0x73: {  	[tilespmem:s24], [sflag:$0x1] =	stream.indirect_vreg.gather [hbm4b:s2+s3], $0x80, v4, vm0, $0xb8;
	[tilespmem:$0x1A000] =	vst v63  }
0x74: {  	_ = 	snop  }
0x75: {  	[tilespmem:s25], [sflag:$0x1] =	stream.indirect_vreg.gather [hbm4b:s2+s3], $0x80, v3, vm0, $0xb8;
	[tilespmem:$0x1A000] =	vst v63  }
0x76: {  	v3 =	vld [tilespmem:$0x90];
	_ =	sdelay $0x4  }
0x77: {  	v60 =	vshll.u32 v3, $0x1  }
0x78: {  	v3 =	vand.u32 $0x7, v3;
	v4 =	vand.u32 $0xFFFFFFF0, v60  }
0x79: {  	v3 =	vor.u32 v3, v4  }
0x7a: {  	v4 =	vperm.xlane v3, v0;
	_ =	sdelay $0x1  }
0x7b: {  	v3 =	vperm.xlane v3, v2;
	v4 =	vadd.s32 v1, v4;
	_ =	sdelay $0x1  }
0x7c: {  	v3 =	vadd.s32 v1, v3;
	_ =	sdelay $0x2  }
0x7d: {  	[tilespmem:s26], [sflag:$0x1] =	stream.indirect_vreg.gather [hbm4b:s2+s3], $0x80, v4, vm0, $0xb8;
	[tilespmem:$0x1A000] =	vst v63  }
0x7e: {  	_ = 	snop  }
0x7f: {  	[tilespmem:s28], [sflag:$0x1] =	stream.indirect_vreg.gather [hbm4b:s2+s3], $0x80, v3, vm0, $0xb8;
	[tilespmem:$0x1A000] =	vst v63  }
0x80: {  	v3 =	vld [tilespmem:$0xA0];
	_ =	sdelay $0x4  }
0x81: {  	v61 =	vshll.u32 v3, $0x1  }
0x82: {  	v3 =	vand.u32 $0x7, v3;
	v4 =	vand.u32 $0xFFFFFFF0, v61  }
0x83: {  	v3 =	vor.u32 v3, v4  }
0x84: {  	v4 =	vperm.xlane v3, v0;
	_ =	sdelay $0x1  }
0x85: {  	v3 =	vperm.xlane v3, v2;
	v4 =	vadd.s32 v1, v4;
	_ =	sdelay $0x1  }
0x86: {  	v3 =	vadd.s32 v1, v3;
	_ =	sdelay $0x2  }
0x87: {  	[tilespmem:s29], [sflag:$0x1] =	stream.indirect_vreg.gather [hbm4b:s2+s3], $0x80, v4, vm0, $0xb8;
	[tilespmem:$0x1A000] =	vst v63  }
0x88: {  	_ = 	snop  }
0x89: {  	[tilespmem:s1], [sflag:$0x1] =	stream.indirect_vreg.gather [hbm4b:s2+s3], $0x80, v3, vm0, $0xb8;
	[tilespmem:$0x1A000] =	vst v63  }
0x8a: {  	v3 =	vld [tilespmem:$0xB0];
	_ =	sdelay $0x4  }
0x8b: {  	v62 =	vshll.u32 v3, $0x1  }
0x8c: {  	v3 =	vand.u32 $0x7, v3;
	v4 =	vand.u32 $0xFFFFFFF0, v62  }
0x8d: {  	v3 =	vor.u32 v3, v4  }
0x8e: {  	v4 =	vperm.xlane v3, v0;
	_ =	sdelay $0x1  }
0x8f: {  	v3 =	vperm.xlane v3, v2;
	v4 =	vadd.s32 v1, v4;
	_ =	sdelay $0x1  }
0x90: {  	v3 =	vadd.s32 v1, v3;
	_ =	sdelay $0x2  }
0x91: {  	[tilespmem:s9], [sflag:$0x1] =	stream.indirect_vreg.gather [hbm4b:s2+s3], $0x80, v4, vm0, $0xb8;
	[tilespmem:$0x1A000] =	vst v63  }
0x92: {  	_ = 	snop  }
0x93: {  	[tilespmem:s30], [sflag:$0x1] =	stream.indirect_vreg.gather [hbm4b:s2+s3], $0x80, v3, vm0, $0xb8;
	[tilespmem:$0x1A000] =	vst v63  }
0x94: {  	v3 =	vld.msk [tilespmem:$0xC0], $0xff;
	_ =	sdelay $0x4  }
0x95: {  	v63 =	vshll.u32 v3, $0x1  }
0x96: {  	v3 =	vand.u32 $0x7, v3;
	v4 =	vand.u32 $0xFFFFFFF0, v63  }
0x97: {  	v3 =	vor.u32 v3, v4  }
0x98: {  	s6 =	simm.s32 $0x128;
	s7 =	simm.s32 $0x0;
	v3 =	vperm.xlane v3, v0  }
0x99: {  	s11 =	simm.s32 $0xF000;
	s12 =	simm.s32 $0x2000;
	s14 =	simm.s32 $0x3000  }
0x9a: {  	s15 =	simm.s32 $0x3800;
	s16 =	simm.s32 $0x4000;
	s17 =	simm.s32 $0xD800;
	v3 =	vadd.s32 v1, v3  }
0x9b: {  	s18 =	simm.s32 $0x5000;
	s19 =	simm.s32 $0x5800;
	s20 =	simm.s32 $0x6000  }
0x9c: {  	s21 =	simm.s32 $0xC800;
	s22 =	simm.s32 $0x7000;
	s23 =	simm.s32 $0x7800  }
0x9d: {  	s24 =	simm.s32 $0x8000;
	s25 =	simm.s32 $0xD000;
	s26 =	simm.s32 $0x9000  }
0x9e: {  	s28 =	simm.s32 $0x9800;
	s29 =	simm.s32 $0xA000;
	s1 =	simm.s32 $0xE800  }
0x9f: {  	[tilespmem:s31], [sflag:$0x1] =	stream.indirect_vreg.gather [hbm4b:s2+s3], $0x80, v3, vm0, $0xb8;
	[tilespmem:$0x1A000] =	vst v63  }
0xa0: {  	s9 =	simm.s32 $0xC000;
	s30 =	simm.s32 $0xE000;
	s31 =	simm.s32 $0xB000  }
.LBB2_2:
0xa1: {  	v3 =	vld [tilespmem:s6+$0xFFFFFFA0];
	_ =	sdelay $0x4  }
0xa2: {  	v4 =	vshll.u32 v3, $0x1  }
0xa3: {  	v3 =	vand.u32 $0x7, v3;
	v4 =	vand.u32 $0xFFFFFFF0, v4  }
0xa4: {  	v3 =	vor.u32 v3, v4  }
0xa5: {  	v4 =	vperm.xlane v3, v0;
	_ =	sdelay $0x1  }
0xa6: {  	v3 =	vperm.xlane v3, v2;
	v4 =	vadd.s32 v1, v4;
	_ =	sdelay $0x1  }
0xa7: {  	v3 =	vadd.s32 v1, v3;
	_ =	sdelay $0x2  }
0xa8: {  	[tilespmem:s17], [sflag:$0x2] =	stream.indirect_vreg.gather [hbm4b:s2+s3], $0x80, v4, vm0, $0xb8;
	[tilespmem:$0x1A000] =	vst v63  }
0xa9: {  	_ = 	snop  }
0xaa: {  	[tilespmem:s30], [sflag:$0x2] =	stream.indirect_vreg.gather [hbm4b:s2+s3], $0x80, v3, vm0, $0xb8;
	[tilespmem:$0x1A000] =	vst v63  }
0xab: {  	v3 =	vld [tilespmem:s6+$0xFFFFFFB0];
	_ =	sdelay $0x4  }
0xac: {  	v39 =	vshll.u32 v3, $0x1  }
0xad: {  	v3 =	vand.u32 $0x7, v3;
	v4 =	vand.u32 $0xFFFFFFF0, v39  }
0xae: {  	v3 =	vor.u32 v3, v4  }
0xaf: {  	v4 =	vperm.xlane v3, v0;
	_ =	sdelay $0x1  }
0xb0: {  	v3 =	vperm.xlane v3, v2;
	v4 =	vadd.s32 v1, v4;
	_ =	sdelay $0x1  }
0xb1: {  	v3 =	vadd.s32 v1, v3;
	_ =	sdelay $0x2  }
0xb2: {  	[tilespmem:s1], [sflag:$0x2] =	stream.indirect_vreg.gather [hbm4b:s2+s3], $0x80, v4, vm0, $0xb8;
	[tilespmem:$0x1A000] =	vst v63  }
0xb3: {  	_ = 	snop  }
0xb4: {  	[tilespmem:s11], [sflag:$0x2] =	stream.indirect_vreg.gather [hbm4b:s2+s3], $0x80, v3, vm0, $0xb8;
	[tilespmem:$0x1A000] =	vst v63  }
0xb5: {  	v3 =	vld [tilespmem:s6+$0xFFFFFFC0];
	_ =	sdelay $0x4  }
0xb6: {  	v40 =	vshll.u32 v3, $0x1  }
0xb7: {  	v3 =	vand.u32 $0x7, v3;
	v4 =	vand.u32 $0xFFFFFFF0, v40  }
0xb8: {  	v3 =	vor.u32 v3, v4  }
0xb9: {  	v4 =	vperm.xlane v3, v0;
	_ =	sdelay $0x1  }
0xba: {  	v3 =	vperm.xlane v3, v2;
	v4 =	vadd.s32 v1, v4;
	_ =	sdelay $0x1  }
0xbb: {  	v3 =	vadd.s32 v1, v3;
	_ =	sdelay $0x1  }
0xbc: {  	s5 =	simm.s32 $0xF800  }
0xbd: {  	[tilespmem:s5], [sflag:$0x2] =	stream.indirect_vreg.gather [hbm4b:s2+s3], $0x80, v4, vm0, $0xb8;
	[tilespmem:$0x1A000] =	vst v63  }
0xbe: {  	s10 =	simm.s32 $0x10000  }
0xbf: {  	[tilespmem:s10], [sflag:$0x2] =	stream.indirect_vreg.gather [hbm4b:s2+s3], $0x80, v3, vm0, $0xb8;
	[tilespmem:$0x1A000] =	vst v63  }
0xc0: {  	v3 =	vld [tilespmem:s6+$0xFFFFFFD0];
	_ =	sdelay $0x4  }
0xc1: {  	v41 =	vshll.u32 v3, $0x1  }
0xc2: {  	v3 =	vand.u32 $0x7, v3;
	v4 =	vand.u32 $0xFFFFFFF0, v41  }
0xc3: {  	v3 =	vor.u32 v3, v4  }
0xc4: {  	v4 =	vperm.xlane v3, v0;
	_ =	sdelay $0x1  }
0xc5: {  	v3 =	vperm.xlane v3, v2;
	v4 =	vadd.s32 v1, v4;
	_ =	sdelay $0x1  }
0xc6: {  	v3 =	vadd.s32 v1, v3;
	_ =	sdelay $0x1  }
0xc7: {  	s13 =	simm.s32 $0x10800  }
0xc8: {  	[tilespmem:s13], [sflag:$0x2] =	stream.indirect_vreg.gather [hbm4b:s2+s3], $0x80, v4, vm0, $0xb8;
	[tilespmem:$0x1A000] =	vst v63  }
0xc9: {  	s10 =	simm.s32 $0x11000  }
0xca: {  	[tilespmem:s10], [sflag:$0x2] =	stream.indirect_vreg.gather [hbm4b:s2+s3], $0x80, v3, vm0, $0xb8;
	[tilespmem:$0x1A000] =	vst v63  }
0xcb: {  	v3 =	vld [tilespmem:s6+$0xFFFFFFE0];
	_ =	sdelay $0x4  }
0xcc: {  	v42 =	vshll.u32 v3, $0x1  }
0xcd: {  	v3 =	vand.u32 $0x7, v3;
	v4 =	vand.u32 $0xFFFFFFF0, v42  }
0xce: {  	v3 =	vor.u32 v3, v4  }
0xcf: {  	v4 =	vperm.xlane v3, v0;
	_ =	sdelay $0x1  }
0xd0: {  	v3 =	vperm.xlane v3, v2;
	v4 =	vadd.s32 v1, v4;
	_ =	sdelay $0x1  }
0xd1: {  	v3 =	vadd.s32 v1, v3;
	_ =	sdelay $0x1  }
0xd2: {  	s13 =	simm.s32 $0x11800  }
0xd3: {  	[tilespmem:s13], [sflag:$0x2] =	stream.indirect_vreg.gather [hbm4b:s2+s3], $0x80, v4, vm0, $0xb8;
	[tilespmem:$0x1A000] =	vst v63  }
0xd4: {  	s10 =	simm.s32 $0x12000  }
0xd5: {  	[tilespmem:s10], [sflag:$0x2] =	stream.indirect_vreg.gather [hbm4b:s2+s3], $0x80, v3, vm0, $0xb8;
	[tilespmem:$0x1A000] =	vst v63  }
0xd6: {  	v3 =	vld [tilespmem:s6+$0xFFFFFFF0];
	_ =	sdelay $0x4  }
0xd7: {  	v43 =	vshll.u32 v3, $0x1  }
0xd8: {  	v3 =	vand.u32 $0x7, v3;
	v4 =	vand.u32 $0xFFFFFFF0, v43  }
0xd9: {  	v3 =	vor.u32 v3, v4  }
0xda: {  	v4 =	vperm.xlane v3, v0;
	_ =	sdelay $0x1  }
0xdb: {  	v3 =	vperm.xlane v3, v2;
	v4 =	vadd.s32 v1, v4;
	_ =	sdelay $0x1  }
0xdc: {  	v3 =	vadd.s32 v1, v3;
	_ =	sdelay $0x1  }
0xdd: {  	s13 =	simm.s32 $0x12800  }
0xde: {  	[tilespmem:s13], [sflag:$0x2] =	stream.indirect_vreg.gather [hbm4b:s2+s3], $0x80, v4, vm0, $0xb8;
	[tilespmem:$0x1A000] =	vst v63  }
0xdf: {  	s10 =	simm.s32 $0x13000  }
0xe0: {  	[tilespmem:s10], [sflag:$0x2] =	stream.indirect_vreg.gather [hbm4b:s2+s3], $0x80, v3, vm0, $0xb8;
	[tilespmem:$0x1A000] =	vst v63  }
0xe1: {  	v3 =	vld [tilespmem:s6+$0x0];
	_ =	sdelay $0x4  }
0xe2: {  	v44 =	vshll.u32 v3, $0x1  }
0xe3: {  	v3 =	vand.u32 $0x7, v3;
	v4 =	vand.u32 $0xFFFFFFF0, v44  }
0xe4: {  	v3 =	vor.u32 v3, v4  }
0xe5: {  	v4 =	vperm.xlane v3, v0;
	_ =	sdelay $0x1  }
0xe6: {  	v3 =	vperm.xlane v3, v2;
	v4 =	vadd.s32 v1, v4;
	_ =	sdelay $0x1  }
0xe7: {  	v3 =	vadd.s32 v1, v3;
	_ =	sdelay $0x1  }
0xe8: {  	s13 =	simm.s32 $0x13800  }
0xe9: {  	[tilespmem:s13], [sflag:$0x2] =	stream.indirect_vreg.gather [hbm4b:s2+s3], $0x80, v4, vm0, $0xb8;
	[tilespmem:$0x1A000] =	vst v63  }
0xea: {  	s10 =	simm.s32 $0x14000  }
0xeb: {  	[tilespmem:s10], [sflag:$0x2] =	stream.indirect_vreg.gather [hbm4b:s2+s3], $0x80, v3, vm0, $0xb8;
	[tilespmem:$0x1A000] =	vst v63  }
0xec: {  	v3 =	vld [tilespmem:s6+$0x10];
	_ =	sdelay $0x4  }
0xed: {  	v45 =	vshll.u32 v3, $0x1  }
0xee: {  	v3 =	vand.u32 $0x7, v3;
	v4 =	vand.u32 $0xFFFFFFF0, v45  }
0xef: {  	v3 =	vor.u32 v3, v4  }
0xf0: {  	v4 =	vperm.xlane v3, v0;
	_ =	sdelay $0x1  }
0xf1: {  	v3 =	vperm.xlane v3, v2;
	v4 =	vadd.s32 v1, v4;
	_ =	sdelay $0x1  }
0xf2: {  	v3 =	vadd.s32 v1, v3;
	_ =	sdelay $0x1  }
0xf3: {  	s13 =	simm.s32 $0x14800  }
0xf4: {  	[tilespmem:s13], [sflag:$0x2] =	stream.indirect_vreg.gather [hbm4b:s2+s3], $0x80, v4, vm0, $0xb8;
	[tilespmem:$0x1A000] =	vst v63  }
0xf5: {  	s10 =	simm.s32 $0x15000  }
0xf6: {  	[tilespmem:s10], [sflag:$0x2] =	stream.indirect_vreg.gather [hbm4b:s2+s3], $0x80, v3, vm0, $0xb8;
	[tilespmem:$0x1A000] =	vst v63  }
0xf7: {  	v3 =	vld [tilespmem:s6+$0x20];
	_ =	sdelay $0x4  }
0xf8: {  	v46 =	vshll.u32 v3, $0x1  }
0xf9: {  	v3 =	vand.u32 $0x7, v3;
	v4 =	vand.u32 $0xFFFFFFF0, v46  }
0xfa: {  	v3 =	vor.u32 v3, v4  }
0xfb: {  	v4 =	vperm.xlane v3, v0;
	_ =	sdelay $0x1  }
0xfc: {  	v3 =	vperm.xlane v3, v2;
	v4 =	vadd.s32 v1, v4;
	_ =	sdelay $0x1  }
0xfd: {  	v3 =	vadd.s32 v1, v3;
	_ =	sdelay $0x1  }
0xfe: {  	s13 =	simm.s32 $0x15800  }
0xff: {  	[tilespmem:s13], [sflag:$0x2] =	stream.indirect_vreg.gather [hbm4b:s2+s3], $0x80, v4, vm0, $0xb8;
	[tilespmem:$0x1A000] =	vst v63  }
0x100: {  	s10 =	simm.s32 $0x16000  }
0x101: {  	[tilespmem:s10], [sflag:$0x2] =	stream.indirect_vreg.gather [hbm4b:s2+s3], $0x80, v3, vm0, $0xb8;
	[tilespmem:$0x1A000] =	vst v63  }
0x102: {  	v3 =	vld [tilespmem:s6+$0x30];
	_ =	sdelay $0x4  }
0x103: {  	v47 =	vshll.u32 v3, $0x1  }
0x104: {  	v3 =	vand.u32 $0x7, v3;
	v4 =	vand.u32 $0xFFFFFFF0, v47  }
0x105: {  	v3 =	vor.u32 v3, v4  }
0x106: {  	v4 =	vperm.xlane v3, v0;
	_ =	sdelay $0x1  }
0x107: {  	v3 =	vperm.xlane v3, v2;
	v4 =	vadd.s32 v1, v4;
	_ =	sdelay $0x1  }
0x108: {  	v3 =	vadd.s32 v1, v3;
	_ =	sdelay $0x1  }
0x109: {  	s13 =	simm.s32 $0x16800  }
0x10a: {  	[tilespmem:s13], [sflag:$0x2] =	stream.indirect_vreg.gather [hbm4b:s2+s3], $0x80, v4, vm0, $0xb8;
	[tilespmem:$0x1A000] =	vst v63  }
0x10b: {  	s10 =	simm.s32 $0x17000  }
0x10c: {  	[tilespmem:s10], [sflag:$0x2] =	stream.indirect_vreg.gather [hbm4b:s2+s3], $0x80, v3, vm0, $0xb8;
	[tilespmem:$0x1A000] =	vst v63  }
0x10d: {  	v3 =	vld [tilespmem:s6+$0x40];
	_ =	sdelay $0x4  }
0x10e: {  	v48 =	vshll.u32 v3, $0x1  }
0x10f: {  	v3 =	vand.u32 $0x7, v3;
	v4 =	vand.u32 $0xFFFFFFF0, v48  }
0x110: {  	v3 =	vor.u32 v3, v4  }
0x111: {  	v4 =	vperm.xlane v3, v0;
	_ =	sdelay $0x1  }
0x112: {  	v3 =	vperm.xlane v3, v2;
	v4 =	vadd.s32 v1, v4;
	_ =	sdelay $0x1  }
0x113: {  	v3 =	vadd.s32 v1, v3;
	_ =	sdelay $0x1  }
0x114: {  	s13 =	simm.s32 $0x17800  }
0x115: {  	[tilespmem:s13], [sflag:$0x2] =	stream.indirect_vreg.gather [hbm4b:s2+s3], $0x80, v4, vm0, $0xb8;
	[tilespmem:$0x1A000] =	vst v63  }
0x116: {  	s10 =	simm.s32 $0x18000  }
0x117: {  	[tilespmem:s10], [sflag:$0x2] =	stream.indirect_vreg.gather [hbm4b:s2+s3], $0x80, v3, vm0, $0xb8;
	[tilespmem:$0x1A000] =	vst v63  }
0x118: {  	v3 =	vld [tilespmem:s6+$0x50];
	_ =	sdelay $0x4  }
0x119: {  	v49 =	vshll.u32 v3, $0x1  }
0x11a: {  	v3 =	vand.u32 $0x7, v3;
	v4 =	vand.u32 $0xFFFFFFF0, v49  }
0x11b: {  	v3 =	vor.u32 v3, v4  }
0x11c: {  	v4 =	vperm.xlane v3, v0;
	_ =	sdelay $0x1  }
0x11d: {  	v3 =	vperm.xlane v3, v2;
	v4 =	vadd.s32 v1, v4;
	_ =	sdelay $0x1  }
0x11e: {  	v3 =	vadd.s32 v1, v3;
	_ =	sdelay $0x1  }
0x11f: {  	s13 =	simm.s32 $0x18800  }
0x120: {  	[tilespmem:s13], [sflag:$0x2] =	stream.indirect_vreg.gather [hbm4b:s2+s3], $0x80, v4, vm0, $0xb8;
	[tilespmem:$0x1A000] =	vst v63  }
0x121: {  	s10 =	simm.s32 $0x19000  }
0x122: {  	[tilespmem:s10], [sflag:$0x2] =	stream.indirect_vreg.gather [hbm4b:s2+s3], $0x80, v3, vm0, $0xb8;
	[tilespmem:$0x1A000] =	vst v63  }
0x123: {  	v3 =	vld.msk [tilespmem:s6+$0x60], $0xff;
	_ =	sdelay $0x4  }
0x124: {  	v50 =	vshll.u32 v3, $0x1  }
0x125: {  	v3 =	vand.u32 $0x7, v3;
	v4 =	vand.u32 $0xFFFFFFF0, v50  }
0x126: {  	v3 =	vor.u32 v3, v4  }
0x127: {  	v3 =	vperm.xlane v3, v0;
	_ =	sdelay $0x1  }
0x128: {  	v3 =	vadd.s32 v1, v3;
	_ =	sdelay $0x3  }
0x129: {  	s13 =	simm.s32 $0x19800  }
0x12a: {  	[tilespmem:s13], [sflag:$0x2] =	stream.indirect_vreg.gather [hbm4b:s2+s3], $0x80, v3, vm0, $0xb8;
	[tilespmem:$0x1A000] =	vst v63  }
0x12b: {  	_ =	swait.ge [sflag:s0], $0xC800  }
0x12c: {  	s10 =	rddreg [dreg:$0x3];
	[sflag:s0] =	ssyncset.done $0x0  }
0x12d: {  	s13 =	simm.s32 $0x1000;
	[sflag:s0] =	ssyncadd.s32 $0xFFFF3800;
	s10 =	sadd.s32 s7, s10  }
0x12e: {  	[hbm4b:s10+s3] =	stream.linear.scatter [tilespmem:s13], [sflag:$0x3], $0xC800, $0x38;
	[tilespmem:$0x1A000] =	vst v63  }
0x12f: {  	_ =	swait.ge [sflag:s8], $0xC800  }
0x130: {  	[sflag:s8] =	ssyncset.done $0x0  }
0x131: {  	[sflag:s8] =	ssyncadd.s32 $0xFFFF3800  }
0x132: {  	v3 =	vld [tilespmem:s6+$0x68];
	_ =	sdelay $0x4  }
0x133: {  	v51 =	vshll.u32 v3, $0x1  }
0x134: {  	v3 =	vand.u32 $0x7, v3;
	v4 =	vand.u32 $0xFFFFFFF0, v51  }
0x135: {  	v3 =	vor.u32 v3, v4  }
0x136: {  	v4 =	vperm.xlane v3, v0;
	_ =	sdelay $0x1  }
0x137: {  	v3 =	vperm.xlane v3, v2;
	v4 =	vadd.s32 v1, v4;
	_ =	sdelay $0x1  }
0x138: {  	v3 =	vadd.s32 v1, v3;
	_ =	sdelay $0x2  }
0x139: {  	[tilespmem:s13], [sflag:$0x1] =	stream.indirect_vreg.gather [hbm4b:s2+s3], $0x80, v4, vm0, $0xb8;
	[tilespmem:$0x1A000] =	vst v63  }
0x13a: {  	s13 =	simm.s32 $0x1800  }
0x13b: {  	[tilespmem:s13], [sflag:$0x1] =	stream.indirect_vreg.gather [hbm4b:s2+s3], $0x80, v3, vm0, $0xb8;
	[tilespmem:$0x1A000] =	vst v63  }
0x13c: {  	v3 =	vld [tilespmem:s6+$0x78];
	_ =	sdelay $0x4  }
0x13d: {  	v52 =	vshll.u32 v3, $0x1  }
0x13e: {  	v3 =	vand.u32 $0x7, v3;
	v4 =	vand.u32 $0xFFFFFFF0, v52  }
0x13f: {  	v3 =	vor.u32 v3, v4  }
0x140: {  	v4 =	vperm.xlane v3, v0;
	_ =	sdelay $0x1  }
0x141: {  	v3 =	vperm.xlane v3, v2;
	v4 =	vadd.s32 v1, v4;
	_ =	sdelay $0x1  }
0x142: {  	v3 =	vadd.s32 v1, v3;
	_ =	sdelay $0x2  }
0x143: {  	[tilespmem:s12], [sflag:$0x1] =	stream.indirect_vreg.gather [hbm4b:s2+s3], $0x80, v4, vm0, $0xb8;
	[tilespmem:$0x1A000] =	vst v63  }
0x144: {  	s13 =	simm.s32 $0x2800  }
0x145: {  	[tilespmem:s13], [sflag:$0x1] =	stream.indirect_vreg.gather [hbm4b:s2+s3], $0x80, v3, vm0, $0xb8;
	[tilespmem:$0x1A000] =	vst v63  }
0x146: {  	v3 =	vld [tilespmem:s6+$0x88];
	_ =	sdelay $0x4  }
0x147: {  	v53 =	vshll.u32 v3, $0x1  }
0x148: {  	v3 =	vand.u32 $0x7, v3;
	v4 =	vand.u32 $0xFFFFFFF0, v53  }
0x149: {  	v3 =	vor.u32 v3, v4  }
0x14a: {  	v4 =	vperm.xlane v3, v0;
	_ =	sdelay $0x1  }
0x14b: {  	v3 =	vperm.xlane v3, v2;
	v4 =	vadd.s32 v1, v4;
	_ =	sdelay $0x1  }
0x14c: {  	v3 =	vadd.s32 v1, v3;
	_ =	sdelay $0x2  }
0x14d: {  	[tilespmem:s14], [sflag:$0x1] =	stream.indirect_vreg.gather [hbm4b:s2+s3], $0x80, v4, vm0, $0xb8;
	[tilespmem:$0x1A000] =	vst v63  }
0x14e: {  	_ = 	snop  }
0x14f: {  	[tilespmem:s15], [sflag:$0x1] =	stream.indirect_vreg.gather [hbm4b:s2+s3], $0x80, v3, vm0, $0xb8;
	[tilespmem:$0x1A000] =	vst v63  }
0x150: {  	v3 =	vld [tilespmem:s6+$0x98];
	_ =	sdelay $0x4  }
0x151: {  	v54 =	vshll.u32 v3, $0x1  }
0x152: {  	v3 =	vand.u32 $0x7, v3;
	v4 =	vand.u32 $0xFFFFFFF0, v54  }
0x153: {  	v3 =	vor.u32 v3, v4  }
0x154: {  	v4 =	vperm.xlane v3, v0;
	_ =	sdelay $0x1  }
0x155: {  	v3 =	vperm.xlane v3, v2;
	v4 =	vadd.s32 v1, v4;
	_ =	sdelay $0x1  }
0x156: {  	v3 =	vadd.s32 v1, v3;
	_ =	sdelay $0x2  }
0x157: {  	[tilespmem:s16], [sflag:$0x1] =	stream.indirect_vreg.gather [hbm4b:s2+s3], $0x80, v4, vm0, $0xb8;
	[tilespmem:$0x1A000] =	vst v63  }
0x158: {  	s13 =	simm.s32 $0x4800  }
0x159: {  	[tilespmem:s13], [sflag:$0x1] =	stream.indirect_vreg.gather [hbm4b:s2+s3], $0x80, v3, vm0, $0xb8;
	[tilespmem:$0x1A000] =	vst v63  }
0x15a: {  	v3 =	vld [tilespmem:s6+$0xA8];
	_ =	sdelay $0x4  }
0x15b: {  	v55 =	vshll.u32 v3, $0x1  }
0x15c: {  	v3 =	vand.u32 $0x7, v3;
	v4 =	vand.u32 $0xFFFFFFF0, v55  }
0x15d: {  	v3 =	vor.u32 v3, v4  }
0x15e: {  	v4 =	vperm.xlane v3, v0;
	_ =	sdelay $0x1  }
0x15f: {  	v3 =	vperm.xlane v3, v2;
	v4 =	vadd.s32 v1, v4;
	_ =	sdelay $0x1  }
0x160: {  	v3 =	vadd.s32 v1, v3;
	_ =	sdelay $0x2  }
0x161: {  	[tilespmem:s18], [sflag:$0x1] =	stream.indirect_vreg.gather [hbm4b:s2+s3], $0x80, v4, vm0, $0xb8;
	[tilespmem:$0x1A000] =	vst v63  }
0x162: {  	_ = 	snop  }
0x163: {  	[tilespmem:s19], [sflag:$0x1] =	stream.indirect_vreg.gather [hbm4b:s2+s3], $0x80, v3, vm0, $0xb8;
	[tilespmem:$0x1A000] =	vst v63  }
0x164: {  	v3 =	vld [tilespmem:s6+$0xB8];
	_ =	sdelay $0x4  }
0x165: {  	v56 =	vshll.u32 v3, $0x1  }
0x166: {  	v3 =	vand.u32 $0x7, v3;
	v4 =	vand.u32 $0xFFFFFFF0, v56  }
0x167: {  	v3 =	vor.u32 v3, v4  }
0x168: {  	v4 =	vperm.xlane v3, v0;
	_ =	sdelay $0x1  }
0x169: {  	v3 =	vperm.xlane v3, v2;
	v4 =	vadd.s32 v1, v4;
	_ =	sdelay $0x1  }
0x16a: {  	v3 =	vadd.s32 v1, v3;
	_ =	sdelay $0x2  }
0x16b: {  	[tilespmem:s20], [sflag:$0x1] =	stream.indirect_vreg.gather [hbm4b:s2+s3], $0x80, v4, vm0, $0xb8;
	[tilespmem:$0x1A000] =	vst v63  }
0x16c: {  	s13 =	simm.s32 $0x6800  }
0x16d: {  	[tilespmem:s13], [sflag:$0x1] =	stream.indirect_vreg.gather [hbm4b:s2+s3], $0x80, v3, vm0, $0xb8;
	[tilespmem:$0x1A000] =	vst v63  }
0x16e: {  	v3 =	vld [tilespmem:s6+$0xC8];
	_ =	sdelay $0x4  }
0x16f: {  	v57 =	vshll.u32 v3, $0x1  }
0x170: {  	v3 =	vand.u32 $0x7, v3;
	v4 =	vand.u32 $0xFFFFFFF0, v57  }
0x171: {  	v3 =	vor.u32 v3, v4  }
0x172: {  	v4 =	vperm.xlane v3, v0;
	_ =	sdelay $0x1  }
0x173: {  	v3 =	vperm.xlane v3, v2;
	v4 =	vadd.s32 v1, v4;
	_ =	sdelay $0x1  }
0x174: {  	v3 =	vadd.s32 v1, v3;
	_ =	sdelay $0x2  }
0x175: {  	[tilespmem:s22], [sflag:$0x1] =	stream.indirect_vreg.gather [hbm4b:s2+s3], $0x80, v4, vm0, $0xb8;
	[tilespmem:$0x1A000] =	vst v63  }
0x176: {  	_ = 	snop  }
0x177: {  	[tilespmem:s23], [sflag:$0x1] =	stream.indirect_vreg.gather [hbm4b:s2+s3], $0x80, v3, vm0, $0xb8;
	[tilespmem:$0x1A000] =	vst v63  }
0x178: {  	v3 =	vld [tilespmem:s6+$0xD8];
	_ =	sdelay $0x4  }
0x179: {  	v58 =	vshll.u32 v3, $0x1  }
0x17a: {  	v3 =	vand.u32 $0x7, v3;
	v4 =	vand.u32 $0xFFFFFFF0, v58  }
0x17b: {  	v3 =	vor.u32 v3, v4  }
0x17c: {  	v4 =	vperm.xlane v3, v0;
	_ =	sdelay $0x1  }
0x17d: {  	v3 =	vperm.xlane v3, v2;
	v4 =	vadd.s32 v1, v4;
	_ =	sdelay $0x1  }
0x17e: {  	v3 =	vadd.s32 v1, v3;
	_ =	sdelay $0x2  }
0x17f: {  	[tilespmem:s24], [sflag:$0x1] =	stream.indirect_vreg.gather [hbm4b:s2+s3], $0x80, v4, vm0, $0xb8;
	[tilespmem:$0x1A000] =	vst v63  }
0x180: {  	s13 =	simm.s32 $0x8800  }
0x181: {  	[tilespmem:s13], [sflag:$0x1] =	stream.indirect_vreg.gather [hbm4b:s2+s3], $0x80, v3, vm0, $0xb8;
	[tilespmem:$0x1A000] =	vst v63  }
0x182: {  	v3 =	vld [tilespmem:s6+$0xE8];
	_ =	sdelay $0x4  }
0x183: {  	v59 =	vshll.u32 v3, $0x1  }
0x184: {  	v3 =	vand.u32 $0x7, v3;
	v4 =	vand.u32 $0xFFFFFFF0, v59  }
0x185: {  	v3 =	vor.u32 v3, v4  }
0x186: {  	v4 =	vperm.xlane v3, v0;
	_ =	sdelay $0x1  }
0x187: {  	v3 =	vperm.xlane v3, v2;
	v4 =	vadd.s32 v1, v4;
	_ =	sdelay $0x1  }
0x188: {  	v3 =	vadd.s32 v1, v3;
	_ =	sdelay $0x2  }
0x189: {  	[tilespmem:s26], [sflag:$0x1] =	stream.indirect_vreg.gather [hbm4b:s2+s3], $0x80, v4, vm0, $0xb8;
	[tilespmem:$0x1A000] =	vst v63  }
0x18a: {  	_ = 	snop  }
0x18b: {  	[tilespmem:s28], [sflag:$0x1] =	stream.indirect_vreg.gather [hbm4b:s2+s3], $0x80, v3, vm0, $0xb8;
	[tilespmem:$0x1A000] =	vst v63  }
0x18c: {  	v3 =	vld [tilespmem:s6+$0xF8];
	_ =	sdelay $0x4  }
0x18d: {  	v60 =	vshll.u32 v3, $0x1  }
0x18e: {  	v3 =	vand.u32 $0x7, v3;
	v4 =	vand.u32 $0xFFFFFFF0, v60  }
0x18f: {  	v3 =	vor.u32 v3, v4  }
0x190: {  	v4 =	vperm.xlane v3, v0;
	_ =	sdelay $0x1  }
0x191: {  	v3 =	vperm.xlane v3, v2;
	v4 =	vadd.s32 v1, v4;
	_ =	sdelay $0x1  }
0x192: {  	v3 =	vadd.s32 v1, v3;
	_ =	sdelay $0x2  }
0x193: {  	[tilespmem:s29], [sflag:$0x1] =	stream.indirect_vreg.gather [hbm4b:s2+s3], $0x80, v4, vm0, $0xb8;
	[tilespmem:$0x1A000] =	vst v63  }
0x194: {  	s13 =	simm.s32 $0xA800  }
0x195: {  	[tilespmem:s13], [sflag:$0x1] =	stream.indirect_vreg.gather [hbm4b:s2+s3], $0x80, v3, vm0, $0xb8;
	[tilespmem:$0x1A000] =	vst v63  }
0x196: {  	v3 =	vld [tilespmem:s6+$0x108];
	_ =	sdelay $0x4  }
0x197: {  	v61 =	vshll.u32 v3, $0x1  }
0x198: {  	v3 =	vand.u32 $0x7, v3;
	v4 =	vand.u32 $0xFFFFFFF0, v61  }
0x199: {  	v3 =	vor.u32 v3, v4  }
0x19a: {  	v4 =	vperm.xlane v3, v0;
	_ =	sdelay $0x1  }
0x19b: {  	v3 =	vperm.xlane v3, v2;
	v4 =	vadd.s32 v1, v4;
	_ =	sdelay $0x1  }
0x19c: {  	v3 =	vadd.s32 v1, v3;
	_ =	sdelay $0x2  }
0x19d: {  	[tilespmem:s31], [sflag:$0x1] =	stream.indirect_vreg.gather [hbm4b:s2+s3], $0x80, v4, vm0, $0xb8;
	[tilespmem:$0x1A000] =	vst v63  }
0x19e: {  	s13 =	simm.s32 $0xB800  }
0x19f: {  	[tilespmem:s13], [sflag:$0x1] =	stream.indirect_vreg.gather [hbm4b:s2+s3], $0x80, v3, vm0, $0xb8;
	[tilespmem:$0x1A000] =	vst v63  }
0x1a0: {  	v3 =	vld [tilespmem:s6+$0x118];
	_ =	sdelay $0x4  }
0x1a1: {  	v62 =	vshll.u32 v3, $0x1  }
0x1a2: {  	v3 =	vand.u32 $0x7, v3;
	v4 =	vand.u32 $0xFFFFFFF0, v62  }
0x1a3: {  	v3 =	vor.u32 v3, v4  }
0x1a4: {  	v4 =	vperm.xlane v3, v0;
	_ =	sdelay $0x1  }
0x1a5: {  	v3 =	vperm.xlane v3, v2;
	v4 =	vadd.s32 v1, v4;
	_ =	sdelay $0x1  }
0x1a6: {  	v3 =	vadd.s32 v1, v3;
	_ =	sdelay $0x2  }
0x1a7: {  	[tilespmem:s9], [sflag:$0x1] =	stream.indirect_vreg.gather [hbm4b:s2+s3], $0x80, v4, vm0, $0xb8;
	[tilespmem:$0x1A000] =	vst v63  }
0x1a8: {  	_ = 	snop  }
0x1a9: {  	[tilespmem:s21], [sflag:$0x1] =	stream.indirect_vreg.gather [hbm4b:s2+s3], $0x80, v3, vm0, $0xb8;
	[tilespmem:$0x1A000] =	vst v63  }
0x1aa: {  	v3 =	vld.msk [tilespmem:s6+$0x128], $0xff;
	_ =	sdelay $0x4  }
0x1ab: {  	v63 =	vshll.u32 v3, $0x1  }
0x1ac: {  	v3 =	vand.u32 $0x7, v3;
	v4 =	vand.u32 $0xFFFFFFF0, v63  }
0x1ad: {  	v3 =	vor.u32 v3, v4  }
0x1ae: {  	v3 =	vperm.xlane v3, v0;
	_ =	sdelay $0x1  }
0x1af: {  	v3 =	vadd.s32 v1, v3;
	_ =	sdelay $0x4  }
0x1b0: {  	[tilespmem:s25], [sflag:$0x1] =	stream.indirect_vreg.gather [hbm4b:s2+s3], $0x80, v3, vm0, $0xb8;
	[tilespmem:$0x1A000] =	vst v63  }
0x1b1: {  	_ =	swait.ge [sflag:s4], $0xC800  }
0x1b2: {  	p0 =	sne.s32 s7, $0x19000;
	[sflag:s4] =	ssyncset.done $0x0  }
.Ltmp0:
0x1b3: {  	s10 =	sadd.s32 $0x1900, s10;
	[sflag:s4] =	ssyncadd.s32 $0xFFFF3800;
	(pc) =	sbr.rel @p0 .LBB2_2-.Ltmp0, $4  }
0x1b4: {  	[hbm4b:s10+s3] =	stream.linear.scatter [tilespmem:s17], [sflag:$0x3], $0xC800, $0x38;
	[tilespmem:$0x1A000] =	vst v63  }
0x1b5: {  	_ =	swait.ge [sflag:s8], $0xC800  }
0x1b6: {  	s5 =	simm.s32 $0x1000;
	[sflag:s8] =	ssyncset.done $0x0  }
0x1b7: {  	s7 =	sadd.s32 $0x3200, s7;
	s6 =	sadd.s32 $0x190, s6;
	[sflag:s8] =	ssyncadd.s32 $0xFFFF3800  }
0x1b8: {  	v3 =	vld [tilespmem:$0xED8];
	_ =	sdelay $0x4  }
0x1b9: {  	v4 =	vshll.u32 v3, $0x1  }
0x1ba: {  	v3 =	vand.u32 $0x7, v3;
	v4 =	vand.u32 $0xFFFFFFF0, v4  }
0x1bb: {  	v3 =	vor.u32 v3, v4  }
0x1bc: {  	v4 =	vperm.xlane v3, v0;
	_ =	sdelay $0x1  }
0x1bd: {  	v3 =	vperm.xlane v3, v2;
	v4 =	vadd.s32 v1, v4;
	_ =	sdelay $0x1  }
0x1be: {  	v3 =	vadd.s32 v1, v3;
	_ =	sdelay $0x2  }
0x1bf: {  	[tilespmem:s17], [sflag:$0x2] =	stream.indirect_vreg.gather [hbm4b:s2+s3], $0x80, v4, vm0, $0xb8;
	[tilespmem:$0x1A000] =	vst v63  }
0x1c0: {  	_ = 	snop  }
0x1c1: {  	[tilespmem:s30], [sflag:$0x2] =	stream.indirect_vreg.gather [hbm4b:s2+s3], $0x80, v3, vm0, $0xb8;
	[tilespmem:$0x1A000] =	vst v63  }
0x1c2: {  	v3 =	vld [tilespmem:$0xEE8];
	_ =	sdelay $0x4  }
0x1c3: {  	v52 =	vshll.u32 v3, $0x1  }
0x1c4: {  	v3 =	vand.u32 $0x7, v3;
	v4 =	vand.u32 $0xFFFFFFF0, v52  }
0x1c5: {  	v3 =	vor.u32 v3, v4  }
0x1c6: {  	v4 =	vperm.xlane v3, v0;
	_ =	sdelay $0x1  }
0x1c7: {  	v3 =	vperm.xlane v3, v2;
	v4 =	vadd.s32 v1, v4;
	_ =	sdelay $0x1  }
0x1c8: {  	v3 =	vadd.s32 v1, v3;
	_ =	sdelay $0x2  }
0x1c9: {  	[tilespmem:s1], [sflag:$0x2] =	stream.indirect_vreg.gather [hbm4b:s2+s3], $0x80, v4, vm0, $0xb8;
	[tilespmem:$0x1A000] =	vst v63  }
0x1ca: {  	_ = 	snop  }
0x1cb: {  	[tilespmem:s11], [sflag:$0x2] =	stream.indirect_vreg.gather [hbm4b:s2+s3], $0x80, v3, vm0, $0xb8;
	[tilespmem:$0x1A000] =	vst v63  }
0x1cc: {  	v3 =	vld [tilespmem:$0xEF8];
	_ =	sdelay $0x4  }
0x1cd: {  	v53 =	vshll.u32 v3, $0x1  }
0x1ce: {  	v3 =	vand.u32 $0x7, v3;
	v4 =	vand.u32 $0xFFFFFFF0, v53  }
0x1cf: {  	v3 =	vor.u32 v3, v4  }
0x1d0: {  	v4 =	vperm.xlane v3, v0;
	_ =	sdelay $0x1  }
0x1d1: {  	v3 =	vperm.xlane v3, v2;
	v4 =	vadd.s32 v1, v4;
	_ =	sdelay $0x1  }
0x1d2: {  	v3 =	vadd.s32 v1, v3;
	_ =	sdelay $0x1  }
0x1d3: {  	s22 =	simm.s32 $0xF800  }
0x1d4: {  	[tilespmem:s22], [sflag:$0x2] =	stream.indirect_vreg.gather [hbm4b:s2+s3], $0x80, v4, vm0, $0xb8;
	[tilespmem:$0x1A000] =	vst v63  }
0x1d5: {  	s23 =	simm.s32 $0x10000  }
0x1d6: {  	[tilespmem:s23], [sflag:$0x2] =	stream.indirect_vreg.gather [hbm4b:s2+s3], $0x80, v3, vm0, $0xb8;
	[tilespmem:$0x1A000] =	vst v63  }
0x1d7: {  	v3 =	vld [tilespmem:$0xF08];
	_ =	sdelay $0x4  }
0x1d8: {  	v54 =	vshll.u32 v3, $0x1  }
0x1d9: {  	v3 =	vand.u32 $0x7, v3;
	v4 =	vand.u32 $0xFFFFFFF0, v54  }
0x1da: {  	v3 =	vor.u32 v3, v4  }
0x1db: {  	v4 =	vperm.xlane v3, v0;
	_ =	sdelay $0x1  }
0x1dc: {  	v3 =	vperm.xlane v3, v2;
	v4 =	vadd.s32 v1, v4;
	_ =	sdelay $0x1  }
0x1dd: {  	v3 =	vadd.s32 v1, v3;
	_ =	sdelay $0x1  }
0x1de: {  	s24 =	simm.s32 $0x10800  }
0x1df: {  	[tilespmem:s24], [sflag:$0x2] =	stream.indirect_vreg.gather [hbm4b:s2+s3], $0x80, v4, vm0, $0xb8;
	[tilespmem:$0x1A000] =	vst v63  }
0x1e0: {  	s25 =	simm.s32 $0x11000  }
0x1e1: {  	[tilespmem:s25], [sflag:$0x2] =	stream.indirect_vreg.gather [hbm4b:s2+s3], $0x80, v3, vm0, $0xb8;
	[tilespmem:$0x1A000] =	vst v63  }
0x1e2: {  	v3 =	vld [tilespmem:$0xF18];
	_ =	sdelay $0x4  }
0x1e3: {  	v55 =	vshll.u32 v3, $0x1  }
0x1e4: {  	v3 =	vand.u32 $0x7, v3;
	v4 =	vand.u32 $0xFFFFFFF0, v55  }
0x1e5: {  	v3 =	vor.u32 v3, v4  }
0x1e6: {  	v4 =	vperm.xlane v3, v0;
	_ =	sdelay $0x1  }
0x1e7: {  	v3 =	vperm.xlane v3, v2;
	v4 =	vadd.s32 v1, v4;
	_ =	sdelay $0x1  }
0x1e8: {  	v3 =	vadd.s32 v1, v3;
	_ =	sdelay $0x1  }
0x1e9: {  	s26 =	simm.s32 $0x11800  }
0x1ea: {  	[tilespmem:s26], [sflag:$0x2] =	stream.indirect_vreg.gather [hbm4b:s2+s3], $0x80, v4, vm0, $0xb8;
	[tilespmem:$0x1A000] =	vst v63  }
0x1eb: {  	s6 =	simm.s32 $0x12000  }
0x1ec: {  	[tilespmem:s6], [sflag:$0x2] =	stream.indirect_vreg.gather [hbm4b:s2+s3], $0x80, v3, vm0, $0xb8;
	[tilespmem:$0x1A000] =	vst v63  }
0x1ed: {  	v3 =	vld [tilespmem:$0xF28];
	_ =	sdelay $0x4  }
0x1ee: {  	v56 =	vshll.u32 v3, $0x1  }
0x1ef: {  	v3 =	vand.u32 $0x7, v3;
	v4 =	vand.u32 $0xFFFFFFF0, v56  }
0x1f0: {  	v3 =	vor.u32 v3, v4  }
0x1f1: {  	v4 =	vperm.xlane v3, v0;
	_ =	sdelay $0x1  }
0x1f2: {  	v3 =	vperm.xlane v3, v2;
	v4 =	vadd.s32 v1, v4;
	_ =	sdelay $0x1  }
0x1f3: {  	v3 =	vadd.s32 v1, v3;
	_ =	sdelay $0x1  }
0x1f4: {  	s7 =	simm.s32 $0x12800  }
0x1f5: {  	[tilespmem:s7], [sflag:$0x2] =	stream.indirect_vreg.gather [hbm4b:s2+s3], $0x80, v4, vm0, $0xb8;
	[tilespmem:$0x1A000] =	vst v63  }
0x1f6: {  	s9 =	simm.s32 $0x13000  }
0x1f7: {  	[tilespmem:s9], [sflag:$0x2] =	stream.indirect_vreg.gather [hbm4b:s2+s3], $0x80, v3, vm0, $0xb8;
	[tilespmem:$0x1A000] =	vst v63  }
0x1f8: {  	v3 =	vld [tilespmem:$0xF38];
	_ =	sdelay $0x4  }
0x1f9: {  	v57 =	vshll.u32 v3, $0x1  }
0x1fa: {  	v3 =	vand.u32 $0x7, v3;
	v4 =	vand.u32 $0xFFFFFFF0, v57  }
0x1fb: {  	v3 =	vor.u32 v3, v4  }
0x1fc: {  	v4 =	vperm.xlane v3, v0;
	_ =	sdelay $0x1  }
0x1fd: {  	v3 =	vperm.xlane v3, v2;
	v4 =	vadd.s32 v1, v4;
	_ =	sdelay $0x1  }
0x1fe: {  	v3 =	vadd.s32 v1, v3;
	_ =	sdelay $0x1  }
0x1ff: {  	s10 =	simm.s32 $0x13800  }
0x200: {  	[tilespmem:s10], [sflag:$0x2] =	stream.indirect_vreg.gather [hbm4b:s2+s3], $0x80, v4, vm0, $0xb8;
	[tilespmem:$0x1A000] =	vst v63  }
0x201: {  	s11 =	simm.s32 $0x14000  }
0x202: {  	[tilespmem:s11], [sflag:$0x2] =	stream.indirect_vreg.gather [hbm4b:s2+s3], $0x80, v3, vm0, $0xb8;
	[tilespmem:$0x1A000] =	vst v63  }
0x203: {  	v3 =	vld [tilespmem:$0xF48];
	_ =	sdelay $0x4  }
0x204: {  	v58 =	vshll.u32 v3, $0x1  }
0x205: {  	v3 =	vand.u32 $0x7, v3;
	v4 =	vand.u32 $0xFFFFFFF0, v58  }
0x206: {  	v3 =	vor.u32 v3, v4  }
0x207: {  	v4 =	vperm.xlane v3, v0;
	_ =	sdelay $0x1  }
0x208: {  	v3 =	vperm.xlane v3, v2;
	v4 =	vadd.s32 v1, v4;
	_ =	sdelay $0x1  }
0x209: {  	v3 =	vadd.s32 v1, v3;
	_ =	sdelay $0x1  }
0x20a: {  	s12 =	simm.s32 $0x14800  }
0x20b: {  	[tilespmem:s12], [sflag:$0x2] =	stream.indirect_vreg.gather [hbm4b:s2+s3], $0x80, v4, vm0, $0xb8;
	[tilespmem:$0x1A000] =	vst v63  }
0x20c: {  	s13 =	simm.s32 $0x15000  }
0x20d: {  	[tilespmem:s13], [sflag:$0x2] =	stream.indirect_vreg.gather [hbm4b:s2+s3], $0x80, v3, vm0, $0xb8;
	[tilespmem:$0x1A000] =	vst v63  }
0x20e: {  	v3 =	vld [tilespmem:$0xF58];
	_ =	sdelay $0x4  }
0x20f: {  	v59 =	vshll.u32 v3, $0x1  }
0x210: {  	v3 =	vand.u32 $0x7, v3;
	v4 =	vand.u32 $0xFFFFFFF0, v59  }
0x211: {  	v3 =	vor.u32 v3, v4  }
0x212: {  	v4 =	vperm.xlane v3, v0;
	_ =	sdelay $0x1  }
0x213: {  	v3 =	vperm.xlane v3, v2;
	v4 =	vadd.s32 v1, v4;
	_ =	sdelay $0x1  }
0x214: {  	v3 =	vadd.s32 v1, v3;
	_ =	sdelay $0x1  }
0x215: {  	s14 =	simm.s32 $0x15800  }
0x216: {  	[tilespmem:s14], [sflag:$0x2] =	stream.indirect_vreg.gather [hbm4b:s2+s3], $0x80, v4, vm0, $0xb8;
	[tilespmem:$0x1A000] =	vst v63  }
0x217: {  	s15 =	simm.s32 $0x16000  }
0x218: {  	[tilespmem:s15], [sflag:$0x2] =	stream.indirect_vreg.gather [hbm4b:s2+s3], $0x80, v3, vm0, $0xb8;
	[tilespmem:$0x1A000] =	vst v63  }
0x219: {  	v3 =	vld [tilespmem:$0xF68];
	_ =	sdelay $0x4  }
0x21a: {  	v60 =	vshll.u32 v3, $0x1  }
0x21b: {  	v3 =	vand.u32 $0x7, v3;
	v4 =	vand.u32 $0xFFFFFFF0, v60  }
0x21c: {  	v3 =	vor.u32 v3, v4  }
0x21d: {  	v4 =	vperm.xlane v3, v0;
	_ =	sdelay $0x1  }
0x21e: {  	v3 =	vperm.xlane v3, v2;
	v4 =	vadd.s32 v1, v4;
	_ =	sdelay $0x1  }
0x21f: {  	v3 =	vadd.s32 v1, v3;
	_ =	sdelay $0x1  }
0x220: {  	s16 =	simm.s32 $0x16800  }
0x221: {  	[tilespmem:s16], [sflag:$0x2] =	stream.indirect_vreg.gather [hbm4b:s2+s3], $0x80, v4, vm0, $0xb8;
	[tilespmem:$0x1A000] =	vst v63  }
0x222: {  	s18 =	simm.s32 $0x17000  }
0x223: {  	[tilespmem:s18], [sflag:$0x2] =	stream.indirect_vreg.gather [hbm4b:s2+s3], $0x80, v3, vm0, $0xb8;
	[tilespmem:$0x1A000] =	vst v63  }
0x224: {  	v3 =	vld [tilespmem:$0xF78];
	_ =	sdelay $0x4  }
0x225: {  	v61 =	vshll.u32 v3, $0x1  }
0x226: {  	v3 =	vand.u32 $0x7, v3;
	v4 =	vand.u32 $0xFFFFFFF0, v61  }
0x227: {  	v3 =	vor.u32 v3, v4  }
0x228: {  	v4 =	vperm.xlane v3, v0;
	_ =	sdelay $0x1  }
0x229: {  	v3 =	vperm.xlane v3, v2;
	v4 =	vadd.s32 v1, v4;
	_ =	sdelay $0x1  }
0x22a: {  	v3 =	vadd.s32 v1, v3;
	_ =	sdelay $0x1  }
0x22b: {  	s19 =	simm.s32 $0x17800  }
0x22c: {  	[tilespmem:s19], [sflag:$0x2] =	stream.indirect_vreg.gather [hbm4b:s2+s3], $0x80, v4, vm0, $0xb8;
	[tilespmem:$0x1A000] =	vst v63  }
0x22d: {  	s20 =	simm.s32 $0x18000  }
0x22e: {  	[tilespmem:s20], [sflag:$0x2] =	stream.indirect_vreg.gather [hbm4b:s2+s3], $0x80, v3, vm0, $0xb8;
	[tilespmem:$0x1A000] =	vst v63  }
0x22f: {  	v3 =	vld [tilespmem:$0xF88];
	_ =	sdelay $0x4  }
0x230: {  	v62 =	vshll.u32 v3, $0x1  }
0x231: {  	v3 =	vand.u32 $0x7, v3;
	v4 =	vand.u32 $0xFFFFFFF0, v62  }
0x232: {  	v3 =	vor.u32 v3, v4  }
0x233: {  	v4 =	vperm.xlane v3, v0;
	_ =	sdelay $0x1  }
0x234: {  	v3 =	vperm.xlane v3, v2;
	v4 =	vadd.s32 v1, v4;
	_ =	sdelay $0x1  }
0x235: {  	v3 =	vadd.s32 v1, v3;
	_ =	sdelay $0x1  }
0x236: {  	s21 =	simm.s32 $0x18800  }
0x237: {  	[tilespmem:s21], [sflag:$0x2] =	stream.indirect_vreg.gather [hbm4b:s2+s3], $0x80, v4, vm0, $0xb8;
	[tilespmem:$0x1A000] =	vst v63  }
0x238: {  	s22 =	simm.s32 $0x19000  }
0x239: {  	[tilespmem:s22], [sflag:$0x2] =	stream.indirect_vreg.gather [hbm4b:s2+s3], $0x80, v3, vm0, $0xb8;
	[tilespmem:$0x1A000] =	vst v63  }
0x23a: {  	v3 =	vld.msk [tilespmem:$0xF98], $0xff;
	_ =	sdelay $0x4  }
0x23b: {  	v63 =	vshll.u32 v3, $0x1  }
0x23c: {  	v3 =	vand.u32 $0x7, v3;
	v4 =	vand.u32 $0xFFFFFFF0, v63  }
0x23d: {  	v3 =	vor.u32 v3, v4  }
0x23e: {  	v3 =	vperm.xlane v3, v0;
	_ =	sdelay $0x1  }
0x23f: {  	v3 =	vadd.s32 v1, v3;
	_ =	sdelay $0x3  }
0x240: {  	s23 =	simm.s32 $0x19800  }
0x241: {  	[tilespmem:s23], [sflag:$0x2] =	stream.indirect_vreg.gather [hbm4b:s2+s3], $0x80, v3, vm0, $0xb8;
	[tilespmem:$0x1A000] =	vst v63  }
0x242: {  	_ =	swait.ge [sflag:s0], $0xC800  }
0x243: {  	[sflag:s0] =	ssyncset.done $0x0  }
0x244: {  	s6 =	rddreg [dreg:$0x5];
	[sflag:s0] =	ssyncadd.s32 $0xFFFF3800  }
0x245: {  	[hbm4b:s6+s3] =	stream.linear.scatter [tilespmem:s5], [sflag:$0x3], $0xC800, $0x38;
	[tilespmem:$0x1A000] =	vst v63  }
0x246: {  	_ =	swait.ge [sflag:s8], $0xC800  }
0x247: {  	[sflag:s8] =	ssyncset.done $0x0  }
0x248: {  	s28 =	simm.s32 $0xA800;
	[sflag:s8] =	ssyncadd.s32 $0xFFFF3800  }
0x249: {  	s29 =	simm.s32 $0xB000;
	s31 =	simm.s32 $0xD000;
	_ =	swait.ge [sflag:s4], $0xC800  }
0x24a: {  	s30 =	simm.s32 $0xC800;
	s7 =	simm.s32 $0x1800;
	[sflag:s4] =	ssyncset.done $0x0  }
0x24b: {  	s9 =	simm.s32 $0xC000;
	s24 =	rddreg [dreg:$0x6];
	[sflag:s4] =	ssyncadd.s32 $0xFFFF3800  }
0x24c: {  	[hbm4b:s24+s3] =	stream.linear.scatter [tilespmem:s17], [sflag:$0x3], $0xC800, $0x38;
	[tilespmem:$0x1A000] =	vst v63  }
0x24d: {  	s10 =	simm.s32 $0x2000;
	s11 =	simm.s32 $0x2800;
	_ =	swait.ge [sflag:s8], $0xC800  }
0x24e: {  	s12 =	simm.s32 $0x3000;
	s13 =	simm.s32 $0x3800;
	s25 =	rddreg [dreg:$0x8]  }
0x24f: {  	s14 =	simm.s32 $0x4000;
	s26 =	rddreg [dreg:$0x7];
	s1 =	sadd.s32 $0x1, s25  }
0x250: {  	s15 =	simm.s32 $0x4800;
	s16 =	simm.s32 $0x5000;
	p0 =	sne.s32 s1, s26  }
.Ltmp1:
0x251: {  	s18 =	simm.s32 $0x6000;
	s19 =	simm.s32 $0x6800;
	(pc) =	sbr.rel @p0 .LBB2_1-.Ltmp1, $4  }
0x252: {  	s20 =	simm.s32 $0x7000;
	s21 =	simm.s32 $0x7800;
	s22 =	simm.s32 $0x8000  }
0x253: {  	s23 =	simm.s32 $0x8800;
	s17 =	simm.s32 $0x5800;
	[sflag:s8] =	ssyncset.done $0x0  }
0x254: {  	s24 =	simm.s32 $0x9000;
	[sflag:s8] =	ssyncadd.s32 $0xFFFF3800;
	s25 =	simm.s32 $0x9800  }
0x255: {  	[dreg:$0x8] =	wrdreg s1;
	s26 =	simm.s32 $0xA000;
	s1 =	simm.s32 $0xB800  }
0x256: {  	_ =	sfence.sel $0x180000  }
0x257: {  	[bflag:$0x0] =	sbarrier.arrive $0xFFFF  }
0x258: {  	_ =	strace $0x9000004A  }
0x259: {  	s0 =	stileid.u32;
	[bflag:$0x2] =	sbarrier.arrive $0xFFFF  }
0x25a: {  	p0 =	sne.s32 s0, $0x0;
	s0 =	rddreg [dreg:$0x2]  }
0x25b: {  	s0 =	sadd.s32 @!p0 $0x100000, s0  }
0x25c: {  	[sflag:s0] =	ssyncadd.tile.s32 @!p0 $0x1;
	_ =	shalt  }
.Lfunc_end2:
_tile_overlayer_lowered:
.L_overlay_start_2:
0x25d: {  	(tag) =	ssettag $0x2  }
0x25e: {  	s0 =	rddreg [dreg:$0x0];
	s2 =	stileid.u32  }
0x25f: {  	s1 =	rddreg [dreg:$0x1];
	p0 =	sne.s32 s2, $0x0  }
0x260: {  	s3 =	rddreg [dreg:$0x2];
	[bflag:$0x3] =	sbarrier.arrive $0xFFFF;
	s2 =	simm.s32 @!p0 $0x1C03  }
0x261: {  	[timem:s3], [sflag:s2] =	dma.local @!p0 [hbm:s0], s1  }
0x262: {  	s0 =	simm.s32 @!p0 $0x3  }
0x263: {  	_ =	swait.ge @!p0 [sflag:s0], s1  }
0x264: {  	s1 =	ssub.s32 @!p0 $0x0, s1;
	[sflag:s0] =	ssyncset.done @!p0 $0x0  }
0x265: {  	[sflag:s0] =	ssyncadd.s32 @!p0 s1  }
0x266: {  	[bflag:$0x3] =	sbarrier.arrive $0xFFFF  }
0x267: {  	_ =	shalt  }

// kernel: kernel.19.cloned.1.call-start
scs
__scs_entry_jumppad:
0x0: {  	(pc) =	sbr.rel $0x88, $3  }
0x1: {  	(tag) =	ssettag $0x0;
	lr =	simm.s32 $0x1  }
0x2: {  	[smem:$0x3F92] =	sst lr;
	_ =	strace $0xD0000000  }
0x3: {  	_ = 	snop  }
0x4: {  	_ = 	snop  }
0x5: {  	_ = 	snop  }
0x6: {  	_ = 	snop  }
0x7: {  	_ = 	snop  }
__scs_overlays_trampoline_lowered:
0x8: {  	[smem:$0x3FA1] =	sst s0  }
0x9: {  	[smem:$0x3FA2] =	sst s1  }
0xa: {  	[smem:$0x3FA3] =	sst s2  }
0xb: {  	[smem:$0x3FA4] =	sst s3  }
0xc: {  	[smem:$0x3FA5] =	sst s4  }
0xd: {  	[smem:$0x3FA6] =	sst s5  }
0xe: {  	[smem:$0x3FA7] =	sst s6  }
0xf: {  	[smem:$0x3FA8] =	sst s7  }
0x10: {  	[smem:$0x3FA9] =	sst s8  }
0x11: {  	[smem:$0x3FAA] =	sst s9;
	s0 =	simm.s32 @!p0 $0x0  }
0x12: {  	s1 =	sld [smem:$0x3F90];
	s0 =	simm.s32 @p0 $0x1  }
0x13: {  	[smem:$0x3FAB] =	sst s0;
	s0 =	simm.s32 @!p1 $0x0  }
0x14: {  	s2 =	sld [smem:$0x3F8F];
	s0 =	simm.s32 @p1 $0x1  }
0x15: {  	[smem:$0x3FAC] =	sst s0;
	s0 =	simm.s32 @!p2 $0x0  }
0x16: {  	s3 =	sld [smem:$0x3FDB];
	s0 =	simm.s32 @p2 $0x1  }
0x17: {  	s4 =	simm.s32 $0x1BF5;
	[smem:$0x3FAE] =	sst s0  }
0x18: {  	s0 =	sld [smem:$0x3F91];
	_ =	swait.ge [sflag:s4], $0x0  }
0x19: {  	s7 =	sld [smem:$0x3F92]  }
0x1a: {  	s8 =	sadd.s32 $0xFFFFE003, lr  }
0x1b: {  	s9 =	sadd.s32 $0xFFFFFEF7, lr;
	s5 =	simm.s32 $0xFFFFFFFF;
	p2 =	slt.u32 s8, $0xFFFFF086  }
0x1c: {  	p1 =	slt.u32 s9, $0xF7A;
	s5 =	simm.s32 @!p2 $0x0  }
0x1d: {  	s5 =	simm.s32 @p1 $0x1;
	p0 =	seq.s32 s7, s2  }
0x1e: {  	s7 =	smul.u32 @!p0 $0xF7A, s2;
	p2 =	seq.s32 @!p0 s5, $0x0  }
0x1f: {  	s9 =	smul.u32 $0xF7A, s1;
	s8 =	simm.s32 @!p0 $0x1BF5;
	p2 =	por !p2, p0  }
0x20: {  	[sflag:s8] =	ssyncset.s32 @!p0 $0xFFFFF086;
	s6 =	sadd.s32 @!p0 s3, s7;
	s7 =	simm.s32 @!p0 $0x108  }
0x21: {  	s3 =	sadd.s32 s3, s9;
	s6 =	sadd.s32 @!p0 $0x88, s6;
	s7 =	simm.s32 @p2 $0x1082  }
0x22: {  	[simem:s7], [sflag:s8] =	dma.local @!p0 [hbm:s6], $0xF7A  }
0x23: {  	s9 =	sor.u32 $0xD0000000, s2;
	s6 =	simm.s32 $0x108;
	_ =	swait.ge @!p0 [sflag:s8], $0x0  }
0x24: {  	s3 =	sadd.s32 $0x88, s3;
	s6 =	simm.s32 @!p1 $0x1082;
	[sflag:s4] =	ssyncset.s32 $0xFFFFF086  }
0x25: {  	[simem:s6], [sflag:s4] =	dma.local [hbm:s3], $0xF7A  }
0x26: {  	[smem:$0x3F92] =	sst s1;
	(tag) =	ssettag s2;
	_ =	strace s9  }
0x27: {  	s1 =	sld [smem:$0x3FA2]  }
0x28: {  	s2 =	sld [smem:$0x3FA3]  }
0x29: {  	s4 =	sld [smem:$0x3FA5]  }
0x2a: {  	p0 =	seq.s32 s5, $0x0;
	s5 =	sld [smem:$0x3FA6]  }
0x2b: {  	s6 =	sld [smem:$0x3FA7]  }
0x2c: {  	s7 =	sld [smem:$0x3FA8]  }
0x2d: {  	s3 =	simm.s32 $0x108;
	s8 =	sld [smem:$0x3FA9]  }
0x2e: {  	s3 =	simm.s32 @!p0 $0x1082;
	s9 =	sld [smem:$0x3FAA]  }
0x2f: {  	lr =	sadd.s32 s0, s3;
	s0 =	sld [smem:$0x3FA1]  }
0x30: {  	s3 =	sld [smem:$0x3FA4]  }
0x31: {  	[smem:$0x3FAD] =	sst s10  }
0x32: {  	s10 =	sld [smem:$0x3FAB];
	_ =	sdelay $0x3  }
0x33: {  	p0 =	seq.s32 s10, $0x1;
	s10 =	sld [smem:$0x3FAD];
	_ =	sdelay $0x3  }
0x34: {  	[smem:$0x3FAD] =	sst s10  }
0x35: {  	s10 =	sld [smem:$0x3FAC];
	_ =	sdelay $0x3  }
0x36: {  	p1 =	seq.s32 s10, $0x1;
	s10 =	sld [smem:$0x3FAD];
	_ =	sdelay $0x3  }
0x37: {  	[smem:$0x3FAD] =	sst s10  }
0x38: {  	s10 =	sld [smem:$0x3FAE]  }
0x39: {  	_ = 	snop;
	(pc) =	sbr.ind lr, $3  }
0x3a: {  	_ = 	snop  }
0x3b: {  	_ = 	snop  }
0x3c: {  	p2 =	seq.s32 s10, $0x1;
	s10 =	sld [smem:$0x3FAD]  }
0x3d: {  	_ =	shalt  }
0x3e: {  	_ =	shalt  }
0x3f: {  	_ =	shalt  }
0x40: {  	_ =	shalt  }
0x41: {  	_ =	shalt  }
0x42: {  	_ =	shalt  }
0x43: {  	_ =	shalt  }
0x44: {  	_ =	shalt  }
0x45: {  	_ =	shalt  }
0x46: {  	_ =	shalt  }
0x47: {  	_ =	shalt  }
0x48: {  	_ =	shalt  }
0x49: {  	_ =	shalt  }
0x4a: {  	_ =	shalt  }
0x4b: {  	_ =	shalt  }
0x4c: {  	_ =	shalt  }
0x4d: {  	_ =	shalt  }
0x4e: {  	_ =	shalt  }
0x4f: {  	_ =	shalt  }
0x50: {  	_ =	shalt  }
0x51: {  	_ =	shalt  }
0x52: {  	_ =	shalt  }
0x53: {  	_ =	shalt  }
0x54: {  	_ =	shalt  }
0x55: {  	_ =	shalt  }
0x56: {  	_ =	shalt  }
0x57: {  	_ =	shalt  }
0x58: {  	_ =	shalt  }
0x59: {  	_ =	shalt  }
0x5a: {  	_ =	shalt  }
0x5b: {  	_ =	shalt  }
0x5c: {  	_ =	shalt  }
0x5d: {  	_ =	shalt  }
0x5e: {  	_ =	shalt  }
0x5f: {  	_ =	shalt  }
0x60: {  	_ =	shalt  }
0x61: {  	_ =	shalt  }
0x62: {  	_ =	shalt  }
0x63: {  	_ =	shalt  }
0x64: {  	_ =	shalt  }
0x65: {  	_ =	shalt  }
0x66: {  	_ =	shalt  }
0x67: {  	_ =	shalt  }
0x68: {  	_ =	shalt  }
0x69: {  	_ =	shalt  }
0x6a: {  	_ =	shalt  }
0x6b: {  	_ =	shalt  }
0x6c: {  	_ =	shalt  }
0x6d: {  	_ =	shalt  }
0x6e: {  	_ =	shalt  }
0x6f: {  	_ =	shalt  }
0x70: {  	_ =	shalt  }
0x71: {  	_ =	shalt  }
0x72: {  	_ =	shalt  }
0x73: {  	_ =	shalt  }
0x74: {  	_ =	shalt  }
0x75: {  	_ =	shalt  }
0x76: {  	_ =	shalt  }
0x77: {  	_ =	shalt  }
0x78: {  	_ =	shalt  }
0x79: {  	_ =	shalt  }
0x7a: {  	_ =	shalt  }
0x7b: {  	_ =	shalt  }
0x7c: {  	_ =	shalt  }
0x7d: {  	_ =	shalt  }
0x7e: {  	_ =	shalt  }
0x7f: {  	_ =	shalt  }
0x80: {  	_ =	shalt  }
0x81: {  	_ =	shalt  }
0x82: {  	_ =	shalt  }
0x83: {  	_ =	shalt  }
0x84: {  	_ =	shalt  }
0x85: {  	_ =	shalt  }
0x86: {  	_ =	shalt  }
0x87: {  	_ =	shalt  }
.Lfunc_end0:
.L_simem_size_0:
called_computation.3_lowered:
.L_overlay_start_0:
0x88: {  	s2 =	sld [smem:$0x3FD9]  }
0x89: {  	s3 =	sld [smem:$0x3FFE];
	_ =	sdelay $0x1  }
0x8a: {  	s1 =	srdreg.scid  }
0x8b: {  	s0 =	sand.u32 $0x1, s1  }
0x8c: {  	s15 =	sshll.u32 s0, $0xA;
	s2 =	sadd.s32 s3, s2  }
0x8d: {  	s2 =	sadd.s32 s2, s15  }
0x8e: {  	[smem:$0x3FB9] =	sst s2  }
0x8f: {  	_ = 	snop  }
0x90: {  	s2 =	sld [smem:$0x3FD0];
	_ =	sdelay $0x2  }
0x91: {  	s4 =	simm.s32 $0xB;
	s16 =	simm.s32 $0x10  }
0x92: {  	[smem:s16], [sflag:s4] =	dma.local [hbm:s2], $0x1  }
0x93: {  	_ =	swait.eq [sflag:s4], $0x1  }
0x94: {  	[sflag:s4] =	ssyncset.done $0x0  }
0x95: {  	s17 =	sld [smem:$0x10];
	[sflag:s4] =	ssyncadd.s32 $0xFFFFFFFF  }
0x96: {  	s18 =	sld [smem:$0x11];
	(tm) =	ssettm $0x1  }
0x97: {  	s19 =	sld [smem:$0x3FFB];
	_ =	sdelay $0x3  }
0x98: {  	_ =	strace s19  }
0x99: {  	s2 =	sld [smem:$0x3FFC];
	_ =	sdelay $0x3  }
0x9a: {  	_ =	strace s2  }
0x9b: {  	s2 =	sld [smem:$0x3FFD];
	_ =	sdelay $0x3  }
0x9c: {  	_ =	strace s2  }
0x9d: {  	_ =	strace $0x8FFFFFFF  }
0x9e: {  	s20 =	sld [smem:$0x3FDB];
	_ =	sdelay $0x1  }
0x9f: {  	s5 =	simm.s32 $_scs_section_size  }
0xa0: {  	s6 =	simm.s32 $_size__tile_overlayer_lowered;
	s7 =	simm.s32 $_tile_overlayer_lowered  }
0xa1: {  	s8 =	simm.s32 $0x1BFF;
	s21 =	sshll.u32 s7, $0x1;
	s5 =	sadd.s32 s5, s20  }
0xa2: {  	s22 =	simm.s32 $0x0;
	s6 =	sshll.u32 s6, $0x1;
	s7 =	sadd.s32 s21, s5  }
0xa3: {  	[timem:s22], [sflag:s8] =	dma.local [hbm:s7], s6  }
0xa4: {  	_ =	swait.ge [sflag:s8], s6  }
0xa5: {  	s6 =	ssub.s32 $0x0, s6;
	[sflag:s8] =	ssyncset.done $0x0  }
0xa6: {  	[sflag:s8] =	ssyncadd.s32 s6;
	_ =	sdelay $0x1  }
0xa7: {  	s23 =	simm.s32 $0x1B8B  }
0xa8: {  	_ =	swait.ge [sflag:s23], $0x1  }
0xa9: {  	[sflag:s23] =	ssyncset.done $0x0  }
0xaa: {  	[sflag:s23] =	ssyncadd.s32 $0xFFFFFFFF  }
0xab: {  	s6 =	sld [smem:$0x0]  }
0xac: {  	s7 =	sand.u32 $0xFFFFFFFE, s1  }
0xad: {  	p0 =	sne.s32 s1, s7  }
0xae: {  	s7 =	sshll.u32 @p0 s7, $0xE  }
0xaf: {  	s7 =	sadd.s32 @p0 $0x11B8D, s7;
	s8 =	sshll.u32 @p0 s6, $0x11  }
0xb0: {  	s7 =	sor.u32 @p0 s8, s7  }
0xb1: {  	[sflag:s7] =	ssyncadd.remote.s32 @p0 $0x1;
	_ =	sdelay $0x1  }
0xb2: {  	s7 =	simm.s32 @p0 $0x1B8D  }
0xb3: {  	_ =	swait.eq @p0 [sflag:s7], $0x1  }
0xb4: {  	[sflag:s7] =	ssyncadd.s32 @p0 $0xFFFFFFFF  }
0xb5: {  	s8 =	sshll.u32 @!p0 s1, $0xE  }
0xb6: {  	s8 =	sor.u32 @!p0 $0x4000, s8;
	s7 =	simm.s32 @!p0 $0x1B8D  }
0xb7: {  	s6 =	sshll.u32 @!p0 s6, $0x11;
	s8 =	sadd.s32 @!p0 $0x11B8D, s8;
	_ =	swait.eq @!p0 [sflag:s7], $0x1  }
0xb8: {  	s6 =	sor.u32 @!p0 s6, s8;
	[sflag:s7] =	ssyncadd.s32 @!p0 $0xFFFFFFFF  }
0xb9: {  	s25 =	simm.s32 $0x1B8E;
	s24 =	sld [smem:$0x3FFE];
	[sflag:s6] =	ssyncadd.remote.s32 @!p0 $0x1  }
0xba: {  	s26 =	simm.s32 $execute0_lowered;
	[smem:$0x3FD2] =	sst s25  }
0xbb: {  	s7 =	sshll.u32 s26, $0x1;
	_ =	strace $0x8000004F;
	[dreg:$0x1] =	wrdreg $0xFFFFFFFF  }
0xbc: {  	s28 =	simm.s32 $_size_execute0_lowered;
	s5 =	sadd.s32 s5, s7;
	[dreg:$0x0] =	wrdreg $0x0  }
0xbd: {  	s7 =	sshll.u32 s28, $0x1;
	[dreg:$0x2] =	wrdreg s5  }
0xbe: {  	[dreg:$0x3] =	wrdreg s7  }
0xbf: {  	[dreg:$0x4] =	wrdreg $0xC0  }
0xc0: {  	_ =	task [dreg:s22], $0x5FFFF  }
0xc1: {  	[dreg:$0x1] =	wrdreg $0xFFFFFFFF  }
0xc2: {  	[dreg:$0x0] =	wrdreg $0x60  }
0xc3: {  	[dreg:$0x2] =	wrdreg s24  }
0xc4: {  	[dreg:$0x3] =	wrdreg s17  }
0xc5: {  	[dreg:$0x4] =	wrdreg s18  }
0xc6: {  	[dreg:$0x5] =	wrdreg $0x0  }
0xc7: {  	[dreg:$0x6] =	wrdreg $0xA  }
0xc8: {  	_ =	task.clear_ibuf [dreg:s22], $0x7FFFF;
	_ =	strace $0x9000004F  }
0xc9: {  	s29 =	simm.s32 $0xA;
	_ =	strace $0x80000051  }
0xca: {  	_ =	swait.ge [sflag:s29], $0x1  }
0xcb: {  	[sflag:s29] =	ssyncadd.s32 $0xFFFFFFFF  }
0xcc: {  	_ =	strace $0x90000051  }
0xcd: {  	_ =	sfence  }
0xce: {  	s30 =	sld [smem:$0x0];
	_ =	sdelay $0x2  }
0xcf: {  	s31 =	sshll.u32 s1, $0xD;
	s1 =	sshrl.u32 s1, $0x2  }
0xd0: {  	s4 =	sand.u32 $0x4000, s31;
	s1 =	sadd.s32 s1, s30  }
0xd1: {  	s0 =	sor.u32 s4, s0;
	s1 =	sshll.u32 s1, $0x11  }
0xd2: {  	s0 =	sor.u32 s1, s0  }
0xd3: {  	s0 =	sadd.s32 $0x8F2B, s0  }
0xd4: {  	[sflag:s0] =	ssyncadd.remote.s32 $0x1  }
0xd5: {  	_ =	sfence.sel $0xFFFF  }
0xd6: {  	[dreg:$0x0] =	wrdreg $0xFFFFFFFF;
	(pc) =	sbr.abs _section_cstart, $3  }
0xd7: {  	[dreg:$0x1] =	wrdreg $0xFFFFFFFF  }
0xd8: {  	_ =	task.clear_ibuf [dreg:s22], $0x2FFFF;
	_ =	strace $0x9FFFFFFF  }
0xd9: {  	(tm) =	ssettm $0x7FFFFFFF  }
tec
execute0_lowered:
.L_overlay_start_1:
0x0: {  	(tag) =	ssettag $0x1  }
0x1: {  	s0 =	rddreg [dreg:$0x0]  }
0x2: {  	s2 =	rddreg [dreg:$0x1]  }
0x3: {  	s9 =	rddreg [dreg:$0x2]  }
0x4: {  	s1 =	rddreg [dreg:$0x3];
	s3 =	simm.s32 $0x0;
	s19 =	stileid.u32  }
0x5: {  	s4 =	srdreg.scid;
	s28 =	simm.s32 $0x1;
	s29 =	simm.s32 $0x3  }
0x6: {  	s30 =	simm.s32 $0xA0;
	s10 =	sadd.s32 $0x11E200, s0;
	s12 =	smul.u32 $0x3E80, s19  }
0x7: {  	s31 =	simm.s32 $0x2;
	s11 =	sadd.s32 $0xE3B800, s0;
	s5 =	smul.u32 $0x7D000, s19  }
0x8: {  	[smem:$0x7FF] =	sst s3;
	s13 =	sadd.s32 $0x102F800, s0;
	s7 =	smul.u32 $0x1F40, s19  }
0x9: {  	s15 =	sadd.s32 $0x1223800, s0;
	s8 =	sand.u32 $0x1, s4;
	s17 =	smul.u32 $0x1F400, s19  }
0xa: {  	s16 =	sadd.s32 $0x1417800, s0;
	p3 =	slt.u32 s19, $0xA;
	s23 =	smul.u32 $0x3E8, s19  }
0xb: {  	_ =	strace $0x80000050;
	s4 =	ssub.s32 $0x2, s8;
	p0 =	seq.s32 s8, $0x0  }
0xc: {  	p2 =	seq.s32 s8, $0x1;
	s0 =	sadd.s32 s12, s0;
	s6 =	sshrl.u32 s4, $0x1  }
0xd: {  	p1 =	por !p0, !p3;
	s24 =	sshrl.u32 s5, $0x2;
	s25 =	sshrl.u32 s7, $0x3  }
0xe: {  	s5 =	sadd.s32 s2, s12;
	s26 =	sadd.s32 $0x1EA0, s7;
	s7 =	sadd.s32 s11, s17  }
0xf: {  	p3 =	por !p3, !p2;
	s12 =	sadd.s32 s9, s12;
	s18 =	ssub.s32 s4, s6  }
0x10: {  	p1 =	por !p1, !p1;
	s4 =	sadd.s32 s24, s1;
	s20 =	sadd.s32 s10, s25  }
0x11: {  	s14 =	sshrl.u32 s26, $0x3;
	s2 =	sshll.u32 s26, $0x4;
	[dreg:$0x8] =	wrdreg s12  }
0x12: {  	p3 =	por !p3, !p3;
	s21 =	sadd.s32 $0x122200, s0;
	s24 =	sadd.s32 $0x149400, s0  }
0x13: {  	s0 =	sadd.s32 $0x170600, s0;
	s26 =	sadd.s32 s23, s10;
	[dreg:$0xa] =	wrdreg s21  }
0x14: {  	s23 =	simm.s32 $0x13880;
	s12 =	simm.s32 $0x0;
	[dreg:$0xc] =	wrdreg s24  }
0x15: {  	s8 =	sadd.s32 s10, s14;
	s11 =	sadd.s32 s11, s2;
	[dreg:$0xe] =	wrdreg s0  }
0x16: {  	s14 =	sadd.s32 s13, s2;
	s22 =	sadd.s32 s15, s2;
	[dreg:$0x5] =	wrdreg s20  }
0x17: {  	s2 =	sadd.s32 s16, s2;
	s25 =	smax.u32 s18, $0x1;
	[dreg:$0x6] =	wrdreg s8  }
.Ltmp0:
0x18: {  	s21 =	sadd.s32 $0x28, s26;
	[dreg:$0x7] =	wrdreg s11;
	(pc) =	sbr.rel .LBB2_1-.Ltmp0, $4  }
0x19: {  	s24 =	simm.s32 $0x13A80;
	s26 =	simm.s32 $0x18A80;
	[dreg:$0x9] =	wrdreg s14  }
0x1a: {  	s0 =	simm.s32 $0x4;
	s11 =	sadd.s32 s13, s17;
	[dreg:$0xb] =	wrdreg s22  }
0x1b: {  	s14 =	sadd.s32 s15, s17;
	s17 =	sadd.s32 s16, s17;
	[dreg:$0xd] =	wrdreg s2  }
0x1c: {  	[dreg:$0xf] =	wrdreg s25;
	s22 =	simm.s32 $0x5;
	s25 =	simm.s32 $0x13980  }
.LBB2_21:
0x1d: {  	[bflag:$0x0] =	sbarrier.arrive $0xFFFF  }
.LBB2_25:
0x1e: {  	s12 =	sadd.s32 $0x1, s12;
	s2 =	rddreg [dreg:$0xf]  }
0x1f: {  	p4 =	sne.s32 s12, s2  }
.Ltmp1:
0x20: {  	_ = 	snop;
	(pc) =	sbr.rel @!p4 .LBB2_26-.Ltmp1, $1  }
0x21: {  	_ =	sdelay $0x3  }
.LBB2_1:
.Ltmp2:
0x22: {  	(pc) =	sbr.rel @!p1 .LBB2_6-.Ltmp2, $4  }
0x23: {  	_ = 	snop  }
0x24: {  	s6 =	stileid.u32  }
0x25: {  	s13 =	sshrl.u32 @p1 s4, $0x3;
	s2 =	sshll.u32 @p1 s6, $0x6;
	s9 =	sshll.u32 s6, $0x6  }
0x26: {  	s10 =	sshrl.u32 s4, $0x3;
	s18 =	sor.u32 @p1 $0x1C05, s2;
	s15 =	sor.u32 $0x1C05, s9  }
0x27: {  	[spmem:s10], [sflag:s15] =	dma.local [hbm:s5], $0x3E80  }
.Ltmp3:
0x28: {  	_ =	swait.ge [sflag:s22], $0x3E80;
	(pc) =	sbr.rel .LBB2_3-.Ltmp3, $3  }
0x29: {  	[sflag:s22] =	ssyncset.done $0x0  }
0x2a: {  	[sflag:s22] =	ssyncadd.s32 $0xFFFFC180  }
0x2b: {  	[bflag:$0x0] =	sbarrier.arrive $0xFFFF;
	_ =	sdelay $0x1  }
.LBB2_6:
.Ltmp4:
0x2c: {  	(pc) =	sbr.rel @!p0 .LBB2_7-.Ltmp4, $2  }
0x2d: {  	_ =	sdelay $0x1  }
0x2e: {  	[bflag:$0x0] =	sbarrier.arrive $0xFFFF;
	_ =	sdelay $0x1  }
.LBB2_3:
0x2f: {  	s2 =	simm.s32 $0x0  }
0x30: {  	[tilespmem:s23], [sflag:$0x1] =	stream.linear.gather [hbm4b:s20+s2], $0xA0, $0x38;
	[tilespmem:$0x1DA80] =	vst v63  }
0x31: {  	_ = 	snop  }
0x32: {  	[tilespmem:s24], [sflag:$0x3] =	stream.linear.gather [hbm4b:s7+s2], $0x5000, $0x38;
	[tilespmem:$0x1DA80] =	vst v63  }
0x33: {  	s16 =	sadd.s32 $0xFFFFFFEC, s21;
	s9 =	sadd.s32 $0x0, s7  }
0x34: {  	[tilespmem:s25], [sflag:$0x2] =	stream.linear.gather [hbm4b:s16+s3], $0xA0, $0x38;
	[tilespmem:$0x1DA80] =	vst v63  }
0x35: {  	s19 =	sadd.s32 $0xA00, s9  }
0x36: {  	[tilespmem:s26], [sflag:$0x4] =	stream.linear.gather [hbm4b:s19+s3], $0x5000, $0x38;
	[tilespmem:$0x1DA80] =	vst v63  }
0x37: {  	_ =	swait.ge [sflag:s28], $0xA0  }
0x38: {  	[sflag:s28] =	ssyncset.done $0x0  }
0x39: {  	[sflag:s28] =	ssyncadd.s32 $0xFFFFFF60  }
0x3a: {  	_ =	swait.ge [sflag:s29], $0x5000  }
0x3b: {  	[sflag:s29] =	ssyncset.done $0x0  }
0x3c: {  	[sflag:s29] =	ssyncadd.s32 $0xFFFFB000  }
0x3d: {  	[spmem:s1] =	stream.indirect.scatter.add.f32 [tilespmem:s24], [sflag:$0x5], $0x80, s23, s30, $0xb8;
	[tilespmem:$0x1DA80] =	vst v63  }
0x3e: {  	_ =	swait.ge [sflag:s22], $0x5000  }
0x3f: {  	[sflag:s22] =	ssyncset.done $0x0  }
0x40: {  	[sflag:s22] =	ssyncadd.s32 $0xFFFFB000  }
0x41: {  	[tilespmem:s23], [sflag:$0x1] =	stream.linear.gather [hbm4b:s21+s3], $0xA0, $0x38;
	[tilespmem:$0x1DA80] =	vst v63  }
0x42: {  	s20 =	sadd.s32 $0x1400, s9  }
0x43: {  	[tilespmem:s24], [sflag:$0x3] =	stream.linear.gather [hbm4b:s20+s3], $0x5000, $0x38;
	[tilespmem:$0x1DA80] =	vst v63  }
0x44: {  	_ =	swait.ge [sflag:s31], $0xA0  }
0x45: {  	[sflag:s31] =	ssyncset.done $0x0  }
0x46: {  	[sflag:s31] =	ssyncadd.s32 $0xFFFFFF60  }
0x47: {  	_ =	swait.ge [sflag:s0], $0x5000  }
0x48: {  	[sflag:s0] =	ssyncset.done $0x0  }
0x49: {  	[sflag:s0] =	ssyncadd.s32 $0xFFFFB000  }
0x4a: {  	[spmem:s1] =	stream.indirect.scatter.add.f32 [tilespmem:s26], [sflag:$0x5], $0x80, s25, s30, $0xb8;
	[tilespmem:$0x1DA80] =	vst v63  }
0x4b: {  	s9 =	sadd.s32 $0x28, s21;
	_ =	swait.ge [sflag:s22], $0x5000  }
0x4c: {  	s16 =	simm.s32 $0x1400;
	s19 =	simm.s32 $0x2800;
	[sflag:s22] =	ssyncset.done $0x0  }
.LBB2_4:
0x4d: {  	s2 =	sadd.s32 $0xFFFFFFEC, s9  }
0x4e: {  	s20 =	sadd.s32 s16, s7;
	[sflag:s22] =	ssyncadd.s32 $0xFFFFB000;
	s16 =	smov.u32 s19  }
0x4f: {  	[tilespmem:s25], [sflag:$0x2] =	stream.linear.gather [hbm4b:s2+s3], $0xA0, $0x38;
	[tilespmem:$0x1DA80] =	vst v63  }
0x50: {  	p4 =	sne.s32 s19, $0x1CC00;
	s19 =	sadd.s32 $0x1400, s19;
	s2 =	sadd.s32 $0xA00, s20  }
0x51: {  	[tilespmem:s26], [sflag:$0x4] =	stream.linear.gather [hbm4b:s2+s3], $0x5000, $0x38;
	[tilespmem:$0x1DA80] =	vst v63  }
0x52: {  	_ =	swait.ge [sflag:s28], $0xA0  }
0x53: {  	[sflag:s28] =	ssyncset.done $0x0  }
0x54: {  	[sflag:s28] =	ssyncadd.s32 $0xFFFFFF60  }
0x55: {  	_ =	swait.ge [sflag:s29], $0x5000  }
0x56: {  	[sflag:s29] =	ssyncset.done $0x0  }
0x57: {  	[sflag:s29] =	ssyncadd.s32 $0xFFFFB000  }
0x58: {  	[spmem:s1] =	stream.indirect.scatter.add.f32 [tilespmem:s24], [sflag:$0x5], $0x80, s23, s30, $0xb8;
	[tilespmem:$0x1DA80] =	vst v63  }
0x59: {  	_ =	swait.ge [sflag:s22], $0x5000  }
0x5a: {  	[sflag:s22] =	ssyncset.done $0x0  }
0x5b: {  	[sflag:s22] =	ssyncadd.s32 $0xFFFFB000  }
0x5c: {  	[tilespmem:s23], [sflag:$0x1] =	stream.linear.gather [hbm4b:s9+s3], $0xA0, $0x38;
	[tilespmem:$0x1DA80] =	vst v63  }
0x5d: {  	s2 =	sadd.s32 $0x1400, s20  }
0x5e: {  	[tilespmem:s24], [sflag:$0x3] =	stream.linear.gather [hbm4b:s2+s3], $0x5000, $0x38;
	[tilespmem:$0x1DA80] =	vst v63  }
0x5f: {  	_ =	swait.ge [sflag:s31], $0xA0  }
0x60: {  	[sflag:s31] =	ssyncset.done $0x0  }
0x61: {  	[sflag:s31] =	ssyncadd.s32 $0xFFFFFF60  }
0x62: {  	_ =	swait.ge [sflag:s0], $0x5000  }
.Ltmp5:
0x63: {  	[sflag:s0] =	ssyncset.done $0x0;
	(pc) =	sbr.rel @p4 .LBB2_4-.Ltmp5, $4  }
0x64: {  	[sflag:s0] =	ssyncadd.s32 $0xFFFFB000  }
0x65: {  	[spmem:s1] =	stream.indirect.scatter.add.f32 [tilespmem:s26], [sflag:$0x5], $0x80, s25, s30, $0xb8;
	[tilespmem:$0x1DA80] =	vst v63  }
0x66: {  	_ =	swait.ge [sflag:s22], $0x5000  }
0x67: {  	s9 =	sadd.s32 $0x28, s9;
	[sflag:s22] =	ssyncset.done $0x0  }
0x68: {  	s2 =	sadd.s32 $0xFFFFFFEC, s9;
	s16 =	sadd.s32 s16, s7;
	[sflag:s22] =	ssyncadd.s32 $0xFFFFB000  }
0x69: {  	[tilespmem:s25], [sflag:$0x2] =	stream.linear.gather [hbm4b:s2+s3], $0xA0, $0x38;
	[tilespmem:$0x1DA80] =	vst v63  }
0x6a: {  	s8 =	sadd.s32 $0xA00, s16  }
0x6b: {  	[tilespmem:s26], [sflag:$0x4] =	stream.linear.gather [hbm4b:s8+s3], $0x5000, $0x38;
	[tilespmem:$0x1DA80] =	vst v63  }
0x6c: {  	_ =	swait.ge [sflag:s28], $0xA0  }
0x6d: {  	[sflag:s28] =	ssyncset.done $0x0  }
0x6e: {  	[sflag:s28] =	ssyncadd.s32 $0xFFFFFF60  }
0x6f: {  	_ =	swait.ge [sflag:s29], $0x5000  }
0x70: {  	[sflag:s29] =	ssyncset.done $0x0  }
0x71: {  	[sflag:s29] =	ssyncadd.s32 $0xFFFFB000  }
0x72: {  	[spmem:s1] =	stream.indirect.scatter.add.f32 [tilespmem:s24], [sflag:$0x5], $0x80, s23, s30, $0xb8;
	[tilespmem:$0x1DA80] =	vst v63  }
0x73: {  	_ =	swait.ge [sflag:s22], $0x5000  }
0x74: {  	[sflag:s22] =	ssyncset.done $0x0  }
0x75: {  	[sflag:s22] =	ssyncadd.s32 $0xFFFFB000  }
0x76: {  	[tilespmem:s23], [sflag:$0x1] =	stream.linear.gather [hbm4b:s9+s3], $0xA0, $0x38;
	[tilespmem:$0x1DA80] =	vst v63  }
0x77: {  	s16 =	sadd.s32 $0x1400, s16  }
0x78: {  	[tilespmem:s24], [sflag:$0x3] =	stream.linear.gather [hbm4b:s16+s3], $0x5000, $0x38;
	[tilespmem:$0x1DA80] =	vst v63  }
0x79: {  	_ =	swait.ge [sflag:s31], $0xA0  }
0x7a: {  	[sflag:s31] =	ssyncset.done $0x0  }
0x7b: {  	[sflag:s31] =	ssyncadd.s32 $0xFFFFFF60  }
0x7c: {  	_ =	swait.ge [sflag:s0], $0x5000  }
0x7d: {  	[sflag:s0] =	ssyncset.done $0x0  }
0x7e: {  	[sflag:s0] =	ssyncadd.s32 $0xFFFFB000  }
0x7f: {  	[spmem:s1] =	stream.indirect.scatter.add.f32 [tilespmem:s26], [sflag:$0x5], $0x80, s25, s30, $0xb8;
	[tilespmem:$0x1DA80] =	vst v63  }
0x80: {  	_ =	swait.ge [sflag:s22], $0x5000  }
0x81: {  	[sflag:s22] =	ssyncset.done $0x0  }
0x82: {  	s19 =	rddreg [dreg:$0x6];
	[sflag:s22] =	ssyncadd.s32 $0xFFFFB000  }
0x83: {  	[tilespmem:s25], [sflag:$0x2] =	stream.linear.gather [hbm4b:s19+s3], $0xA0, $0x38;
	[tilespmem:$0x1DA80] =	vst v63  }
0x84: {  	s20 =	rddreg [dreg:$0x7]  }
0x85: {  	[tilespmem:s26], [sflag:$0x4] =	stream.linear.gather [hbm4b:s20+s3], $0x5000, $0x38;
	[tilespmem:$0x1DA80] =	vst v63  }
0x86: {  	_ =	swait.ge [sflag:s28], $0xA0  }
0x87: {  	[sflag:s28] =	ssyncset.done $0x0  }
0x88: {  	[sflag:s28] =	ssyncadd.s32 $0xFFFFFF60  }
0x89: {  	_ =	swait.ge [sflag:s29], $0x5000  }
0x8a: {  	[sflag:s29] =	ssyncset.done $0x0  }
0x8b: {  	[sflag:s29] =	ssyncadd.s32 $0xFFFFB000  }
0x8c: {  	[spmem:s1] =	stream.indirect.scatter.add.f32 [tilespmem:s24], [sflag:$0x5], $0x80, s23, s30, $0xb8;
	[tilespmem:$0x1DA80] =	vst v63  }
0x8d: {  	_ =	swait.ge [sflag:s22], $0x5000  }
0x8e: {  	[sflag:s22] =	ssyncset.done $0x0  }
0x8f: {  	[sflag:s22] =	ssyncadd.s32 $0xFFFFB000  }
0x90: {  	_ =	swait.ge [sflag:s31], $0xA0  }
0x91: {  	[sflag:s31] =	ssyncset.done $0x0  }
0x92: {  	[sflag:s31] =	ssyncadd.s32 $0xFFFFFF60  }
0x93: {  	_ =	swait.ge [sflag:s0], $0x5000  }
0x94: {  	[sflag:s0] =	ssyncset.done $0x0  }
0x95: {  	[sflag:s0] =	ssyncadd.s32 $0xFFFFB000  }
0x96: {  	[spmem:s1] =	stream.indirect.scatter.add.f32 [tilespmem:s26], [sflag:$0x5], $0x80, s25, s30, $0xb8;
	[tilespmem:$0x1DA80] =	vst v63  }
0x97: {  	_ =	swait.ge [sflag:s22], $0x5000  }
0x98: {  	[sflag:s22] =	ssyncset.done $0x0  }
0x99: {  	[sflag:s22] =	ssyncadd.s32 $0xFFFFB000  }
0x9a: {  	[bflag:$0x0] =	sbarrier.arrive $0xFFFF  }
0x9b: {  	s2 =	rddreg [dreg:$0x8]  }
0x9c: {  	[hbm:s2], [sflag:s18] =	dma.local @p1 [spmem:s13], $0x3E80  }
.Ltmp6:
0x9d: {  	_ = 	snop;
	(pc) =	sbr.rel .LBB2_8-.Ltmp6, $4  }
0x9e: {  	s2 =	simm.s32 @p1 $0x5  }
0x9f: {  	_ =	swait.ge @p1 [sflag:s2], $0x3E80  }
0xa0: {  	[sflag:s2] =	ssyncset.done @p1 $0x0  }
0xa1: {  	s20 =	rddreg [dreg:$0x5];
	[sflag:s2] =	ssyncadd.s32 @p1 $0xFFFFC180  }
.LBB2_7:
0xa2: {  	[bflag:$0x0] =	sbarrier.arrive $0xFFFF  }
.LBB2_8:
0xa3: {  	s2 =	stileid.u32  }
0xa4: {  	s2 =	sshll.u32 @p3 s2, $0x6  }
0xa5: {  	s9 =	sshrl.u32 @p3 s4, $0x3;
	s19 =	sor.u32 @p3 $0x1C05, s2;
	s2 =	simm.s32 @p3 $0x5  }
0xa6: {  	[spmem:s9], [sflag:s19] =	dma.local @p3 [hbm:s5], $0x3E80  }
.Ltmp7:
0xa7: {  	_ =	swait.ge @p3 [sflag:s2], $0x3E80;
	(pc) =	sbr.rel @!p2 .LBB2_9-.Ltmp7, $3  }
0xa8: {  	[sflag:s2] =	ssyncset.done @p3 $0x0  }
0xa9: {  	[sflag:s2] =	ssyncadd.s32 @p3 $0xFFFFC180  }
0xaa: {  	[bflag:$0x0] =	sbarrier.arrive $0xFFFF;
	_ =	sdelay $0x1  }
0xab: {  	s2 =	simm.s32 $0x0  }
0xac: {  	[tilespmem:s23], [sflag:$0x1] =	stream.linear.gather [hbm4b:s20+s2], $0xA0, $0x38;
	[tilespmem:$0x1DA80] =	vst v63  }
0xad: {  	_ = 	snop  }
0xae: {  	[tilespmem:s24], [sflag:$0x3] =	stream.linear.gather [hbm4b:s11+s2], $0x5000, $0x38;
	[tilespmem:$0x1DA80] =	vst v63  }
0xaf: {  	s6 =	sadd.s32 $0xFFFFFFEC, s21;
	s16 =	sadd.s32 $0x0, s11  }
0xb0: {  	[tilespmem:s25], [sflag:$0x2] =	stream.linear.gather [hbm4b:s6+s3], $0xA0, $0x38;
	[tilespmem:$0x1DA80] =	vst v63  }
0xb1: {  	s8 =	sadd.s32 $0xA00, s16  }
0xb2: {  	[tilespmem:s26], [sflag:$0x4] =	stream.linear.gather [hbm4b:s8+s3], $0x5000, $0x38;
	[tilespmem:$0x1DA80] =	vst v63  }
0xb3: {  	_ =	swait.ge [sflag:s28], $0xA0  }
0xb4: {  	[sflag:s28] =	ssyncset.done $0x0  }
0xb5: {  	[sflag:s28] =	ssyncadd.s32 $0xFFFFFF60  }
0xb6: {  	_ =	swait.ge [sflag:s29], $0x5000  }
0xb7: {  	[sflag:s29] =	ssyncset.done $0x0  }
0xb8: {  	[sflag:s29] =	ssyncadd.s32 $0xFFFFB000  }
0xb9: {  	[spmem:s1] =	stream.indirect.scatter.add.f32 [tilespmem:s24], [sflag:$0x5], $0x80, s23, s30, $0xb8;
	[tilespmem:$0x1DA80] =	vst v63  }
0xba: {  	_ =	swait.ge [sflag:s22], $0x5000  }
0xbb: {  	[sflag:s22] =	ssyncset.done $0x0  }
0xbc: {  	[sflag:s22] =	ssyncadd.s32 $0xFFFFB000  }
0xbd: {  	[tilespmem:s23], [sflag:$0x1] =	stream.linear.gather [hbm4b:s21+s3], $0xA0, $0x38;
	[tilespmem:$0x1DA80] =	vst v63  }
0xbe: {  	s20 =	sadd.s32 $0x1400, s16  }
0xbf: {  	[tilespmem:s24], [sflag:$0x3] =	stream.linear.gather [hbm4b:s20+s3], $0x5000, $0x38;
	[tilespmem:$0x1DA80] =	vst v63  }
0xc0: {  	_ =	swait.ge [sflag:s31], $0xA0  }
0xc1: {  	[sflag:s31] =	ssyncset.done $0x0  }
0xc2: {  	[sflag:s31] =	ssyncadd.s32 $0xFFFFFF60  }
0xc3: {  	_ =	swait.ge [sflag:s0], $0x5000  }
0xc4: {  	[sflag:s0] =	ssyncset.done $0x0  }
0xc5: {  	[sflag:s0] =	ssyncadd.s32 $0xFFFFB000  }
0xc6: {  	[spmem:s1] =	stream.indirect.scatter.add.f32 [tilespmem:s26], [sflag:$0x5], $0x80, s25, s30, $0xb8;
	[tilespmem:$0x1DA80] =	vst v63  }
0xc7: {  	s16 =	sadd.s32 $0x28, s21;
	_ =	swait.ge [sflag:s22], $0x5000  }
0xc8: {  	s2 =	simm.s32 $0x2800;
	s20 =	simm.s32 $0x1400;
	[sflag:s22] =	ssyncset.done $0x0  }
.LBB2_11:
0xc9: {  	s6 =	sadd.s32 $0xFFFFFFEC, s16  }
0xca: {  	s8 =	sadd.s32 s20, s11;
	[sflag:s22] =	ssyncadd.s32 $0xFFFFB000;
	s20 =	smov.u32 s2  }
0xcb: {  	[tilespmem:s25], [sflag:$0x2] =	stream.linear.gather [hbm4b:s6+s3], $0xA0, $0x38;
	[tilespmem:$0x1DA80] =	vst v63  }
0xcc: {  	p4 =	sne.s32 s2, $0x1CC00;
	s2 =	sadd.s32 $0x1400, s2;
	s6 =	sadd.s32 $0xA00, s8  }
0xcd: {  	[tilespmem:s26], [sflag:$0x4] =	stream.linear.gather [hbm4b:s6+s3], $0x5000, $0x38;
	[tilespmem:$0x1DA80] =	vst v63  }
0xce: {  	_ =	swait.ge [sflag:s28], $0xA0  }
0xcf: {  	[sflag:s28] =	ssyncset.done $0x0  }
0xd0: {  	[sflag:s28] =	ssyncadd.s32 $0xFFFFFF60  }
0xd1: {  	_ =	swait.ge [sflag:s29], $0x5000  }
0xd2: {  	[sflag:s29] =	ssyncset.done $0x0  }
0xd3: {  	[sflag:s29] =	ssyncadd.s32 $0xFFFFB000  }
0xd4: {  	[spmem:s1] =	stream.indirect.scatter.add.f32 [tilespmem:s24], [sflag:$0x5], $0x80, s23, s30, $0xb8;
	[tilespmem:$0x1DA80] =	vst v63  }
0xd5: {  	_ =	swait.ge [sflag:s22], $0x5000  }
0xd6: {  	[sflag:s22] =	ssyncset.done $0x0  }
0xd7: {  	[sflag:s22] =	ssyncadd.s32 $0xFFFFB000  }
0xd8: {  	[tilespmem:s23], [sflag:$0x1] =	stream.linear.gather [hbm4b:s16+s3], $0xA0, $0x38;
	[tilespmem:$0x1DA80] =	vst v63  }
0xd9: {  	s6 =	sadd.s32 $0x1400, s8  }
0xda: {  	[tilespmem:s24], [sflag:$0x3] =	stream.linear.gather [hbm4b:s6+s3], $0x5000, $0x38;
	[tilespmem:$0x1DA80] =	vst v63  }
0xdb: {  	_ =	swait.ge [sflag:s31], $0xA0  }
0xdc: {  	[sflag:s31] =	ssyncset.done $0x0  }
0xdd: {  	[sflag:s31] =	ssyncadd.s32 $0xFFFFFF60  }
0xde: {  	_ =	swait.ge [sflag:s0], $0x5000  }
.Ltmp8:
0xdf: {  	[sflag:s0] =	ssyncset.done $0x0;
	(pc) =	sbr.rel @p4 .LBB2_11-.Ltmp8, $4  }
0xe0: {  	[sflag:s0] =	ssyncadd.s32 $0xFFFFB000  }
0xe1: {  	[spmem:s1] =	stream.indirect.scatter.add.f32 [tilespmem:s26], [sflag:$0x5], $0x80, s25, s30, $0xb8;
	[tilespmem:$0x1DA80] =	vst v63  }
0xe2: {  	_ =	swait.ge [sflag:s22], $0x5000  }
0xe3: {  	s16 =	sadd.s32 $0x28, s16;
	[sflag:s22] =	ssyncset.done $0x0  }
0xe4: {  	s2 =	sadd.s32 $0xFFFFFFEC, s16;
	s6 =	sadd.s32 s20, s11;
	[sflag:s22] =	ssyncadd.s32 $0xFFFFB000  }
0xe5: {  	[tilespmem:s25], [sflag:$0x2] =	stream.linear.gather [hbm4b:s2+s3], $0xA0, $0x38;
	[tilespmem:$0x1DA80] =	vst v63  }
0xe6: {  	s20 =	sadd.s32 $0xA00, s6  }
0xe7: {  	[tilespmem:s26], [sflag:$0x4] =	stream.linear.gather [hbm4b:s20+s3], $0x5000, $0x38;
	[tilespmem:$0x1DA80] =	vst v63  }
0xe8: {  	_ =	swait.ge [sflag:s28], $0xA0  }
0xe9: {  	[sflag:s28] =	ssyncset.done $0x0  }
0xea: {  	[sflag:s28] =	ssyncadd.s32 $0xFFFFFF60  }
0xeb: {  	_ =	swait.ge [sflag:s29], $0x5000  }
0xec: {  	[sflag:s29] =	ssyncset.done $0x0  }
0xed: {  	[sflag:s29] =	ssyncadd.s32 $0xFFFFB000  }
0xee: {  	[spmem:s1] =	stream.indirect.scatter.add.f32 [tilespmem:s24], [sflag:$0x5], $0x80, s23, s30, $0xb8;
	[tilespmem:$0x1DA80] =	vst v63  }
0xef: {  	_ =	swait.ge [sflag:s22], $0x5000  }
0xf0: {  	[sflag:s22] =	ssyncset.done $0x0  }
0xf1: {  	[sflag:s22] =	ssyncadd.s32 $0xFFFFB000  }
0xf2: {  	[tilespmem:s23], [sflag:$0x1] =	stream.linear.gather [hbm4b:s16+s3], $0xA0, $0x38;
	[tilespmem:$0x1DA80] =	vst v63  }
0xf3: {  	s8 =	sadd.s32 $0x1400, s6  }
0xf4: {  	[tilespmem:s24], [sflag:$0x3] =	stream.linear.gather [hbm4b:s8+s3], $0x5000, $0x38;
	[tilespmem:$0x1DA80] =	vst v63  }
0xf5: {  	_ =	swait.ge [sflag:s31], $0xA0  }
0xf6: {  	[sflag:s31] =	ssyncset.done $0x0  }
0xf7: {  	[sflag:s31] =	ssyncadd.s32 $0xFFFFFF60  }
0xf8: {  	_ =	swait.ge [sflag:s0], $0x5000  }
0xf9: {  	[sflag:s0] =	ssyncset.done $0x0  }
0xfa: {  	[sflag:s0] =	ssyncadd.s32 $0xFFFFB000  }
0xfb: {  	[spmem:s1] =	stream.indirect.scatter.add.f32 [tilespmem:s26], [sflag:$0x5], $0x80, s25, s30, $0xb8;
	[tilespmem:$0x1DA80] =	vst v63  }
0xfc: {  	_ =	swait.ge [sflag:s22], $0x5000  }
0xfd: {  	[sflag:s22] =	ssyncset.done $0x0  }
0xfe: {  	s16 =	rddreg [dreg:$0x6];
	[sflag:s22] =	ssyncadd.s32 $0xFFFFB000  }
0xff: {  	[tilespmem:s25], [sflag:$0x2] =	stream.linear.gather [hbm4b:s16+s3], $0xA0, $0x38;
	[tilespmem:$0x1DA80] =	vst v63  }
0x100: {  	s20 =	rddreg [dreg:$0x9]  }
0x101: {  	[tilespmem:s26], [sflag:$0x4] =	stream.linear.gather [hbm4b:s20+s3], $0x5000, $0x38;
	[tilespmem:$0x1DA80] =	vst v63  }
0x102: {  	_ =	swait.ge [sflag:s28], $0xA0  }
0x103: {  	[sflag:s28] =	ssyncset.done $0x0  }
0x104: {  	[sflag:s28] =	ssyncadd.s32 $0xFFFFFF60  }
0x105: {  	_ =	swait.ge [sflag:s29], $0x5000  }
0x106: {  	[sflag:s29] =	ssyncset.done $0x0  }
0x107: {  	[sflag:s29] =	ssyncadd.s32 $0xFFFFB000  }
0x108: {  	[spmem:s1] =	stream.indirect.scatter.add.f32 [tilespmem:s24], [sflag:$0x5], $0x80, s23, s30, $0xb8;
	[tilespmem:$0x1DA80] =	vst v63  }
0x109: {  	_ =	swait.ge [sflag:s22], $0x5000  }
0x10a: {  	[sflag:s22] =	ssyncset.done $0x0  }
0x10b: {  	[sflag:s22] =	ssyncadd.s32 $0xFFFFB000  }
0x10c: {  	_ =	swait.ge [sflag:s31], $0xA0  }
0x10d: {  	[sflag:s31] =	ssyncset.done $0x0  }
0x10e: {  	[sflag:s31] =	ssyncadd.s32 $0xFFFFFF60  }
0x10f: {  	_ =	swait.ge [sflag:s0], $0x5000  }
0x110: {  	[sflag:s0] =	ssyncset.done $0x0  }
0x111: {  	[sflag:s0] =	ssyncadd.s32 $0xFFFFB000  }
0x112: {  	[spmem:s1] =	stream.indirect.scatter.add.f32 [tilespmem:s26], [sflag:$0x5], $0x80, s25, s30, $0xb8;
	[tilespmem:$0x1DA80] =	vst v63  }
0x113: {  	_ =	swait.ge [sflag:s22], $0x5000  }
0x114: {  	[sflag:s22] =	ssyncset.done $0x0  }
0x115: {  	[sflag:s22] =	ssyncadd.s32 $0xFFFFB000  }
0x116: {  	[bflag:$0x0] =	sbarrier.arrive $0xFFFF  }
0x117: {  	s2 =	rddreg [dreg:$0xa]  }
0x118: {  	[hbm:s2], [sflag:s19] =	dma.local @p3 [spmem:s9], $0x3E80  }
.Ltmp9:
0x119: {  	_ = 	snop;
	(pc) =	sbr.rel .LBB2_13-.Ltmp9, $4  }
0x11a: {  	s2 =	simm.s32 @p3 $0x5  }
0x11b: {  	_ =	swait.ge @p3 [sflag:s2], $0x3E80  }
0x11c: {  	[sflag:s2] =	ssyncset.done @p3 $0x0  }
0x11d: {  	s20 =	rddreg [dreg:$0x5];
	[sflag:s2] =	ssyncadd.s32 @p3 $0xFFFFC180  }
.LBB2_9:
0x11e: {  	[bflag:$0x0] =	sbarrier.arrive $0xFFFF  }
.LBB2_13:
.Ltmp10:
0x11f: {  	(pc) =	sbr.rel @!p1 .LBB2_18-.Ltmp10, $1  }
0x120: {  	_ =	sdelay $0x3  }
0x121: {  	[spmem:s10], [sflag:s15] =	dma.local [hbm:s5], $0x3E80  }
.Ltmp11:
0x122: {  	_ =	swait.ge [sflag:s22], $0x3E80;
	(pc) =	sbr.rel .LBB2_15-.Ltmp11, $3  }
0x123: {  	[sflag:s22] =	ssyncset.done $0x0  }
0x124: {  	[sflag:s22] =	ssyncadd.s32 $0xFFFFC180  }
0x125: {  	[bflag:$0x0] =	sbarrier.arrive $0xFFFF;
	_ =	sdelay $0x1  }
.LBB2_18:
.Ltmp12:
0x126: {  	(pc) =	sbr.rel @!p0 .LBB2_19-.Ltmp12, $2  }
0x127: {  	_ =	sdelay $0x1  }
0x128: {  	[bflag:$0x0] =	sbarrier.arrive $0xFFFF;
	_ =	sdelay $0x1  }
.LBB2_15:
0x129: {  	s2 =	simm.s32 $0x0  }
0x12a: {  	[tilespmem:s23], [sflag:$0x1] =	stream.linear.gather [hbm4b:s20+s2], $0xA0, $0x38;
	[tilespmem:$0x1DA80] =	vst v63  }
0x12b: {  	_ = 	snop  }
0x12c: {  	[tilespmem:s24], [sflag:$0x3] =	stream.linear.gather [hbm4b:s14+s2], $0x5000, $0x38;
	[tilespmem:$0x1DA80] =	vst v63  }
0x12d: {  	s10 =	sadd.s32 $0xFFFFFFEC, s21;
	s6 =	sadd.s32 $0x0, s14  }
0x12e: {  	[tilespmem:s25], [sflag:$0x2] =	stream.linear.gather [hbm4b:s10+s3], $0xA0, $0x38;
	[tilespmem:$0x1DA80] =	vst v63  }
0x12f: {  	s15 =	sadd.s32 $0xA00, s6  }
0x130: {  	[tilespmem:s26], [sflag:$0x4] =	stream.linear.gather [hbm4b:s15+s3], $0x5000, $0x38;
	[tilespmem:$0x1DA80] =	vst v63  }
0x131: {  	_ =	swait.ge [sflag:s28], $0xA0  }
0x132: {  	[sflag:s28] =	ssyncset.done $0x0  }
0x133: {  	[sflag:s28] =	ssyncadd.s32 $0xFFFFFF60  }
0x134: {  	_ =	swait.ge [sflag:s29], $0x5000  }
0x135: {  	[sflag:s29] =	ssyncset.done $0x0  }
0x136: {  	[sflag:s29] =	ssyncadd.s32 $0xFFFFB000  }
0x137: {  	[spmem:s1] =	stream.indirect.scatter.add.f32 [tilespmem:s24], [sflag:$0x5], $0x80, s23, s30, $0xb8;
	[tilespmem:$0x1DA80] =	vst v63  }
0x138: {  	_ =	swait.ge [sflag:s22], $0x5000  }
0x139: {  	[sflag:s22] =	ssyncset.done $0x0  }
0x13a: {  	[sflag:s22] =	ssyncadd.s32 $0xFFFFB000  }
0x13b: {  	[tilespmem:s23], [sflag:$0x1] =	stream.linear.gather [hbm4b:s21+s3], $0xA0, $0x38;
	[tilespmem:$0x1DA80] =	vst v63  }
0x13c: {  	s16 =	sadd.s32 $0x1400, s6  }
0x13d: {  	[tilespmem:s24], [sflag:$0x3] =	stream.linear.gather [hbm4b:s16+s3], $0x5000, $0x38;
	[tilespmem:$0x1DA80] =	vst v63  }
0x13e: {  	_ =	swait.ge [sflag:s31], $0xA0  }
0x13f: {  	[sflag:s31] =	ssyncset.done $0x0  }
0x140: {  	[sflag:s31] =	ssyncadd.s32 $0xFFFFFF60  }
0x141: {  	_ =	swait.ge [sflag:s0], $0x5000  }
0x142: {  	[sflag:s0] =	ssyncset.done $0x0  }
0x143: {  	[sflag:s0] =	ssyncadd.s32 $0xFFFFB000  }
0x144: {  	[spmem:s1] =	stream.indirect.scatter.add.f32 [tilespmem:s26], [sflag:$0x5], $0x80, s25, s30, $0xb8;
	[tilespmem:$0x1DA80] =	vst v63  }
0x145: {  	s2 =	simm.s32 $0x2800;
	_ =	swait.ge [sflag:s22], $0x5000  }
0x146: {  	s10 =	sadd.s32 $0x28, s21;
	s15 =	simm.s32 $0x1400;
	[sflag:s22] =	ssyncset.done $0x0  }
.LBB2_16:
0x147: {  	s6 =	sadd.s32 $0xFFFFFFEC, s10  }
0x148: {  	s8 =	sadd.s32 s15, s14;
	[sflag:s22] =	ssyncadd.s32 $0xFFFFB000;
	s15 =	smov.u32 s2  }
0x149: {  	[tilespmem:s25], [sflag:$0x2] =	stream.linear.gather [hbm4b:s6+s3], $0xA0, $0x38;
	[tilespmem:$0x1DA80] =	vst v63  }
0x14a: {  	p4 =	sne.s32 s2, $0x1CC00;
	s2 =	sadd.s32 $0x1400, s2;
	s6 =	sadd.s32 $0xA00, s8  }
0x14b: {  	[tilespmem:s26], [sflag:$0x4] =	stream.linear.gather [hbm4b:s6+s3], $0x5000, $0x38;
	[tilespmem:$0x1DA80] =	vst v63  }
0x14c: {  	_ =	swait.ge [sflag:s28], $0xA0  }
0x14d: {  	[sflag:s28] =	ssyncset.done $0x0  }
0x14e: {  	[sflag:s28] =	ssyncadd.s32 $0xFFFFFF60  }
0x14f: {  	_ =	swait.ge [sflag:s29], $0x5000  }
0x150: {  	[sflag:s29] =	ssyncset.done $0x0  }
0x151: {  	[sflag:s29] =	ssyncadd.s32 $0xFFFFB000  }
0x152: {  	[spmem:s1] =	stream.indirect.scatter.add.f32 [tilespmem:s24], [sflag:$0x5], $0x80, s23, s30, $0xb8;
	[tilespmem:$0x1DA80] =	vst v63  }
0x153: {  	_ =	swait.ge [sflag:s22], $0x5000  }
0x154: {  	[sflag:s22] =	ssyncset.done $0x0  }
0x155: {  	[sflag:s22] =	ssyncadd.s32 $0xFFFFB000  }
0x156: {  	[tilespmem:s23], [sflag:$0x1] =	stream.linear.gather [hbm4b:s10+s3], $0xA0, $0x38;
	[tilespmem:$0x1DA80] =	vst v63  }
0x157: {  	s6 =	sadd.s32 $0x1400, s8  }
0x158: {  	[tilespmem:s24], [sflag:$0x3] =	stream.linear.gather [hbm4b:s6+s3], $0x5000, $0x38;
	[tilespmem:$0x1DA80] =	vst v63  }
0x159: {  	_ =	swait.ge [sflag:s31], $0xA0  }
0x15a: {  	[sflag:s31] =	ssyncset.done $0x0  }
0x15b: {  	[sflag:s31] =	ssyncadd.s32 $0xFFFFFF60  }
0x15c: {  	_ =	swait.ge [sflag:s0], $0x5000  }
.Ltmp13:
0x15d: {  	[sflag:s0] =	ssyncset.done $0x0;
	(pc) =	sbr.rel @p4 .LBB2_16-.Ltmp13, $4  }
0x15e: {  	[sflag:s0] =	ssyncadd.s32 $0xFFFFB000  }
0x15f: {  	[spmem:s1] =	stream.indirect.scatter.add.f32 [tilespmem:s26], [sflag:$0x5], $0x80, s25, s30, $0xb8;
	[tilespmem:$0x1DA80] =	vst v63  }
0x160: {  	_ =	swait.ge [sflag:s22], $0x5000  }
0x161: {  	s10 =	sadd.s32 $0x28, s10;
	[sflag:s22] =	ssyncset.done $0x0  }
0x162: {  	s2 =	sadd.s32 $0xFFFFFFEC, s10;
	s6 =	sadd.s32 s15, s14;
	[sflag:s22] =	ssyncadd.s32 $0xFFFFB000  }
0x163: {  	[tilespmem:s25], [sflag:$0x2] =	stream.linear.gather [hbm4b:s2+s3], $0xA0, $0x38;
	[tilespmem:$0x1DA80] =	vst v63  }
0x164: {  	s8 =	sadd.s32 $0xA00, s6  }
0x165: {  	[tilespmem:s26], [sflag:$0x4] =	stream.linear.gather [hbm4b:s8+s3], $0x5000, $0x38;
	[tilespmem:$0x1DA80] =	vst v63  }
0x166: {  	_ =	swait.ge [sflag:s28], $0xA0  }
0x167: {  	[sflag:s28] =	ssyncset.done $0x0  }
0x168: {  	[sflag:s28] =	ssyncadd.s32 $0xFFFFFF60  }
0x169: {  	_ =	swait.ge [sflag:s29], $0x5000  }
0x16a: {  	[sflag:s29] =	ssyncset.done $0x0  }
0x16b: {  	[sflag:s29] =	ssyncadd.s32 $0xFFFFB000  }
0x16c: {  	[spmem:s1] =	stream.indirect.scatter.add.f32 [tilespmem:s24], [sflag:$0x5], $0x80, s23, s30, $0xb8;
	[tilespmem:$0x1DA80] =	vst v63  }
0x16d: {  	_ =	swait.ge [sflag:s22], $0x5000  }
0x16e: {  	[sflag:s22] =	ssyncset.done $0x0  }
0x16f: {  	[sflag:s22] =	ssyncadd.s32 $0xFFFFB000  }
0x170: {  	[tilespmem:s23], [sflag:$0x1] =	stream.linear.gather [hbm4b:s10+s3], $0xA0, $0x38;
	[tilespmem:$0x1DA80] =	vst v63  }
0x171: {  	s10 =	sadd.s32 $0x1400, s6  }
0x172: {  	[tilespmem:s24], [sflag:$0x3] =	stream.linear.gather [hbm4b:s10+s3], $0x5000, $0x38;
	[tilespmem:$0x1DA80] =	vst v63  }
0x173: {  	_ =	swait.ge [sflag:s31], $0xA0  }
0x174: {  	[sflag:s31] =	ssyncset.done $0x0  }
0x175: {  	[sflag:s31] =	ssyncadd.s32 $0xFFFFFF60  }
0x176: {  	_ =	swait.ge [sflag:s0], $0x5000  }
0x177: {  	[sflag:s0] =	ssyncset.done $0x0  }
0x178: {  	[sflag:s0] =	ssyncadd.s32 $0xFFFFB000  }
0x179: {  	[spmem:s1] =	stream.indirect.scatter.add.f32 [tilespmem:s26], [sflag:$0x5], $0x80, s25, s30, $0xb8;
	[tilespmem:$0x1DA80] =	vst v63  }
0x17a: {  	_ =	swait.ge [sflag:s22], $0x5000  }
0x17b: {  	[sflag:s22] =	ssyncset.done $0x0  }
0x17c: {  	s15 =	rddreg [dreg:$0x6];
	[sflag:s22] =	ssyncadd.s32 $0xFFFFB000  }
0x17d: {  	[tilespmem:s25], [sflag:$0x2] =	stream.linear.gather [hbm4b:s15+s3], $0xA0, $0x38;
	[tilespmem:$0x1DA80] =	vst v63  }
0x17e: {  	s16 =	rddreg [dreg:$0xb]  }
0x17f: {  	[tilespmem:s26], [sflag:$0x4] =	stream.linear.gather [hbm4b:s16+s3], $0x5000, $0x38;
	[tilespmem:$0x1DA80] =	vst v63  }
0x180: {  	_ =	swait.ge [sflag:s28], $0xA0  }
0x181: {  	[sflag:s28] =	ssyncset.done $0x0  }
0x182: {  	[sflag:s28] =	ssyncadd.s32 $0xFFFFFF60  }
0x183: {  	_ =	swait.ge [sflag:s29], $0x5000  }
0x184: {  	[sflag:s29] =	ssyncset.done $0x0  }
0x185: {  	[sflag:s29] =	ssyncadd.s32 $0xFFFFB000  }
0x186: {  	[spmem:s1] =	stream.indirect.scatter.add.f32 [tilespmem:s24], [sflag:$0x5], $0x80, s23, s30, $0xb8;
	[tilespmem:$0x1DA80] =	vst v63  }
0x187: {  	_ =	swait.ge [sflag:s22], $0x5000  }
0x188: {  	[sflag:s22] =	ssyncset.done $0x0  }
0x189: {  	[sflag:s22] =	ssyncadd.s32 $0xFFFFB000  }
0x18a: {  	_ =	swait.ge [sflag:s31], $0xA0  }
0x18b: {  	[sflag:s31] =	ssyncset.done $0x0  }
0x18c: {  	[sflag:s31] =	ssyncadd.s32 $0xFFFFFF60  }
0x18d: {  	_ =	swait.ge [sflag:s0], $0x5000  }
0x18e: {  	[sflag:s0] =	ssyncset.done $0x0  }
0x18f: {  	[sflag:s0] =	ssyncadd.s32 $0xFFFFB000  }
0x190: {  	[spmem:s1] =	stream.indirect.scatter.add.f32 [tilespmem:s26], [sflag:$0x5], $0x80, s25, s30, $0xb8;
	[tilespmem:$0x1DA80] =	vst v63  }
0x191: {  	_ =	swait.ge [sflag:s22], $0x5000  }
0x192: {  	[sflag:s22] =	ssyncset.done $0x0  }
0x193: {  	[sflag:s22] =	ssyncadd.s32 $0xFFFFB000  }
0x194: {  	[bflag:$0x0] =	sbarrier.arrive $0xFFFF  }
0x195: {  	s2 =	rddreg [dreg:$0xc]  }
0x196: {  	[hbm:s2], [sflag:s18] =	dma.local @p1 [spmem:s13], $0x3E80  }
.Ltmp14:
0x197: {  	_ = 	snop;
	(pc) =	sbr.rel .LBB2_20-.Ltmp14, $4  }
0x198: {  	s2 =	simm.s32 @p1 $0x5  }
0x199: {  	_ =	swait.ge @p1 [sflag:s2], $0x3E80  }
0x19a: {  	[sflag:s2] =	ssyncset.done @p1 $0x0  }
0x19b: {  	[sflag:s2] =	ssyncadd.s32 @p1 $0xFFFFC180  }
.LBB2_19:
0x19c: {  	[bflag:$0x0] =	sbarrier.arrive $0xFFFF  }
.LBB2_20:
0x19d: {  	[spmem:s9], [sflag:s19] =	dma.local @p3 [hbm:s5], $0x3E80  }
0x19e: {  	s2 =	simm.s32 @p3 $0x5  }
.Ltmp15:
0x19f: {  	_ =	swait.ge @p3 [sflag:s2], $0x3E80;
	(pc) =	sbr.rel @!p2 .LBB2_21-.Ltmp15, $3  }
0x1a0: {  	[sflag:s2] =	ssyncset.done @p3 $0x0  }
0x1a1: {  	[sflag:s2] =	ssyncadd.s32 @p3 $0xFFFFC180  }
0x1a2: {  	[bflag:$0x0] =	sbarrier.arrive $0xFFFF;
	_ =	sdelay $0x1  }
0x1a3: {  	s2 =	simm.s32 $0x0  }
0x1a4: {  	[tilespmem:s23], [sflag:$0x1] =	stream.linear.gather [hbm4b:s20+s2], $0xA0, $0x38;
	[tilespmem:$0x1DA80] =	vst v63  }
0x1a5: {  	_ = 	snop  }
0x1a6: {  	[tilespmem:s24], [sflag:$0x3] =	stream.linear.gather [hbm4b:s17+s2], $0x5000, $0x38;
	[tilespmem:$0x1DA80] =	vst v63  }
0x1a7: {  	s15 =	sadd.s32 $0xFFFFFFEC, s21;
	s6 =	sadd.s32 $0x0, s17  }
0x1a8: {  	[tilespmem:s25], [sflag:$0x2] =	stream.linear.gather [hbm4b:s15+s3], $0xA0, $0x38;
	[tilespmem:$0x1DA80] =	vst v63  }
0x1a9: {  	s16 =	sadd.s32 $0xA00, s6  }
0x1aa: {  	[tilespmem:s26], [sflag:$0x4] =	stream.linear.gather [hbm4b:s16+s3], $0x5000, $0x38;
	[tilespmem:$0x1DA80] =	vst v63  }
0x1ab: {  	_ =	swait.ge [sflag:s28], $0xA0  }
0x1ac: {  	[sflag:s28] =	ssyncset.done $0x0  }
0x1ad: {  	[sflag:s28] =	ssyncadd.s32 $0xFFFFFF60  }
0x1ae: {  	_ =	swait.ge [sflag:s29], $0x5000  }
0x1af: {  	[sflag:s29] =	ssyncset.done $0x0  }
0x1b0: {  	[sflag:s29] =	ssyncadd.s32 $0xFFFFB000  }
0x1b1: {  	[spmem:s1] =	stream.indirect.scatter.add.f32 [tilespmem:s24], [sflag:$0x5], $0x80, s23, s30, $0xb8;
	[tilespmem:$0x1DA80] =	vst v63  }
0x1b2: {  	_ =	swait.ge [sflag:s22], $0x5000  }
0x1b3: {  	[sflag:s22] =	ssyncset.done $0x0  }
0x1b4: {  	[sflag:s22] =	ssyncadd.s32 $0xFFFFB000  }
0x1b5: {  	[tilespmem:s23], [sflag:$0x1] =	stream.linear.gather [hbm4b:s21+s3], $0xA0, $0x38;
	[tilespmem:$0x1DA80] =	vst v63  }
0x1b6: {  	s18 =	sadd.s32 $0x1400, s6  }
0x1b7: {  	[tilespmem:s24], [sflag:$0x3] =	stream.linear.gather [hbm4b:s18+s3], $0x5000, $0x38;
	[tilespmem:$0x1DA80] =	vst v63  }
0x1b8: {  	_ =	swait.ge [sflag:s31], $0xA0  }
0x1b9: {  	[sflag:s31] =	ssyncset.done $0x0  }
0x1ba: {  	[sflag:s31] =	ssyncadd.s32 $0xFFFFFF60  }
0x1bb: {  	_ =	swait.ge [sflag:s0], $0x5000  }
0x1bc: {  	[sflag:s0] =	ssyncset.done $0x0  }
0x1bd: {  	[sflag:s0] =	ssyncadd.s32 $0xFFFFB000  }
0x1be: {  	[spmem:s1] =	stream.indirect.scatter.add.f32 [tilespmem:s26], [sflag:$0x5], $0x80, s25, s30, $0xb8;
	[tilespmem:$0x1DA80] =	vst v63  }
0x1bf: {  	s13 =	simm.s32 $0x1400;
	_ =	swait.ge [sflag:s22], $0x5000  }
0x1c0: {  	s10 =	sadd.s32 $0x28, s21;
	s2 =	simm.s32 $0x2800;
	[sflag:s22] =	ssyncset.done $0x0  }
.LBB2_23:
0x1c1: {  	s6 =	sadd.s32 $0xFFFFFFEC, s10  }
0x1c2: {  	s8 =	sadd.s32 s13, s17;
	[sflag:s22] =	ssyncadd.s32 $0xFFFFB000;
	s13 =	smov.u32 s2  }
0x1c3: {  	[tilespmem:s25], [sflag:$0x2] =	stream.linear.gather [hbm4b:s6+s3], $0xA0, $0x38;
	[tilespmem:$0x1DA80] =	vst v63  }
0x1c4: {  	p4 =	sne.s32 s2, $0x1CC00;
	s2 =	sadd.s32 $0x1400, s2;
	s6 =	sadd.s32 $0xA00, s8  }
0x1c5: {  	[tilespmem:s26], [sflag:$0x4] =	stream.linear.gather [hbm4b:s6+s3], $0x5000, $0x38;
	[tilespmem:$0x1DA80] =	vst v63  }
0x1c6: {  	_ =	swait.ge [sflag:s28], $0xA0  }
0x1c7: {  	[sflag:s28] =	ssyncset.done $0x0  }
0x1c8: {  	[sflag:s28] =	ssyncadd.s32 $0xFFFFFF60  }
0x1c9: {  	_ =	swait.ge [sflag:s29], $0x5000  }
0x1ca: {  	[sflag:s29] =	ssyncset.done $0x0  }
0x1cb: {  	[sflag:s29] =	ssyncadd.s32 $0xFFFFB000  }
0x1cc: {  	[spmem:s1] =	stream.indirect.scatter.add.f32 [tilespmem:s24], [sflag:$0x5], $0x80, s23, s30, $0xb8;
	[tilespmem:$0x1DA80] =	vst v63  }
0x1cd: {  	_ =	swait.ge [sflag:s22], $0x5000  }
0x1ce: {  	[sflag:s22] =	ssyncset.done $0x0  }
0x1cf: {  	[sflag:s22] =	ssyncadd.s32 $0xFFFFB000  }
0x1d0: {  	[tilespmem:s23], [sflag:$0x1] =	stream.linear.gather [hbm4b:s10+s3], $0xA0, $0x38;
	[tilespmem:$0x1DA80] =	vst v63  }
0x1d1: {  	s6 =	sadd.s32 $0x1400, s8  }
0x1d2: {  	[tilespmem:s24], [sflag:$0x3] =	stream.linear.gather [hbm4b:s6+s3], $0x5000, $0x38;
	[tilespmem:$0x1DA80] =	vst v63  }
0x1d3: {  	_ =	swait.ge [sflag:s31], $0xA0  }
0x1d4: {  	[sflag:s31] =	ssyncset.done $0x0  }
0x1d5: {  	[sflag:s31] =	ssyncadd.s32 $0xFFFFFF60  }
0x1d6: {  	_ =	swait.ge [sflag:s0], $0x5000  }
.Ltmp16:
0x1d7: {  	[sflag:s0] =	ssyncset.done $0x0;
	(pc) =	sbr.rel @p4 .LBB2_23-.Ltmp16, $4  }
0x1d8: {  	[sflag:s0] =	ssyncadd.s32 $0xFFFFB000  }
0x1d9: {  	[spmem:s1] =	stream.indirect.scatter.add.f32 [tilespmem:s26], [sflag:$0x5], $0x80, s25, s30, $0xb8;
	[tilespmem:$0x1DA80] =	vst v63  }
0x1da: {  	_ =	swait.ge [sflag:s22], $0x5000  }
0x1db: {  	s10 =	sadd.s32 $0x28, s10;
	[sflag:s22] =	ssyncset.done $0x0  }
0x1dc: {  	s2 =	sadd.s32 $0xFFFFFFEC, s10;
	s6 =	sadd.s32 s13, s17;
	[sflag:s22] =	ssyncadd.s32 $0xFFFFB000  }
0x1dd: {  	[tilespmem:s25], [sflag:$0x2] =	stream.linear.gather [hbm4b:s2+s3], $0xA0, $0x38;
	[tilespmem:$0x1DA80] =	vst v63  }
0x1de: {  	s13 =	sadd.s32 $0xA00, s6  }
0x1df: {  	[tilespmem:s26], [sflag:$0x4] =	stream.linear.gather [hbm4b:s13+s3], $0x5000, $0x38;
	[tilespmem:$0x1DA80] =	vst v63  }
0x1e0: {  	_ =	swait.ge [sflag:s28], $0xA0  }
0x1e1: {  	[sflag:s28] =	ssyncset.done $0x0  }
0x1e2: {  	[sflag:s28] =	ssyncadd.s32 $0xFFFFFF60  }
0x1e3: {  	_ =	swait.ge [sflag:s29], $0x5000  }
0x1e4: {  	[sflag:s29] =	ssyncset.done $0x0  }
0x1e5: {  	[sflag:s29] =	ssyncadd.s32 $0xFFFFB000  }
0x1e6: {  	[spmem:s1] =	stream.indirect.scatter.add.f32 [tilespmem:s24], [sflag:$0x5], $0x80, s23, s30, $0xb8;
	[tilespmem:$0x1DA80] =	vst v63  }
0x1e7: {  	_ =	swait.ge [sflag:s22], $0x5000  }
0x1e8: {  	[sflag:s22] =	ssyncset.done $0x0  }
0x1e9: {  	[sflag:s22] =	ssyncadd.s32 $0xFFFFB000  }
0x1ea: {  	[tilespmem:s23], [sflag:$0x1] =	stream.linear.gather [hbm4b:s10+s3], $0xA0, $0x38;
	[tilespmem:$0x1DA80] =	vst v63  }
0x1eb: {  	s15 =	sadd.s32 $0x1400, s6  }
0x1ec: {  	[tilespmem:s24], [sflag:$0x3] =	stream.linear.gather [hbm4b:s15+s3], $0x5000, $0x38;
	[tilespmem:$0x1DA80] =	vst v63  }
0x1ed: {  	_ =	swait.ge [sflag:s31], $0xA0  }
0x1ee: {  	[sflag:s31] =	ssyncset.done $0x0  }
0x1ef: {  	[sflag:s31] =	ssyncadd.s32 $0xFFFFFF60  }
0x1f0: {  	_ =	swait.ge [sflag:s0], $0x5000  }
0x1f1: {  	[sflag:s0] =	ssyncset.done $0x0  }
0x1f2: {  	[sflag:s0] =	ssyncadd.s32 $0xFFFFB000  }
0x1f3: {  	[spmem:s1] =	stream.indirect.scatter.add.f32 [tilespmem:s26], [sflag:$0x5], $0x80, s25, s30, $0xb8;
	[tilespmem:$0x1DA80] =	vst v63  }
0x1f4: {  	_ =	swait.ge [sflag:s22], $0x5000  }
0x1f5: {  	[sflag:s22] =	ssyncset.done $0x0  }
0x1f6: {  	s16 =	rddreg [dreg:$0x6];
	[sflag:s22] =	ssyncadd.s32 $0xFFFFB000  }
0x1f7: {  	[tilespmem:s25], [sflag:$0x2] =	stream.linear.gather [hbm4b:s16+s3], $0xA0, $0x38;
	[tilespmem:$0x1DA80] =	vst v63  }
0x1f8: {  	s18 =	rddreg [dreg:$0xd]  }
0x1f9: {  	[tilespmem:s26], [sflag:$0x4] =	stream.linear.gather [hbm4b:s18+s3], $0x5000, $0x38;
	[tilespmem:$0x1DA80] =	vst v63  }
0x1fa: {  	_ =	swait.ge [sflag:s28], $0xA0  }
0x1fb: {  	[sflag:s28] =	ssyncset.done $0x0  }
0x1fc: {  	[sflag:s28] =	ssyncadd.s32 $0xFFFFFF60  }
0x1fd: {  	_ =	swait.ge [sflag:s29], $0x5000  }
0x1fe: {  	[sflag:s29] =	ssyncset.done $0x0  }
0x1ff: {  	[sflag:s29] =	ssyncadd.s32 $0xFFFFB000  }
0x200: {  	[spmem:s1] =	stream.indirect.scatter.add.f32 [tilespmem:s24], [sflag:$0x5], $0x80, s23, s30, $0xb8;
	[tilespmem:$0x1DA80] =	vst v63  }
0x201: {  	_ =	swait.ge [sflag:s22], $0x5000  }
0x202: {  	[sflag:s22] =	ssyncset.done $0x0  }
0x203: {  	[sflag:s22] =	ssyncadd.s32 $0xFFFFB000  }
0x204: {  	_ =	swait.ge [sflag:s31], $0xA0  }
0x205: {  	[sflag:s31] =	ssyncset.done $0x0  }
0x206: {  	[sflag:s31] =	ssyncadd.s32 $0xFFFFFF60  }
0x207: {  	_ =	swait.ge [sflag:s0], $0x5000  }
0x208: {  	[sflag:s0] =	ssyncset.done $0x0  }
0x209: {  	[sflag:s0] =	ssyncadd.s32 $0xFFFFB000  }
0x20a: {  	[spmem:s1] =	stream.indirect.scatter.add.f32 [tilespmem:s26], [sflag:$0x5], $0x80, s25, s30, $0xb8;
	[tilespmem:$0x1DA80] =	vst v63  }
0x20b: {  	_ =	swait.ge [sflag:s22], $0x5000  }
0x20c: {  	[sflag:s22] =	ssyncset.done $0x0  }
0x20d: {  	[sflag:s22] =	ssyncadd.s32 $0xFFFFB000  }
0x20e: {  	[bflag:$0x0] =	sbarrier.arrive $0xFFFF  }
0x20f: {  	s2 =	rddreg [dreg:$0xe]  }
0x210: {  	[hbm:s2], [sflag:s19] =	dma.local @p3 [spmem:s9], $0x3E80  }
.Ltmp17:
0x211: {  	_ = 	snop;
	(pc) =	sbr.rel .LBB2_25-.Ltmp17, $4  }
0x212: {  	s2 =	simm.s32 @p3 $0x5  }
0x213: {  	_ =	swait.ge @p3 [sflag:s2], $0x3E80  }
0x214: {  	[sflag:s2] =	ssyncset.done @p3 $0x0  }
0x215: {  	[sflag:s2] =	ssyncadd.s32 @p3 $0xFFFFC180  }
.LBB2_26:
0x216: {  	_ =	sfence.sel $0x180000  }
0x217: {  	[bflag:$0x0] =	sbarrier.arrive $0xFFFF  }
0x218: {  	_ =	strace $0x90000050  }
0x219: {  	s0 =	stileid.u32;
	[bflag:$0x2] =	sbarrier.arrive $0xFFFF  }
0x21a: {  	p0 =	sne.s32 s0, $0x0;
	s0 =	rddreg [dreg:$0x4]  }
0x21b: {  	s0 =	sadd.s32 @!p0 $0x100000, s0  }
0x21c: {  	[sflag:s0] =	ssyncadd.tile.s32 @!p0 $0x1;
	_ =	shalt  }
.Lfunc_end2:
_tile_overlayer_lowered:
.L_overlay_start_2:
0x21d: {  	(tag) =	ssettag $0x2  }
0x21e: {  	s0 =	rddreg [dreg:$0x0];
	s2 =	stileid.u32  }
0x21f: {  	s1 =	rddreg [dreg:$0x1];
	p0 =	sne.s32 s2, $0x0  }
0x220: {  	s3 =	rddreg [dreg:$0x2];
	[bflag:$0x3] =	sbarrier.arrive $0xFFFF;
	s2 =	simm.s32 @!p0 $0x1C05  }
0x221: {  	[timem:s3], [sflag:s2] =	dma.local @!p0 [hbm:s0], s1  }
0x222: {  	s0 =	simm.s32 @!p0 $0x5  }
0x223: {  	_ =	swait.ge @!p0 [sflag:s0], s1  }
0x224: {  	s1 =	ssub.s32 @!p0 $0x0, s1;
	[sflag:s0] =	ssyncset.done @!p0 $0x0  }
0x225: {  	[sflag:s0] =	ssyncadd.s32 @!p0 s1  }
0x226: {  	[bflag:$0x3] =	sbarrier.arrive $0xFFFF  }
0x227: {  	_ =	shalt  }

</sc_bundles>
